<compile_context>
chip_gen: v7x
topology: tpu7x:2x2x1
jax: 0.10.2.dev20260603
libtpu: 0.0.44.dev20260713+nightly
codegen_flags: <defaults>
</compile_context>

<pallas_src>
import functools

import jax
import jax.numpy as jnp
from jax import lax
from jax.experimental import pallas as pl
from jax.experimental.pallas import tpu as pltpu
from jax.experimental.pallas import tpu_sc as plsc

N = 10000
D = 256
E = 160000
HALF = N // 2
EPT = E // 16
NG_E = EPT // 16
NG_R = 313
GPT = 24
SLEN = 16 * GPT * 16
EPC = 1024
NCHK = 10
EPT2 = EPC * NCHK
NGC = EPC // 16
SCH = EPC // 128
CPC = EPC + 80


def _tc1(x, W, A2):
    B = 1024

    def body(x_ref, w_ref, a2_ref, h_ref, al_ref):
        h = jnp.dot(x_ref[...], w_ref[...],
                    preferred_element_type=jnp.float32,
                    precision=lax.Precision.HIGHEST)
        h_ref[...] = h
        al_ref[...] = lax.dot_general(
            a2_ref[...], h, (((1,), (1,)), ((), ())),
            preferred_element_type=jnp.float32,
            precision=lax.Precision.HIGHEST)

    return pl.pallas_call(
        body,
        grid=(pl.cdiv(N, B),),
        in_specs=[
            pl.BlockSpec((B, D), lambda i: (i, 0)),
            pl.BlockSpec((D, D), lambda i: (0, 0)),
            pl.BlockSpec((8, D), lambda i: (0, 0)),
        ],
        out_specs=[
            pl.BlockSpec((B, D), lambda i: (i, 0)),
            pl.BlockSpec((8, B), lambda i: (0, i)),
        ],
        out_shape=[
            jax.ShapeDtypeStruct((N, D), jnp.float32),
            jax.ShapeDtypeStruct((8, N), jnp.float32),
        ],
    )(x, W, A2)


def _tc2(x, att, b, g, be):
    B = 1024

    def body(x_ref, att_ref, b_ref, g_ref, be_ref, o_ref):
        y = x_ref[...] + att_ref[...] + b_ref[...]
        mu = jnp.mean(y, axis=-1, keepdims=True)
        d = y - mu
        var = jnp.mean(d * d, axis=-1, keepdims=True)
        o_ref[...] = d * lax.rsqrt(var + 1e-5) * g_ref[...] + be_ref[...]

    return pl.pallas_call(
        body,
        grid=(pl.cdiv(N, B),),
        in_specs=[
            pl.BlockSpec((B, D), lambda i: (i, 0)),
            pl.BlockSpec((B, D), lambda i: (i, 0)),
            pl.BlockSpec((1, D), lambda i: (0, 0)),
            pl.BlockSpec((1, D), lambda i: (0, 0)),
            pl.BlockSpec((1, D), lambda i: (0, 0)),
        ],
        out_specs=pl.BlockSpec((B, D), lambda i: (i, 0)),
        out_shape=jax.ShapeDtypeStruct((N, D), jnp.float32),
    )(x, att, b, g, be)


def _scalen(rows_ref, pvm, pbase, nrows):

    def _j(j, _):
        pj = plsc.load_gather(
            pvm, [jnp.full((16,), pbase + j, jnp.int32)])
        for k in range(16):
            sl = pl.ds(k * 16, 16)
            rows_ref[j, sl] = rows_ref[j, sl] * pj
        return 0

    lax.fori_loop(0, nrows, _j, 0)


def _sc_attn(h, alT, src, dst):
    mesh = plsc.VectorSubcoreMesh(core_axis_name="c", subcore_axis_name="s")

    @functools.partial(
        pl.kernel,
        out_type=jax.ShapeDtypeStruct((N, D), jnp.float32),
        mesh=mesh,
        compiler_params=pltpu.CompilerParams(
            needs_layout_passes=False, use_tc_tiling_on_sc=False),
        scratch_types=[
            pltpu.VMEM((N + 16,), jnp.float32),
            pltpu.VMEM((N + 16,), jnp.float32),
            pltpu.VMEM((EPC,), jnp.int32),
            pltpu.VMEM((EPC,), jnp.int32),
            pltpu.VMEM((CPC,), jnp.int32),
            pltpu.VMEM((CPC,), jnp.int32),
            pltpu.VMEM((CPC,), jnp.float32),
            pltpu.VMEM((SCH, 128), jnp.float32),
            pltpu.VMEM((SCH, 128), jnp.int32),
            [pltpu.VMEM((32,), jnp.float32) for _ in range(2)],
            [pltpu.VMEM((32,), jnp.int32) for _ in range(2)],
            [pltpu.VMEM((32, D), jnp.float32) for _ in range(2)],
            pltpu.VMEM((16,), jnp.float32),
            pltpu.VMEM((16,), jnp.int32),
            pltpu.VMEM((16, D), jnp.float32),
            pltpu.VMEM((GPT * 16,), jnp.float32),
            pltpu.VMEM_SHARED((HALF + 8, D), jnp.float32),
            pltpu.VMEM_SHARED((SLEN,), jnp.float32),
            [pltpu.SemaphoreType.DMA for _ in range(2)],
            [pltpu.SemaphoreType.DMA for _ in range(2)],
            pltpu.SemaphoreType.DMA,
        ],
    )
    def k(h_hbm, alT_hbm, src_hbm, dst_hbm, att_hbm,
          asrc_v, adst_v, src_v, dst_v, srco_v, loco_v, po_v,
          pall_v, lall_v, pbuf, ibuf, rbuf, p_s, i_s, row_s,
          stot_v, num_sh, s_sh, gsem, ssem, psem):
        cid = lax.axis_index("c")
        sid = lax.axis_index("s")
        base = cid * HALF
        lanes = lax.iota(jnp.int32, 16)

        pltpu.sync_copy(alT_hbm.at[0], asrc_v.at[pl.ds(0, N)])
        pltpu.sync_copy(alT_hbm.at[1], adst_v.at[pl.ds(0, N)])

        def _self(t, _):
            g = t * 16 + sid

            @pl.when(g < NG_R)
            def _():
                r_ids = g * 16 + lanes
                valid = r_ids < HALF
                gl = jnp.minimum(r_ids + base, N - 1)
                a1 = plsc.load_gather(asrc_v, [gl])
                a2 = plsc.load_gather(adst_v, [gl])
                e = a1 + a2
                e = jnp.where(e > 0, e, 0.2 * e)
                p = jnp.where(valid, jnp.exp(e), 0.0)
                pltpu.sync_copy(h_hbm.at[gl], row_s)
                p_s[...] = p
                i_s[...] = r_ids
                pltpu.sync_copy(p_s, s_sh.at[i_s])
                _scalen(row_s, p_s, 0, 16)
                pltpu.sync_copy(row_s, num_sh.at[i_s])

            return 0

        lax.fori_loop(0, GPT, _self, 0)

        plsc.subcore_barrier()

        def _chunk(ck, _):
            eb = sid * EPT2 + ck * EPC
            pltpu.sync_copy(src_hbm.at[pl.ds(eb, EPC)], src_v)
            pltpu.sync_copy(dst_hbm.at[pl.ds(eb, EPC)], dst_v)

            def _esc(g, cnt):
                srcs = src_v[pl.ds(g * 16, 16)]
                dsts = dst_v[pl.ds(g * 16, 16)]
                a1 = plsc.load_gather(asrc_v, [srcs])
                a2 = plsc.load_gather(adst_v, [dsts])
                e = a1 + a2
                e = jnp.where(e > 0, e, 0.2 * e)
                p = jnp.exp(e)
                loc = dsts - base
                own = (loc >= 0) & (loc < HALF)
                p = jnp.where(own, p, 0.0)
                loc = jnp.where(own, loc, HALF)
                csl = pl.ds((g & 7) * 16, 16)
                pall_v[g >> 3, csl] = p
                lall_v[g >> 3, csl] = loc
                plsc.store_compressed(srco_v.at[pl.ds(cnt, 16)], srcs,
                                      mask=own)
                plsc.store_compressed(loco_v.at[pl.ds(cnt, 16)], loc,
                                      mask=own)
                plsc.store_compressed(po_v.at[pl.ds(cnt, 16)], p, mask=own)
                nown = jnp.max(plsc.all_reduce_population_count(own))
                return cnt + nown

            cnt = lax.fori_loop(0, NGC, _esc, jnp.int32(0))

            for j in range(5):
                dsl = pl.ds(cnt + j * 16, 16)
                srco_v[dsl] = jnp.zeros((16,), jnp.int32)
                loco_v[dsl] = jnp.full((16,), HALF, jnp.int32)
                po_v[dsl] = jnp.zeros((16,), jnp.float32)
            ngroups = ((cnt + 63) >> 6) << 2

            sdesc = [
                pltpu.async_copy(pall_v.at[c], s_sh.at[lall_v.at[c]],
                                 psem, add=True)
                for c in range(SCH)
            ]

            n32 = ngroups >> 1

            def _pair(kk, _):
                for b in range(2):
                    i = kk * 2 + b

                    @pl.when(i >= 1)
                    def _():
                        pltpu.make_async_copy(
                            h_hbm.at[pl.ds(0, 32)], rbuf[1 - b],
                            ssem[1 - b]).wait()

                    @pl.when(i + 1 < n32)
                    def _():
                        pltpu.async_copy(
                            h_hbm.at[srco_v.at[pl.ds((i + 1) * 32, 32)]],
                            rbuf[1 - b], gsem[1 - b])

                    pltpu.make_async_copy(
                        h_hbm.at[pl.ds(0, 32)], rbuf[b], gsem[b]).wait()
                    sl0 = pl.ds(i * 32, 16)
                    sl1 = pl.ds(i * 32 + 16, 16)
                    pbuf[b][pl.ds(0, 16)] = po_v[sl0]
                    pbuf[b][pl.ds(16, 16)] = po_v[sl1]
                    ibuf[b][pl.ds(0, 16)] = loco_v[sl0]
                    ibuf[b][pl.ds(16, 16)] = loco_v[sl1]
                    _scalen(rbuf[b], pbuf[b], 0, 32)
                    pltpu.async_copy(rbuf[b], num_sh.at[ibuf[b]],
                                     ssem[b], add=True)

                return 0

            @pl.when(n32 > 0)
            def _():
                pltpu.async_copy(h_hbm.at[srco_v.at[pl.ds(0, 32)]],
                                 rbuf[0], gsem[0])

            lax.fori_loop(0, n32 >> 1, _pair, 0)

            @pl.when(n32 > 0)
            def _():
                pltpu.make_async_copy(
                    h_hbm.at[pl.ds(0, 32)], rbuf[1], ssem[1]).wait()
            for d in sdesc:
                d.wait()
            return 0

        lax.fori_loop(0, NCHK, _chunk, 0)

        plsc.subcore_barrier()

        glo = sid * GPT
        pltpu.sync_copy(s_sh.at[pl.ds(glo * 16, GPT * 16)], stot_v)

        def _inv(gg, _):
            sl = pl.ds(gg * 16, 16)
            stot_v[sl] = 1.0 / (stot_v[sl] + 1e-16)
            return 0

        lax.fori_loop(0, GPT, _inv, 0)

        def _fin(gg, _):
            g = glo + gg

            @pl.when(g < NG_R)
            def _():
                r0 = g * 16
                pltpu.sync_copy(num_sh.at[pl.ds(r0, 16)], row_s)
                _scalen(row_s, stot_v, gg * 16, 16)

                @pl.when(g < NG_R - 1)
                def _full():
                    pltpu.sync_copy(row_s,
                                    att_hbm.at[pl.ds(base + r0, 16)])

                @pl.when(g == NG_R - 1)
                def _tail():
                    pltpu.sync_copy(row_s.at[pl.ds(0, 8)],
                                    att_hbm.at[pl.ds(base + r0, 8)])

            return 0

        lax.fori_loop(0, GPT, _fin, 0)

    return k(h, alT, src, dst)


def kernel(x, edge_index, W0, a_src0, a_dst0, b0, g0, be0,
           W1, a_src1, a_dst1, b1, g1, be1):
    src = edge_index[0].astype(jnp.int32)
    dst = edge_index[1].astype(jnp.int32)
    pad = 16 * EPT2 - E
    src = jnp.concatenate([src, jnp.zeros((pad,), jnp.int32)])
    dst = jnp.concatenate([dst, jnp.full((pad,), N, jnp.int32)])
    for (W, a_s, a_d, b, g, be) in (
            (W0, a_src0, a_dst0, b0, g0, be0),
            (W1, a_src1, a_dst1, b1, g1, be1)):
        A2 = (jnp.zeros((8, D), jnp.float32)
              .at[0].set(a_s.reshape(-1))
              .at[1].set(a_d.reshape(-1)))
        h, alT = _tc1(x, W, A2)
        att = _sc_attn(h, alT, src, dst)
        x = _tc2(x, att, b.reshape(1, D), g.reshape(1, D), be.reshape(1, D))
    return x

# --- scband reference (transcript-rebuilt; emitter-appended) ---
"""Pipeline reference for scband-deep-attn-block-3075196584117 (READ-ONLY COPY).

The authoritative reference and input builder live on the scoring server;
editing this copy changes nothing except your own understanding.
"""

import jax, jax.numpy as jnp
import numpy as np

N = 10000
E = 160000
D = 256
H = 1
C = 256


def setup_inputs(seed: int = 0) -> dict:
    key = jax.random.key(seed)
    ks = [jax.random.fold_in(key, i) for i in range(20)]
    inp = {}
    inp['x'] = jax.random.normal(ks[0], (N, D), dtype=jnp.float32)
    inp['edge_index'] = jax.random.randint(ks[1], (2, E), 0, N, dtype=jnp.int64)
    for lvl in range(2):
        o = 2 + lvl * 6
        inp[f'W{lvl}'] = jax.random.normal(ks[o + 0], (D, H * C), dtype=jnp.float32) * (1.0 / np.sqrt(D))
        inp[f'a_src{lvl}'] = jax.random.normal(ks[o + 1], (1, H, C), dtype=jnp.float32) * 0.1
        inp[f'a_dst{lvl}'] = jax.random.normal(ks[o + 2], (1, H, C), dtype=jnp.float32) * 0.1
        inp[f'b{lvl}'] = jnp.zeros((H * C,), dtype=jnp.float32)
        inp[f'g{lvl}'] = jnp.ones((D,), dtype=jnp.float32)
        inp[f'be{lvl}'] = jnp.zeros((D,), dtype=jnp.float32)
    return inp


def _gat_layer(x, src, dst, W, a_src, a_dst, b):
    n = x.shape[0]
    h = (x @ W).reshape(n, H, C)
    alpha_src = (h * a_src).sum(-1)  # [N, H]
    alpha_dst = (h * a_dst).sum(-1)  # [N, H]
    e = alpha_src[src] + alpha_dst[dst]  # [E', H]
    e = jnp.where(e > 0, e, 0.2 * e)  # leaky_relu(0.2)
    m = jax.ops.segment_max(e, dst, num_segments=n)
    m = jnp.where(jnp.isfinite(m), m, 0.0)
    p = jnp.exp(e - m[dst])
    s = jax.ops.segment_sum(p, dst, num_segments=n)
    alpha = p / (s[dst] + 1e-16)
    out = jax.ops.segment_sum(alpha[:, :, None] * h[src], dst, num_segments=n)
    return out.reshape(n, H * C) + b


def _layer_norm(x, g, b):
    mu = x.mean(-1, keepdims=True)
    var = ((x - mu) ** 2).mean(-1, keepdims=True)
    return (x - mu) / jnp.sqrt(var + 1e-5) * g + b


def reference(x, edge_index, W0, a_src0, a_dst0, b0, g0, be0, W1, a_src1, a_dst1, b1, g1, be1):
    n = x.shape[0]
    ar = jnp.arange(n, dtype=edge_index.dtype)
    # PyG GATConv default: add self loops
    src = jnp.concatenate([edge_index[0], ar])
    dst = jnp.concatenate([edge_index[1], ar])
    params = [(W0, a_src0, a_dst0, b0, g0, be0), (W1, a_src1, a_dst1, b1, g1, be1)]
    for (W, a_s, a_d, b, g, be) in params:
        x_att = _gat_layer(x, src, dst, W, a_s, a_d, b)
        x = _layer_norm(x + x_att, g, be)  # dropout_prob=0.0 -> identity
    return x

if __name__ == "__main__":
    import jax
    _d = setup_inputs()
    print(jax.jit(kernel)(*tuple(_d.values())))

</pallas_src>

<mosaic_0001>
#map = affine_map<(d0, d1) -> (0, 0)>
#map1 = affine_map<(d0, d1) -> (0)>
module attributes {stable_mosaic.version = 14 : i64} {
  func.func @k(%arg0: i32, %arg1: i32, %arg2: memref<10000x256xf32, #tpu.memory_space<hbm>>, %arg3: memref<8x10000xf32, #tpu.memory_space<hbm>>, %arg4: memref<163840xi32, #tpu.memory_space<hbm>>, %arg5: memref<163840xi32, #tpu.memory_space<hbm>>, %arg6: memref<10000x256xf32, #tpu.memory_space<hbm>>, %arg7: memref<10016xf32, #tpu.memory_space<vmem>>, %arg8: memref<10016xf32, #tpu.memory_space<vmem>>, %arg9: memref<1024xi32, #tpu.memory_space<vmem>>, %arg10: memref<1024xi32, #tpu.memory_space<vmem>>, %arg11: memref<1104xi32, #tpu.memory_space<vmem>>, %arg12: memref<1104xi32, #tpu.memory_space<vmem>>, %arg13: memref<1104xf32, #tpu.memory_space<vmem>>, %arg14: memref<8x128xf32, #tpu.memory_space<vmem>>, %arg15: memref<8x128xi32, #tpu.memory_space<vmem>>, %arg16: memref<32xf32, #tpu.memory_space<vmem>>, %arg17: memref<32xf32, #tpu.memory_space<vmem>>, %arg18: memref<32xi32, #tpu.memory_space<vmem>>, %arg19: memref<32xi32, #tpu.memory_space<vmem>>, %arg20: memref<32x256xf32, #tpu.memory_space<vmem>>, %arg21: memref<32x256xf32, #tpu.memory_space<vmem>>, %arg22: memref<16xf32, #tpu.memory_space<vmem>>, %arg23: memref<16xi32, #tpu.memory_space<vmem>>, %arg24: memref<16x256xf32, #tpu.memory_space<vmem>>, %arg25: memref<384xf32, #tpu.memory_space<vmem>>, %arg26: memref<5008x256xf32, #tpu.memory_space<vmem_shared>>, %arg27: memref<6144xf32, #tpu.memory_space<vmem_shared>>, %arg28: memref<!tpu.dma_semaphore, #tpu.memory_space<semaphore_mem>>, %arg29: memref<!tpu.dma_semaphore, #tpu.memory_space<semaphore_mem>>, %arg30: memref<!tpu.dma_semaphore, #tpu.memory_space<semaphore_mem>>, %arg31: memref<!tpu.dma_semaphore, #tpu.memory_space<semaphore_mem>>, %arg32: memref<!tpu.dma_semaphore, #tpu.memory_space<semaphore_mem>>) attributes {dimension_semantics = [#tpu.dimension_semantics<core_parallel>, #tpu.dimension_semantics<subcore_parallel>], iteration_bounds = array<i64: 2, 16>, scalar_prefetch = 0 : i64, scratch_operands = 26 : i64, tpu.core_type = #tpu.core_type<sc_vector_subcore>, window_params = [{transform_indices = #map}, {transform_indices = #map}, {transform_indices = #map1}, {transform_indices = #map1}, {transform_indices = #map}]} {
    %mul3A = arith.constant 5000 : i32
    %mul3A_0 = arith.muli %arg0, %mul3A : i32
    %iota3A = tpu.iota {dimensions = array<i32: 0>} : vector<16xi32>
    %run_scoped3A = arith.constant 0 : i32
    "tpu.region"() ({
      %run_scoped3A_34 = tpu.sem_alloc : memref<!tpu.dma_semaphore, #tpu.memory_space<semaphore_mem>>
      %dma_start3A = arith.constant 0 : i32
      %dma_start3A_35 = tpu.memref_slice %arg7[%dma_start3A] : memref<10016xf32, #tpu.memory_space<vmem>> -> memref<10000xf32, #tpu.memory_space<vmem>>
      %dma_start3A_36 = arith.constant 0 : i32
      %dma_start3A_37 = tpu.memref_slice %arg3[%run_scoped3A, %dma_start3A_36] : memref<8x10000xf32, #tpu.memory_space<hbm>> -> memref<1x10000xf32, #tpu.memory_space<hbm>>
      %dma_start3A_38 = tpu.memref_squeeze %dma_start3A_37 : memref<1x10000xf32, #tpu.memory_space<hbm>> -> memref<10000xf32, #tpu.memory_space<hbm>>
      %dma_start3A_39 = arith.constant 0 : i32
      %dma_start3A_40 = tpu.memref_slice %arg7[%dma_start3A_39] : memref<10016xf32, #tpu.memory_space<vmem>> -> memref<10000xf32, #tpu.memory_space<vmem>>
      %dma_start3A_41 = arith.constant 0 : i32
      %dma_start3A_42 = tpu.memref_slice %arg3[%run_scoped3A, %dma_start3A_41] : memref<8x10000xf32, #tpu.memory_space<hbm>> -> memref<1x10000xf32, #tpu.memory_space<hbm>>
      %dma_start3A_43 = tpu.memref_squeeze %dma_start3A_42 : memref<1x10000xf32, #tpu.memory_space<hbm>> -> memref<10000xf32, #tpu.memory_space<hbm>>
      tpu.enqueue_dma source(%dma_start3A_43 : memref<10000xf32, #tpu.memory_space<hbm>>) target(%dma_start3A_40 : memref<10000xf32, #tpu.memory_space<vmem>>) target_semaphore(%run_scoped3A_34 : memref<!tpu.dma_semaphore, #tpu.memory_space<semaphore_mem>>)
      %dma_wait3A = arith.constant 0 : i32
      %dma_wait3A_44 = tpu.memref_slice %arg7[%dma_wait3A] : memref<10016xf32, #tpu.memory_space<vmem>> -> memref<10000xf32, #tpu.memory_space<vmem>>
      %dma_wait3A_45 = arith.constant 0 : i32
      %dma_wait3A_46 = tpu.memref_slice %arg3[%run_scoped3A, %dma_wait3A_45] : memref<8x10000xf32, #tpu.memory_space<hbm>> -> memref<1x10000xf32, #tpu.memory_space<hbm>>
      %dma_wait3A_47 = tpu.memref_squeeze %dma_wait3A_46 : memref<1x10000xf32, #tpu.memory_space<hbm>> -> memref<10000xf32, #tpu.memory_space<hbm>>
      %dma_wait3A_48 = arith.constant 0 : i32
      %dma_wait3A_49 = tpu.memref_slice %arg7[%dma_wait3A_48] : memref<10016xf32, #tpu.memory_space<vmem>> -> memref<10000xf32, #tpu.memory_space<vmem>>
      %dma_wait3A_50 = arith.constant 0 : i32
      %dma_wait3A_51 = tpu.memref_slice %arg3[%run_scoped3A, %dma_wait3A_50] : memref<8x10000xf32, #tpu.memory_space<hbm>> -> memref<1x10000xf32, #tpu.memory_space<hbm>>
      %dma_wait3A_52 = tpu.memref_squeeze %dma_wait3A_51 : memref<1x10000xf32, #tpu.memory_space<hbm>> -> memref<10000xf32, #tpu.memory_space<hbm>>
      tpu.wait_dma2 semaphore(%run_scoped3A_34 : memref<!tpu.dma_semaphore, #tpu.memory_space<semaphore_mem>>) src(%dma_wait3A_52 : memref<10000xf32, #tpu.memory_space<hbm>>) dst(%dma_wait3A_49 : memref<10000xf32, #tpu.memory_space<vmem>>)
      tpu.yield
    }) : () -> ()
    %run_scoped3A_1 = arith.constant 1 : i32
    "tpu.region"() ({
      %run_scoped3A_34 = tpu.sem_alloc : memref<!tpu.dma_semaphore, #tpu.memory_space<semaphore_mem>>
      %dma_start3A = arith.constant 0 : i32
      %dma_start3A_35 = tpu.memref_slice %arg8[%dma_start3A] : memref<10016xf32, #tpu.memory_space<vmem>> -> memref<10000xf32, #tpu.memory_space<vmem>>
      %dma_start3A_36 = arith.constant 0 : i32
      %dma_start3A_37 = tpu.memref_slice %arg3[%run_scoped3A_1, %dma_start3A_36] : memref<8x10000xf32, #tpu.memory_space<hbm>> -> memref<1x10000xf32, #tpu.memory_space<hbm>>
      %dma_start3A_38 = tpu.memref_squeeze %dma_start3A_37 : memref<1x10000xf32, #tpu.memory_space<hbm>> -> memref<10000xf32, #tpu.memory_space<hbm>>
      %dma_start3A_39 = arith.constant 0 : i32
      %dma_start3A_40 = tpu.memref_slice %arg8[%dma_start3A_39] : memref<10016xf32, #tpu.memory_space<vmem>> -> memref<10000xf32, #tpu.memory_space<vmem>>
      %dma_start3A_41 = arith.constant 0 : i32
      %dma_start3A_42 = tpu.memref_slice %arg3[%run_scoped3A_1, %dma_start3A_41] : memref<8x10000xf32, #tpu.memory_space<hbm>> -> memref<1x10000xf32, #tpu.memory_space<hbm>>
      %dma_start3A_43 = tpu.memref_squeeze %dma_start3A_42 : memref<1x10000xf32, #tpu.memory_space<hbm>> -> memref<10000xf32, #tpu.memory_space<hbm>>
      tpu.enqueue_dma source(%dma_start3A_43 : memref<10000xf32, #tpu.memory_space<hbm>>) target(%dma_start3A_40 : memref<10000xf32, #tpu.memory_space<vmem>>) target_semaphore(%run_scoped3A_34 : memref<!tpu.dma_semaphore, #tpu.memory_space<semaphore_mem>>)
      %dma_wait3A = arith.constant 0 : i32
      %dma_wait3A_44 = tpu.memref_slice %arg8[%dma_wait3A] : memref<10016xf32, #tpu.memory_space<vmem>> -> memref<10000xf32, #tpu.memory_space<vmem>>
      %dma_wait3A_45 = arith.constant 0 : i32
      %dma_wait3A_46 = tpu.memref_slice %arg3[%run_scoped3A_1, %dma_wait3A_45] : memref<8x10000xf32, #tpu.memory_space<hbm>> -> memref<1x10000xf32, #tpu.memory_space<hbm>>
      %dma_wait3A_47 = tpu.memref_squeeze %dma_wait3A_46 : memref<1x10000xf32, #tpu.memory_space<hbm>> -> memref<10000xf32, #tpu.memory_space<hbm>>
      %dma_wait3A_48 = arith.constant 0 : i32
      %dma_wait3A_49 = tpu.memref_slice %arg8[%dma_wait3A_48] : memref<10016xf32, #tpu.memory_space<vmem>> -> memref<10000xf32, #tpu.memory_space<vmem>>
      %dma_wait3A_50 = arith.constant 0 : i32
      %dma_wait3A_51 = tpu.memref_slice %arg3[%run_scoped3A_1, %dma_wait3A_50] : memref<8x10000xf32, #tpu.memory_space<hbm>> -> memref<1x10000xf32, #tpu.memory_space<hbm>>
      %dma_wait3A_52 = tpu.memref_squeeze %dma_wait3A_51 : memref<1x10000xf32, #tpu.memory_space<hbm>> -> memref<10000xf32, #tpu.memory_space<hbm>>
      tpu.wait_dma2 semaphore(%run_scoped3A_34 : memref<!tpu.dma_semaphore, #tpu.memory_space<semaphore_mem>>) src(%dma_wait3A_52 : memref<10000xf32, #tpu.memory_space<hbm>>) dst(%dma_wait3A_49 : memref<10000xf32, #tpu.memory_space<vmem>>)
      tpu.yield
    }) : () -> ()
    %scan3A = arith.constant 0 : i32
    %scan3A_2 = arith.constant 0 : i32
    %scan3A_3 = arith.constant 24 : i32
    %scan3A_4 = arith.addi %scan3A_2, %scan3A_3 : i32
    %scan3A_5 = arith.constant 1 : i32
    %scan3A_6 = scf.for %scan3A_34 = %scan3A_2 to %scan3A_4 step %scan3A_5 iter_args(%scan3A_35 = %scan3A) -> (i32)  : i32 {
      %mul3A_36 = arith.constant 16 : i32
      %mul3A_37 = arith.muli %scan3A_34, %mul3A_36 : i32
      %add3A = arith.addi %mul3A_37, %arg1 : i32
      %lt3A = arith.constant 313 : i32
      %lt3A_38 = arith.cmpi slt, %add3A, %lt3A : i32
      %convert_element_type3A = arith.extui %lt3A_38 : i1 to i32
      %cond3A = arith.constant 0 : i32
      %cond3A_39 = arith.cmpi ne, %convert_element_type3A, %cond3A : i32
      scf.if %cond3A_39 {
        %mul3A_41 = arith.constant 16 : i32
        %mul3A_42 = arith.muli %add3A, %mul3A_41 : i32
        %add3A_43 = vector.broadcast %mul3A_42 : i32 to vector<16xi32>
        %add3A_44 = arith.addi %add3A_43, %iota3A : vector<16xi32>
        %lt3A_45 = arith.constant 5000 : i32
        %lt3A_46 = vector.broadcast %lt3A_45 : i32 to vector<16xi32>
        %lt3A_47 = arith.cmpi slt, %add3A_44, %lt3A_46 : vector<16xi32>
        %add3A_48 = vector.broadcast %mul3A_0 : i32 to vector<16xi32>
        %add3A_49 = arith.addi %add3A_44, %add3A_48 : vector<16xi32>
        %min3A = arith.constant 9999 : i32
        %min3A_50 = vector.broadcast %min3A : i32 to vector<16xi32>
        %min3A_51 = arith.minsi %add3A_49, %min3A_50 : vector<16xi32>
        %gather3A = tpu.vector_load_idx %arg7[%min3A_51] : memref<10016xf32, #tpu.memory_space<vmem>>[vector<16xi32>], vector<16xf32>,
        %gather3A_52 = tpu.vector_load_idx %arg8[%min3A_51] : memref<10016xf32, #tpu.memory_space<vmem>>[vector<16xi32>], vector<16xf32>,
        %add3A_53 = arith.addf %gather3A, %gather3A_52 : vector<16xf32>
        %gt3A = arith.constant 0.000000e+00 : f32
        %gt3A_54 = vector.broadcast %gt3A : f32 to vector<16xf32>
        %gt3A_55 = arith.cmpf ogt, %add3A_53, %gt3A_54 : vector<16xf32>
        %mul3A_56 = arith.constant 2.000000e-01 : f32
        %mul3A_57 = vector.broadcast %mul3A_56 : f32 to vector<16xf32>
        %mul3A_58 = arith.mulf %mul3A_57, %add3A_53 : vector<16xf32>
        %select_n3A = arith.select %gt3A_55, %add3A_53, %mul3A_58 : vector<16xi1>, vector<16xf32>
        %exp3A = math.exp %select_n3A : vector<16xf32>
        %jit3A = arith.constant 0.000000e+00 : f32
        %broadcast_in_dim3A = vector.broadcast %jit3A : f32 to vector<16xf32>
        %select_n3A_59 = arith.select %lt3A_47, %exp3A, %broadcast_in_dim3A : vector<16xi1>, vector<16xf32>
        "tpu.region"() ({
          %run_scoped3A_70 = tpu.sem_alloc : memref<!tpu.dma_semaphore, #tpu.memory_space<semaphore_mem>>
          %dma_start3A = arith.constant 0 : i32
          %dma_start3A_71 = arith.constant 0 : i32
          %dma_start3A_72 = tpu.memref_slice %arg2[%dma_start3A, %dma_start3A_71] : memref<10000x256xf32, #tpu.memory_space<hbm>> -> memref<10000x256xf32, #tpu.memory_space<hbm>>
          tpu.enqueue_indirect_dma source(%dma_start3A_72 : memref<10000x256xf32, #tpu.memory_space<hbm>>) target(%arg24 : memref<16x256xf32, #tpu.memory_space<vmem>>) offsets(%min3A_51 : vector<16xi32>) semaphore(%run_scoped3A_70 : memref<!tpu.dma_semaphore, #tpu.memory_space<semaphore_mem>>)
          %dma_wait3A = arith.constant 0 : i32
          %dma_wait3A_73 = arith.constant 0 : i32
          %dma_wait3A_74 = tpu.memref_slice %arg2[%dma_wait3A, %dma_wait3A_73] : memref<10000x256xf32, #tpu.memory_space<hbm>> -> memref<10000x256xf32, #tpu.memory_space<hbm>>
          tpu.wait_indirect_dma semaphore(%run_scoped3A_70 : memref<!tpu.dma_semaphore, #tpu.memory_space<semaphore_mem>>) src(%dma_wait3A_74 : memref<10000x256xf32, #tpu.memory_space<hbm>>) dst(%arg24 : memref<16x256xf32, #tpu.memory_space<vmem>>)
          tpu.yield
        }) : () -> ()
        %swap3A = arith.constant 0 : index
        %swap3A_60 = tpu.vector_load %arg22[%swap3A] {strides = array<i32>} : memref<16xf32, #tpu.memory_space<vmem>>, vector<16xf32>,
        tpu.vector_store %arg22[%swap3A], %select_n3A_59 {strides = array<i32>} : memref<16xf32, #tpu.memory_space<vmem>>, vector<16xf32>,
        %swap3A_61 = arith.constant 0 : index
        %swap3A_62 = tpu.vector_load %arg23[%swap3A_61] {strides = array<i32>} : memref<16xi32, #tpu.memory_space<vmem>>, vector<16xi32>,
        tpu.vector_store %arg23[%swap3A_61], %add3A_44 {strides = array<i32>} : memref<16xi32, #tpu.memory_space<vmem>>, vector<16xi32>,
        "tpu.region"() ({
          %run_scoped3A_70 = tpu.sem_alloc : memref<!tpu.dma_semaphore, #tpu.memory_space<semaphore_mem>>
          %dma_start3A = arith.constant 0 : i32
          %dma_start3A_71 = tpu.memref_slice %arg27[%dma_start3A] : memref<6144xf32, #tpu.memory_space<vmem_shared>> -> memref<6144xf32, #tpu.memory_space<vmem_shared>>
          tpu.enqueue_indirect_dma source(%arg22 : memref<16xf32, #tpu.memory_space<vmem>>) target(%dma_start3A_71 : memref<6144xf32, #tpu.memory_space<vmem_shared>>) offsets(%arg23 : memref<16xi32, #tpu.memory_space<vmem>>) semaphore(%run_scoped3A_70 : memref<!tpu.dma_semaphore, #tpu.memory_space<semaphore_mem>>)
          %dma_wait3A = arith.constant 0 : i32
          %dma_wait3A_72 = tpu.memref_slice %arg27[%dma_wait3A] : memref<6144xf32, #tpu.memory_space<vmem_shared>> -> memref<6144xf32, #tpu.memory_space<vmem_shared>>
          tpu.wait_indirect_dma semaphore(%run_scoped3A_70 : memref<!tpu.dma_semaphore, #tpu.memory_space<semaphore_mem>>) src(%arg22 : memref<16xf32, #tpu.memory_space<vmem>>) dst(%dma_wait3A_72 : memref<6144xf32, #tpu.memory_space<vmem_shared>>)
          tpu.yield
        }) : () -> ()
        %scan3A_63 = arith.constant 0 : i32
        %scan3A_64 = arith.constant 0 : i32
        %scan3A_65 = arith.constant 16 : i32
        %scan3A_66 = arith.addi %scan3A_64, %scan3A_65 : i32
        %scan3A_67 = arith.constant 1 : i32
        %scan3A_68 = scf.for %scan3A_70 = %scan3A_64 to %scan3A_66 step %scan3A_67 iter_args(%scan3A_71 = %scan3A_63) -> (i32)  : i32 {
          %add3A_72 = arith.constant 0 : i32
          %add3A_73 = arith.addi %add3A_72, %scan3A_70 : i32
          %broadcast_in_dim3A_74 = vector.broadcast %add3A_73 : i32 to vector<16xi32>
          %gather3A_75 = tpu.vector_load_idx %arg22[%broadcast_in_dim3A_74] : memref<16xf32, #tpu.memory_space<vmem>>[vector<16xi32>], vector<16xf32>,
          %get3A = arith.index_cast %scan3A_70 : i32 to index
          %get3A_76 = arith.constant 0 : index
          %get3A_77 = tpu.vector_load %arg24[%get3A, %get3A_76] {strides = array<i32>} : memref<16x256xf32, #tpu.memory_space<vmem>>, vector<16xf32>,
          %mul3A_78 = arith.mulf %get3A_77, %gather3A_75 : vector<16xf32>
          %swap3A_79 = arith.index_cast %scan3A_70 : i32 to index
          %swap3A_80 = arith.constant 0 : index
          %swap3A_81 = tpu.vector_load %arg24[%swap3A_79, %swap3A_80] {strides = array<i32>} : memref<16x256xf32, #tpu.memory_space<vmem>>, vector<16xf32>,
          tpu.vector_store %arg24[%swap3A_79, %swap3A_80], %mul3A_78 {strides = array<i32>} : memref<16x256xf32, #tpu.memory_space<vmem>>, vector<16xf32>,
          %get3A_82 = arith.index_cast %scan3A_70 : i32 to index
          %get3A_83 = arith.constant 16 : index
          %get3A_84 = tpu.vector_load %arg24[%get3A_82, %get3A_83] {strides = array<i32>} : memref<16x256xf32, #tpu.memory_space<vmem>>, vector<16xf32>,
          %mul3A_85 = arith.mulf %get3A_84, %gather3A_75 : vector<16xf32>
          %swap3A_86 = arith.index_cast %scan3A_70 : i32 to index
          %swap3A_87 = arith.constant 16 : index
          %swap3A_88 = tpu.vector_load %arg24[%swap3A_86, %swap3A_87] {strides = array<i32>} : memref<16x256xf32, #tpu.memory_space<vmem>>, vector<16xf32>,
          tpu.vector_store %arg24[%swap3A_86, %swap3A_87], %mul3A_85 {strides = array<i32>} : memref<16x256xf32, #tpu.memory_space<vmem>>, vector<16xf32>,
          %get3A_89 = arith.index_cast %scan3A_70 : i32 to index
          %get3A_90 = arith.constant 32 : index
          %get3A_91 = tpu.vector_load %arg24[%get3A_89, %get3A_90] {strides = array<i32>} : memref<16x256xf32, #tpu.memory_space<vmem>>, vector<16xf32>,
          %mul3A_92 = arith.mulf %get3A_91, %gather3A_75 : vector<16xf32>
          %swap3A_93 = arith.index_cast %scan3A_70 : i32 to index
          %swap3A_94 = arith.constant 32 : index
          %swap3A_95 = tpu.vector_load %arg24[%swap3A_93, %swap3A_94] {strides = array<i32>} : memref<16x256xf32, #tpu.memory_space<vmem>>, vector<16xf32>,
          tpu.vector_store %arg24[%swap3A_93, %swap3A_94], %mul3A_92 {strides = array<i32>} : memref<16x256xf32, #tpu.memory_space<vmem>>, vector<16xf32>,
          %get3A_96 = arith.index_cast %scan3A_70 : i32 to index
          %get3A_97 = arith.constant 48 : index
          %get3A_98 = tpu.vector_load %arg24[%get3A_96, %get3A_97] {strides = array<i32>} : memref<16x256xf32, #tpu.memory_space<vmem>>, vector<16xf32>,
          %mul3A_99 = arith.mulf %get3A_98, %gather3A_75 : vector<16xf32>
          %swap3A_100 = arith.index_cast %scan3A_70 : i32 to index
          %swap3A_101 = arith.constant 48 : index
          %swap3A_102 = tpu.vector_load %arg24[%swap3A_100, %swap3A_101] {strides = array<i32>} : memref<16x256xf32, #tpu.memory_space<vmem>>, vector<16xf32>,
          tpu.vector_store %arg24[%swap3A_100, %swap3A_101], %mul3A_99 {strides = array<i32>} : memref<16x256xf32, #tpu.memory_space<vmem>>, vector<16xf32>,
          %get3A_103 = arith.index_cast %scan3A_70 : i32 to index
          %get3A_104 = arith.constant 64 : index
          %get3A_105 = tpu.vector_load %arg24[%get3A_103, %get3A_104] {strides = array<i32>} : memref<16x256xf32, #tpu.memory_space<vmem>>, vector<16xf32>,
          %mul3A_106 = arith.mulf %get3A_105, %gather3A_75 : vector<16xf32>
          %swap3A_107 = arith.index_cast %scan3A_70 : i32 to index
          %swap3A_108 = arith.constant 64 : index
          %swap3A_109 = tpu.vector_load %arg24[%swap3A_107, %swap3A_108] {strides = array<i32>} : memref<16x256xf32, #tpu.memory_space<vmem>>, vector<16xf32>,
          tpu.vector_store %arg24[%swap3A_107, %swap3A_108], %mul3A_106 {strides = array<i32>} : memref<16x256xf32, #tpu.memory_space<vmem>>, vector<16xf32>,
          %get3A_110 = arith.index_cast %scan3A_70 : i32 to index
          %get3A_111 = arith.constant 80 : index
          %get3A_112 = tpu.vector_load %arg24[%get3A_110, %get3A_111] {strides = array<i32>} : memref<16x256xf32, #tpu.memory_space<vmem>>, vector<16xf32>,
          %mul3A_113 = arith.mulf %get3A_112, %gather3A_75 : vector<16xf32>
          %swap3A_114 = arith.index_cast %scan3A_70 : i32 to index
          %swap3A_115 = arith.constant 80 : index
          %swap3A_116 = tpu.vector_load %arg24[%swap3A_114, %swap3A_115] {strides = array<i32>} : memref<16x256xf32, #tpu.memory_space<vmem>>, vector<16xf32>,
          tpu.vector_store %arg24[%swap3A_114, %swap3A_115], %mul3A_113 {strides = array<i32>} : memref<16x256xf32, #tpu.memory_space<vmem>>, vector<16xf32>,
          %get3A_117 = arith.index_cast %scan3A_70 : i32 to index
          %get3A_118 = arith.constant 96 : index
          %get3A_119 = tpu.vector_load %arg24[%get3A_117, %get3A_118] {strides = array<i32>} : memref<16x256xf32, #tpu.memory_space<vmem>>, vector<16xf32>,
          %mul3A_120 = arith.mulf %get3A_119, %gather3A_75 : vector<16xf32>
          %swap3A_121 = arith.index_cast %scan3A_70 : i32 to index
          %swap3A_122 = arith.constant 96 : index
          %swap3A_123 = tpu.vector_load %arg24[%swap3A_121, %swap3A_122] {strides = array<i32>} : memref<16x256xf32, #tpu.memory_space<vmem>>, vector<16xf32>,
          tpu.vector_store %arg24[%swap3A_121, %swap3A_122], %mul3A_120 {strides = array<i32>} : memref<16x256xf32, #tpu.memory_space<vmem>>, vector<16xf32>,
          %get3A_124 = arith.index_cast %scan3A_70 : i32 to index
          %get3A_125 = arith.constant 112 : index
          %get3A_126 = tpu.vector_load %arg24[%get3A_124, %get3A_125] {strides = array<i32>} : memref<16x256xf32, #tpu.memory_space<vmem>>, vector<16xf32>,
          %mul3A_127 = arith.mulf %get3A_126, %gather3A_75 : vector<16xf32>
          %swap3A_128 = arith.index_cast %scan3A_70 : i32 to index
          %swap3A_129 = arith.constant 112 : index
          %swap3A_130 = tpu.vector_load %arg24[%swap3A_128, %swap3A_129] {strides = array<i32>} : memref<16x256xf32, #tpu.memory_space<vmem>>, vector<16xf32>,
          tpu.vector_store %arg24[%swap3A_128, %swap3A_129], %mul3A_127 {strides = array<i32>} : memref<16x256xf32, #tpu.memory_space<vmem>>, vector<16xf32>,
          %get3A_131 = arith.index_cast %scan3A_70 : i32 to index
          %get3A_132 = arith.constant 128 : index
          %get3A_133 = tpu.vector_load %arg24[%get3A_131, %get3A_132] {strides = array<i32>} : memref<16x256xf32, #tpu.memory_space<vmem>>, vector<16xf32>,
          %mul3A_134 = arith.mulf %get3A_133, %gather3A_75 : vector<16xf32>
          %swap3A_135 = arith.index_cast %scan3A_70 : i32 to index
          %swap3A_136 = arith.constant 128 : index
          %swap3A_137 = tpu.vector_load %arg24[%swap3A_135, %swap3A_136] {strides = array<i32>} : memref<16x256xf32, #tpu.memory_space<vmem>>, vector<16xf32>,
          tpu.vector_store %arg24[%swap3A_135, %swap3A_136], %mul3A_134 {strides = array<i32>} : memref<16x256xf32, #tpu.memory_space<vmem>>, vector<16xf32>,
          %get3A_138 = arith.index_cast %scan3A_70 : i32 to index
          %get3A_139 = arith.constant 144 : index
          %get3A_140 = tpu.vector_load %arg24[%get3A_138, %get3A_139] {strides = array<i32>} : memref<16x256xf32, #tpu.memory_space<vmem>>, vector<16xf32>,
          %mul3A_141 = arith.mulf %get3A_140, %gather3A_75 : vector<16xf32>
          %swap3A_142 = arith.index_cast %scan3A_70 : i32 to index
          %swap3A_143 = arith.constant 144 : index
          %swap3A_144 = tpu.vector_load %arg24[%swap3A_142, %swap3A_143] {strides = array<i32>} : memref<16x256xf32, #tpu.memory_space<vmem>>, vector<16xf32>,
          tpu.vector_store %arg24[%swap3A_142, %swap3A_143], %mul3A_141 {strides = array<i32>} : memref<16x256xf32, #tpu.memory_space<vmem>>, vector<16xf32>,
          %get3A_145 = arith.index_cast %scan3A_70 : i32 to index
          %get3A_146 = arith.constant 160 : index
          %get3A_147 = tpu.vector_load %arg24[%get3A_145, %get3A_146] {strides = array<i32>} : memref<16x256xf32, #tpu.memory_space<vmem>>, vector<16xf32>,
          %mul3A_148 = arith.mulf %get3A_147, %gather3A_75 : vector<16xf32>
          %swap3A_149 = arith.index_cast %scan3A_70 : i32 to index
          %swap3A_150 = arith.constant 160 : index
          %swap3A_151 = tpu.vector_load %arg24[%swap3A_149, %swap3A_150] {strides = array<i32>} : memref<16x256xf32, #tpu.memory_space<vmem>>, vector<16xf32>,
          tpu.vector_store %arg24[%swap3A_149, %swap3A_150], %mul3A_148 {strides = array<i32>} : memref<16x256xf32, #tpu.memory_space<vmem>>, vector<16xf32>,
          %get3A_152 = arith.index_cast %scan3A_70 : i32 to index
          %get3A_153 = arith.constant 176 : index
          %get3A_154 = tpu.vector_load %arg24[%get3A_152, %get3A_153] {strides = array<i32>} : memref<16x256xf32, #tpu.memory_space<vmem>>, vector<16xf32>,
          %mul3A_155 = arith.mulf %get3A_154, %gather3A_75 : vector<16xf32>
          %swap3A_156 = arith.index_cast %scan3A_70 : i32 to index
          %swap3A_157 = arith.constant 176 : index
          %swap3A_158 = tpu.vector_load %arg24[%swap3A_156, %swap3A_157] {strides = array<i32>} : memref<16x256xf32, #tpu.memory_space<vmem>>, vector<16xf32>,
          tpu.vector_store %arg24[%swap3A_156, %swap3A_157], %mul3A_155 {strides = array<i32>} : memref<16x256xf32, #tpu.memory_space<vmem>>, vector<16xf32>,
          %get3A_159 = arith.index_cast %scan3A_70 : i32 to index
          %get3A_160 = arith.constant 192 : index
          %get3A_161 = tpu.vector_load %arg24[%get3A_159, %get3A_160] {strides = array<i32>} : memref<16x256xf32, #tpu.memory_space<vmem>>, vector<16xf32>,
          %mul3A_162 = arith.mulf %get3A_161, %gather3A_75 : vector<16xf32>
          %swap3A_163 = arith.index_cast %scan3A_70 : i32 to index
          %swap3A_164 = arith.constant 192 : index
          %swap3A_165 = tpu.vector_load %arg24[%swap3A_163, %swap3A_164] {strides = array<i32>} : memref<16x256xf32, #tpu.memory_space<vmem>>, vector<16xf32>,
          tpu.vector_store %arg24[%swap3A_163, %swap3A_164], %mul3A_162 {strides = array<i32>} : memref<16x256xf32, #tpu.memory_space<vmem>>, vector<16xf32>,
          %get3A_166 = arith.index_cast %scan3A_70 : i32 to index
          %get3A_167 = arith.constant 208 : index
          %get3A_168 = tpu.vector_load %arg24[%get3A_166, %get3A_167] {strides = array<i32>} : memref<16x256xf32, #tpu.memory_space<vmem>>, vector<16xf32>,
          %mul3A_169 = arith.mulf %get3A_168, %gather3A_75 : vector<16xf32>
          %swap3A_170 = arith.index_cast %scan3A_70 : i32 to index
          %swap3A_171 = arith.constant 208 : index
          %swap3A_172 = tpu.vector_load %arg24[%swap3A_170, %swap3A_171] {strides = array<i32>} : memref<16x256xf32, #tpu.memory_space<vmem>>, vector<16xf32>,
          tpu.vector_store %arg24[%swap3A_170, %swap3A_171], %mul3A_169 {strides = array<i32>} : memref<16x256xf32, #tpu.memory_space<vmem>>, vector<16xf32>,
          %get3A_173 = arith.index_cast %scan3A_70 : i32 to index
          %get3A_174 = arith.constant 224 : index
          %get3A_175 = tpu.vector_load %arg24[%get3A_173, %get3A_174] {strides = array<i32>} : memref<16x256xf32, #tpu.memory_space<vmem>>, vector<16xf32>,
          %mul3A_176 = arith.mulf %get3A_175, %gather3A_75 : vector<16xf32>
          %swap3A_177 = arith.index_cast %scan3A_70 : i32 to index
          %swap3A_178 = arith.constant 224 : index
          %swap3A_179 = tpu.vector_load %arg24[%swap3A_177, %swap3A_178] {strides = array<i32>} : memref<16x256xf32, #tpu.memory_space<vmem>>, vector<16xf32>,
          tpu.vector_store %arg24[%swap3A_177, %swap3A_178], %mul3A_176 {strides = array<i32>} : memref<16x256xf32, #tpu.memory_space<vmem>>, vector<16xf32>,
          %get3A_180 = arith.index_cast %scan3A_70 : i32 to index
          %get3A_181 = arith.constant 240 : index
          %get3A_182 = tpu.vector_load %arg24[%get3A_180, %get3A_181] {strides = array<i32>} : memref<16x256xf32, #tpu.memory_space<vmem>>, vector<16xf32>,
          %mul3A_183 = arith.mulf %get3A_182, %gather3A_75 : vector<16xf32>
          %swap3A_184 = arith.index_cast %scan3A_70 : i32 to index
          %swap3A_185 = arith.constant 240 : index
          %swap3A_186 = tpu.vector_load %arg24[%swap3A_184, %swap3A_185] {strides = array<i32>} : memref<16x256xf32, #tpu.memory_space<vmem>>, vector<16xf32>,
          tpu.vector_store %arg24[%swap3A_184, %swap3A_185], %mul3A_183 {strides = array<i32>} : memref<16x256xf32, #tpu.memory_space<vmem>>, vector<16xf32>,
          %scan3A_187 = arith.constant 0 : i32
          scf.yield %scan3A_187 : i32
        }
        %scan3A_69 = arith.constant 16 : i32
        "tpu.region"() ({
          %run_scoped3A_70 = tpu.sem_alloc : memref<!tpu.dma_semaphore, #tpu.memory_space<semaphore_mem>>
          %dma_start3A = arith.constant 0 : i32
          %dma_start3A_71 = arith.constant 0 : i32
          %dma_start3A_72 = tpu.memref_slice %arg26[%dma_start3A, %dma_start3A_71] : memref<5008x256xf32, #tpu.memory_space<vmem_shared>> -> memref<5008x256xf32, #tpu.memory_space<vmem_shared>>
          tpu.enqueue_indirect_dma source(%arg24 : memref<16x256xf32, #tpu.memory_space<vmem>>) target(%dma_start3A_72 : memref<5008x256xf32, #tpu.memory_space<vmem_shared>>) offsets(%arg23 : memref<16xi32, #tpu.memory_space<vmem>>) semaphore(%run_scoped3A_70 : memref<!tpu.dma_semaphore, #tpu.memory_space<semaphore_mem>>)
          %dma_wait3A = arith.constant 0 : i32
          %dma_wait3A_73 = arith.constant 0 : i32
          %dma_wait3A_74 = tpu.memref_slice %arg26[%dma_wait3A, %dma_wait3A_73] : memref<5008x256xf32, #tpu.memory_space<vmem_shared>> -> memref<5008x256xf32, #tpu.memory_space<vmem_shared>>
          tpu.wait_indirect_dma semaphore(%run_scoped3A_70 : memref<!tpu.dma_semaphore, #tpu.memory_space<semaphore_mem>>) src(%arg24 : memref<16x256xf32, #tpu.memory_space<vmem>>) dst(%dma_wait3A_74 : memref<5008x256xf32, #tpu.memory_space<vmem_shared>>)
          tpu.yield
        }) : () -> ()
      } else {
      }
      %scan3A_40 = arith.constant 0 : i32
      scf.yield %scan3A_40 : i32
    }
    %scan3A_7 = arith.constant 24 : i32
    %barrier3A = arith.constant 0 : index
    tpu.barrier barrier_id(%barrier3A)
    %scan3A_8 = arith.constant 0 : i32
    %scan3A_9 = arith.constant 0 : i32
    %scan3A_10 = arith.constant 10 : i32
    %scan3A_11 = arith.addi %scan3A_9, %scan3A_10 : i32
    %scan3A_12 = arith.constant 1 : i32
    %scan3A_13 = scf.for %scan3A_34 = %scan3A_9 to %scan3A_11 step %scan3A_12 iter_args(%scan3A_35 = %scan3A_8) -> (i32)  : i32 {
      %mul3A_36 = arith.constant 10240 : i32
      %mul3A_37 = arith.muli %arg1, %mul3A_36 : i32
      %mul3A_38 = arith.constant 1024 : i32
      %mul3A_39 = arith.muli %scan3A_34, %mul3A_38 : i32
      %add3A = arith.addi %mul3A_37, %mul3A_39 : i32
      "tpu.region"() ({
        %run_scoped3A_300 = tpu.sem_alloc : memref<!tpu.dma_semaphore, #tpu.memory_space<semaphore_mem>>
        %dma_start3A_301 = tpu.memref_slice %arg4[%add3A] : memref<163840xi32, #tpu.memory_space<hbm>> -> memref<1024xi32, #tpu.memory_space<hbm>>
        %dma_start3A_302 = tpu.memref_slice %arg4[%add3A] : memref<163840xi32, #tpu.memory_space<hbm>> -> memref<1024xi32, #tpu.memory_space<hbm>>
        tpu.enqueue_dma source(%dma_start3A_302 : memref<1024xi32, #tpu.memory_space<hbm>>) target(%arg9 : memref<1024xi32, #tpu.memory_space<vmem>>) target_semaphore(%run_scoped3A_300 : memref<!tpu.dma_semaphore, #tpu.memory_space<semaphore_mem>>)
        %dma_wait3A_303 = tpu.memref_slice %arg4[%add3A] : memref<163840xi32, #tpu.memory_space<hbm>> -> memref<1024xi32, #tpu.memory_space<hbm>>
        %dma_wait3A_304 = tpu.memref_slice %arg4[%add3A] : memref<163840xi32, #tpu.memory_space<hbm>> -> memref<1024xi32, #tpu.memory_space<hbm>>
        tpu.wait_dma2 semaphore(%run_scoped3A_300 : memref<!tpu.dma_semaphore, #tpu.memory_space<semaphore_mem>>) src(%dma_wait3A_304 : memref<1024xi32, #tpu.memory_space<hbm>>) dst(%arg9 : memref<1024xi32, #tpu.memory_space<vmem>>)
        tpu.yield
      }) : () -> ()
      "tpu.region"() ({
        %run_scoped3A_300 = tpu.sem_alloc : memref<!tpu.dma_semaphore, #tpu.memory_space<semaphore_mem>>
        %dma_start3A_301 = tpu.memref_slice %arg5[%add3A] : memref<163840xi32, #tpu.memory_space<hbm>> -> memref<1024xi32, #tpu.memory_space<hbm>>
        %dma_start3A_302 = tpu.memref_slice %arg5[%add3A] : memref<163840xi32, #tpu.memory_space<hbm>> -> memref<1024xi32, #tpu.memory_space<hbm>>
        tpu.enqueue_dma source(%dma_start3A_302 : memref<1024xi32, #tpu.memory_space<hbm>>) target(%arg10 : memref<1024xi32, #tpu.memory_space<vmem>>) target_semaphore(%run_scoped3A_300 : memref<!tpu.dma_semaphore, #tpu.memory_space<semaphore_mem>>)
        %dma_wait3A_303 = tpu.memref_slice %arg5[%add3A] : memref<163840xi32, #tpu.memory_space<hbm>> -> memref<1024xi32, #tpu.memory_space<hbm>>
        %dma_wait3A_304 = tpu.memref_slice %arg5[%add3A] : memref<163840xi32, #tpu.memory_space<hbm>> -> memref<1024xi32, #tpu.memory_space<hbm>>
        tpu.wait_dma2 semaphore(%run_scoped3A_300 : memref<!tpu.dma_semaphore, #tpu.memory_space<semaphore_mem>>) src(%dma_wait3A_304 : memref<1024xi32, #tpu.memory_space<hbm>>) dst(%arg10 : memref<1024xi32, #tpu.memory_space<vmem>>)
        tpu.yield
      }) : () -> ()
      %scan3A_40 = arith.constant 0 : i32
      %scan3A_41 = arith.constant 0 : i32
      %scan3A_42 = arith.constant 64 : i32
      %scan3A_43 = arith.addi %scan3A_41, %scan3A_42 : i32
      %scan3A_44 = arith.constant 1 : i32
      %scan3A_45 = scf.for %scan3A_300 = %scan3A_41 to %scan3A_43 step %scan3A_44 iter_args(%scan3A_301 = %scan3A_40) -> (i32)  : i32 {
        %mul3A_302 = arith.constant 16 : i32
        %mul3A_303 = arith.muli %scan3A_300, %mul3A_302 : i32
        %get3A = arith.index_cast %mul3A_303 : i32 to index
        %get3A_304 = tpu.vector_load %arg9[%get3A] {strides = array<i32>} : memref<1024xi32, #tpu.memory_space<vmem>>, vector<16xi32>,
        %mul3A_305 = arith.constant 16 : i32
        %mul3A_306 = arith.muli %scan3A_300, %mul3A_305 : i32
        %get3A_307 = arith.index_cast %mul3A_306 : i32 to index
        %get3A_308 = tpu.vector_load %arg10[%get3A_307] {strides = array<i32>} : memref<1024xi32, #tpu.memory_space<vmem>>, vector<16xi32>,
        %gather3A = tpu.vector_load_idx %arg7[%get3A_304] : memref<10016xf32, #tpu.memory_space<vmem>>[vector<16xi32>], vector<16xf32>,
        %gather3A_309 = tpu.vector_load_idx %arg8[%get3A_308] : memref<10016xf32, #tpu.memory_space<vmem>>[vector<16xi32>], vector<16xf32>,
        %add3A_310 = arith.addf %gather3A, %gather3A_309 : vector<16xf32>
        %gt3A_311 = arith.constant 0.000000e+00 : f32
        %gt3A_312 = vector.broadcast %gt3A_311 : f32 to vector<16xf32>
        %gt3A_313 = arith.cmpf ogt, %add3A_310, %gt3A_312 : vector<16xf32>
        %mul3A_314 = arith.constant 2.000000e-01 : f32
        %mul3A_315 = vector.broadcast %mul3A_314 : f32 to vector<16xf32>
        %mul3A_316 = arith.mulf %mul3A_315, %add3A_310 : vector<16xf32>
        %select_n3A = arith.select %gt3A_313, %add3A_310, %mul3A_316 : vector<16xi1>, vector<16xf32>
        %exp3A = math.exp %select_n3A : vector<16xf32>
        %sub3A = vector.broadcast %mul3A_0 : i32 to vector<16xi32>
        %sub3A_317 = arith.subi %get3A_308, %sub3A : vector<16xi32>
        %ge3A = arith.constant 0 : i32
        %ge3A_318 = vector.broadcast %ge3A : i32 to vector<16xi32>
        %ge3A_319 = arith.cmpi sge, %sub3A_317, %ge3A_318 : vector<16xi32>
        %lt3A = arith.constant 5000 : i32
        %lt3A_320 = vector.broadcast %lt3A : i32 to vector<16xi32>
        %lt3A_321 = arith.cmpi slt, %sub3A_317, %lt3A_320 : vector<16xi32>
        %and3A = arith.andi %ge3A_319, %lt3A_321 : vector<16xi1>
        %jit3A = arith.constant 0.000000e+00 : f32
        %broadcast_in_dim3A_322 = vector.broadcast %jit3A : f32 to vector<16xf32>
        %select_n3A_323 = arith.select %and3A, %exp3A, %broadcast_in_dim3A_322 : vector<16xi1>, vector<16xf32>
        %jit3A_324 = arith.constant 5000 : i32
        %broadcast_in_dim3A_325 = vector.broadcast %jit3A_324 : i32 to vector<16xi32>
        %select_n3A_326 = arith.select %and3A, %sub3A_317, %broadcast_in_dim3A_325 : vector<16xi1>, vector<16xi32>
        %and3A_327 = arith.constant 7 : i32
        %and3A_328 = arith.andi %scan3A_300, %and3A_327 : i32
        %mul3A_329 = arith.constant 16 : i32
        %mul3A_330 = arith.muli %and3A_328, %mul3A_329 : i32
        %shift_right_arithmetic3A_331 = arith.constant 3 : i32
        %shift_right_arithmetic3A_332 = arith.shrsi %scan3A_300, %shift_right_arithmetic3A_331 : i32
        %swap3A_333 = arith.index_cast %shift_right_arithmetic3A_332 : i32 to index
        %swap3A_334 = arith.index_cast %mul3A_330 : i32 to index
        %swap3A_335 = tpu.vector_load %arg14[%swap3A_333, %swap3A_334] {strides = array<i32>} : memref<8x128xf32, #tpu.memory_space<vmem>>, vector<16xf32>,
        tpu.vector_store %arg14[%swap3A_333, %swap3A_334], %select_n3A_323 {strides = array<i32>} : memref<8x128xf32, #tpu.memory_space<vmem>>, vector<16xf32>,
        %shift_right_arithmetic3A_336 = arith.constant 3 : i32
        %shift_right_arithmetic3A_337 = arith.shrsi %scan3A_300, %shift_right_arithmetic3A_336 : i32
        %swap3A_338 = arith.index_cast %shift_right_arithmetic3A_337 : i32 to index
        %swap3A_339 = arith.index_cast %mul3A_330 : i32 to index
        %swap3A_340 = tpu.vector_load %arg15[%swap3A_338, %swap3A_339] {strides = array<i32>} : memref<8x128xi32, #tpu.memory_space<vmem>>, vector<16xi32>,
        tpu.vector_store %arg15[%swap3A_338, %swap3A_339], %select_n3A_326 {strides = array<i32>} : memref<8x128xi32, #tpu.memory_space<vmem>>, vector<16xi32>,
        %swap3A_341 = arith.index_cast %scan3A_301 : i32 to index
        %swap3A_342 = tpu.vector_load %arg11[%swap3A_341] masked %and3A {strides = array<i32>} : memref<1104xi32, #tpu.memory_space<vmem>>, vector<16xi32>, vector<16xi1>
        tpu.vector_store %arg11[%swap3A_341], %get3A_304 masked %and3A {strides = array<i32>} : memref<1104xi32, #tpu.memory_space<vmem>>, vector<16xi32>, vector<16xi1>
        %swap3A_343 = arith.index_cast %scan3A_301 : i32 to index
        %swap3A_344 = tpu.vector_load %arg12[%swap3A_343] masked %and3A {strides = array<i32>} : memref<1104xi32, #tpu.memory_space<vmem>>, vector<16xi32>, vector<16xi1>
        tpu.vector_store %arg12[%swap3A_343], %select_n3A_326 masked %and3A {strides = array<i32>} : memref<1104xi32, #tpu.memory_space<vmem>>, vector<16xi32>, vector<16xi1>
        %swap3A_345 = arith.index_cast %scan3A_301 : i32 to index
        %swap3A_346 = tpu.vector_load %arg13[%swap3A_345] masked %and3A {strides = array<i32>} : memref<1104xf32, #tpu.memory_space<vmem>>, vector<16xf32>, vector<16xi1>
        tpu.vector_store %arg13[%swap3A_345], %select_n3A_323 masked %and3A {strides = array<i32>} : memref<1104xf32, #tpu.memory_space<vmem>>, vector<16xf32>, vector<16xi1>
        %all_reduce_population_count3A = tpu.all_reduce %and3A {dim = 0 : i64, kind = #tpu.reduction_kind<sum>} : vector<16xi1> -> vector<16xi32>
        %reduce_max3A = arith.constant true
        %reduce_max3A_347 = vector.broadcast %reduce_max3A : i1 to vector<16xi1>
        %reduce_max3A_348 = arith.constant -2147483648 : i32
        %reduce_max3A_349 = vector.broadcast %reduce_max3A_348 : i32 to vector<16xi32>
        %reduce_max3A_350 = arith.xori %all_reduce_population_count3A, %reduce_max3A_349 : vector<16xi32>
        %reduce_max3A_351 = tpu.scan <max>, %reduce_max3A_350 masked %reduce_max3A_347 : vector<16xi32>, vector<16xi1> -> vector<16xi32>
        %reduce_max3A_352 = arith.xori %reduce_max3A_351, %reduce_max3A_349 : vector<16xi32>
        %reduce_max3A_353 = vector.extract %reduce_max3A_352[15] : i32 from vector<16xi32>
        %add3A_354 = arith.addi %scan3A_301, %reduce_max3A_353 : i32
        scf.yield %add3A_354 : i32
      }
      %scan3A_46 = arith.constant 64 : i32
      %add3A_47 = arith.constant 0 : i32
      %add3A_48 = arith.addi %scan3A_45, %add3A_47 : i32
      %broadcast_in_dim3A = arith.constant 0 : i32
      %broadcast_in_dim3A_49 = vector.broadcast %broadcast_in_dim3A : i32 to vector<16xi32>
      %swap3A = arith.index_cast %add3A_48 : i32 to index
      %swap3A_50 = tpu.vector_load %arg11[%swap3A] {strides = array<i32>} : memref<1104xi32, #tpu.memory_space<vmem>>, vector<16xi32>,
      tpu.vector_store %arg11[%swap3A], %broadcast_in_dim3A_49 {strides = array<i32>} : memref<1104xi32, #tpu.memory_space<vmem>>, vector<16xi32>,
      %broadcast_in_dim3A_51 = arith.constant 5000 : i32
      %broadcast_in_dim3A_52 = vector.broadcast %broadcast_in_dim3A_51 : i32 to vector<16xi32>
      %swap3A_53 = arith.index_cast %add3A_48 : i32 to index
      %swap3A_54 = tpu.vector_load %arg12[%swap3A_53] {strides = array<i32>} : memref<1104xi32, #tpu.memory_space<vmem>>, vector<16xi32>,
      tpu.vector_store %arg12[%swap3A_53], %broadcast_in_dim3A_52 {strides = array<i32>} : memref<1104xi32, #tpu.memory_space<vmem>>, vector<16xi32>,
      %broadcast_in_dim3A_55 = arith.constant 0.000000e+00 : f32
      %broadcast_in_dim3A_56 = vector.broadcast %broadcast_in_dim3A_55 : f32 to vector<16xf32>
      %swap3A_57 = arith.index_cast %add3A_48 : i32 to index
      %swap3A_58 = tpu.vector_load %arg13[%swap3A_57] {strides = array<i32>} : memref<1104xf32, #tpu.memory_space<vmem>>, vector<16xf32>,
      tpu.vector_store %arg13[%swap3A_57], %broadcast_in_dim3A_56 {strides = array<i32>} : memref<1104xf32, #tpu.memory_space<vmem>>, vector<16xf32>,
      %add3A_59 = arith.constant 16 : i32
      %add3A_60 = arith.addi %scan3A_45, %add3A_59 : i32
      %broadcast_in_dim3A_61 = arith.constant 0 : i32
      %broadcast_in_dim3A_62 = vector.broadcast %broadcast_in_dim3A_61 : i32 to vector<16xi32>
      %swap3A_63 = arith.index_cast %add3A_60 : i32 to index
      %swap3A_64 = tpu.vector_load %arg11[%swap3A_63] {strides = array<i32>} : memref<1104xi32, #tpu.memory_space<vmem>>, vector<16xi32>,
      tpu.vector_store %arg11[%swap3A_63], %broadcast_in_dim3A_62 {strides = array<i32>} : memref<1104xi32, #tpu.memory_space<vmem>>, vector<16xi32>,
      %broadcast_in_dim3A_65 = arith.constant 5000 : i32
      %broadcast_in_dim3A_66 = vector.broadcast %broadcast_in_dim3A_65 : i32 to vector<16xi32>
      %swap3A_67 = arith.index_cast %add3A_60 : i32 to index
      %swap3A_68 = tpu.vector_load %arg12[%swap3A_67] {strides = array<i32>} : memref<1104xi32, #tpu.memory_space<vmem>>, vector<16xi32>,
      tpu.vector_store %arg12[%swap3A_67], %broadcast_in_dim3A_66 {strides = array<i32>} : memref<1104xi32, #tpu.memory_space<vmem>>, vector<16xi32>,
      %broadcast_in_dim3A_69 = arith.constant 0.000000e+00 : f32
      %broadcast_in_dim3A_70 = vector.broadcast %broadcast_in_dim3A_69 : f32 to vector<16xf32>
      %swap3A_71 = arith.index_cast %add3A_60 : i32 to index
      %swap3A_72 = tpu.vector_load %arg13[%swap3A_71] {strides = array<i32>} : memref<1104xf32, #tpu.memory_space<vmem>>, vector<16xf32>,
      tpu.vector_store %arg13[%swap3A_71], %broadcast_in_dim3A_70 {strides = array<i32>} : memref<1104xf32, #tpu.memory_space<vmem>>, vector<16xf32>,
      %add3A_73 = arith.constant 32 : i32
      %add3A_74 = arith.addi %scan3A_45, %add3A_73 : i32
      %broadcast_in_dim3A_75 = arith.constant 0 : i32
      %broadcast_in_dim3A_76 = vector.broadcast %broadcast_in_dim3A_75 : i32 to vector<16xi32>
      %swap3A_77 = arith.index_cast %add3A_74 : i32 to index
      %swap3A_78 = tpu.vector_load %arg11[%swap3A_77] {strides = array<i32>} : memref<1104xi32, #tpu.memory_space<vmem>>, vector<16xi32>,
      tpu.vector_store %arg11[%swap3A_77], %broadcast_in_dim3A_76 {strides = array<i32>} : memref<1104xi32, #tpu.memory_space<vmem>>, vector<16xi32>,
      %broadcast_in_dim3A_79 = arith.constant 5000 : i32
      %broadcast_in_dim3A_80 = vector.broadcast %broadcast_in_dim3A_79 : i32 to vector<16xi32>
      %swap3A_81 = arith.index_cast %add3A_74 : i32 to index
      %swap3A_82 = tpu.vector_load %arg12[%swap3A_81] {strides = array<i32>} : memref<1104xi32, #tpu.memory_space<vmem>>, vector<16xi32>,
      tpu.vector_store %arg12[%swap3A_81], %broadcast_in_dim3A_80 {strides = array<i32>} : memref<1104xi32, #tpu.memory_space<vmem>>, vector<16xi32>,
      %broadcast_in_dim3A_83 = arith.constant 0.000000e+00 : f32
      %broadcast_in_dim3A_84 = vector.broadcast %broadcast_in_dim3A_83 : f32 to vector<16xf32>
      %swap3A_85 = arith.index_cast %add3A_74 : i32 to index
      %swap3A_86 = tpu.vector_load %arg13[%swap3A_85] {strides = array<i32>} : memref<1104xf32, #tpu.memory_space<vmem>>, vector<16xf32>,
      tpu.vector_store %arg13[%swap3A_85], %broadcast_in_dim3A_84 {strides = array<i32>} : memref<1104xf32, #tpu.memory_space<vmem>>, vector<16xf32>,
      %add3A_87 = arith.constant 48 : i32
      %add3A_88 = arith.addi %scan3A_45, %add3A_87 : i32
      %broadcast_in_dim3A_89 = arith.constant 0 : i32
      %broadcast_in_dim3A_90 = vector.broadcast %broadcast_in_dim3A_89 : i32 to vector<16xi32>
      %swap3A_91 = arith.index_cast %add3A_88 : i32 to index
      %swap3A_92 = tpu.vector_load %arg11[%swap3A_91] {strides = array<i32>} : memref<1104xi32, #tpu.memory_space<vmem>>, vector<16xi32>,
      tpu.vector_store %arg11[%swap3A_91], %broadcast_in_dim3A_90 {strides = array<i32>} : memref<1104xi32, #tpu.memory_space<vmem>>, vector<16xi32>,
      %broadcast_in_dim3A_93 = arith.constant 5000 : i32
      %broadcast_in_dim3A_94 = vector.broadcast %broadcast_in_dim3A_93 : i32 to vector<16xi32>
      %swap3A_95 = arith.index_cast %add3A_88 : i32 to index
      %swap3A_96 = tpu.vector_load %arg12[%swap3A_95] {strides = array<i32>} : memref<1104xi32, #tpu.memory_space<vmem>>, vector<16xi32>,
      tpu.vector_store %arg12[%swap3A_95], %broadcast_in_dim3A_94 {strides = array<i32>} : memref<1104xi32, #tpu.memory_space<vmem>>, vector<16xi32>,
      %broadcast_in_dim3A_97 = arith.constant 0.000000e+00 : f32
      %broadcast_in_dim3A_98 = vector.broadcast %broadcast_in_dim3A_97 : f32 to vector<16xf32>
      %swap3A_99 = arith.index_cast %add3A_88 : i32 to index
      %swap3A_100 = tpu.vector_load %arg13[%swap3A_99] {strides = array<i32>} : memref<1104xf32, #tpu.memory_space<vmem>>, vector<16xf32>,
      tpu.vector_store %arg13[%swap3A_99], %broadcast_in_dim3A_98 {strides = array<i32>} : memref<1104xf32, #tpu.memory_space<vmem>>, vector<16xf32>,
      %add3A_101 = arith.constant 64 : i32
      %add3A_102 = arith.addi %scan3A_45, %add3A_101 : i32
      %broadcast_in_dim3A_103 = arith.constant 0 : i32
      %broadcast_in_dim3A_104 = vector.broadcast %broadcast_in_dim3A_103 : i32 to vector<16xi32>
      %swap3A_105 = arith.index_cast %add3A_102 : i32 to index
      %swap3A_106 = tpu.vector_load %arg11[%swap3A_105] {strides = array<i32>} : memref<1104xi32, #tpu.memory_space<vmem>>, vector<16xi32>,
      tpu.vector_store %arg11[%swap3A_105], %broadcast_in_dim3A_104 {strides = array<i32>} : memref<1104xi32, #tpu.memory_space<vmem>>, vector<16xi32>,
      %broadcast_in_dim3A_107 = arith.constant 5000 : i32
      %broadcast_in_dim3A_108 = vector.broadcast %broadcast_in_dim3A_107 : i32 to vector<16xi32>
      %swap3A_109 = arith.index_cast %add3A_102 : i32 to index
      %swap3A_110 = tpu.vector_load %arg12[%swap3A_109] {strides = array<i32>} : memref<1104xi32, #tpu.memory_space<vmem>>, vector<16xi32>,
      tpu.vector_store %arg12[%swap3A_109], %broadcast_in_dim3A_108 {strides = array<i32>} : memref<1104xi32, #tpu.memory_space<vmem>>, vector<16xi32>,
      %broadcast_in_dim3A_111 = arith.constant 0.000000e+00 : f32
      %broadcast_in_dim3A_112 = vector.broadcast %broadcast_in_dim3A_111 : f32 to vector<16xf32>
      %swap3A_113 = arith.index_cast %add3A_102 : i32 to index
      %swap3A_114 = tpu.vector_load %arg13[%swap3A_113] {strides = array<i32>} : memref<1104xf32, #tpu.memory_space<vmem>>, vector<16xf32>,
      tpu.vector_store %arg13[%swap3A_113], %broadcast_in_dim3A_112 {strides = array<i32>} : memref<1104xf32, #tpu.memory_space<vmem>>, vector<16xf32>,
      %add3A_115 = arith.constant 63 : i32
      %add3A_116 = arith.addi %scan3A_45, %add3A_115 : i32
      %shift_right_arithmetic3A = arith.constant 6 : i32
      %shift_right_arithmetic3A_117 = arith.shrsi %add3A_116, %shift_right_arithmetic3A : i32
      %shift_left3A = arith.constant 2 : i32
      %shift_left3A_118 = arith.shli %shift_right_arithmetic3A_117, %shift_left3A : i32
      %dma_start3A = arith.constant 0 : i32
      %dma_start3A_119 = arith.constant 0 : i32
      %dma_start3A_120 = arith.constant 0 : i32
      %dma_start3A_121 = tpu.memref_slice %arg14[%dma_start3A, %dma_start3A_120] : memref<8x128xf32, #tpu.memory_space<vmem>> -> memref<1x128xf32, #tpu.memory_space<vmem>>
      %dma_start3A_122 = tpu.memref_squeeze %dma_start3A_121 : memref<1x128xf32, #tpu.memory_space<vmem>> -> memref<128xf32, #tpu.memory_space<vmem>>
      %dma_start3A_123 = arith.constant 0 : i32
      %dma_start3A_124 = tpu.memref_slice %arg15[%dma_start3A_119, %dma_start3A_123] : memref<8x128xi32, #tpu.memory_space<vmem>> -> memref<1x128xi32, #tpu.memory_space<vmem>>
      %dma_start3A_125 = tpu.memref_squeeze %dma_start3A_124 : memref<1x128xi32, #tpu.memory_space<vmem>> -> memref<128xi32, #tpu.memory_space<vmem>>
      %dma_start3A_126 = arith.constant 0 : i32
      %dma_start3A_127 = tpu.memref_slice %arg27[%dma_start3A_126] : memref<6144xf32, #tpu.memory_space<vmem_shared>> -> memref<6144xf32, #tpu.memory_space<vmem_shared>>
      tpu.enqueue_indirect_dma source(%dma_start3A_122 : memref<128xf32, #tpu.memory_space<vmem>>) target(%dma_start3A_127 : memref<6144xf32, #tpu.memory_space<vmem_shared>>) offsets(%dma_start3A_125 : memref<128xi32, #tpu.memory_space<vmem>>) semaphore(%arg32 : memref<!tpu.dma_semaphore, #tpu.memory_space<semaphore_mem>>) {add = true}
      %dma_start3A_128 = arith.constant 1 : i32
      %dma_start3A_129 = arith.constant 1 : i32
      %dma_start3A_130 = arith.constant 0 : i32
      %dma_start3A_131 = tpu.memref_slice %arg14[%dma_start3A_128, %dma_start3A_130] : memref<8x128xf32, #tpu.memory_space<vmem>> -> memref<1x128xf32, #tpu.memory_space<vmem>>
      %dma_start3A_132 = tpu.memref_squeeze %dma_start3A_131 : memref<1x128xf32, #tpu.memory_space<vmem>> -> memref<128xf32, #tpu.memory_space<vmem>>
      %dma_start3A_133 = arith.constant 0 : i32
      %dma_start3A_134 = tpu.memref_slice %arg15[%dma_start3A_129, %dma_start3A_133] : memref<8x128xi32, #tpu.memory_space<vmem>> -> memref<1x128xi32, #tpu.memory_space<vmem>>
      %dma_start3A_135 = tpu.memref_squeeze %dma_start3A_134 : memref<1x128xi32, #tpu.memory_space<vmem>> -> memref<128xi32, #tpu.memory_space<vmem>>
      %dma_start3A_136 = arith.constant 0 : i32
      %dma_start3A_137 = tpu.memref_slice %arg27[%dma_start3A_136] : memref<6144xf32, #tpu.memory_space<vmem_shared>> -> memref<6144xf32, #tpu.memory_space<vmem_shared>>
      tpu.enqueue_indirect_dma source(%dma_start3A_132 : memref<128xf32, #tpu.memory_space<vmem>>) target(%dma_start3A_137 : memref<6144xf32, #tpu.memory_space<vmem_shared>>) offsets(%dma_start3A_135 : memref<128xi32, #tpu.memory_space<vmem>>) semaphore(%arg32 : memref<!tpu.dma_semaphore, #tpu.memory_space<semaphore_mem>>) {add = true}
      %dma_start3A_138 = arith.constant 2 : i32
      %dma_start3A_139 = arith.constant 2 : i32
      %dma_start3A_140 = arith.constant 0 : i32
      %dma_start3A_141 = tpu.memref_slice %arg14[%dma_start3A_138, %dma_start3A_140] : memref<8x128xf32, #tpu.memory_space<vmem>> -> memref<1x128xf32, #tpu.memory_space<vmem>>
      %dma_start3A_142 = tpu.memref_squeeze %dma_start3A_141 : memref<1x128xf32, #tpu.memory_space<vmem>> -> memref<128xf32, #tpu.memory_space<vmem>>
      %dma_start3A_143 = arith.constant 0 : i32
      %dma_start3A_144 = tpu.memref_slice %arg15[%dma_start3A_139, %dma_start3A_143] : memref<8x128xi32, #tpu.memory_space<vmem>> -> memref<1x128xi32, #tpu.memory_space<vmem>>
      %dma_start3A_145 = tpu.memref_squeeze %dma_start3A_144 : memref<1x128xi32, #tpu.memory_space<vmem>> -> memref<128xi32, #tpu.memory_space<vmem>>
      %dma_start3A_146 = arith.constant 0 : i32
      %dma_start3A_147 = tpu.memref_slice %arg27[%dma_start3A_146] : memref<6144xf32, #tpu.memory_space<vmem_shared>> -> memref<6144xf32, #tpu.memory_space<vmem_shared>>
      tpu.enqueue_indirect_dma source(%dma_start3A_142 : memref<128xf32, #tpu.memory_space<vmem>>) target(%dma_start3A_147 : memref<6144xf32, #tpu.memory_space<vmem_shared>>) offsets(%dma_start3A_145 : memref<128xi32, #tpu.memory_space<vmem>>) semaphore(%arg32 : memref<!tpu.dma_semaphore, #tpu.memory_space<semaphore_mem>>) {add = true}
      %dma_start3A_148 = arith.constant 3 : i32
      %dma_start3A_149 = arith.constant 3 : i32
      %dma_start3A_150 = arith.constant 0 : i32
      %dma_start3A_151 = tpu.memref_slice %arg14[%dma_start3A_148, %dma_start3A_150] : memref<8x128xf32, #tpu.memory_space<vmem>> -> memref<1x128xf32, #tpu.memory_space<vmem>>
      %dma_start3A_152 = tpu.memref_squeeze %dma_start3A_151 : memref<1x128xf32, #tpu.memory_space<vmem>> -> memref<128xf32, #tpu.memory_space<vmem>>
      %dma_start3A_153 = arith.constant 0 : i32
      %dma_start3A_154 = tpu.memref_slice %arg15[%dma_start3A_149, %dma_start3A_153] : memref<8x128xi32, #tpu.memory_space<vmem>> -> memref<1x128xi32, #tpu.memory_space<vmem>>
      %dma_start3A_155 = tpu.memref_squeeze %dma_start3A_154 : memref<1x128xi32, #tpu.memory_space<vmem>> -> memref<128xi32, #tpu.memory_space<vmem>>
      %dma_start3A_156 = arith.constant 0 : i32
      %dma_start3A_157 = tpu.memref_slice %arg27[%dma_start3A_156] : memref<6144xf32, #tpu.memory_space<vmem_shared>> -> memref<6144xf32, #tpu.memory_space<vmem_shared>>
      tpu.enqueue_indirect_dma source(%dma_start3A_152 : memref<128xf32, #tpu.memory_space<vmem>>) target(%dma_start3A_157 : memref<6144xf32, #tpu.memory_space<vmem_shared>>) offsets(%dma_start3A_155 : memref<128xi32, #tpu.memory_space<vmem>>) semaphore(%arg32 : memref<!tpu.dma_semaphore, #tpu.memory_space<semaphore_mem>>) {add = true}
      %dma_start3A_158 = arith.constant 4 : i32
      %dma_start3A_159 = arith.constant 4 : i32
      %dma_start3A_160 = arith.constant 0 : i32
      %dma_start3A_161 = tpu.memref_slice %arg14[%dma_start3A_158, %dma_start3A_160] : memref<8x128xf32, #tpu.memory_space<vmem>> -> memref<1x128xf32, #tpu.memory_space<vmem>>
      %dma_start3A_162 = tpu.memref_squeeze %dma_start3A_161 : memref<1x128xf32, #tpu.memory_space<vmem>> -> memref<128xf32, #tpu.memory_space<vmem>>
      %dma_start3A_163 = arith.constant 0 : i32
      %dma_start3A_164 = tpu.memref_slice %arg15[%dma_start3A_159, %dma_start3A_163] : memref<8x128xi32, #tpu.memory_space<vmem>> -> memref<1x128xi32, #tpu.memory_space<vmem>>
      %dma_start3A_165 = tpu.memref_squeeze %dma_start3A_164 : memref<1x128xi32, #tpu.memory_space<vmem>> -> memref<128xi32, #tpu.memory_space<vmem>>
      %dma_start3A_166 = arith.constant 0 : i32
      %dma_start3A_167 = tpu.memref_slice %arg27[%dma_start3A_166] : memref<6144xf32, #tpu.memory_space<vmem_shared>> -> memref<6144xf32, #tpu.memory_space<vmem_shared>>
      tpu.enqueue_indirect_dma source(%dma_start3A_162 : memref<128xf32, #tpu.memory_space<vmem>>) target(%dma_start3A_167 : memref<6144xf32, #tpu.memory_space<vmem_shared>>) offsets(%dma_start3A_165 : memref<128xi32, #tpu.memory_space<vmem>>) semaphore(%arg32 : memref<!tpu.dma_semaphore, #tpu.memory_space<semaphore_mem>>) {add = true}
      %dma_start3A_168 = arith.constant 5 : i32
      %dma_start3A_169 = arith.constant 5 : i32
      %dma_start3A_170 = arith.constant 0 : i32
      %dma_start3A_171 = tpu.memref_slice %arg14[%dma_start3A_168, %dma_start3A_170] : memref<8x128xf32, #tpu.memory_space<vmem>> -> memref<1x128xf32, #tpu.memory_space<vmem>>
      %dma_start3A_172 = tpu.memref_squeeze %dma_start3A_171 : memref<1x128xf32, #tpu.memory_space<vmem>> -> memref<128xf32, #tpu.memory_space<vmem>>
      %dma_start3A_173 = arith.constant 0 : i32
      %dma_start3A_174 = tpu.memref_slice %arg15[%dma_start3A_169, %dma_start3A_173] : memref<8x128xi32, #tpu.memory_space<vmem>> -> memref<1x128xi32, #tpu.memory_space<vmem>>
      %dma_start3A_175 = tpu.memref_squeeze %dma_start3A_174 : memref<1x128xi32, #tpu.memory_space<vmem>> -> memref<128xi32, #tpu.memory_space<vmem>>
      %dma_start3A_176 = arith.constant 0 : i32
      %dma_start3A_177 = tpu.memref_slice %arg27[%dma_start3A_176] : memref<6144xf32, #tpu.memory_space<vmem_shared>> -> memref<6144xf32, #tpu.memory_space<vmem_shared>>
      tpu.enqueue_indirect_dma source(%dma_start3A_172 : memref<128xf32, #tpu.memory_space<vmem>>) target(%dma_start3A_177 : memref<6144xf32, #tpu.memory_space<vmem_shared>>) offsets(%dma_start3A_175 : memref<128xi32, #tpu.memory_space<vmem>>) semaphore(%arg32 : memref<!tpu.dma_semaphore, #tpu.memory_space<semaphore_mem>>) {add = true}
      %dma_start3A_178 = arith.constant 6 : i32
      %dma_start3A_179 = arith.constant 6 : i32
      %dma_start3A_180 = arith.constant 0 : i32
      %dma_start3A_181 = tpu.memref_slice %arg14[%dma_start3A_178, %dma_start3A_180] : memref<8x128xf32, #tpu.memory_space<vmem>> -> memref<1x128xf32, #tpu.memory_space<vmem>>
      %dma_start3A_182 = tpu.memref_squeeze %dma_start3A_181 : memref<1x128xf32, #tpu.memory_space<vmem>> -> memref<128xf32, #tpu.memory_space<vmem>>
      %dma_start3A_183 = arith.constant 0 : i32
      %dma_start3A_184 = tpu.memref_slice %arg15[%dma_start3A_179, %dma_start3A_183] : memref<8x128xi32, #tpu.memory_space<vmem>> -> memref<1x128xi32, #tpu.memory_space<vmem>>
      %dma_start3A_185 = tpu.memref_squeeze %dma_start3A_184 : memref<1x128xi32, #tpu.memory_space<vmem>> -> memref<128xi32, #tpu.memory_space<vmem>>
      %dma_start3A_186 = arith.constant 0 : i32
      %dma_start3A_187 = tpu.memref_slice %arg27[%dma_start3A_186] : memref<6144xf32, #tpu.memory_space<vmem_shared>> -> memref<6144xf32, #tpu.memory_space<vmem_shared>>
      tpu.enqueue_indirect_dma source(%dma_start3A_182 : memref<128xf32, #tpu.memory_space<vmem>>) target(%dma_start3A_187 : memref<6144xf32, #tpu.memory_space<vmem_shared>>) offsets(%dma_start3A_185 : memref<128xi32, #tpu.memory_space<vmem>>) semaphore(%arg32 : memref<!tpu.dma_semaphore, #tpu.memory_space<semaphore_mem>>) {add = true}
      %dma_start3A_188 = arith.constant 7 : i32
      %dma_start3A_189 = arith.constant 7 : i32
      %dma_start3A_190 = arith.constant 0 : i32
      %dma_start3A_191 = tpu.memref_slice %arg14[%dma_start3A_188, %dma_start3A_190] : memref<8x128xf32, #tpu.memory_space<vmem>> -> memref<1x128xf32, #tpu.memory_space<vmem>>
      %dma_start3A_192 = tpu.memref_squeeze %dma_start3A_191 : memref<1x128xf32, #tpu.memory_space<vmem>> -> memref<128xf32, #tpu.memory_space<vmem>>
      %dma_start3A_193 = arith.constant 0 : i32
      %dma_start3A_194 = tpu.memref_slice %arg15[%dma_start3A_189, %dma_start3A_193] : memref<8x128xi32, #tpu.memory_space<vmem>> -> memref<1x128xi32, #tpu.memory_space<vmem>>
      %dma_start3A_195 = tpu.memref_squeeze %dma_start3A_194 : memref<1x128xi32, #tpu.memory_space<vmem>> -> memref<128xi32, #tpu.memory_space<vmem>>
      %dma_start3A_196 = arith.constant 0 : i32
      %dma_start3A_197 = tpu.memref_slice %arg27[%dma_start3A_196] : memref<6144xf32, #tpu.memory_space<vmem_shared>> -> memref<6144xf32, #tpu.memory_space<vmem_shared>>
      tpu.enqueue_indirect_dma source(%dma_start3A_192 : memref<128xf32, #tpu.memory_space<vmem>>) target(%dma_start3A_197 : memref<6144xf32, #tpu.memory_space<vmem_shared>>) offsets(%dma_start3A_195 : memref<128xi32, #tpu.memory_space<vmem>>) semaphore(%arg32 : memref<!tpu.dma_semaphore, #tpu.memory_space<semaphore_mem>>) {add = true}
      %shift_right_arithmetic3A_198 = arith.constant 1 : i32
      %shift_right_arithmetic3A_199 = arith.shrsi %shift_left3A_118, %shift_right_arithmetic3A_198 : i32
      %gt3A = arith.constant 0 : i32
      %gt3A_200 = arith.cmpi sgt, %shift_right_arithmetic3A_199, %gt3A : i32
      %convert_element_type3A = arith.extui %gt3A_200 : i1 to i32
      %cond3A = arith.constant 0 : i32
      %cond3A_201 = arith.cmpi ne, %convert_element_type3A, %cond3A : i32
      scf.if %cond3A_201 {
        %dma_start3A_300 = arith.constant 0 : i32
        %dma_start3A_301 = tpu.memref_slice %arg11[%dma_start3A_300] : memref<1104xi32, #tpu.memory_space<vmem>> -> memref<32xi32, #tpu.memory_space<vmem>>
        %dma_start3A_302 = arith.constant 0 : i32
        %dma_start3A_303 = arith.constant 0 : i32
        %dma_start3A_304 = tpu.memref_slice %arg2[%dma_start3A_302, %dma_start3A_303] : memref<10000x256xf32, #tpu.memory_space<hbm>> -> memref<10000x256xf32, #tpu.memory_space<hbm>>
        tpu.enqueue_indirect_dma source(%dma_start3A_304 : memref<10000x256xf32, #tpu.memory_space<hbm>>) target(%arg20 : memref<32x256xf32, #tpu.memory_space<vmem>>) offsets(%dma_start3A_301 : memref<32xi32, #tpu.memory_space<vmem>>) semaphore(%arg28 : memref<!tpu.dma_semaphore, #tpu.memory_space<semaphore_mem>>)
      } else {
      }
      %shift_right_arithmetic3A_202 = arith.constant 1 : i32
      %shift_right_arithmetic3A_203 = arith.shrsi %shift_right_arithmetic3A_199, %shift_right_arithmetic3A_202 : i32
      %while3A = arith.constant 0 : i32
      %while3A_204 = arith.constant 0 : i32
      %while3A_205 = arith.subi %shift_right_arithmetic3A_203, %while3A : i32
      %while3A_206 = arith.addi %while3A, %while3A_205 : i32
      %while3A_207 = arith.constant 1 : i32
      %while3A_208 = arith.divsi %while3A_205, %while3A_207 : i32
      %while3A_209 = arith.muli %while3A_208, %while3A_207 : i32
      %while3A_210 = arith.addi %while3A, %while3A_209 : i32
      %while3A_211 = arith.constant 1 : i32
      %while3A_212 = scf.for %while3A_300 = %while3A to %while3A_210 step %while3A_211 iter_args(%while3A_301 = %while3A_204) -> (i32)  : i32 {
        %mul3A_302 = arith.constant 2 : i32
        %mul3A_303 = arith.muli %while3A_300, %mul3A_302 : i32
        %add3A_304 = arith.constant 0 : i32
        %add3A_305 = arith.addi %mul3A_303, %add3A_304 : i32
        %ge3A = arith.constant 1 : i32
        %ge3A_306 = arith.cmpi sge, %add3A_305, %ge3A : i32
        %convert_element_type3A_307 = arith.extui %ge3A_306 : i1 to i32
        %cond3A_308 = arith.constant 0 : i32
        %cond3A_309 = arith.cmpi ne, %convert_element_type3A_307, %cond3A_308 : i32
        scf.if %cond3A_309 {
          %dma_wait3A_406 = arith.constant 0 : i32
          %dma_wait3A_407 = arith.constant 0 : i32
          %dma_wait3A_408 = tpu.memref_slice %arg2[%dma_wait3A_406, %dma_wait3A_407] : memref<10000x256xf32, #tpu.memory_space<hbm>> -> memref<32x256xf32, #tpu.memory_space<hbm>>
          %dma_wait3A_409 = arith.constant 0 : i32
          %dma_wait3A_410 = arith.constant 0 : i32
          %dma_wait3A_411 = tpu.memref_slice %arg2[%dma_wait3A_409, %dma_wait3A_410] : memref<10000x256xf32, #tpu.memory_space<hbm>> -> memref<32x256xf32, #tpu.memory_space<hbm>>
          tpu.wait_dma2 semaphore(%arg31 : memref<!tpu.dma_semaphore, #tpu.memory_space<semaphore_mem>>) src(%dma_wait3A_411 : memref<32x256xf32, #tpu.memory_space<hbm>>) dst(%arg21 : memref<32x256xf32, #tpu.memory_space<vmem>>)
        } else {
        }
        %add3A_310 = arith.constant 1 : i32
        %add3A_311 = arith.addi %add3A_305, %add3A_310 : i32
        %lt3A = arith.cmpi slt, %add3A_311, %shift_right_arithmetic3A_199 : i32
        %convert_element_type3A_312 = arith.extui %lt3A : i1 to i32
        %cond3A_313 = arith.constant 0 : i32
        %cond3A_314 = arith.cmpi ne, %convert_element_type3A_312, %cond3A_313 : i32
        scf.if %cond3A_314 {
          %add3A_406 = arith.constant 1 : i32
          %add3A_407 = arith.addi %add3A_305, %add3A_406 : i32
          %mul3A_408 = arith.constant 32 : i32
          %mul3A_409 = arith.muli %add3A_407, %mul3A_408 : i32
          %dma_start3A_410 = tpu.memref_slice %arg11[%mul3A_409] : memref<1104xi32, #tpu.memory_space<vmem>> -> memref<32xi32, #tpu.memory_space<vmem>>
          %dma_start3A_411 = arith.constant 0 : i32
          %dma_start3A_412 = arith.constant 0 : i32
          %dma_start3A_413 = tpu.memref_slice %arg2[%dma_start3A_411, %dma_start3A_412] : memref<10000x256xf32, #tpu.memory_space<hbm>> -> memref<10000x256xf32, #tpu.memory_space<hbm>>
          tpu.enqueue_indirect_dma source(%dma_start3A_413 : memref<10000x256xf32, #tpu.memory_space<hbm>>) target(%arg21 : memref<32x256xf32, #tpu.memory_space<vmem>>) offsets(%dma_start3A_410 : memref<32xi32, #tpu.memory_space<vmem>>) semaphore(%arg29 : memref<!tpu.dma_semaphore, #tpu.memory_space<semaphore_mem>>)
        } else {
        }
        %dma_wait3A_315 = arith.constant 0 : i32
        %dma_wait3A_316 = arith.constant 0 : i32
        %dma_wait3A_317 = tpu.memref_slice %arg2[%dma_wait3A_315, %dma_wait3A_316] : memref<10000x256xf32, #tpu.memory_space<hbm>> -> memref<32x256xf32, #tpu.memory_space<hbm>>
        %dma_wait3A_318 = arith.constant 0 : i32
        %dma_wait3A_319 = arith.constant 0 : i32
        %dma_wait3A_320 = tpu.memref_slice %arg2[%dma_wait3A_318, %dma_wait3A_319] : memref<10000x256xf32, #tpu.memory_space<hbm>> -> memref<32x256xf32, #tpu.memory_space<hbm>>
        tpu.wait_dma2 semaphore(%arg28 : memref<!tpu.dma_semaphore, #tpu.memory_space<semaphore_mem>>) src(%dma_wait3A_320 : memref<32x256xf32, #tpu.memory_space<hbm>>) dst(%arg20 : memref<32x256xf32, #tpu.memory_space<vmem>>)
        %mul3A_321 = arith.constant 32 : i32
        %mul3A_322 = arith.muli %add3A_305, %mul3A_321 : i32
        %mul3A_323 = arith.constant 32 : i32
        %mul3A_324 = arith.muli %add3A_305, %mul3A_323 : i32
        %add3A_325 = arith.constant 16 : i32
        %add3A_326 = arith.addi %mul3A_324, %add3A_325 : i32
        %get3A = arith.index_cast %mul3A_322 : i32 to index
        %get3A_327 = tpu.vector_load %arg13[%get3A] {strides = array<i32>} : memref<1104xf32, #tpu.memory_space<vmem>>, vector<16xf32>,
        %swap3A_328 = arith.constant 0 : index
        %swap3A_329 = tpu.vector_load %arg16[%swap3A_328] {strides = array<i32>} : memref<32xf32, #tpu.memory_space<vmem>>, vector<16xf32>,
        tpu.vector_store %arg16[%swap3A_328], %get3A_327 {strides = array<i32>} : memref<32xf32, #tpu.memory_space<vmem>>, vector<16xf32>,
        %get3A_330 = arith.index_cast %add3A_326 : i32 to index
        %get3A_331 = tpu.vector_load %arg13[%get3A_330] {strides = array<i32>} : memref<1104xf32, #tpu.memory_space<vmem>>, vector<16xf32>,
        %swap3A_332 = arith.constant 16 : index
        %swap3A_333 = tpu.vector_load %arg16[%swap3A_332] {strides = array<i32>} : memref<32xf32, #tpu.memory_space<vmem>>, vector<16xf32>,
        tpu.vector_store %arg16[%swap3A_332], %get3A_331 {strides = array<i32>} : memref<32xf32, #tpu.memory_space<vmem>>, vector<16xf32>,
        %get3A_334 = arith.index_cast %mul3A_322 : i32 to index
        %get3A_335 = tpu.vector_load %arg12[%get3A_334] {strides = array<i32>} : memref<1104xi32, #tpu.memory_space<vmem>>, vector<16xi32>,
        %swap3A_336 = arith.constant 0 : index
        %swap3A_337 = tpu.vector_load %arg18[%swap3A_336] {strides = array<i32>} : memref<32xi32, #tpu.memory_space<vmem>>, vector<16xi32>,
        tpu.vector_store %arg18[%swap3A_336], %get3A_335 {strides = array<i32>} : memref<32xi32, #tpu.memory_space<vmem>>, vector<16xi32>,
        %get3A_338 = arith.index_cast %add3A_326 : i32 to index
        %get3A_339 = tpu.vector_load %arg12[%get3A_338] {strides = array<i32>} : memref<1104xi32, #tpu.memory_space<vmem>>, vector<16xi32>,
        %swap3A_340 = arith.constant 16 : index
        %swap3A_341 = tpu.vector_load %arg18[%swap3A_340] {strides = array<i32>} : memref<32xi32, #tpu.memory_space<vmem>>, vector<16xi32>,
        tpu.vector_store %arg18[%swap3A_340], %get3A_339 {strides = array<i32>} : memref<32xi32, #tpu.memory_space<vmem>>, vector<16xi32>,
        %scan3A_342 = arith.constant 0 : i32
        %scan3A_343 = arith.constant 0 : i32
        %scan3A_344 = arith.constant 32 : i32
        %scan3A_345 = arith.addi %scan3A_343, %scan3A_344 : i32
        %scan3A_346 = arith.constant 1 : i32
        %scan3A_347 = scf.for %scan3A_406 = %scan3A_343 to %scan3A_345 step %scan3A_346 iter_args(%scan3A_407 = %scan3A_342) -> (i32)  : i32 {
          %add3A_408 = arith.constant 0 : i32
          %add3A_409 = arith.addi %add3A_408, %scan3A_406 : i32
          %broadcast_in_dim3A_410 = vector.broadcast %add3A_409 : i32 to vector<16xi32>
          %gather3A = tpu.vector_load_idx %arg16[%broadcast_in_dim3A_410] : memref<32xf32, #tpu.memory_space<vmem>>[vector<16xi32>], vector<16xf32>,
          %get3A_411 = arith.index_cast %scan3A_406 : i32 to index
          %get3A_412 = arith.constant 0 : index
          %get3A_413 = tpu.vector_load %arg20[%get3A_411, %get3A_412] {strides = array<i32>} : memref<32x256xf32, #tpu.memory_space<vmem>>, vector<16xf32>,
          %mul3A_414 = arith.mulf %get3A_413, %gather3A : vector<16xf32>
          %swap3A_415 = arith.index_cast %scan3A_406 : i32 to index
          %swap3A_416 = arith.constant 0 : index
          %swap3A_417 = tpu.vector_load %arg20[%swap3A_415, %swap3A_416] {strides = array<i32>} : memref<32x256xf32, #tpu.memory_space<vmem>>, vector<16xf32>,
          tpu.vector_store %arg20[%swap3A_415, %swap3A_416], %mul3A_414 {strides = array<i32>} : memref<32x256xf32, #tpu.memory_space<vmem>>, vector<16xf32>,
          %get3A_418 = arith.index_cast %scan3A_406 : i32 to index
          %get3A_419 = arith.constant 16 : index
          %get3A_420 = tpu.vector_load %arg20[%get3A_418, %get3A_419] {strides = array<i32>} : memref<32x256xf32, #tpu.memory_space<vmem>>, vector<16xf32>,
          %mul3A_421 = arith.mulf %get3A_420, %gather3A : vector<16xf32>
          %swap3A_422 = arith.index_cast %scan3A_406 : i32 to index
          %swap3A_423 = arith.constant 16 : index
          %swap3A_424 = tpu.vector_load %arg20[%swap3A_422, %swap3A_423] {strides = array<i32>} : memref<32x256xf32, #tpu.memory_space<vmem>>, vector<16xf32>,
          tpu.vector_store %arg20[%swap3A_422, %swap3A_423], %mul3A_421 {strides = array<i32>} : memref<32x256xf32, #tpu.memory_space<vmem>>, vector<16xf32>,
          %get3A_425 = arith.index_cast %scan3A_406 : i32 to index
          %get3A_426 = arith.constant 32 : index
          %get3A_427 = tpu.vector_load %arg20[%get3A_425, %get3A_426] {strides = array<i32>} : memref<32x256xf32, #tpu.memory_space<vmem>>, vector<16xf32>,
          %mul3A_428 = arith.mulf %get3A_427, %gather3A : vector<16xf32>
          %swap3A_429 = arith.index_cast %scan3A_406 : i32 to index
          %swap3A_430 = arith.constant 32 : index
          %swap3A_431 = tpu.vector_load %arg20[%swap3A_429, %swap3A_430] {strides = array<i32>} : memref<32x256xf32, #tpu.memory_space<vmem>>, vector<16xf32>,
          tpu.vector_store %arg20[%swap3A_429, %swap3A_430], %mul3A_428 {strides = array<i32>} : memref<32x256xf32, #tpu.memory_space<vmem>>, vector<16xf32>,
          %get3A_432 = arith.index_cast %scan3A_406 : i32 to index
          %get3A_433 = arith.constant 48 : index
          %get3A_434 = tpu.vector_load %arg20[%get3A_432, %get3A_433] {strides = array<i32>} : memref<32x256xf32, #tpu.memory_space<vmem>>, vector<16xf32>,
          %mul3A_435 = arith.mulf %get3A_434, %gather3A : vector<16xf32>
          %swap3A_436 = arith.index_cast %scan3A_406 : i32 to index
          %swap3A_437 = arith.constant 48 : index
          %swap3A_438 = tpu.vector_load %arg20[%swap3A_436, %swap3A_437] {strides = array<i32>} : memref<32x256xf32, #tpu.memory_space<vmem>>, vector<16xf32>,
          tpu.vector_store %arg20[%swap3A_436, %swap3A_437], %mul3A_435 {strides = array<i32>} : memref<32x256xf32, #tpu.memory_space<vmem>>, vector<16xf32>,
          %get3A_439 = arith.index_cast %scan3A_406 : i32 to index
          %get3A_440 = arith.constant 64 : index
          %get3A_441 = tpu.vector_load %arg20[%get3A_439, %get3A_440] {strides = array<i32>} : memref<32x256xf32, #tpu.memory_space<vmem>>, vector<16xf32>,
          %mul3A_442 = arith.mulf %get3A_441, %gather3A : vector<16xf32>
          %swap3A_443 = arith.index_cast %scan3A_406 : i32 to index
          %swap3A_444 = arith.constant 64 : index
          %swap3A_445 = tpu.vector_load %arg20[%swap3A_443, %swap3A_444] {strides = array<i32>} : memref<32x256xf32, #tpu.memory_space<vmem>>, vector<16xf32>,
          tpu.vector_store %arg20[%swap3A_443, %swap3A_444], %mul3A_442 {strides = array<i32>} : memref<32x256xf32, #tpu.memory_space<vmem>>, vector<16xf32>,
          %get3A_446 = arith.index_cast %scan3A_406 : i32 to index
          %get3A_447 = arith.constant 80 : index
          %get3A_448 = tpu.vector_load %arg20[%get3A_446, %get3A_447] {strides = array<i32>} : memref<32x256xf32, #tpu.memory_space<vmem>>, vector<16xf32>,
          %mul3A_449 = arith.mulf %get3A_448, %gather3A : vector<16xf32>
          %swap3A_450 = arith.index_cast %scan3A_406 : i32 to index
          %swap3A_451 = arith.constant 80 : index
          %swap3A_452 = tpu.vector_load %arg20[%swap3A_450, %swap3A_451] {strides = array<i32>} : memref<32x256xf32, #tpu.memory_space<vmem>>, vector<16xf32>,
          tpu.vector_store %arg20[%swap3A_450, %swap3A_451], %mul3A_449 {strides = array<i32>} : memref<32x256xf32, #tpu.memory_space<vmem>>, vector<16xf32>,
          %get3A_453 = arith.index_cast %scan3A_406 : i32 to index
          %get3A_454 = arith.constant 96 : index
          %get3A_455 = tpu.vector_load %arg20[%get3A_453, %get3A_454] {strides = array<i32>} : memref<32x256xf32, #tpu.memory_space<vmem>>, vector<16xf32>,
          %mul3A_456 = arith.mulf %get3A_455, %gather3A : vector<16xf32>
          %swap3A_457 = arith.index_cast %scan3A_406 : i32 to index
          %swap3A_458 = arith.constant 96 : index
          %swap3A_459 = tpu.vector_load %arg20[%swap3A_457, %swap3A_458] {strides = array<i32>} : memref<32x256xf32, #tpu.memory_space<vmem>>, vector<16xf32>,
          tpu.vector_store %arg20[%swap3A_457, %swap3A_458], %mul3A_456 {strides = array<i32>} : memref<32x256xf32, #tpu.memory_space<vmem>>, vector<16xf32>,
          %get3A_460 = arith.index_cast %scan3A_406 : i32 to index
          %get3A_461 = arith.constant 112 : index
          %get3A_462 = tpu.vector_load %arg20[%get3A_460, %get3A_461] {strides = array<i32>} : memref<32x256xf32, #tpu.memory_space<vmem>>, vector<16xf32>,
          %mul3A_463 = arith.mulf %get3A_462, %gather3A : vector<16xf32>
          %swap3A_464 = arith.index_cast %scan3A_406 : i32 to index
          %swap3A_465 = arith.constant 112 : index
          %swap3A_466 = tpu.vector_load %arg20[%swap3A_464, %swap3A_465] {strides = array<i32>} : memref<32x256xf32, #tpu.memory_space<vmem>>, vector<16xf32>,
          tpu.vector_store %arg20[%swap3A_464, %swap3A_465], %mul3A_463 {strides = array<i32>} : memref<32x256xf32, #tpu.memory_space<vmem>>, vector<16xf32>,
          %get3A_467 = arith.index_cast %scan3A_406 : i32 to index
          %get3A_468 = arith.constant 128 : index
          %get3A_469 = tpu.vector_load %arg20[%get3A_467, %get3A_468] {strides = array<i32>} : memref<32x256xf32, #tpu.memory_space<vmem>>, vector<16xf32>,
          %mul3A_470 = arith.mulf %get3A_469, %gather3A : vector<16xf32>
          %swap3A_471 = arith.index_cast %scan3A_406 : i32 to index
          %swap3A_472 = arith.constant 128 : index
          %swap3A_473 = tpu.vector_load %arg20[%swap3A_471, %swap3A_472] {strides = array<i32>} : memref<32x256xf32, #tpu.memory_space<vmem>>, vector<16xf32>,
          tpu.vector_store %arg20[%swap3A_471, %swap3A_472], %mul3A_470 {strides = array<i32>} : memref<32x256xf32, #tpu.memory_space<vmem>>, vector<16xf32>,
          %get3A_474 = arith.index_cast %scan3A_406 : i32 to index
          %get3A_475 = arith.constant 144 : index
          %get3A_476 = tpu.vector_load %arg20[%get3A_474, %get3A_475] {strides = array<i32>} : memref<32x256xf32, #tpu.memory_space<vmem>>, vector<16xf32>,
          %mul3A_477 = arith.mulf %get3A_476, %gather3A : vector<16xf32>
          %swap3A_478 = arith.index_cast %scan3A_406 : i32 to index
          %swap3A_479 = arith.constant 144 : index
          %swap3A_480 = tpu.vector_load %arg20[%swap3A_478, %swap3A_479] {strides = array<i32>} : memref<32x256xf32, #tpu.memory_space<vmem>>, vector<16xf32>,
          tpu.vector_store %arg20[%swap3A_478, %swap3A_479], %mul3A_477 {strides = array<i32>} : memref<32x256xf32, #tpu.memory_space<vmem>>, vector<16xf32>,
          %get3A_481 = arith.index_cast %scan3A_406 : i32 to index
          %get3A_482 = arith.constant 160 : index
          %get3A_483 = tpu.vector_load %arg20[%get3A_481, %get3A_482] {strides = array<i32>} : memref<32x256xf32, #tpu.memory_space<vmem>>, vector<16xf32>,
          %mul3A_484 = arith.mulf %get3A_483, %gather3A : vector<16xf32>
          %swap3A_485 = arith.index_cast %scan3A_406 : i32 to index
          %swap3A_486 = arith.constant 160 : index
          %swap3A_487 = tpu.vector_load %arg20[%swap3A_485, %swap3A_486] {strides = array<i32>} : memref<32x256xf32, #tpu.memory_space<vmem>>, vector<16xf32>,
          tpu.vector_store %arg20[%swap3A_485, %swap3A_486], %mul3A_484 {strides = array<i32>} : memref<32x256xf32, #tpu.memory_space<vmem>>, vector<16xf32>,
          %get3A_488 = arith.index_cast %scan3A_406 : i32 to index
          %get3A_489 = arith.constant 176 : index
          %get3A_490 = tpu.vector_load %arg20[%get3A_488, %get3A_489] {strides = array<i32>} : memref<32x256xf32, #tpu.memory_space<vmem>>, vector<16xf32>,
          %mul3A_491 = arith.mulf %get3A_490, %gather3A : vector<16xf32>
          %swap3A_492 = arith.index_cast %scan3A_406 : i32 to index
          %swap3A_493 = arith.constant 176 : index
          %swap3A_494 = tpu.vector_load %arg20[%swap3A_492, %swap3A_493] {strides = array<i32>} : memref<32x256xf32, #tpu.memory_space<vmem>>, vector<16xf32>,
          tpu.vector_store %arg20[%swap3A_492, %swap3A_493], %mul3A_491 {strides = array<i32>} : memref<32x256xf32, #tpu.memory_space<vmem>>, vector<16xf32>,
          %get3A_495 = arith.index_cast %scan3A_406 : i32 to index
          %get3A_496 = arith.constant 192 : index
          %get3A_497 = tpu.vector_load %arg20[%get3A_495, %get3A_496] {strides = array<i32>} : memref<32x256xf32, #tpu.memory_space<vmem>>, vector<16xf32>,
          %mul3A_498 = arith.mulf %get3A_497, %gather3A : vector<16xf32>
          %swap3A_499 = arith.index_cast %scan3A_406 : i32 to index
          %swap3A_500 = arith.constant 192 : index
          %swap3A_501 = tpu.vector_load %arg20[%swap3A_499, %swap3A_500] {strides = array<i32>} : memref<32x256xf32, #tpu.memory_space<vmem>>, vector<16xf32>,
          tpu.vector_store %arg20[%swap3A_499, %swap3A_500], %mul3A_498 {strides = array<i32>} : memref<32x256xf32, #tpu.memory_space<vmem>>, vector<16xf32>,
          %get3A_502 = arith.index_cast %scan3A_406 : i32 to index
          %get3A_503 = arith.constant 208 : index
          %get3A_504 = tpu.vector_load %arg20[%get3A_502, %get3A_503] {strides = array<i32>} : memref<32x256xf32, #tpu.memory_space<vmem>>, vector<16xf32>,
          %mul3A_505 = arith.mulf %get3A_504, %gather3A : vector<16xf32>
          %swap3A_506 = arith.index_cast %scan3A_406 : i32 to index
          %swap3A_507 = arith.constant 208 : index
          %swap3A_508 = tpu.vector_load %arg20[%swap3A_506, %swap3A_507] {strides = array<i32>} : memref<32x256xf32, #tpu.memory_space<vmem>>, vector<16xf32>,
          tpu.vector_store %arg20[%swap3A_506, %swap3A_507], %mul3A_505 {strides = array<i32>} : memref<32x256xf32, #tpu.memory_space<vmem>>, vector<16xf32>,
          %get3A_509 = arith.index_cast %scan3A_406 : i32 to index
          %get3A_510 = arith.constant 224 : index
          %get3A_511 = tpu.vector_load %arg20[%get3A_509, %get3A_510] {strides = array<i32>} : memref<32x256xf32, #tpu.memory_space<vmem>>, vector<16xf32>,
          %mul3A_512 = arith.mulf %get3A_511, %gather3A : vector<16xf32>
          %swap3A_513 = arith.index_cast %scan3A_406 : i32 to index
          %swap3A_514 = arith.constant 224 : index
          %swap3A_515 = tpu.vector_load %arg20[%swap3A_513, %swap3A_514] {strides = array<i32>} : memref<32x256xf32, #tpu.memory_space<vmem>>, vector<16xf32>,
          tpu.vector_store %arg20[%swap3A_513, %swap3A_514], %mul3A_512 {strides = array<i32>} : memref<32x256xf32, #tpu.memory_space<vmem>>, vector<16xf32>,
          %get3A_516 = arith.index_cast %scan3A_406 : i32 to index
          %get3A_517 = arith.constant 240 : index
          %get3A_518 = tpu.vector_load %arg20[%get3A_516, %get3A_517] {strides = array<i32>} : memref<32x256xf32, #tpu.memory_space<vmem>>, vector<16xf32>,
          %mul3A_519 = arith.mulf %get3A_518, %gather3A : vector<16xf32>
          %swap3A_520 = arith.index_cast %scan3A_406 : i32 to index
          %swap3A_521 = arith.constant 240 : index
          %swap3A_522 = tpu.vector_load %arg20[%swap3A_520, %swap3A_521] {strides = array<i32>} : memref<32x256xf32, #tpu.memory_space<vmem>>, vector<16xf32>,
          tpu.vector_store %arg20[%swap3A_520, %swap3A_521], %mul3A_519 {strides = array<i32>} : memref<32x256xf32, #tpu.memory_space<vmem>>, vector<16xf32>,
          %scan3A_523 = arith.constant 0 : i32
          scf.yield %scan3A_523 : i32
        }
        %scan3A_348 = arith.constant 32 : i32
        %dma_start3A_349 = arith.constant 0 : i32
        %dma_start3A_350 = arith.constant 0 : i32
        %dma_start3A_351 = tpu.memref_slice %arg26[%dma_start3A_349, %dma_start3A_350] : memref<5008x256xf32, #tpu.memory_space<vmem_shared>> -> memref<5008x256xf32, #tpu.memory_space<vmem_shared>>
        tpu.enqueue_indirect_dma source(%arg20 : memref<32x256xf32, #tpu.memory_space<vmem>>) target(%dma_start3A_351 : memref<5008x256xf32, #tpu.memory_space<vmem_shared>>) offsets(%arg18 : memref<32xi32, #tpu.memory_space<vmem>>) semaphore(%arg30 : memref<!tpu.dma_semaphore, #tpu.memory_space<semaphore_mem>>) {add = true}
        %mul3A_352 = arith.constant 2 : i32
        %mul3A_353 = arith.muli %while3A_300, %mul3A_352 : i32
        %add3A_354 = arith.constant 1 : i32
        %add3A_355 = arith.addi %mul3A_353, %add3A_354 : i32
        %ge3A_356 = arith.constant 1 : i32
        %ge3A_357 = arith.cmpi sge, %add3A_355, %ge3A_356 : i32
        %convert_element_type3A_358 = arith.extui %ge3A_357 : i1 to i32
        %cond3A_359 = arith.constant 0 : i32
        %cond3A_360 = arith.cmpi ne, %convert_element_type3A_358, %cond3A_359 : i32
        scf.if %cond3A_360 {
          %dma_wait3A_406 = arith.constant 0 : i32
          %dma_wait3A_407 = arith.constant 0 : i32
          %dma_wait3A_408 = tpu.memref_slice %arg2[%dma_wait3A_406, %dma_wait3A_407] : memref<10000x256xf32, #tpu.memory_space<hbm>> -> memref<32x256xf32, #tpu.memory_space<hbm>>
          %dma_wait3A_409 = arith.constant 0 : i32
          %dma_wait3A_410 = arith.constant 0 : i32
          %dma_wait3A_411 = tpu.memref_slice %arg2[%dma_wait3A_409, %dma_wait3A_410] : memref<10000x256xf32, #tpu.memory_space<hbm>> -> memref<32x256xf32, #tpu.memory_space<hbm>>
          tpu.wait_dma2 semaphore(%arg30 : memref<!tpu.dma_semaphore, #tpu.memory_space<semaphore_mem>>) src(%dma_wait3A_411 : memref<32x256xf32, #tpu.memory_space<hbm>>) dst(%arg20 : memref<32x256xf32, #tpu.memory_space<vmem>>)
        } else {
        }
        %add3A_361 = arith.constant 1 : i32
        %add3A_362 = arith.addi %add3A_355, %add3A_361 : i32
        %lt3A_363 = arith.cmpi slt, %add3A_362, %shift_right_arithmetic3A_199 : i32
        %convert_element_type3A_364 = arith.extui %lt3A_363 : i1 to i32
        %cond3A_365 = arith.constant 0 : i32
        %cond3A_366 = arith.cmpi ne, %convert_element_type3A_364, %cond3A_365 : i32
        scf.if %cond3A_366 {
          %add3A_406 = arith.constant 1 : i32
          %add3A_407 = arith.addi %add3A_355, %add3A_406 : i32
          %mul3A_408 = arith.constant 32 : i32
          %mul3A_409 = arith.muli %add3A_407, %mul3A_408 : i32
          %dma_start3A_410 = tpu.memref_slice %arg11[%mul3A_409] : memref<1104xi32, #tpu.memory_space<vmem>> -> memref<32xi32, #tpu.memory_space<vmem>>
          %dma_start3A_411 = arith.constant 0 : i32
          %dma_start3A_412 = arith.constant 0 : i32
          %dma_start3A_413 = tpu.memref_slice %arg2[%dma_start3A_411, %dma_start3A_412] : memref<10000x256xf32, #tpu.memory_space<hbm>> -> memref<10000x256xf32, #tpu.memory_space<hbm>>
          tpu.enqueue_indirect_dma source(%dma_start3A_413 : memref<10000x256xf32, #tpu.memory_space<hbm>>) target(%arg20 : memref<32x256xf32, #tpu.memory_space<vmem>>) offsets(%dma_start3A_410 : memref<32xi32, #tpu.memory_space<vmem>>) semaphore(%arg28 : memref<!tpu.dma_semaphore, #tpu.memory_space<semaphore_mem>>)
        } else {
        }
        %dma_wait3A_367 = arith.constant 0 : i32
        %dma_wait3A_368 = arith.constant 0 : i32
        %dma_wait3A_369 = tpu.memref_slice %arg2[%dma_wait3A_367, %dma_wait3A_368] : memref<10000x256xf32, #tpu.memory_space<hbm>> -> memref<32x256xf32, #tpu.memory_space<hbm>>
        %dma_wait3A_370 = arith.constant 0 : i32
        %dma_wait3A_371 = arith.constant 0 : i32
        %dma_wait3A_372 = tpu.memref_slice %arg2[%dma_wait3A_370, %dma_wait3A_371] : memref<10000x256xf32, #tpu.memory_space<hbm>> -> memref<32x256xf32, #tpu.memory_space<hbm>>
        tpu.wait_dma2 semaphore(%arg29 : memref<!tpu.dma_semaphore, #tpu.memory_space<semaphore_mem>>) src(%dma_wait3A_372 : memref<32x256xf32, #tpu.memory_space<hbm>>) dst(%arg21 : memref<32x256xf32, #tpu.memory_space<vmem>>)
        %mul3A_373 = arith.constant 32 : i32
        %mul3A_374 = arith.muli %add3A_355, %mul3A_373 : i32
        %mul3A_375 = arith.constant 32 : i32
        %mul3A_376 = arith.muli %add3A_355, %mul3A_375 : i32
        %add3A_377 = arith.constant 16 : i32
        %add3A_378 = arith.addi %mul3A_376, %add3A_377 : i32
        %get3A_379 = arith.index_cast %mul3A_374 : i32 to index
        %get3A_380 = tpu.vector_load %arg13[%get3A_379] {strides = array<i32>} : memref<1104xf32, #tpu.memory_space<vmem>>, vector<16xf32>,
        %swap3A_381 = arith.constant 0 : index
        %swap3A_382 = tpu.vector_load %arg17[%swap3A_381] {strides = array<i32>} : memref<32xf32, #tpu.memory_space<vmem>>, vector<16xf32>,
        tpu.vector_store %arg17[%swap3A_381], %get3A_380 {strides = array<i32>} : memref<32xf32, #tpu.memory_space<vmem>>, vector<16xf32>,
        %get3A_383 = arith.index_cast %add3A_378 : i32 to index
        %get3A_384 = tpu.vector_load %arg13[%get3A_383] {strides = array<i32>} : memref<1104xf32, #tpu.memory_space<vmem>>, vector<16xf32>,
        %swap3A_385 = arith.constant 16 : index
        %swap3A_386 = tpu.vector_load %arg17[%swap3A_385] {strides = array<i32>} : memref<32xf32, #tpu.memory_space<vmem>>, vector<16xf32>,
        tpu.vector_store %arg17[%swap3A_385], %get3A_384 {strides = array<i32>} : memref<32xf32, #tpu.memory_space<vmem>>, vector<16xf32>,
        %get3A_387 = arith.index_cast %mul3A_374 : i32 to index
        %get3A_388 = tpu.vector_load %arg12[%get3A_387] {strides = array<i32>} : memref<1104xi32, #tpu.memory_space<vmem>>, vector<16xi32>,
        %swap3A_389 = arith.constant 0 : index
        %swap3A_390 = tpu.vector_load %arg19[%swap3A_389] {strides = array<i32>} : memref<32xi32, #tpu.memory_space<vmem>>, vector<16xi32>,
        tpu.vector_store %arg19[%swap3A_389], %get3A_388 {strides = array<i32>} : memref<32xi32, #tpu.memory_space<vmem>>, vector<16xi32>,
        %get3A_391 = arith.index_cast %add3A_378 : i32 to index
        %get3A_392 = tpu.vector_load %arg12[%get3A_391] {strides = array<i32>} : memref<1104xi32, #tpu.memory_space<vmem>>, vector<16xi32>,
        %swap3A_393 = arith.constant 16 : index
        %swap3A_394 = tpu.vector_load %arg19[%swap3A_393] {strides = array<i32>} : memref<32xi32, #tpu.memory_space<vmem>>, vector<16xi32>,
        tpu.vector_store %arg19[%swap3A_393], %get3A_392 {strides = array<i32>} : memref<32xi32, #tpu.memory_space<vmem>>, vector<16xi32>,
        %scan3A_395 = arith.constant 0 : i32
        %scan3A_396 = arith.constant 0 : i32
        %scan3A_397 = arith.constant 32 : i32
        %scan3A_398 = arith.addi %scan3A_396, %scan3A_397 : i32
        %scan3A_399 = arith.constant 1 : i32
        %scan3A_400 = scf.for %scan3A_406 = %scan3A_396 to %scan3A_398 step %scan3A_399 iter_args(%scan3A_407 = %scan3A_395) -> (i32)  : i32 {
          %add3A_408 = arith.constant 0 : i32
          %add3A_409 = arith.addi %add3A_408, %scan3A_406 : i32
          %broadcast_in_dim3A_410 = vector.broadcast %add3A_409 : i32 to vector<16xi32>
          %gather3A = tpu.vector_load_idx %arg17[%broadcast_in_dim3A_410] : memref<32xf32, #tpu.memory_space<vmem>>[vector<16xi32>], vector<16xf32>,
          %get3A_411 = arith.index_cast %scan3A_406 : i32 to index
          %get3A_412 = arith.constant 0 : index
          %get3A_413 = tpu.vector_load %arg21[%get3A_411, %get3A_412] {strides = array<i32>} : memref<32x256xf32, #tpu.memory_space<vmem>>, vector<16xf32>,
          %mul3A_414 = arith.mulf %get3A_413, %gather3A : vector<16xf32>
          %swap3A_415 = arith.index_cast %scan3A_406 : i32 to index
          %swap3A_416 = arith.constant 0 : index
          %swap3A_417 = tpu.vector_load %arg21[%swap3A_415, %swap3A_416] {strides = array<i32>} : memref<32x256xf32, #tpu.memory_space<vmem>>, vector<16xf32>,
          tpu.vector_store %arg21[%swap3A_415, %swap3A_416], %mul3A_414 {strides = array<i32>} : memref<32x256xf32, #tpu.memory_space<vmem>>, vector<16xf32>,
          %get3A_418 = arith.index_cast %scan3A_406 : i32 to index
          %get3A_419 = arith.constant 16 : index
          %get3A_420 = tpu.vector_load %arg21[%get3A_418, %get3A_419] {strides = array<i32>} : memref<32x256xf32, #tpu.memory_space<vmem>>, vector<16xf32>,
          %mul3A_421 = arith.mulf %get3A_420, %gather3A : vector<16xf32>
          %swap3A_422 = arith.index_cast %scan3A_406 : i32 to index
          %swap3A_423 = arith.constant 16 : index
          %swap3A_424 = tpu.vector_load %arg21[%swap3A_422, %swap3A_423] {strides = array<i32>} : memref<32x256xf32, #tpu.memory_space<vmem>>, vector<16xf32>,
          tpu.vector_store %arg21[%swap3A_422, %swap3A_423], %mul3A_421 {strides = array<i32>} : memref<32x256xf32, #tpu.memory_space<vmem>>, vector<16xf32>,
          %get3A_425 = arith.index_cast %scan3A_406 : i32 to index
          %get3A_426 = arith.constant 32 : index
          %get3A_427 = tpu.vector_load %arg21[%get3A_425, %get3A_426] {strides = array<i32>} : memref<32x256xf32, #tpu.memory_space<vmem>>, vector<16xf32>,
          %mul3A_428 = arith.mulf %get3A_427, %gather3A : vector<16xf32>
          %swap3A_429 = arith.index_cast %scan3A_406 : i32 to index
          %swap3A_430 = arith.constant 32 : index
          %swap3A_431 = tpu.vector_load %arg21[%swap3A_429, %swap3A_430] {strides = array<i32>} : memref<32x256xf32, #tpu.memory_space<vmem>>, vector<16xf32>,
          tpu.vector_store %arg21[%swap3A_429, %swap3A_430], %mul3A_428 {strides = array<i32>} : memref<32x256xf32, #tpu.memory_space<vmem>>, vector<16xf32>,
          %get3A_432 = arith.index_cast %scan3A_406 : i32 to index
          %get3A_433 = arith.constant 48 : index
          %get3A_434 = tpu.vector_load %arg21[%get3A_432, %get3A_433] {strides = array<i32>} : memref<32x256xf32, #tpu.memory_space<vmem>>, vector<16xf32>,
          %mul3A_435 = arith.mulf %get3A_434, %gather3A : vector<16xf32>
          %swap3A_436 = arith.index_cast %scan3A_406 : i32 to index
          %swap3A_437 = arith.constant 48 : index
          %swap3A_438 = tpu.vector_load %arg21[%swap3A_436, %swap3A_437] {strides = array<i32>} : memref<32x256xf32, #tpu.memory_space<vmem>>, vector<16xf32>,
          tpu.vector_store %arg21[%swap3A_436, %swap3A_437], %mul3A_435 {strides = array<i32>} : memref<32x256xf32, #tpu.memory_space<vmem>>, vector<16xf32>,
          %get3A_439 = arith.index_cast %scan3A_406 : i32 to index
          %get3A_440 = arith.constant 64 : index
          %get3A_441 = tpu.vector_load %arg21[%get3A_439, %get3A_440] {strides = array<i32>} : memref<32x256xf32, #tpu.memory_space<vmem>>, vector<16xf32>,
          %mul3A_442 = arith.mulf %get3A_441, %gather3A : vector<16xf32>
          %swap3A_443 = arith.index_cast %scan3A_406 : i32 to index
          %swap3A_444 = arith.constant 64 : index
          %swap3A_445 = tpu.vector_load %arg21[%swap3A_443, %swap3A_444] {strides = array<i32>} : memref<32x256xf32, #tpu.memory_space<vmem>>, vector<16xf32>,
          tpu.vector_store %arg21[%swap3A_443, %swap3A_444], %mul3A_442 {strides = array<i32>} : memref<32x256xf32, #tpu.memory_space<vmem>>, vector<16xf32>,
          %get3A_446 = arith.index_cast %scan3A_406 : i32 to index
          %get3A_447 = arith.constant 80 : index
          %get3A_448 = tpu.vector_load %arg21[%get3A_446, %get3A_447] {strides = array<i32>} : memref<32x256xf32, #tpu.memory_space<vmem>>, vector<16xf32>,
          %mul3A_449 = arith.mulf %get3A_448, %gather3A : vector<16xf32>
          %swap3A_450 = arith.index_cast %scan3A_406 : i32 to index
          %swap3A_451 = arith.constant 80 : index
          %swap3A_452 = tpu.vector_load %arg21[%swap3A_450, %swap3A_451] {strides = array<i32>} : memref<32x256xf32, #tpu.memory_space<vmem>>, vector<16xf32>,
          tpu.vector_store %arg21[%swap3A_450, %swap3A_451], %mul3A_449 {strides = array<i32>} : memref<32x256xf32, #tpu.memory_space<vmem>>, vector<16xf32>,
          %get3A_453 = arith.index_cast %scan3A_406 : i32 to index
          %get3A_454 = arith.constant 96 : index
          %get3A_455 = tpu.vector_load %arg21[%get3A_453, %get3A_454] {strides = array<i32>} : memref<32x256xf32, #tpu.memory_space<vmem>>, vector<16xf32>,
          %mul3A_456 = arith.mulf %get3A_455, %gather3A : vector<16xf32>
          %swap3A_457 = arith.index_cast %scan3A_406 : i32 to index
          %swap3A_458 = arith.constant 96 : index
          %swap3A_459 = tpu.vector_load %arg21[%swap3A_457, %swap3A_458] {strides = array<i32>} : memref<32x256xf32, #tpu.memory_space<vmem>>, vector<16xf32>,
          tpu.vector_store %arg21[%swap3A_457, %swap3A_458], %mul3A_456 {strides = array<i32>} : memref<32x256xf32, #tpu.memory_space<vmem>>, vector<16xf32>,
          %get3A_460 = arith.index_cast %scan3A_406 : i32 to index
          %get3A_461 = arith.constant 112 : index
          %get3A_462 = tpu.vector_load %arg21[%get3A_460, %get3A_461] {strides = array<i32>} : memref<32x256xf32, #tpu.memory_space<vmem>>, vector<16xf32>,
          %mul3A_463 = arith.mulf %get3A_462, %gather3A : vector<16xf32>
          %swap3A_464 = arith.index_cast %scan3A_406 : i32 to index
          %swap3A_465 = arith.constant 112 : index
          %swap3A_466 = tpu.vector_load %arg21[%swap3A_464, %swap3A_465] {strides = array<i32>} : memref<32x256xf32, #tpu.memory_space<vmem>>, vector<16xf32>,
          tpu.vector_store %arg21[%swap3A_464, %swap3A_465], %mul3A_463 {strides = array<i32>} : memref<32x256xf32, #tpu.memory_space<vmem>>, vector<16xf32>,
          %get3A_467 = arith.index_cast %scan3A_406 : i32 to index
          %get3A_468 = arith.constant 128 : index
          %get3A_469 = tpu.vector_load %arg21[%get3A_467, %get3A_468] {strides = array<i32>} : memref<32x256xf32, #tpu.memory_space<vmem>>, vector<16xf32>,
          %mul3A_470 = arith.mulf %get3A_469, %gather3A : vector<16xf32>
          %swap3A_471 = arith.index_cast %scan3A_406 : i32 to index
          %swap3A_472 = arith.constant 128 : index
          %swap3A_473 = tpu.vector_load %arg21[%swap3A_471, %swap3A_472] {strides = array<i32>} : memref<32x256xf32, #tpu.memory_space<vmem>>, vector<16xf32>,
          tpu.vector_store %arg21[%swap3A_471, %swap3A_472], %mul3A_470 {strides = array<i32>} : memref<32x256xf32, #tpu.memory_space<vmem>>, vector<16xf32>,
          %get3A_474 = arith.index_cast %scan3A_406 : i32 to index
          %get3A_475 = arith.constant 144 : index
          %get3A_476 = tpu.vector_load %arg21[%get3A_474, %get3A_475] {strides = array<i32>} : memref<32x256xf32, #tpu.memory_space<vmem>>, vector<16xf32>,
          %mul3A_477 = arith.mulf %get3A_476, %gather3A : vector<16xf32>
          %swap3A_478 = arith.index_cast %scan3A_406 : i32 to index
          %swap3A_479 = arith.constant 144 : index
          %swap3A_480 = tpu.vector_load %arg21[%swap3A_478, %swap3A_479] {strides = array<i32>} : memref<32x256xf32, #tpu.memory_space<vmem>>, vector<16xf32>,
          tpu.vector_store %arg21[%swap3A_478, %swap3A_479], %mul3A_477 {strides = array<i32>} : memref<32x256xf32, #tpu.memory_space<vmem>>, vector<16xf32>,
          %get3A_481 = arith.index_cast %scan3A_406 : i32 to index
          %get3A_482 = arith.constant 160 : index
          %get3A_483 = tpu.vector_load %arg21[%get3A_481, %get3A_482] {strides = array<i32>} : memref<32x256xf32, #tpu.memory_space<vmem>>, vector<16xf32>,
          %mul3A_484 = arith.mulf %get3A_483, %gather3A : vector<16xf32>
          %swap3A_485 = arith.index_cast %scan3A_406 : i32 to index
          %swap3A_486 = arith.constant 160 : index
          %swap3A_487 = tpu.vector_load %arg21[%swap3A_485, %swap3A_486] {strides = array<i32>} : memref<32x256xf32, #tpu.memory_space<vmem>>, vector<16xf32>,
          tpu.vector_store %arg21[%swap3A_485, %swap3A_486], %mul3A_484 {strides = array<i32>} : memref<32x256xf32, #tpu.memory_space<vmem>>, vector<16xf32>,
          %get3A_488 = arith.index_cast %scan3A_406 : i32 to index
          %get3A_489 = arith.constant 176 : index
          %get3A_490 = tpu.vector_load %arg21[%get3A_488, %get3A_489] {strides = array<i32>} : memref<32x256xf32, #tpu.memory_space<vmem>>, vector<16xf32>,
          %mul3A_491 = arith.mulf %get3A_490, %gather3A : vector<16xf32>
          %swap3A_492 = arith.index_cast %scan3A_406 : i32 to index
          %swap3A_493 = arith.constant 176 : index
          %swap3A_494 = tpu.vector_load %arg21[%swap3A_492, %swap3A_493] {strides = array<i32>} : memref<32x256xf32, #tpu.memory_space<vmem>>, vector<16xf32>,
          tpu.vector_store %arg21[%swap3A_492, %swap3A_493], %mul3A_491 {strides = array<i32>} : memref<32x256xf32, #tpu.memory_space<vmem>>, vector<16xf32>,
          %get3A_495 = arith.index_cast %scan3A_406 : i32 to index
          %get3A_496 = arith.constant 192 : index
          %get3A_497 = tpu.vector_load %arg21[%get3A_495, %get3A_496] {strides = array<i32>} : memref<32x256xf32, #tpu.memory_space<vmem>>, vector<16xf32>,
          %mul3A_498 = arith.mulf %get3A_497, %gather3A : vector<16xf32>
          %swap3A_499 = arith.index_cast %scan3A_406 : i32 to index
          %swap3A_500 = arith.constant 192 : index
          %swap3A_501 = tpu.vector_load %arg21[%swap3A_499, %swap3A_500] {strides = array<i32>} : memref<32x256xf32, #tpu.memory_space<vmem>>, vector<16xf32>,
          tpu.vector_store %arg21[%swap3A_499, %swap3A_500], %mul3A_498 {strides = array<i32>} : memref<32x256xf32, #tpu.memory_space<vmem>>, vector<16xf32>,
          %get3A_502 = arith.index_cast %scan3A_406 : i32 to index
          %get3A_503 = arith.constant 208 : index
          %get3A_504 = tpu.vector_load %arg21[%get3A_502, %get3A_503] {strides = array<i32>} : memref<32x256xf32, #tpu.memory_space<vmem>>, vector<16xf32>,
          %mul3A_505 = arith.mulf %get3A_504, %gather3A : vector<16xf32>
          %swap3A_506 = arith.index_cast %scan3A_406 : i32 to index
          %swap3A_507 = arith.constant 208 : index
          %swap3A_508 = tpu.vector_load %arg21[%swap3A_506, %swap3A_507] {strides = array<i32>} : memref<32x256xf32, #tpu.memory_space<vmem>>, vector<16xf32>,
          tpu.vector_store %arg21[%swap3A_506, %swap3A_507], %mul3A_505 {strides = array<i32>} : memref<32x256xf32, #tpu.memory_space<vmem>>, vector<16xf32>,
          %get3A_509 = arith.index_cast %scan3A_406 : i32 to index
          %get3A_510 = arith.constant 224 : index
          %get3A_511 = tpu.vector_load %arg21[%get3A_509, %get3A_510] {strides = array<i32>} : memref<32x256xf32, #tpu.memory_space<vmem>>, vector<16xf32>,
          %mul3A_512 = arith.mulf %get3A_511, %gather3A : vector<16xf32>
          %swap3A_513 = arith.index_cast %scan3A_406 : i32 to index
          %swap3A_514 = arith.constant 224 : index
          %swap3A_515 = tpu.vector_load %arg21[%swap3A_513, %swap3A_514] {strides = array<i32>} : memref<32x256xf32, #tpu.memory_space<vmem>>, vector<16xf32>,
          tpu.vector_store %arg21[%swap3A_513, %swap3A_514], %mul3A_512 {strides = array<i32>} : memref<32x256xf32, #tpu.memory_space<vmem>>, vector<16xf32>,
          %get3A_516 = arith.index_cast %scan3A_406 : i32 to index
          %get3A_517 = arith.constant 240 : index
          %get3A_518 = tpu.vector_load %arg21[%get3A_516, %get3A_517] {strides = array<i32>} : memref<32x256xf32, #tpu.memory_space<vmem>>, vector<16xf32>,
          %mul3A_519 = arith.mulf %get3A_518, %gather3A : vector<16xf32>
          %swap3A_520 = arith.index_cast %scan3A_406 : i32 to index
          %swap3A_521 = arith.constant 240 : index
          %swap3A_522 = tpu.vector_load %arg21[%swap3A_520, %swap3A_521] {strides = array<i32>} : memref<32x256xf32, #tpu.memory_space<vmem>>, vector<16xf32>,
          tpu.vector_store %arg21[%swap3A_520, %swap3A_521], %mul3A_519 {strides = array<i32>} : memref<32x256xf32, #tpu.memory_space<vmem>>, vector<16xf32>,
          %scan3A_523 = arith.constant 0 : i32
          scf.yield %scan3A_523 : i32
        }
        %scan3A_401 = arith.constant 32 : i32
        %dma_start3A_402 = arith.constant 0 : i32
        %dma_start3A_403 = arith.constant 0 : i32
        %dma_start3A_404 = tpu.memref_slice %arg26[%dma_start3A_402, %dma_start3A_403] : memref<5008x256xf32, #tpu.memory_space<vmem_shared>> -> memref<5008x256xf32, #tpu.memory_space<vmem_shared>>
        tpu.enqueue_indirect_dma source(%arg21 : memref<32x256xf32, #tpu.memory_space<vmem>>) target(%dma_start3A_404 : memref<5008x256xf32, #tpu.memory_space<vmem_shared>>) offsets(%arg19 : memref<32xi32, #tpu.memory_space<vmem>>) semaphore(%arg31 : memref<!tpu.dma_semaphore, #tpu.memory_space<semaphore_mem>>) {add = true}
        %while3A_405 = arith.constant 0 : i32
        scf.yield %while3A_405 : i32
      }
      %while3A_213 = arith.constant 1 : i32
      %while3A_214 = scf.for %while3A_300 = %while3A_210 to %while3A_206 step %while3A_213 iter_args(%while3A_301 = %while3A_212) -> (i32)  : i32 {
        %mul3A_302 = arith.constant 2 : i32
        %mul3A_303 = arith.muli %while3A_300, %mul3A_302 : i32
        %add3A_304 = arith.constant 0 : i32
        %add3A_305 = arith.addi %mul3A_303, %add3A_304 : i32
        %ge3A = arith.constant 1 : i32
        %ge3A_306 = arith.cmpi sge, %add3A_305, %ge3A : i32
        %convert_element_type3A_307 = arith.extui %ge3A_306 : i1 to i32
        %cond3A_308 = arith.constant 0 : i32
        %cond3A_309 = arith.cmpi ne, %convert_element_type3A_307, %cond3A_308 : i32
        scf.if %cond3A_309 {
          %dma_wait3A_406 = arith.constant 0 : i32
          %dma_wait3A_407 = arith.constant 0 : i32
          %dma_wait3A_408 = tpu.memref_slice %arg2[%dma_wait3A_406, %dma_wait3A_407] : memref<10000x256xf32, #tpu.memory_space<hbm>> -> memref<32x256xf32, #tpu.memory_space<hbm>>
          %dma_wait3A_409 = arith.constant 0 : i32
          %dma_wait3A_410 = arith.constant 0 : i32
          %dma_wait3A_411 = tpu.memref_slice %arg2[%dma_wait3A_409, %dma_wait3A_410] : memref<10000x256xf32, #tpu.memory_space<hbm>> -> memref<32x256xf32, #tpu.memory_space<hbm>>
          tpu.wait_dma2 semaphore(%arg31 : memref<!tpu.dma_semaphore, #tpu.memory_space<semaphore_mem>>) src(%dma_wait3A_411 : memref<32x256xf32, #tpu.memory_space<hbm>>) dst(%arg21 : memref<32x256xf32, #tpu.memory_space<vmem>>)
        } else {
        }
        %add3A_310 = arith.constant 1 : i32
        %add3A_311 = arith.addi %add3A_305, %add3A_310 : i32
        %lt3A = arith.cmpi slt, %add3A_311, %shift_right_arithmetic3A_199 : i32
        %convert_element_type3A_312 = arith.extui %lt3A : i1 to i32
        %cond3A_313 = arith.constant 0 : i32
        %cond3A_314 = arith.cmpi ne, %convert_element_type3A_312, %cond3A_313 : i32
        scf.if %cond3A_314 {
          %add3A_406 = arith.constant 1 : i32
          %add3A_407 = arith.addi %add3A_305, %add3A_406 : i32
          %mul3A_408 = arith.constant 32 : i32
          %mul3A_409 = arith.muli %add3A_407, %mul3A_408 : i32
          %dma_start3A_410 = tpu.memref_slice %arg11[%mul3A_409] : memref<1104xi32, #tpu.memory_space<vmem>> -> memref<32xi32, #tpu.memory_space<vmem>>
          %dma_start3A_411 = arith.constant 0 : i32
          %dma_start3A_412 = arith.constant 0 : i32
          %dma_start3A_413 = tpu.memref_slice %arg2[%dma_start3A_411, %dma_start3A_412] : memref<10000x256xf32, #tpu.memory_space<hbm>> -> memref<10000x256xf32, #tpu.memory_space<hbm>>
          tpu.enqueue_indirect_dma source(%dma_start3A_413 : memref<10000x256xf32, #tpu.memory_space<hbm>>) target(%arg21 : memref<32x256xf32, #tpu.memory_space<vmem>>) offsets(%dma_start3A_410 : memref<32xi32, #tpu.memory_space<vmem>>) semaphore(%arg29 : memref<!tpu.dma_semaphore, #tpu.memory_space<semaphore_mem>>)
        } else {
        }
        %dma_wait3A_315 = arith.constant 0 : i32
        %dma_wait3A_316 = arith.constant 0 : i32
        %dma_wait3A_317 = tpu.memref_slice %arg2[%dma_wait3A_315, %dma_wait3A_316] : memref<10000x256xf32, #tpu.memory_space<hbm>> -> memref<32x256xf32, #tpu.memory_space<hbm>>
        %dma_wait3A_318 = arith.constant 0 : i32
        %dma_wait3A_319 = arith.constant 0 : i32
        %dma_wait3A_320 = tpu.memref_slice %arg2[%dma_wait3A_318, %dma_wait3A_319] : memref<10000x256xf32, #tpu.memory_space<hbm>> -> memref<32x256xf32, #tpu.memory_space<hbm>>
        tpu.wait_dma2 semaphore(%arg28 : memref<!tpu.dma_semaphore, #tpu.memory_space<semaphore_mem>>) src(%dma_wait3A_320 : memref<32x256xf32, #tpu.memory_space<hbm>>) dst(%arg20 : memref<32x256xf32, #tpu.memory_space<vmem>>)
        %mul3A_321 = arith.constant 32 : i32
        %mul3A_322 = arith.muli %add3A_305, %mul3A_321 : i32
        %mul3A_323 = arith.constant 32 : i32
        %mul3A_324 = arith.muli %add3A_305, %mul3A_323 : i32
        %add3A_325 = arith.constant 16 : i32
        %add3A_326 = arith.addi %mul3A_324, %add3A_325 : i32
        %get3A = arith.index_cast %mul3A_322 : i32 to index
        %get3A_327 = tpu.vector_load %arg13[%get3A] {strides = array<i32>} : memref<1104xf32, #tpu.memory_space<vmem>>, vector<16xf32>,
        %swap3A_328 = arith.constant 0 : index
        %swap3A_329 = tpu.vector_load %arg16[%swap3A_328] {strides = array<i32>} : memref<32xf32, #tpu.memory_space<vmem>>, vector<16xf32>,
        tpu.vector_store %arg16[%swap3A_328], %get3A_327 {strides = array<i32>} : memref<32xf32, #tpu.memory_space<vmem>>, vector<16xf32>,
        %get3A_330 = arith.index_cast %add3A_326 : i32 to index
        %get3A_331 = tpu.vector_load %arg13[%get3A_330] {strides = array<i32>} : memref<1104xf32, #tpu.memory_space<vmem>>, vector<16xf32>,
        %swap3A_332 = arith.constant 16 : index
        %swap3A_333 = tpu.vector_load %arg16[%swap3A_332] {strides = array<i32>} : memref<32xf32, #tpu.memory_space<vmem>>, vector<16xf32>,
        tpu.vector_store %arg16[%swap3A_332], %get3A_331 {strides = array<i32>} : memref<32xf32, #tpu.memory_space<vmem>>, vector<16xf32>,
        %get3A_334 = arith.index_cast %mul3A_322 : i32 to index
        %get3A_335 = tpu.vector_load %arg12[%get3A_334] {strides = array<i32>} : memref<1104xi32, #tpu.memory_space<vmem>>, vector<16xi32>,
        %swap3A_336 = arith.constant 0 : index
        %swap3A_337 = tpu.vector_load %arg18[%swap3A_336] {strides = array<i32>} : memref<32xi32, #tpu.memory_space<vmem>>, vector<16xi32>,
        tpu.vector_store %arg18[%swap3A_336], %get3A_335 {strides = array<i32>} : memref<32xi32, #tpu.memory_space<vmem>>, vector<16xi32>,
        %get3A_338 = arith.index_cast %add3A_326 : i32 to index
        %get3A_339 = tpu.vector_load %arg12[%get3A_338] {strides = array<i32>} : memref<1104xi32, #tpu.memory_space<vmem>>, vector<16xi32>,
        %swap3A_340 = arith.constant 16 : index
        %swap3A_341 = tpu.vector_load %arg18[%swap3A_340] {strides = array<i32>} : memref<32xi32, #tpu.memory_space<vmem>>, vector<16xi32>,
        tpu.vector_store %arg18[%swap3A_340], %get3A_339 {strides = array<i32>} : memref<32xi32, #tpu.memory_space<vmem>>, vector<16xi32>,
        %scan3A_342 = arith.constant 0 : i32
        %scan3A_343 = arith.constant 0 : i32
        %scan3A_344 = arith.constant 32 : i32
        %scan3A_345 = arith.addi %scan3A_343, %scan3A_344 : i32
        %scan3A_346 = arith.constant 1 : i32
        %scan3A_347 = scf.for %scan3A_406 = %scan3A_343 to %scan3A_345 step %scan3A_346 iter_args(%scan3A_407 = %scan3A_342) -> (i32)  : i32 {
          %add3A_408 = arith.constant 0 : i32
          %add3A_409 = arith.addi %add3A_408, %scan3A_406 : i32
          %broadcast_in_dim3A_410 = vector.broadcast %add3A_409 : i32 to vector<16xi32>
          %gather3A = tpu.vector_load_idx %arg16[%broadcast_in_dim3A_410] : memref<32xf32, #tpu.memory_space<vmem>>[vector<16xi32>], vector<16xf32>,
          %get3A_411 = arith.index_cast %scan3A_406 : i32 to index
          %get3A_412 = arith.constant 0 : index
          %get3A_413 = tpu.vector_load %arg20[%get3A_411, %get3A_412] {strides = array<i32>} : memref<32x256xf32, #tpu.memory_space<vmem>>, vector<16xf32>,
          %mul3A_414 = arith.mulf %get3A_413, %gather3A : vector<16xf32>
          %swap3A_415 = arith.index_cast %scan3A_406 : i32 to index
          %swap3A_416 = arith.constant 0 : index
          %swap3A_417 = tpu.vector_load %arg20[%swap3A_415, %swap3A_416] {strides = array<i32>} : memref<32x256xf32, #tpu.memory_space<vmem>>, vector<16xf32>,
          tpu.vector_store %arg20[%swap3A_415, %swap3A_416], %mul3A_414 {strides = array<i32>} : memref<32x256xf32, #tpu.memory_space<vmem>>, vector<16xf32>,
          %get3A_418 = arith.index_cast %scan3A_406 : i32 to index
          %get3A_419 = arith.constant 16 : index
          %get3A_420 = tpu.vector_load %arg20[%get3A_418, %get3A_419] {strides = array<i32>} : memref<32x256xf32, #tpu.memory_space<vmem>>, vector<16xf32>,
          %mul3A_421 = arith.mulf %get3A_420, %gather3A : vector<16xf32>
          %swap3A_422 = arith.index_cast %scan3A_406 : i32 to index
          %swap3A_423 = arith.constant 16 : index
          %swap3A_424 = tpu.vector_load %arg20[%swap3A_422, %swap3A_423] {strides = array<i32>} : memref<32x256xf32, #tpu.memory_space<vmem>>, vector<16xf32>,
          tpu.vector_store %arg20[%swap3A_422, %swap3A_423], %mul3A_421 {strides = array<i32>} : memref<32x256xf32, #tpu.memory_space<vmem>>, vector<16xf32>,
          %get3A_425 = arith.index_cast %scan3A_406 : i32 to index
          %get3A_426 = arith.constant 32 : index
          %get3A_427 = tpu.vector_load %arg20[%get3A_425, %get3A_426] {strides = array<i32>} : memref<32x256xf32, #tpu.memory_space<vmem>>, vector<16xf32>,
          %mul3A_428 = arith.mulf %get3A_427, %gather3A : vector<16xf32>
          %swap3A_429 = arith.index_cast %scan3A_406 : i32 to index
          %swap3A_430 = arith.constant 32 : index
          %swap3A_431 = tpu.vector_load %arg20[%swap3A_429, %swap3A_430] {strides = array<i32>} : memref<32x256xf32, #tpu.memory_space<vmem>>, vector<16xf32>,
          tpu.vector_store %arg20[%swap3A_429, %swap3A_430], %mul3A_428 {strides = array<i32>} : memref<32x256xf32, #tpu.memory_space<vmem>>, vector<16xf32>,
          %get3A_432 = arith.index_cast %scan3A_406 : i32 to index
          %get3A_433 = arith.constant 48 : index
          %get3A_434 = tpu.vector_load %arg20[%get3A_432, %get3A_433] {strides = array<i32>} : memref<32x256xf32, #tpu.memory_space<vmem>>, vector<16xf32>,
          %mul3A_435 = arith.mulf %get3A_434, %gather3A : vector<16xf32>
          %swap3A_436 = arith.index_cast %scan3A_406 : i32 to index
          %swap3A_437 = arith.constant 48 : index
          %swap3A_438 = tpu.vector_load %arg20[%swap3A_436, %swap3A_437] {strides = array<i32>} : memref<32x256xf32, #tpu.memory_space<vmem>>, vector<16xf32>,
          tpu.vector_store %arg20[%swap3A_436, %swap3A_437], %mul3A_435 {strides = array<i32>} : memref<32x256xf32, #tpu.memory_space<vmem>>, vector<16xf32>,
          %get3A_439 = arith.index_cast %scan3A_406 : i32 to index
          %get3A_440 = arith.constant 64 : index
          %get3A_441 = tpu.vector_load %arg20[%get3A_439, %get3A_440] {strides = array<i32>} : memref<32x256xf32, #tpu.memory_space<vmem>>, vector<16xf32>,
          %mul3A_442 = arith.mulf %get3A_441, %gather3A : vector<16xf32>
          %swap3A_443 = arith.index_cast %scan3A_406 : i32 to index
          %swap3A_444 = arith.constant 64 : index
          %swap3A_445 = tpu.vector_load %arg20[%swap3A_443, %swap3A_444] {strides = array<i32>} : memref<32x256xf32, #tpu.memory_space<vmem>>, vector<16xf32>,
          tpu.vector_store %arg20[%swap3A_443, %swap3A_444], %mul3A_442 {strides = array<i32>} : memref<32x256xf32, #tpu.memory_space<vmem>>, vector<16xf32>,
          %get3A_446 = arith.index_cast %scan3A_406 : i32 to index
          %get3A_447 = arith.constant 80 : index
          %get3A_448 = tpu.vector_load %arg20[%get3A_446, %get3A_447] {strides = array<i32>} : memref<32x256xf32, #tpu.memory_space<vmem>>, vector<16xf32>,
          %mul3A_449 = arith.mulf %get3A_448, %gather3A : vector<16xf32>
          %swap3A_450 = arith.index_cast %scan3A_406 : i32 to index
          %swap3A_451 = arith.constant 80 : index
          %swap3A_452 = tpu.vector_load %arg20[%swap3A_450, %swap3A_451] {strides = array<i32>} : memref<32x256xf32, #tpu.memory_space<vmem>>, vector<16xf32>,
          tpu.vector_store %arg20[%swap3A_450, %swap3A_451], %mul3A_449 {strides = array<i32>} : memref<32x256xf32, #tpu.memory_space<vmem>>, vector<16xf32>,
          %get3A_453 = arith.index_cast %scan3A_406 : i32 to index
          %get3A_454 = arith.constant 96 : index
          %get3A_455 = tpu.vector_load %arg20[%get3A_453, %get3A_454] {strides = array<i32>} : memref<32x256xf32, #tpu.memory_space<vmem>>, vector<16xf32>,
          %mul3A_456 = arith.mulf %get3A_455, %gather3A : vector<16xf32>
          %swap3A_457 = arith.index_cast %scan3A_406 : i32 to index
          %swap3A_458 = arith.constant 96 : index
          %swap3A_459 = tpu.vector_load %arg20[%swap3A_457, %swap3A_458] {strides = array<i32>} : memref<32x256xf32, #tpu.memory_space<vmem>>, vector<16xf32>,
          tpu.vector_store %arg20[%swap3A_457, %swap3A_458], %mul3A_456 {strides = array<i32>} : memref<32x256xf32, #tpu.memory_space<vmem>>, vector<16xf32>,
          %get3A_460 = arith.index_cast %scan3A_406 : i32 to index
          %get3A_461 = arith.constant 112 : index
          %get3A_462 = tpu.vector_load %arg20[%get3A_460, %get3A_461] {strides = array<i32>} : memref<32x256xf32, #tpu.memory_space<vmem>>, vector<16xf32>,
          %mul3A_463 = arith.mulf %get3A_462, %gather3A : vector<16xf32>
          %swap3A_464 = arith.index_cast %scan3A_406 : i32 to index
          %swap3A_465 = arith.constant 112 : index
          %swap3A_466 = tpu.vector_load %arg20[%swap3A_464, %swap3A_465] {strides = array<i32>} : memref<32x256xf32, #tpu.memory_space<vmem>>, vector<16xf32>,
          tpu.vector_store %arg20[%swap3A_464, %swap3A_465], %mul3A_463 {strides = array<i32>} : memref<32x256xf32, #tpu.memory_space<vmem>>, vector<16xf32>,
          %get3A_467 = arith.index_cast %scan3A_406 : i32 to index
          %get3A_468 = arith.constant 128 : index
          %get3A_469 = tpu.vector_load %arg20[%get3A_467, %get3A_468] {strides = array<i32>} : memref<32x256xf32, #tpu.memory_space<vmem>>, vector<16xf32>,
          %mul3A_470 = arith.mulf %get3A_469, %gather3A : vector<16xf32>
          %swap3A_471 = arith.index_cast %scan3A_406 : i32 to index
          %swap3A_472 = arith.constant 128 : index
          %swap3A_473 = tpu.vector_load %arg20[%swap3A_471, %swap3A_472] {strides = array<i32>} : memref<32x256xf32, #tpu.memory_space<vmem>>, vector<16xf32>,
          tpu.vector_store %arg20[%swap3A_471, %swap3A_472], %mul3A_470 {strides = array<i32>} : memref<32x256xf32, #tpu.memory_space<vmem>>, vector<16xf32>,
          %get3A_474 = arith.index_cast %scan3A_406 : i32 to index
          %get3A_475 = arith.constant 144 : index
          %get3A_476 = tpu.vector_load %arg20[%get3A_474, %get3A_475] {strides = array<i32>} : memref<32x256xf32, #tpu.memory_space<vmem>>, vector<16xf32>,
          %mul3A_477 = arith.mulf %get3A_476, %gather3A : vector<16xf32>
          %swap3A_478 = arith.index_cast %scan3A_406 : i32 to index
          %swap3A_479 = arith.constant 144 : index
          %swap3A_480 = tpu.vector_load %arg20[%swap3A_478, %swap3A_479] {strides = array<i32>} : memref<32x256xf32, #tpu.memory_space<vmem>>, vector<16xf32>,
          tpu.vector_store %arg20[%swap3A_478, %swap3A_479], %mul3A_477 {strides = array<i32>} : memref<32x256xf32, #tpu.memory_space<vmem>>, vector<16xf32>,
          %get3A_481 = arith.index_cast %scan3A_406 : i32 to index
          %get3A_482 = arith.constant 160 : index
          %get3A_483 = tpu.vector_load %arg20[%get3A_481, %get3A_482] {strides = array<i32>} : memref<32x256xf32, #tpu.memory_space<vmem>>, vector<16xf32>,
          %mul3A_484 = arith.mulf %get3A_483, %gather3A : vector<16xf32>
          %swap3A_485 = arith.index_cast %scan3A_406 : i32 to index
          %swap3A_486 = arith.constant 160 : index
          %swap3A_487 = tpu.vector_load %arg20[%swap3A_485, %swap3A_486] {strides = array<i32>} : memref<32x256xf32, #tpu.memory_space<vmem>>, vector<16xf32>,
          tpu.vector_store %arg20[%swap3A_485, %swap3A_486], %mul3A_484 {strides = array<i32>} : memref<32x256xf32, #tpu.memory_space<vmem>>, vector<16xf32>,
          %get3A_488 = arith.index_cast %scan3A_406 : i32 to index
          %get3A_489 = arith.constant 176 : index
          %get3A_490 = tpu.vector_load %arg20[%get3A_488, %get3A_489] {strides = array<i32>} : memref<32x256xf32, #tpu.memory_space<vmem>>, vector<16xf32>,
          %mul3A_491 = arith.mulf %get3A_490, %gather3A : vector<16xf32>
          %swap3A_492 = arith.index_cast %scan3A_406 : i32 to index
          %swap3A_493 = arith.constant 176 : index
          %swap3A_494 = tpu.vector_load %arg20[%swap3A_492, %swap3A_493] {strides = array<i32>} : memref<32x256xf32, #tpu.memory_space<vmem>>, vector<16xf32>,
          tpu.vector_store %arg20[%swap3A_492, %swap3A_493], %mul3A_491 {strides = array<i32>} : memref<32x256xf32, #tpu.memory_space<vmem>>, vector<16xf32>,
          %get3A_495 = arith.index_cast %scan3A_406 : i32 to index
          %get3A_496 = arith.constant 192 : index
          %get3A_497 = tpu.vector_load %arg20[%get3A_495, %get3A_496] {strides = array<i32>} : memref<32x256xf32, #tpu.memory_space<vmem>>, vector<16xf32>,
          %mul3A_498 = arith.mulf %get3A_497, %gather3A : vector<16xf32>
          %swap3A_499 = arith.index_cast %scan3A_406 : i32 to index
          %swap3A_500 = arith.constant 192 : index
          %swap3A_501 = tpu.vector_load %arg20[%swap3A_499, %swap3A_500] {strides = array<i32>} : memref<32x256xf32, #tpu.memory_space<vmem>>, vector<16xf32>,
          tpu.vector_store %arg20[%swap3A_499, %swap3A_500], %mul3A_498 {strides = array<i32>} : memref<32x256xf32, #tpu.memory_space<vmem>>, vector<16xf32>,
          %get3A_502 = arith.index_cast %scan3A_406 : i32 to index
          %get3A_503 = arith.constant 208 : index
          %get3A_504 = tpu.vector_load %arg20[%get3A_502, %get3A_503] {strides = array<i32>} : memref<32x256xf32, #tpu.memory_space<vmem>>, vector<16xf32>,
          %mul3A_505 = arith.mulf %get3A_504, %gather3A : vector<16xf32>
          %swap3A_506 = arith.index_cast %scan3A_406 : i32 to index
          %swap3A_507 = arith.constant 208 : index
          %swap3A_508 = tpu.vector_load %arg20[%swap3A_506, %swap3A_507] {strides = array<i32>} : memref<32x256xf32, #tpu.memory_space<vmem>>, vector<16xf32>,
          tpu.vector_store %arg20[%swap3A_506, %swap3A_507], %mul3A_505 {strides = array<i32>} : memref<32x256xf32, #tpu.memory_space<vmem>>, vector<16xf32>,
          %get3A_509 = arith.index_cast %scan3A_406 : i32 to index
          %get3A_510 = arith.constant 224 : index
          %get3A_511 = tpu.vector_load %arg20[%get3A_509, %get3A_510] {strides = array<i32>} : memref<32x256xf32, #tpu.memory_space<vmem>>, vector<16xf32>,
          %mul3A_512 = arith.mulf %get3A_511, %gather3A : vector<16xf32>
          %swap3A_513 = arith.index_cast %scan3A_406 : i32 to index
          %swap3A_514 = arith.constant 224 : index
          %swap3A_515 = tpu.vector_load %arg20[%swap3A_513, %swap3A_514] {strides = array<i32>} : memref<32x256xf32, #tpu.memory_space<vmem>>, vector<16xf32>,
          tpu.vector_store %arg20[%swap3A_513, %swap3A_514], %mul3A_512 {strides = array<i32>} : memref<32x256xf32, #tpu.memory_space<vmem>>, vector<16xf32>,
          %get3A_516 = arith.index_cast %scan3A_406 : i32 to index
          %get3A_517 = arith.constant 240 : index
          %get3A_518 = tpu.vector_load %arg20[%get3A_516, %get3A_517] {strides = array<i32>} : memref<32x256xf32, #tpu.memory_space<vmem>>, vector<16xf32>,
          %mul3A_519 = arith.mulf %get3A_518, %gather3A : vector<16xf32>
          %swap3A_520 = arith.index_cast %scan3A_406 : i32 to index
          %swap3A_521 = arith.constant 240 : index
          %swap3A_522 = tpu.vector_load %arg20[%swap3A_520, %swap3A_521] {strides = array<i32>} : memref<32x256xf32, #tpu.memory_space<vmem>>, vector<16xf32>,
          tpu.vector_store %arg20[%swap3A_520, %swap3A_521], %mul3A_519 {strides = array<i32>} : memref<32x256xf32, #tpu.memory_space<vmem>>, vector<16xf32>,
          %scan3A_523 = arith.constant 0 : i32
          scf.yield %scan3A_523 : i32
        }
        %scan3A_348 = arith.constant 32 : i32
        %dma_start3A_349 = arith.constant 0 : i32
        %dma_start3A_350 = arith.constant 0 : i32
        %dma_start3A_351 = tpu.memref_slice %arg26[%dma_start3A_349, %dma_start3A_350] : memref<5008x256xf32, #tpu.memory_space<vmem_shared>> -> memref<5008x256xf32, #tpu.memory_space<vmem_shared>>
        tpu.enqueue_indirect_dma source(%arg20 : memref<32x256xf32, #tpu.memory_space<vmem>>) target(%dma_start3A_351 : memref<5008x256xf32, #tpu.memory_space<vmem_shared>>) offsets(%arg18 : memref<32xi32, #tpu.memory_space<vmem>>) semaphore(%arg30 : memref<!tpu.dma_semaphore, #tpu.memory_space<semaphore_mem>>) {add = true}
        %mul3A_352 = arith.constant 2 : i32
        %mul3A_353 = arith.muli %while3A_300, %mul3A_352 : i32
        %add3A_354 = arith.constant 1 : i32
        %add3A_355 = arith.addi %mul3A_353, %add3A_354 : i32
        %ge3A_356 = arith.constant 1 : i32
        %ge3A_357 = arith.cmpi sge, %add3A_355, %ge3A_356 : i32
        %convert_element_type3A_358 = arith.extui %ge3A_357 : i1 to i32
        %cond3A_359 = arith.constant 0 : i32
        %cond3A_360 = arith.cmpi ne, %convert_element_type3A_358, %cond3A_359 : i32
        scf.if %cond3A_360 {
          %dma_wait3A_406 = arith.constant 0 : i32
          %dma_wait3A_407 = arith.constant 0 : i32
          %dma_wait3A_408 = tpu.memref_slice %arg2[%dma_wait3A_406, %dma_wait3A_407] : memref<10000x256xf32, #tpu.memory_space<hbm>> -> memref<32x256xf32, #tpu.memory_space<hbm>>
          %dma_wait3A_409 = arith.constant 0 : i32
          %dma_wait3A_410 = arith.constant 0 : i32
          %dma_wait3A_411 = tpu.memref_slice %arg2[%dma_wait3A_409, %dma_wait3A_410] : memref<10000x256xf32, #tpu.memory_space<hbm>> -> memref<32x256xf32, #tpu.memory_space<hbm>>
          tpu.wait_dma2 semaphore(%arg30 : memref<!tpu.dma_semaphore, #tpu.memory_space<semaphore_mem>>) src(%dma_wait3A_411 : memref<32x256xf32, #tpu.memory_space<hbm>>) dst(%arg20 : memref<32x256xf32, #tpu.memory_space<vmem>>)
        } else {
        }
        %add3A_361 = arith.constant 1 : i32
        %add3A_362 = arith.addi %add3A_355, %add3A_361 : i32
        %lt3A_363 = arith.cmpi slt, %add3A_362, %shift_right_arithmetic3A_199 : i32
        %convert_element_type3A_364 = arith.extui %lt3A_363 : i1 to i32
        %cond3A_365 = arith.constant 0 : i32
        %cond3A_366 = arith.cmpi ne, %convert_element_type3A_364, %cond3A_365 : i32
        scf.if %cond3A_366 {
          %add3A_406 = arith.constant 1 : i32
          %add3A_407 = arith.addi %add3A_355, %add3A_406 : i32
          %mul3A_408 = arith.constant 32 : i32
          %mul3A_409 = arith.muli %add3A_407, %mul3A_408 : i32
          %dma_start3A_410 = tpu.memref_slice %arg11[%mul3A_409] : memref<1104xi32, #tpu.memory_space<vmem>> -> memref<32xi32, #tpu.memory_space<vmem>>
          %dma_start3A_411 = arith.constant 0 : i32
          %dma_start3A_412 = arith.constant 0 : i32
          %dma_start3A_413 = tpu.memref_slice %arg2[%dma_start3A_411, %dma_start3A_412] : memref<10000x256xf32, #tpu.memory_space<hbm>> -> memref<10000x256xf32, #tpu.memory_space<hbm>>
          tpu.enqueue_indirect_dma source(%dma_start3A_413 : memref<10000x256xf32, #tpu.memory_space<hbm>>) target(%arg20 : memref<32x256xf32, #tpu.memory_space<vmem>>) offsets(%dma_start3A_410 : memref<32xi32, #tpu.memory_space<vmem>>) semaphore(%arg28 : memref<!tpu.dma_semaphore, #tpu.memory_space<semaphore_mem>>)
        } else {
        }
        %dma_wait3A_367 = arith.constant 0 : i32
        %dma_wait3A_368 = arith.constant 0 : i32
        %dma_wait3A_369 = tpu.memref_slice %arg2[%dma_wait3A_367, %dma_wait3A_368] : memref<10000x256xf32, #tpu.memory_space<hbm>> -> memref<32x256xf32, #tpu.memory_space<hbm>>
        %dma_wait3A_370 = arith.constant 0 : i32
        %dma_wait3A_371 = arith.constant 0 : i32
        %dma_wait3A_372 = tpu.memref_slice %arg2[%dma_wait3A_370, %dma_wait3A_371] : memref<10000x256xf32, #tpu.memory_space<hbm>> -> memref<32x256xf32, #tpu.memory_space<hbm>>
        tpu.wait_dma2 semaphore(%arg29 : memref<!tpu.dma_semaphore, #tpu.memory_space<semaphore_mem>>) src(%dma_wait3A_372 : memref<32x256xf32, #tpu.memory_space<hbm>>) dst(%arg21 : memref<32x256xf32, #tpu.memory_space<vmem>>)
        %mul3A_373 = arith.constant 32 : i32
        %mul3A_374 = arith.muli %add3A_355, %mul3A_373 : i32
        %mul3A_375 = arith.constant 32 : i32
        %mul3A_376 = arith.muli %add3A_355, %mul3A_375 : i32
        %add3A_377 = arith.constant 16 : i32
        %add3A_378 = arith.addi %mul3A_376, %add3A_377 : i32
        %get3A_379 = arith.index_cast %mul3A_374 : i32 to index
        %get3A_380 = tpu.vector_load %arg13[%get3A_379] {strides = array<i32>} : memref<1104xf32, #tpu.memory_space<vmem>>, vector<16xf32>,
        %swap3A_381 = arith.constant 0 : index
        %swap3A_382 = tpu.vector_load %arg17[%swap3A_381] {strides = array<i32>} : memref<32xf32, #tpu.memory_space<vmem>>, vector<16xf32>,
        tpu.vector_store %arg17[%swap3A_381], %get3A_380 {strides = array<i32>} : memref<32xf32, #tpu.memory_space<vmem>>, vector<16xf32>,
        %get3A_383 = arith.index_cast %add3A_378 : i32 to index
        %get3A_384 = tpu.vector_load %arg13[%get3A_383] {strides = array<i32>} : memref<1104xf32, #tpu.memory_space<vmem>>, vector<16xf32>,
        %swap3A_385 = arith.constant 16 : index
        %swap3A_386 = tpu.vector_load %arg17[%swap3A_385] {strides = array<i32>} : memref<32xf32, #tpu.memory_space<vmem>>, vector<16xf32>,
        tpu.vector_store %arg17[%swap3A_385], %get3A_384 {strides = array<i32>} : memref<32xf32, #tpu.memory_space<vmem>>, vector<16xf32>,
        %get3A_387 = arith.index_cast %mul3A_374 : i32 to index
        %get3A_388 = tpu.vector_load %arg12[%get3A_387] {strides = array<i32>} : memref<1104xi32, #tpu.memory_space<vmem>>, vector<16xi32>,
        %swap3A_389 = arith.constant 0 : index
        %swap3A_390 = tpu.vector_load %arg19[%swap3A_389] {strides = array<i32>} : memref<32xi32, #tpu.memory_space<vmem>>, vector<16xi32>,
        tpu.vector_store %arg19[%swap3A_389], %get3A_388 {strides = array<i32>} : memref<32xi32, #tpu.memory_space<vmem>>, vector<16xi32>,
        %get3A_391 = arith.index_cast %add3A_378 : i32 to index
        %get3A_392 = tpu.vector_load %arg12[%get3A_391] {strides = array<i32>} : memref<1104xi32, #tpu.memory_space<vmem>>, vector<16xi32>,
        %swap3A_393 = arith.constant 16 : index
        %swap3A_394 = tpu.vector_load %arg19[%swap3A_393] {strides = array<i32>} : memref<32xi32, #tpu.memory_space<vmem>>, vector<16xi32>,
        tpu.vector_store %arg19[%swap3A_393], %get3A_392 {strides = array<i32>} : memref<32xi32, #tpu.memory_space<vmem>>, vector<16xi32>,
        %scan3A_395 = arith.constant 0 : i32
        %scan3A_396 = arith.constant 0 : i32
        %scan3A_397 = arith.constant 32 : i32
        %scan3A_398 = arith.addi %scan3A_396, %scan3A_397 : i32
        %scan3A_399 = arith.constant 1 : i32
        %scan3A_400 = scf.for %scan3A_406 = %scan3A_396 to %scan3A_398 step %scan3A_399 iter_args(%scan3A_407 = %scan3A_395) -> (i32)  : i32 {
          %add3A_408 = arith.constant 0 : i32
          %add3A_409 = arith.addi %add3A_408, %scan3A_406 : i32
          %broadcast_in_dim3A_410 = vector.broadcast %add3A_409 : i32 to vector<16xi32>
          %gather3A = tpu.vector_load_idx %arg17[%broadcast_in_dim3A_410] : memref<32xf32, #tpu.memory_space<vmem>>[vector<16xi32>], vector<16xf32>,
          %get3A_411 = arith.index_cast %scan3A_406 : i32 to index
          %get3A_412 = arith.constant 0 : index
          %get3A_413 = tpu.vector_load %arg21[%get3A_411, %get3A_412] {strides = array<i32>} : memref<32x256xf32, #tpu.memory_space<vmem>>, vector<16xf32>,
          %mul3A_414 = arith.mulf %get3A_413, %gather3A : vector<16xf32>
          %swap3A_415 = arith.index_cast %scan3A_406 : i32 to index
          %swap3A_416 = arith.constant 0 : index
          %swap3A_417 = tpu.vector_load %arg21[%swap3A_415, %swap3A_416] {strides = array<i32>} : memref<32x256xf32, #tpu.memory_space<vmem>>, vector<16xf32>,
          tpu.vector_store %arg21[%swap3A_415, %swap3A_416], %mul3A_414 {strides = array<i32>} : memref<32x256xf32, #tpu.memory_space<vmem>>, vector<16xf32>,
          %get3A_418 = arith.index_cast %scan3A_406 : i32 to index
          %get3A_419 = arith.constant 16 : index
          %get3A_420 = tpu.vector_load %arg21[%get3A_418, %get3A_419] {strides = array<i32>} : memref<32x256xf32, #tpu.memory_space<vmem>>, vector<16xf32>,
          %mul3A_421 = arith.mulf %get3A_420, %gather3A : vector<16xf32>
          %swap3A_422 = arith.index_cast %scan3A_406 : i32 to index
          %swap3A_423 = arith.constant 16 : index
          %swap3A_424 = tpu.vector_load %arg21[%swap3A_422, %swap3A_423] {strides = array<i32>} : memref<32x256xf32, #tpu.memory_space<vmem>>, vector<16xf32>,
          tpu.vector_store %arg21[%swap3A_422, %swap3A_423], %mul3A_421 {strides = array<i32>} : memref<32x256xf32, #tpu.memory_space<vmem>>, vector<16xf32>,
          %get3A_425 = arith.index_cast %scan3A_406 : i32 to index
          %get3A_426 = arith.constant 32 : index
          %get3A_427 = tpu.vector_load %arg21[%get3A_425, %get3A_426] {strides = array<i32>} : memref<32x256xf32, #tpu.memory_space<vmem>>, vector<16xf32>,
          %mul3A_428 = arith.mulf %get3A_427, %gather3A : vector<16xf32>
          %swap3A_429 = arith.index_cast %scan3A_406 : i32 to index
          %swap3A_430 = arith.constant 32 : index
          %swap3A_431 = tpu.vector_load %arg21[%swap3A_429, %swap3A_430] {strides = array<i32>} : memref<32x256xf32, #tpu.memory_space<vmem>>, vector<16xf32>,
          tpu.vector_store %arg21[%swap3A_429, %swap3A_430], %mul3A_428 {strides = array<i32>} : memref<32x256xf32, #tpu.memory_space<vmem>>, vector<16xf32>,
          %get3A_432 = arith.index_cast %scan3A_406 : i32 to index
          %get3A_433 = arith.constant 48 : index
          %get3A_434 = tpu.vector_load %arg21[%get3A_432, %get3A_433] {strides = array<i32>} : memref<32x256xf32, #tpu.memory_space<vmem>>, vector<16xf32>,
          %mul3A_435 = arith.mulf %get3A_434, %gather3A : vector<16xf32>
          %swap3A_436 = arith.index_cast %scan3A_406 : i32 to index
          %swap3A_437 = arith.constant 48 : index
          %swap3A_438 = tpu.vector_load %arg21[%swap3A_436, %swap3A_437] {strides = array<i32>} : memref<32x256xf32, #tpu.memory_space<vmem>>, vector<16xf32>,
          tpu.vector_store %arg21[%swap3A_436, %swap3A_437], %mul3A_435 {strides = array<i32>} : memref<32x256xf32, #tpu.memory_space<vmem>>, vector<16xf32>,
          %get3A_439 = arith.index_cast %scan3A_406 : i32 to index
          %get3A_440 = arith.constant 64 : index
          %get3A_441 = tpu.vector_load %arg21[%get3A_439, %get3A_440] {strides = array<i32>} : memref<32x256xf32, #tpu.memory_space<vmem>>, vector<16xf32>,
          %mul3A_442 = arith.mulf %get3A_441, %gather3A : vector<16xf32>
          %swap3A_443 = arith.index_cast %scan3A_406 : i32 to index
          %swap3A_444 = arith.constant 64 : index
          %swap3A_445 = tpu.vector_load %arg21[%swap3A_443, %swap3A_444] {strides = array<i32>} : memref<32x256xf32, #tpu.memory_space<vmem>>, vector<16xf32>,
          tpu.vector_store %arg21[%swap3A_443, %swap3A_444], %mul3A_442 {strides = array<i32>} : memref<32x256xf32, #tpu.memory_space<vmem>>, vector<16xf32>,
          %get3A_446 = arith.index_cast %scan3A_406 : i32 to index
          %get3A_447 = arith.constant 80 : index
          %get3A_448 = tpu.vector_load %arg21[%get3A_446, %get3A_447] {strides = array<i32>} : memref<32x256xf32, #tpu.memory_space<vmem>>, vector<16xf32>,
          %mul3A_449 = arith.mulf %get3A_448, %gather3A : vector<16xf32>
          %swap3A_450 = arith.index_cast %scan3A_406 : i32 to index
          %swap3A_451 = arith.constant 80 : index
          %swap3A_452 = tpu.vector_load %arg21[%swap3A_450, %swap3A_451] {strides = array<i32>} : memref<32x256xf32, #tpu.memory_space<vmem>>, vector<16xf32>,
          tpu.vector_store %arg21[%swap3A_450, %swap3A_451], %mul3A_449 {strides = array<i32>} : memref<32x256xf32, #tpu.memory_space<vmem>>, vector<16xf32>,
          %get3A_453 = arith.index_cast %scan3A_406 : i32 to index
          %get3A_454 = arith.constant 96 : index
          %get3A_455 = tpu.vector_load %arg21[%get3A_453, %get3A_454] {strides = array<i32>} : memref<32x256xf32, #tpu.memory_space<vmem>>, vector<16xf32>,
          %mul3A_456 = arith.mulf %get3A_455, %gather3A : vector<16xf32>
          %swap3A_457 = arith.index_cast %scan3A_406 : i32 to index
          %swap3A_458 = arith.constant 96 : index
          %swap3A_459 = tpu.vector_load %arg21[%swap3A_457, %swap3A_458] {strides = array<i32>} : memref<32x256xf32, #tpu.memory_space<vmem>>, vector<16xf32>,
          tpu.vector_store %arg21[%swap3A_457, %swap3A_458], %mul3A_456 {strides = array<i32>} : memref<32x256xf32, #tpu.memory_space<vmem>>, vector<16xf32>,
          %get3A_460 = arith.index_cast %scan3A_406 : i32 to index
          %get3A_461 = arith.constant 112 : index
          %get3A_462 = tpu.vector_load %arg21[%get3A_460, %get3A_461] {strides = array<i32>} : memref<32x256xf32, #tpu.memory_space<vmem>>, vector<16xf32>,
          %mul3A_463 = arith.mulf %get3A_462, %gather3A : vector<16xf32>
          %swap3A_464 = arith.index_cast %scan3A_406 : i32 to index
          %swap3A_465 = arith.constant 112 : index
          %swap3A_466 = tpu.vector_load %arg21[%swap3A_464, %swap3A_465] {strides = array<i32>} : memref<32x256xf32, #tpu.memory_space<vmem>>, vector<16xf32>,
          tpu.vector_store %arg21[%swap3A_464, %swap3A_465], %mul3A_463 {strides = array<i32>} : memref<32x256xf32, #tpu.memory_space<vmem>>, vector<16xf32>,
          %get3A_467 = arith.index_cast %scan3A_406 : i32 to index
          %get3A_468 = arith.constant 128 : index
          %get3A_469 = tpu.vector_load %arg21[%get3A_467, %get3A_468] {strides = array<i32>} : memref<32x256xf32, #tpu.memory_space<vmem>>, vector<16xf32>,
          %mul3A_470 = arith.mulf %get3A_469, %gather3A : vector<16xf32>
          %swap3A_471 = arith.index_cast %scan3A_406 : i32 to index
          %swap3A_472 = arith.constant 128 : index
          %swap3A_473 = tpu.vector_load %arg21[%swap3A_471, %swap3A_472] {strides = array<i32>} : memref<32x256xf32, #tpu.memory_space<vmem>>, vector<16xf32>,
          tpu.vector_store %arg21[%swap3A_471, %swap3A_472], %mul3A_470 {strides = array<i32>} : memref<32x256xf32, #tpu.memory_space<vmem>>, vector<16xf32>,
          %get3A_474 = arith.index_cast %scan3A_406 : i32 to index
          %get3A_475 = arith.constant 144 : index
          %get3A_476 = tpu.vector_load %arg21[%get3A_474, %get3A_475] {strides = array<i32>} : memref<32x256xf32, #tpu.memory_space<vmem>>, vector<16xf32>,
          %mul3A_477 = arith.mulf %get3A_476, %gather3A : vector<16xf32>
          %swap3A_478 = arith.index_cast %scan3A_406 : i32 to index
          %swap3A_479 = arith.constant 144 : index
          %swap3A_480 = tpu.vector_load %arg21[%swap3A_478, %swap3A_479] {strides = array<i32>} : memref<32x256xf32, #tpu.memory_space<vmem>>, vector<16xf32>,
          tpu.vector_store %arg21[%swap3A_478, %swap3A_479], %mul3A_477 {strides = array<i32>} : memref<32x256xf32, #tpu.memory_space<vmem>>, vector<16xf32>,
          %get3A_481 = arith.index_cast %scan3A_406 : i32 to index
          %get3A_482 = arith.constant 160 : index
          %get3A_483 = tpu.vector_load %arg21[%get3A_481, %get3A_482] {strides = array<i32>} : memref<32x256xf32, #tpu.memory_space<vmem>>, vector<16xf32>,
          %mul3A_484 = arith.mulf %get3A_483, %gather3A : vector<16xf32>
          %swap3A_485 = arith.index_cast %scan3A_406 : i32 to index
          %swap3A_486 = arith.constant 160 : index
          %swap3A_487 = tpu.vector_load %arg21[%swap3A_485, %swap3A_486] {strides = array<i32>} : memref<32x256xf32, #tpu.memory_space<vmem>>, vector<16xf32>,
          tpu.vector_store %arg21[%swap3A_485, %swap3A_486], %mul3A_484 {strides = array<i32>} : memref<32x256xf32, #tpu.memory_space<vmem>>, vector<16xf32>,
          %get3A_488 = arith.index_cast %scan3A_406 : i32 to index
          %get3A_489 = arith.constant 176 : index
          %get3A_490 = tpu.vector_load %arg21[%get3A_488, %get3A_489] {strides = array<i32>} : memref<32x256xf32, #tpu.memory_space<vmem>>, vector<16xf32>,
          %mul3A_491 = arith.mulf %get3A_490, %gather3A : vector<16xf32>
          %swap3A_492 = arith.index_cast %scan3A_406 : i32 to index
          %swap3A_493 = arith.constant 176 : index
          %swap3A_494 = tpu.vector_load %arg21[%swap3A_492, %swap3A_493] {strides = array<i32>} : memref<32x256xf32, #tpu.memory_space<vmem>>, vector<16xf32>,
          tpu.vector_store %arg21[%swap3A_492, %swap3A_493], %mul3A_491 {strides = array<i32>} : memref<32x256xf32, #tpu.memory_space<vmem>>, vector<16xf32>,
          %get3A_495 = arith.index_cast %scan3A_406 : i32 to index
          %get3A_496 = arith.constant 192 : index
          %get3A_497 = tpu.vector_load %arg21[%get3A_495, %get3A_496] {strides = array<i32>} : memref<32x256xf32, #tpu.memory_space<vmem>>, vector<16xf32>,
          %mul3A_498 = arith.mulf %get3A_497, %gather3A : vector<16xf32>
          %swap3A_499 = arith.index_cast %scan3A_406 : i32 to index
          %swap3A_500 = arith.constant 192 : index
          %swap3A_501 = tpu.vector_load %arg21[%swap3A_499, %swap3A_500] {strides = array<i32>} : memref<32x256xf32, #tpu.memory_space<vmem>>, vector<16xf32>,
          tpu.vector_store %arg21[%swap3A_499, %swap3A_500], %mul3A_498 {strides = array<i32>} : memref<32x256xf32, #tpu.memory_space<vmem>>, vector<16xf32>,
          %get3A_502 = arith.index_cast %scan3A_406 : i32 to index
          %get3A_503 = arith.constant 208 : index
          %get3A_504 = tpu.vector_load %arg21[%get3A_502, %get3A_503] {strides = array<i32>} : memref<32x256xf32, #tpu.memory_space<vmem>>, vector<16xf32>,
          %mul3A_505 = arith.mulf %get3A_504, %gather3A : vector<16xf32>
          %swap3A_506 = arith.index_cast %scan3A_406 : i32 to index
          %swap3A_507 = arith.constant 208 : index
          %swap3A_508 = tpu.vector_load %arg21[%swap3A_506, %swap3A_507] {strides = array<i32>} : memref<32x256xf32, #tpu.memory_space<vmem>>, vector<16xf32>,
          tpu.vector_store %arg21[%swap3A_506, %swap3A_507], %mul3A_505 {strides = array<i32>} : memref<32x256xf32, #tpu.memory_space<vmem>>, vector<16xf32>,
          %get3A_509 = arith.index_cast %scan3A_406 : i32 to index
          %get3A_510 = arith.constant 224 : index
          %get3A_511 = tpu.vector_load %arg21[%get3A_509, %get3A_510] {strides = array<i32>} : memref<32x256xf32, #tpu.memory_space<vmem>>, vector<16xf32>,
          %mul3A_512 = arith.mulf %get3A_511, %gather3A : vector<16xf32>
          %swap3A_513 = arith.index_cast %scan3A_406 : i32 to index
          %swap3A_514 = arith.constant 224 : index
          %swap3A_515 = tpu.vector_load %arg21[%swap3A_513, %swap3A_514] {strides = array<i32>} : memref<32x256xf32, #tpu.memory_space<vmem>>, vector<16xf32>,
          tpu.vector_store %arg21[%swap3A_513, %swap3A_514], %mul3A_512 {strides = array<i32>} : memref<32x256xf32, #tpu.memory_space<vmem>>, vector<16xf32>,
          %get3A_516 = arith.index_cast %scan3A_406 : i32 to index
          %get3A_517 = arith.constant 240 : index
          %get3A_518 = tpu.vector_load %arg21[%get3A_516, %get3A_517] {strides = array<i32>} : memref<32x256xf32, #tpu.memory_space<vmem>>, vector<16xf32>,
          %mul3A_519 = arith.mulf %get3A_518, %gather3A : vector<16xf32>
          %swap3A_520 = arith.index_cast %scan3A_406 : i32 to index
          %swap3A_521 = arith.constant 240 : index
          %swap3A_522 = tpu.vector_load %arg21[%swap3A_520, %swap3A_521] {strides = array<i32>} : memref<32x256xf32, #tpu.memory_space<vmem>>, vector<16xf32>,
          tpu.vector_store %arg21[%swap3A_520, %swap3A_521], %mul3A_519 {strides = array<i32>} : memref<32x256xf32, #tpu.memory_space<vmem>>, vector<16xf32>,
          %scan3A_523 = arith.constant 0 : i32
          scf.yield %scan3A_523 : i32
        }
        %scan3A_401 = arith.constant 32 : i32
        %dma_start3A_402 = arith.constant 0 : i32
        %dma_start3A_403 = arith.constant 0 : i32
        %dma_start3A_404 = tpu.memref_slice %arg26[%dma_start3A_402, %dma_start3A_403] : memref<5008x256xf32, #tpu.memory_space<vmem_shared>> -> memref<5008x256xf32, #tpu.memory_space<vmem_shared>>
        tpu.enqueue_indirect_dma source(%arg21 : memref<32x256xf32, #tpu.memory_space<vmem>>) target(%dma_start3A_404 : memref<5008x256xf32, #tpu.memory_space<vmem_shared>>) offsets(%arg19 : memref<32xi32, #tpu.memory_space<vmem>>) semaphore(%arg31 : memref<!tpu.dma_semaphore, #tpu.memory_space<semaphore_mem>>) {add = true}
        %while3A_405 = arith.constant 0 : i32
        scf.yield %while3A_405 : i32
      }
      %gt3A_215 = arith.constant 0 : i32
      %gt3A_216 = arith.cmpi sgt, %shift_right_arithmetic3A_199, %gt3A_215 : i32
      %convert_element_type3A_217 = arith.extui %gt3A_216 : i1 to i32
      %cond3A_218 = arith.constant 0 : i32
      %cond3A_219 = arith.cmpi ne, %convert_element_type3A_217, %cond3A_218 : i32
      scf.if %cond3A_219 {
        %dma_wait3A_300 = arith.constant 0 : i32
        %dma_wait3A_301 = arith.constant 0 : i32
        %dma_wait3A_302 = tpu.memref_slice %arg2[%dma_wait3A_300, %dma_wait3A_301] : memref<10000x256xf32, #tpu.memory_space<hbm>> -> memref<32x256xf32, #tpu.memory_space<hbm>>
        %dma_wait3A_303 = arith.constant 0 : i32
        %dma_wait3A_304 = arith.constant 0 : i32
        %dma_wait3A_305 = tpu.memref_slice %arg2[%dma_wait3A_303, %dma_wait3A_304] : memref<10000x256xf32, #tpu.memory_space<hbm>> -> memref<32x256xf32, #tpu.memory_space<hbm>>
        tpu.wait_dma2 semaphore(%arg31 : memref<!tpu.dma_semaphore, #tpu.memory_space<semaphore_mem>>) src(%dma_wait3A_305 : memref<32x256xf32, #tpu.memory_space<hbm>>) dst(%arg21 : memref<32x256xf32, #tpu.memory_space<vmem>>)
      } else {
      }
      %dma_wait3A = arith.constant 0 : i32
      %dma_wait3A_220 = arith.constant 0 : i32
      %dma_wait3A_221 = arith.constant 0 : i32
      %dma_wait3A_222 = tpu.memref_slice %arg14[%dma_wait3A, %dma_wait3A_221] : memref<8x128xf32, #tpu.memory_space<vmem>> -> memref<1x128xf32, #tpu.memory_space<vmem>>
      %dma_wait3A_223 = tpu.memref_squeeze %dma_wait3A_222 : memref<1x128xf32, #tpu.memory_space<vmem>> -> memref<128xf32, #tpu.memory_space<vmem>>
      %dma_wait3A_224 = arith.constant 0 : i32
      %dma_wait3A_225 = tpu.memref_slice %arg15[%dma_wait3A_220, %dma_wait3A_224] : memref<8x128xi32, #tpu.memory_space<vmem>> -> memref<1x128xi32, #tpu.memory_space<vmem>>
      %dma_wait3A_226 = tpu.memref_squeeze %dma_wait3A_225 : memref<1x128xi32, #tpu.memory_space<vmem>> -> memref<128xi32, #tpu.memory_space<vmem>>
      %dma_wait3A_227 = arith.constant 0 : i32
      %dma_wait3A_228 = tpu.memref_slice %arg27[%dma_wait3A_227] : memref<6144xf32, #tpu.memory_space<vmem_shared>> -> memref<6144xf32, #tpu.memory_space<vmem_shared>>
      tpu.wait_indirect_dma semaphore(%arg32 : memref<!tpu.dma_semaphore, #tpu.memory_space<semaphore_mem>>) src(%dma_wait3A_223 : memref<128xf32, #tpu.memory_space<vmem>>) dst(%dma_wait3A_228 : memref<6144xf32, #tpu.memory_space<vmem_shared>>)
      %dma_wait3A_229 = arith.constant 1 : i32
      %dma_wait3A_230 = arith.constant 1 : i32
      %dma_wait3A_231 = arith.constant 0 : i32
      %dma_wait3A_232 = tpu.memref_slice %arg14[%dma_wait3A_229, %dma_wait3A_231] : memref<8x128xf32, #tpu.memory_space<vmem>> -> memref<1x128xf32, #tpu.memory_space<vmem>>
      %dma_wait3A_233 = tpu.memref_squeeze %dma_wait3A_232 : memref<1x128xf32, #tpu.memory_space<vmem>> -> memref<128xf32, #tpu.memory_space<vmem>>
      %dma_wait3A_234 = arith.constant 0 : i32
      %dma_wait3A_235 = tpu.memref_slice %arg15[%dma_wait3A_230, %dma_wait3A_234] : memref<8x128xi32, #tpu.memory_space<vmem>> -> memref<1x128xi32, #tpu.memory_space<vmem>>
      %dma_wait3A_236 = tpu.memref_squeeze %dma_wait3A_235 : memref<1x128xi32, #tpu.memory_space<vmem>> -> memref<128xi32, #tpu.memory_space<vmem>>
      %dma_wait3A_237 = arith.constant 0 : i32
      %dma_wait3A_238 = tpu.memref_slice %arg27[%dma_wait3A_237] : memref<6144xf32, #tpu.memory_space<vmem_shared>> -> memref<6144xf32, #tpu.memory_space<vmem_shared>>
      tpu.wait_indirect_dma semaphore(%arg32 : memref<!tpu.dma_semaphore, #tpu.memory_space<semaphore_mem>>) src(%dma_wait3A_233 : memref<128xf32, #tpu.memory_space<vmem>>) dst(%dma_wait3A_238 : memref<6144xf32, #tpu.memory_space<vmem_shared>>)
      %dma_wait3A_239 = arith.constant 2 : i32
      %dma_wait3A_240 = arith.constant 2 : i32
      %dma_wait3A_241 = arith.constant 0 : i32
      %dma_wait3A_242 = tpu.memref_slice %arg14[%dma_wait3A_239, %dma_wait3A_241] : memref<8x128xf32, #tpu.memory_space<vmem>> -> memref<1x128xf32, #tpu.memory_space<vmem>>
      %dma_wait3A_243 = tpu.memref_squeeze %dma_wait3A_242 : memref<1x128xf32, #tpu.memory_space<vmem>> -> memref<128xf32, #tpu.memory_space<vmem>>
      %dma_wait3A_244 = arith.constant 0 : i32
      %dma_wait3A_245 = tpu.memref_slice %arg15[%dma_wait3A_240, %dma_wait3A_244] : memref<8x128xi32, #tpu.memory_space<vmem>> -> memref<1x128xi32, #tpu.memory_space<vmem>>
      %dma_wait3A_246 = tpu.memref_squeeze %dma_wait3A_245 : memref<1x128xi32, #tpu.memory_space<vmem>> -> memref<128xi32, #tpu.memory_space<vmem>>
      %dma_wait3A_247 = arith.constant 0 : i32
      %dma_wait3A_248 = tpu.memref_slice %arg27[%dma_wait3A_247] : memref<6144xf32, #tpu.memory_space<vmem_shared>> -> memref<6144xf32, #tpu.memory_space<vmem_shared>>
      tpu.wait_indirect_dma semaphore(%arg32 : memref<!tpu.dma_semaphore, #tpu.memory_space<semaphore_mem>>) src(%dma_wait3A_243 : memref<128xf32, #tpu.memory_space<vmem>>) dst(%dma_wait3A_248 : memref<6144xf32, #tpu.memory_space<vmem_shared>>)
      %dma_wait3A_249 = arith.constant 3 : i32
      %dma_wait3A_250 = arith.constant 3 : i32
      %dma_wait3A_251 = arith.constant 0 : i32
      %dma_wait3A_252 = tpu.memref_slice %arg14[%dma_wait3A_249, %dma_wait3A_251] : memref<8x128xf32, #tpu.memory_space<vmem>> -> memref<1x128xf32, #tpu.memory_space<vmem>>
      %dma_wait3A_253 = tpu.memref_squeeze %dma_wait3A_252 : memref<1x128xf32, #tpu.memory_space<vmem>> -> memref<128xf32, #tpu.memory_space<vmem>>
      %dma_wait3A_254 = arith.constant 0 : i32
      %dma_wait3A_255 = tpu.memref_slice %arg15[%dma_wait3A_250, %dma_wait3A_254] : memref<8x128xi32, #tpu.memory_space<vmem>> -> memref<1x128xi32, #tpu.memory_space<vmem>>
      %dma_wait3A_256 = tpu.memref_squeeze %dma_wait3A_255 : memref<1x128xi32, #tpu.memory_space<vmem>> -> memref<128xi32, #tpu.memory_space<vmem>>
      %dma_wait3A_257 = arith.constant 0 : i32
      %dma_wait3A_258 = tpu.memref_slice %arg27[%dma_wait3A_257] : memref<6144xf32, #tpu.memory_space<vmem_shared>> -> memref<6144xf32, #tpu.memory_space<vmem_shared>>
      tpu.wait_indirect_dma semaphore(%arg32 : memref<!tpu.dma_semaphore, #tpu.memory_space<semaphore_mem>>) src(%dma_wait3A_253 : memref<128xf32, #tpu.memory_space<vmem>>) dst(%dma_wait3A_258 : memref<6144xf32, #tpu.memory_space<vmem_shared>>)
      %dma_wait3A_259 = arith.constant 4 : i32
      %dma_wait3A_260 = arith.constant 4 : i32
      %dma_wait3A_261 = arith.constant 0 : i32
      %dma_wait3A_262 = tpu.memref_slice %arg14[%dma_wait3A_259, %dma_wait3A_261] : memref<8x128xf32, #tpu.memory_space<vmem>> -> memref<1x128xf32, #tpu.memory_space<vmem>>
      %dma_wait3A_263 = tpu.memref_squeeze %dma_wait3A_262 : memref<1x128xf32, #tpu.memory_space<vmem>> -> memref<128xf32, #tpu.memory_space<vmem>>
      %dma_wait3A_264 = arith.constant 0 : i32
      %dma_wait3A_265 = tpu.memref_slice %arg15[%dma_wait3A_260, %dma_wait3A_264] : memref<8x128xi32, #tpu.memory_space<vmem>> -> memref<1x128xi32, #tpu.memory_space<vmem>>
      %dma_wait3A_266 = tpu.memref_squeeze %dma_wait3A_265 : memref<1x128xi32, #tpu.memory_space<vmem>> -> memref<128xi32, #tpu.memory_space<vmem>>
      %dma_wait3A_267 = arith.constant 0 : i32
      %dma_wait3A_268 = tpu.memref_slice %arg27[%dma_wait3A_267] : memref<6144xf32, #tpu.memory_space<vmem_shared>> -> memref<6144xf32, #tpu.memory_space<vmem_shared>>
      tpu.wait_indirect_dma semaphore(%arg32 : memref<!tpu.dma_semaphore, #tpu.memory_space<semaphore_mem>>) src(%dma_wait3A_263 : memref<128xf32, #tpu.memory_space<vmem>>) dst(%dma_wait3A_268 : memref<6144xf32, #tpu.memory_space<vmem_shared>>)
      %dma_wait3A_269 = arith.constant 5 : i32
      %dma_wait3A_270 = arith.constant 5 : i32
      %dma_wait3A_271 = arith.constant 0 : i32
      %dma_wait3A_272 = tpu.memref_slice %arg14[%dma_wait3A_269, %dma_wait3A_271] : memref<8x128xf32, #tpu.memory_space<vmem>> -> memref<1x128xf32, #tpu.memory_space<vmem>>
      %dma_wait3A_273 = tpu.memref_squeeze %dma_wait3A_272 : memref<1x128xf32, #tpu.memory_space<vmem>> -> memref<128xf32, #tpu.memory_space<vmem>>
      %dma_wait3A_274 = arith.constant 0 : i32
      %dma_wait3A_275 = tpu.memref_slice %arg15[%dma_wait3A_270, %dma_wait3A_274] : memref<8x128xi32, #tpu.memory_space<vmem>> -> memref<1x128xi32, #tpu.memory_space<vmem>>
      %dma_wait3A_276 = tpu.memref_squeeze %dma_wait3A_275 : memref<1x128xi32, #tpu.memory_space<vmem>> -> memref<128xi32, #tpu.memory_space<vmem>>
      %dma_wait3A_277 = arith.constant 0 : i32
      %dma_wait3A_278 = tpu.memref_slice %arg27[%dma_wait3A_277] : memref<6144xf32, #tpu.memory_space<vmem_shared>> -> memref<6144xf32, #tpu.memory_space<vmem_shared>>
      tpu.wait_indirect_dma semaphore(%arg32 : memref<!tpu.dma_semaphore, #tpu.memory_space<semaphore_mem>>) src(%dma_wait3A_273 : memref<128xf32, #tpu.memory_space<vmem>>) dst(%dma_wait3A_278 : memref<6144xf32, #tpu.memory_space<vmem_shared>>)
      %dma_wait3A_279 = arith.constant 6 : i32
      %dma_wait3A_280 = arith.constant 6 : i32
      %dma_wait3A_281 = arith.constant 0 : i32
      %dma_wait3A_282 = tpu.memref_slice %arg14[%dma_wait3A_279, %dma_wait3A_281] : memref<8x128xf32, #tpu.memory_space<vmem>> -> memref<1x128xf32, #tpu.memory_space<vmem>>
      %dma_wait3A_283 = tpu.memref_squeeze %dma_wait3A_282 : memref<1x128xf32, #tpu.memory_space<vmem>> -> memref<128xf32, #tpu.memory_space<vmem>>
      %dma_wait3A_284 = arith.constant 0 : i32
      %dma_wait3A_285 = tpu.memref_slice %arg15[%dma_wait3A_280, %dma_wait3A_284] : memref<8x128xi32, #tpu.memory_space<vmem>> -> memref<1x128xi32, #tpu.memory_space<vmem>>
      %dma_wait3A_286 = tpu.memref_squeeze %dma_wait3A_285 : memref<1x128xi32, #tpu.memory_space<vmem>> -> memref<128xi32, #tpu.memory_space<vmem>>
      %dma_wait3A_287 = arith.constant 0 : i32
      %dma_wait3A_288 = tpu.memref_slice %arg27[%dma_wait3A_287] : memref<6144xf32, #tpu.memory_space<vmem_shared>> -> memref<6144xf32, #tpu.memory_space<vmem_shared>>
      tpu.wait_indirect_dma semaphore(%arg32 : memref<!tpu.dma_semaphore, #tpu.memory_space<semaphore_mem>>) src(%dma_wait3A_283 : memref<128xf32, #tpu.memory_space<vmem>>) dst(%dma_wait3A_288 : memref<6144xf32, #tpu.memory_space<vmem_shared>>)
      %dma_wait3A_289 = arith.constant 7 : i32
      %dma_wait3A_290 = arith.constant 7 : i32
      %dma_wait3A_291 = arith.constant 0 : i32
      %dma_wait3A_292 = tpu.memref_slice %arg14[%dma_wait3A_289, %dma_wait3A_291] : memref<8x128xf32, #tpu.memory_space<vmem>> -> memref<1x128xf32, #tpu.memory_space<vmem>>
      %dma_wait3A_293 = tpu.memref_squeeze %dma_wait3A_292 : memref<1x128xf32, #tpu.memory_space<vmem>> -> memref<128xf32, #tpu.memory_space<vmem>>
      %dma_wait3A_294 = arith.constant 0 : i32
      %dma_wait3A_295 = tpu.memref_slice %arg15[%dma_wait3A_290, %dma_wait3A_294] : memref<8x128xi32, #tpu.memory_space<vmem>> -> memref<1x128xi32, #tpu.memory_space<vmem>>
      %dma_wait3A_296 = tpu.memref_squeeze %dma_wait3A_295 : memref<1x128xi32, #tpu.memory_space<vmem>> -> memref<128xi32, #tpu.memory_space<vmem>>
      %dma_wait3A_297 = arith.constant 0 : i32
      %dma_wait3A_298 = tpu.memref_slice %arg27[%dma_wait3A_297] : memref<6144xf32, #tpu.memory_space<vmem_shared>> -> memref<6144xf32, #tpu.memory_space<vmem_shared>>
      tpu.wait_indirect_dma semaphore(%arg32 : memref<!tpu.dma_semaphore, #tpu.memory_space<semaphore_mem>>) src(%dma_wait3A_293 : memref<128xf32, #tpu.memory_space<vmem>>) dst(%dma_wait3A_298 : memref<6144xf32, #tpu.memory_space<vmem_shared>>)
      %scan3A_299 = arith.constant 0 : i32
      scf.yield %scan3A_299 : i32
    }
    %scan3A_14 = arith.constant 10 : i32
    %barrier3A_15 = arith.constant 0 : index
    tpu.barrier barrier_id(%barrier3A_15)
    %mul3A_16 = arith.constant 24 : i32
    %mul3A_17 = arith.muli %arg1, %mul3A_16 : i32
    %mul3A_18 = arith.constant 16 : i32
    %mul3A_19 = arith.muli %mul3A_17, %mul3A_18 : i32
    "tpu.region"() ({
      %run_scoped3A_34 = tpu.sem_alloc : memref<!tpu.dma_semaphore, #tpu.memory_space<semaphore_mem>>
      %dma_start3A = tpu.memref_slice %arg27[%mul3A_19] : memref<6144xf32, #tpu.memory_space<vmem_shared>> -> memref<384xf32, #tpu.memory_space<vmem_shared>>
      %dma_start3A_35 = tpu.memref_slice %arg27[%mul3A_19] : memref<6144xf32, #tpu.memory_space<vmem_shared>> -> memref<384xf32, #tpu.memory_space<vmem_shared>>
      tpu.enqueue_dma source(%dma_start3A_35 : memref<384xf32, #tpu.memory_space<vmem_shared>>) target(%arg25 : memref<384xf32, #tpu.memory_space<vmem>>) target_semaphore(%run_scoped3A_34 : memref<!tpu.dma_semaphore, #tpu.memory_space<semaphore_mem>>)
      %dma_wait3A = tpu.memref_slice %arg27[%mul3A_19] : memref<6144xf32, #tpu.memory_space<vmem_shared>> -> memref<384xf32, #tpu.memory_space<vmem_shared>>
      %dma_wait3A_36 = tpu.memref_slice %arg27[%mul3A_19] : memref<6144xf32, #tpu.memory_space<vmem_shared>> -> memref<384xf32, #tpu.memory_space<vmem_shared>>
      tpu.wait_dma2 semaphore(%run_scoped3A_34 : memref<!tpu.dma_semaphore, #tpu.memory_space<semaphore_mem>>) src(%dma_wait3A_36 : memref<384xf32, #tpu.memory_space<vmem_shared>>) dst(%arg25 : memref<384xf32, #tpu.memory_space<vmem>>)
      tpu.yield
    }) : () -> ()
    %scan3A_20 = arith.constant 0 : i32
    %scan3A_21 = arith.constant 0 : i32
    %scan3A_22 = arith.constant 24 : i32
    %scan3A_23 = arith.addi %scan3A_21, %scan3A_22 : i32
    %scan3A_24 = arith.constant 1 : i32
    %scan3A_25 = scf.for %scan3A_34 = %scan3A_21 to %scan3A_23 step %scan3A_24 iter_args(%scan3A_35 = %scan3A_20) -> (i32)  : i32 {
      %mul3A_36 = arith.constant 16 : i32
      %mul3A_37 = arith.muli %scan3A_34, %mul3A_36 : i32
      %get3A = arith.index_cast %mul3A_37 : i32 to index
      %get3A_38 = tpu.vector_load %arg25[%get3A] {strides = array<i32>} : memref<384xf32, #tpu.memory_space<vmem>>, vector<16xf32>,
      %add3A = arith.constant 1.000000e-16 : f32
      %add3A_39 = vector.broadcast %add3A : f32 to vector<16xf32>
      %add3A_40 = arith.addf %get3A_38, %add3A_39 : vector<16xf32>
      %div3A = arith.constant 1.000000e+00 : f32
      %div3A_41 = vector.broadcast %div3A : f32 to vector<16xf32>
      %div3A_42 = arith.divf %div3A_41, %add3A_40 : vector<16xf32>
      %swap3A = arith.index_cast %mul3A_37 : i32 to index
      %swap3A_43 = tpu.vector_load %arg25[%swap3A] {strides = array<i32>} : memref<384xf32, #tpu.memory_space<vmem>>, vector<16xf32>,
      tpu.vector_store %arg25[%swap3A], %div3A_42 {strides = array<i32>} : memref<384xf32, #tpu.memory_space<vmem>>, vector<16xf32>,
      %scan3A_44 = arith.constant 0 : i32
      scf.yield %scan3A_44 : i32
    }
    %scan3A_26 = arith.constant 24 : i32
    %scan3A_27 = arith.constant 0 : i32
    %scan3A_28 = arith.constant 0 : i32
    %scan3A_29 = arith.constant 24 : i32
    %scan3A_30 = arith.addi %scan3A_28, %scan3A_29 : i32
    %scan3A_31 = arith.constant 1 : i32
    %scan3A_32 = scf.for %scan3A_34 = %scan3A_28 to %scan3A_30 step %scan3A_31 iter_args(%scan3A_35 = %scan3A_27) -> (i32)  : i32 {
      %add3A = arith.addi %mul3A_17, %scan3A_34 : i32
      %lt3A = arith.constant 313 : i32
      %lt3A_36 = arith.cmpi slt, %add3A, %lt3A : i32
      %convert_element_type3A = arith.extui %lt3A_36 : i1 to i32
      %cond3A = arith.constant 0 : i32
      %cond3A_37 = arith.cmpi ne, %convert_element_type3A, %cond3A : i32
      scf.if %cond3A_37 {
        %mul3A_39 = arith.constant 16 : i32
        %mul3A_40 = arith.muli %add3A, %mul3A_39 : i32
        "tpu.region"() ({
          %run_scoped3A_59 = tpu.sem_alloc : memref<!tpu.dma_semaphore, #tpu.memory_space<semaphore_mem>>
          %dma_start3A = arith.constant 0 : i32
          %dma_start3A_60 = tpu.memref_slice %arg26[%mul3A_40, %dma_start3A] : memref<5008x256xf32, #tpu.memory_space<vmem_shared>> -> memref<16x256xf32, #tpu.memory_space<vmem_shared>>
          %dma_start3A_61 = arith.constant 0 : i32
          %dma_start3A_62 = tpu.memref_slice %arg26[%mul3A_40, %dma_start3A_61] : memref<5008x256xf32, #tpu.memory_space<vmem_shared>> -> memref<16x256xf32, #tpu.memory_space<vmem_shared>>
          tpu.enqueue_dma source(%dma_start3A_62 : memref<16x256xf32, #tpu.memory_space<vmem_shared>>) target(%arg24 : memref<16x256xf32, #tpu.memory_space<vmem>>) target_semaphore(%run_scoped3A_59 : memref<!tpu.dma_semaphore, #tpu.memory_space<semaphore_mem>>)
          %dma_wait3A = arith.constant 0 : i32
          %dma_wait3A_63 = tpu.memref_slice %arg26[%mul3A_40, %dma_wait3A] : memref<5008x256xf32, #tpu.memory_space<vmem_shared>> -> memref<16x256xf32, #tpu.memory_space<vmem_shared>>
          %dma_wait3A_64 = arith.constant 0 : i32
          %dma_wait3A_65 = tpu.memref_slice %arg26[%mul3A_40, %dma_wait3A_64] : memref<5008x256xf32, #tpu.memory_space<vmem_shared>> -> memref<16x256xf32, #tpu.memory_space<vmem_shared>>
          tpu.wait_dma2 semaphore(%run_scoped3A_59 : memref<!tpu.dma_semaphore, #tpu.memory_space<semaphore_mem>>) src(%dma_wait3A_65 : memref<16x256xf32, #tpu.memory_space<vmem_shared>>) dst(%arg24 : memref<16x256xf32, #tpu.memory_space<vmem>>)
          tpu.yield
        }) : () -> ()
        %mul3A_41 = arith.constant 16 : i32
        %mul3A_42 = arith.muli %scan3A_34, %mul3A_41 : i32
        %scan3A_43 = arith.constant 0 : i32
        %scan3A_44 = arith.constant 0 : i32
        %scan3A_45 = arith.constant 16 : i32
        %scan3A_46 = arith.addi %scan3A_44, %scan3A_45 : i32
        %scan3A_47 = arith.constant 1 : i32
        %scan3A_48 = scf.for %scan3A_59 = %scan3A_44 to %scan3A_46 step %scan3A_47 iter_args(%scan3A_60 = %scan3A_43) -> (i32)  : i32 {
          %add3A_61 = arith.addi %mul3A_42, %scan3A_59 : i32
          %broadcast_in_dim3A = vector.broadcast %add3A_61 : i32 to vector<16xi32>
          %gather3A = tpu.vector_load_idx %arg25[%broadcast_in_dim3A] : memref<384xf32, #tpu.memory_space<vmem>>[vector<16xi32>], vector<16xf32>,
          %get3A = arith.index_cast %scan3A_59 : i32 to index
          %get3A_62 = arith.constant 0 : index
          %get3A_63 = tpu.vector_load %arg24[%get3A, %get3A_62] {strides = array<i32>} : memref<16x256xf32, #tpu.memory_space<vmem>>, vector<16xf32>,
          %mul3A_64 = arith.mulf %get3A_63, %gather3A : vector<16xf32>
          %swap3A = arith.index_cast %scan3A_59 : i32 to index
          %swap3A_65 = arith.constant 0 : index
          %swap3A_66 = tpu.vector_load %arg24[%swap3A, %swap3A_65] {strides = array<i32>} : memref<16x256xf32, #tpu.memory_space<vmem>>, vector<16xf32>,
          tpu.vector_store %arg24[%swap3A, %swap3A_65], %mul3A_64 {strides = array<i32>} : memref<16x256xf32, #tpu.memory_space<vmem>>, vector<16xf32>,
          %get3A_67 = arith.index_cast %scan3A_59 : i32 to index
          %get3A_68 = arith.constant 16 : index
          %get3A_69 = tpu.vector_load %arg24[%get3A_67, %get3A_68] {strides = array<i32>} : memref<16x256xf32, #tpu.memory_space<vmem>>, vector<16xf32>,
          %mul3A_70 = arith.mulf %get3A_69, %gather3A : vector<16xf32>
          %swap3A_71 = arith.index_cast %scan3A_59 : i32 to index
          %swap3A_72 = arith.constant 16 : index
          %swap3A_73 = tpu.vector_load %arg24[%swap3A_71, %swap3A_72] {strides = array<i32>} : memref<16x256xf32, #tpu.memory_space<vmem>>, vector<16xf32>,
          tpu.vector_store %arg24[%swap3A_71, %swap3A_72], %mul3A_70 {strides = array<i32>} : memref<16x256xf32, #tpu.memory_space<vmem>>, vector<16xf32>,
          %get3A_74 = arith.index_cast %scan3A_59 : i32 to index
          %get3A_75 = arith.constant 32 : index
          %get3A_76 = tpu.vector_load %arg24[%get3A_74, %get3A_75] {strides = array<i32>} : memref<16x256xf32, #tpu.memory_space<vmem>>, vector<16xf32>,
          %mul3A_77 = arith.mulf %get3A_76, %gather3A : vector<16xf32>
          %swap3A_78 = arith.index_cast %scan3A_59 : i32 to index
          %swap3A_79 = arith.constant 32 : index
          %swap3A_80 = tpu.vector_load %arg24[%swap3A_78, %swap3A_79] {strides = array<i32>} : memref<16x256xf32, #tpu.memory_space<vmem>>, vector<16xf32>,
          tpu.vector_store %arg24[%swap3A_78, %swap3A_79], %mul3A_77 {strides = array<i32>} : memref<16x256xf32, #tpu.memory_space<vmem>>, vector<16xf32>,
          %get3A_81 = arith.index_cast %scan3A_59 : i32 to index
          %get3A_82 = arith.constant 48 : index
          %get3A_83 = tpu.vector_load %arg24[%get3A_81, %get3A_82] {strides = array<i32>} : memref<16x256xf32, #tpu.memory_space<vmem>>, vector<16xf32>,
          %mul3A_84 = arith.mulf %get3A_83, %gather3A : vector<16xf32>
          %swap3A_85 = arith.index_cast %scan3A_59 : i32 to index
          %swap3A_86 = arith.constant 48 : index
          %swap3A_87 = tpu.vector_load %arg24[%swap3A_85, %swap3A_86] {strides = array<i32>} : memref<16x256xf32, #tpu.memory_space<vmem>>, vector<16xf32>,
          tpu.vector_store %arg24[%swap3A_85, %swap3A_86], %mul3A_84 {strides = array<i32>} : memref<16x256xf32, #tpu.memory_space<vmem>>, vector<16xf32>,
          %get3A_88 = arith.index_cast %scan3A_59 : i32 to index
          %get3A_89 = arith.constant 64 : index
          %get3A_90 = tpu.vector_load %arg24[%get3A_88, %get3A_89] {strides = array<i32>} : memref<16x256xf32, #tpu.memory_space<vmem>>, vector<16xf32>,
          %mul3A_91 = arith.mulf %get3A_90, %gather3A : vector<16xf32>
          %swap3A_92 = arith.index_cast %scan3A_59 : i32 to index
          %swap3A_93 = arith.constant 64 : index
          %swap3A_94 = tpu.vector_load %arg24[%swap3A_92, %swap3A_93] {strides = array<i32>} : memref<16x256xf32, #tpu.memory_space<vmem>>, vector<16xf32>,
          tpu.vector_store %arg24[%swap3A_92, %swap3A_93], %mul3A_91 {strides = array<i32>} : memref<16x256xf32, #tpu.memory_space<vmem>>, vector<16xf32>,
          %get3A_95 = arith.index_cast %scan3A_59 : i32 to index
          %get3A_96 = arith.constant 80 : index
          %get3A_97 = tpu.vector_load %arg24[%get3A_95, %get3A_96] {strides = array<i32>} : memref<16x256xf32, #tpu.memory_space<vmem>>, vector<16xf32>,
          %mul3A_98 = arith.mulf %get3A_97, %gather3A : vector<16xf32>
          %swap3A_99 = arith.index_cast %scan3A_59 : i32 to index
          %swap3A_100 = arith.constant 80 : index
          %swap3A_101 = tpu.vector_load %arg24[%swap3A_99, %swap3A_100] {strides = array<i32>} : memref<16x256xf32, #tpu.memory_space<vmem>>, vector<16xf32>,
          tpu.vector_store %arg24[%swap3A_99, %swap3A_100], %mul3A_98 {strides = array<i32>} : memref<16x256xf32, #tpu.memory_space<vmem>>, vector<16xf32>,
          %get3A_102 = arith.index_cast %scan3A_59 : i32 to index
          %get3A_103 = arith.constant 96 : index
          %get3A_104 = tpu.vector_load %arg24[%get3A_102, %get3A_103] {strides = array<i32>} : memref<16x256xf32, #tpu.memory_space<vmem>>, vector<16xf32>,
          %mul3A_105 = arith.mulf %get3A_104, %gather3A : vector<16xf32>
          %swap3A_106 = arith.index_cast %scan3A_59 : i32 to index
          %swap3A_107 = arith.constant 96 : index
          %swap3A_108 = tpu.vector_load %arg24[%swap3A_106, %swap3A_107] {strides = array<i32>} : memref<16x256xf32, #tpu.memory_space<vmem>>, vector<16xf32>,
          tpu.vector_store %arg24[%swap3A_106, %swap3A_107], %mul3A_105 {strides = array<i32>} : memref<16x256xf32, #tpu.memory_space<vmem>>, vector<16xf32>,
          %get3A_109 = arith.index_cast %scan3A_59 : i32 to index
          %get3A_110 = arith.constant 112 : index
          %get3A_111 = tpu.vector_load %arg24[%get3A_109, %get3A_110] {strides = array<i32>} : memref<16x256xf32, #tpu.memory_space<vmem>>, vector<16xf32>,
          %mul3A_112 = arith.mulf %get3A_111, %gather3A : vector<16xf32>
          %swap3A_113 = arith.index_cast %scan3A_59 : i32 to index
          %swap3A_114 = arith.constant 112 : index
          %swap3A_115 = tpu.vector_load %arg24[%swap3A_113, %swap3A_114] {strides = array<i32>} : memref<16x256xf32, #tpu.memory_space<vmem>>, vector<16xf32>,
          tpu.vector_store %arg24[%swap3A_113, %swap3A_114], %mul3A_112 {strides = array<i32>} : memref<16x256xf32, #tpu.memory_space<vmem>>, vector<16xf32>,
          %get3A_116 = arith.index_cast %scan3A_59 : i32 to index
          %get3A_117 = arith.constant 128 : index
          %get3A_118 = tpu.vector_load %arg24[%get3A_116, %get3A_117] {strides = array<i32>} : memref<16x256xf32, #tpu.memory_space<vmem>>, vector<16xf32>,
          %mul3A_119 = arith.mulf %get3A_118, %gather3A : vector<16xf32>
          %swap3A_120 = arith.index_cast %scan3A_59 : i32 to index
          %swap3A_121 = arith.constant 128 : index
          %swap3A_122 = tpu.vector_load %arg24[%swap3A_120, %swap3A_121] {strides = array<i32>} : memref<16x256xf32, #tpu.memory_space<vmem>>, vector<16xf32>,
          tpu.vector_store %arg24[%swap3A_120, %swap3A_121], %mul3A_119 {strides = array<i32>} : memref<16x256xf32, #tpu.memory_space<vmem>>, vector<16xf32>,
          %get3A_123 = arith.index_cast %scan3A_59 : i32 to index
          %get3A_124 = arith.constant 144 : index
          %get3A_125 = tpu.vector_load %arg24[%get3A_123, %get3A_124] {strides = array<i32>} : memref<16x256xf32, #tpu.memory_space<vmem>>, vector<16xf32>,
          %mul3A_126 = arith.mulf %get3A_125, %gather3A : vector<16xf32>
          %swap3A_127 = arith.index_cast %scan3A_59 : i32 to index
          %swap3A_128 = arith.constant 144 : index
          %swap3A_129 = tpu.vector_load %arg24[%swap3A_127, %swap3A_128] {strides = array<i32>} : memref<16x256xf32, #tpu.memory_space<vmem>>, vector<16xf32>,
          tpu.vector_store %arg24[%swap3A_127, %swap3A_128], %mul3A_126 {strides = array<i32>} : memref<16x256xf32, #tpu.memory_space<vmem>>, vector<16xf32>,
          %get3A_130 = arith.index_cast %scan3A_59 : i32 to index
          %get3A_131 = arith.constant 160 : index
          %get3A_132 = tpu.vector_load %arg24[%get3A_130, %get3A_131] {strides = array<i32>} : memref<16x256xf32, #tpu.memory_space<vmem>>, vector<16xf32>,
          %mul3A_133 = arith.mulf %get3A_132, %gather3A : vector<16xf32>
          %swap3A_134 = arith.index_cast %scan3A_59 : i32 to index
          %swap3A_135 = arith.constant 160 : index
          %swap3A_136 = tpu.vector_load %arg24[%swap3A_134, %swap3A_135] {strides = array<i32>} : memref<16x256xf32, #tpu.memory_space<vmem>>, vector<16xf32>,
          tpu.vector_store %arg24[%swap3A_134, %swap3A_135], %mul3A_133 {strides = array<i32>} : memref<16x256xf32, #tpu.memory_space<vmem>>, vector<16xf32>,
          %get3A_137 = arith.index_cast %scan3A_59 : i32 to index
          %get3A_138 = arith.constant 176 : index
          %get3A_139 = tpu.vector_load %arg24[%get3A_137, %get3A_138] {strides = array<i32>} : memref<16x256xf32, #tpu.memory_space<vmem>>, vector<16xf32>,
          %mul3A_140 = arith.mulf %get3A_139, %gather3A : vector<16xf32>
          %swap3A_141 = arith.index_cast %scan3A_59 : i32 to index
          %swap3A_142 = arith.constant 176 : index
          %swap3A_143 = tpu.vector_load %arg24[%swap3A_141, %swap3A_142] {strides = array<i32>} : memref<16x256xf32, #tpu.memory_space<vmem>>, vector<16xf32>,
          tpu.vector_store %arg24[%swap3A_141, %swap3A_142], %mul3A_140 {strides = array<i32>} : memref<16x256xf32, #tpu.memory_space<vmem>>, vector<16xf32>,
          %get3A_144 = arith.index_cast %scan3A_59 : i32 to index
          %get3A_145 = arith.constant 192 : index
          %get3A_146 = tpu.vector_load %arg24[%get3A_144, %get3A_145] {strides = array<i32>} : memref<16x256xf32, #tpu.memory_space<vmem>>, vector<16xf32>,
          %mul3A_147 = arith.mulf %get3A_146, %gather3A : vector<16xf32>
          %swap3A_148 = arith.index_cast %scan3A_59 : i32 to index
          %swap3A_149 = arith.constant 192 : index
          %swap3A_150 = tpu.vector_load %arg24[%swap3A_148, %swap3A_149] {strides = array<i32>} : memref<16x256xf32, #tpu.memory_space<vmem>>, vector<16xf32>,
          tpu.vector_store %arg24[%swap3A_148, %swap3A_149], %mul3A_147 {strides = array<i32>} : memref<16x256xf32, #tpu.memory_space<vmem>>, vector<16xf32>,
          %get3A_151 = arith.index_cast %scan3A_59 : i32 to index
          %get3A_152 = arith.constant 208 : index
          %get3A_153 = tpu.vector_load %arg24[%get3A_151, %get3A_152] {strides = array<i32>} : memref<16x256xf32, #tpu.memory_space<vmem>>, vector<16xf32>,
          %mul3A_154 = arith.mulf %get3A_153, %gather3A : vector<16xf32>
          %swap3A_155 = arith.index_cast %scan3A_59 : i32 to index
          %swap3A_156 = arith.constant 208 : index
          %swap3A_157 = tpu.vector_load %arg24[%swap3A_155, %swap3A_156] {strides = array<i32>} : memref<16x256xf32, #tpu.memory_space<vmem>>, vector<16xf32>,
          tpu.vector_store %arg24[%swap3A_155, %swap3A_156], %mul3A_154 {strides = array<i32>} : memref<16x256xf32, #tpu.memory_space<vmem>>, vector<16xf32>,
          %get3A_158 = arith.index_cast %scan3A_59 : i32 to index
          %get3A_159 = arith.constant 224 : index
          %get3A_160 = tpu.vector_load %arg24[%get3A_158, %get3A_159] {strides = array<i32>} : memref<16x256xf32, #tpu.memory_space<vmem>>, vector<16xf32>,
          %mul3A_161 = arith.mulf %get3A_160, %gather3A : vector<16xf32>
          %swap3A_162 = arith.index_cast %scan3A_59 : i32 to index
          %swap3A_163 = arith.constant 224 : index
          %swap3A_164 = tpu.vector_load %arg24[%swap3A_162, %swap3A_163] {strides = array<i32>} : memref<16x256xf32, #tpu.memory_space<vmem>>, vector<16xf32>,
          tpu.vector_store %arg24[%swap3A_162, %swap3A_163], %mul3A_161 {strides = array<i32>} : memref<16x256xf32, #tpu.memory_space<vmem>>, vector<16xf32>,
          %get3A_165 = arith.index_cast %scan3A_59 : i32 to index
          %get3A_166 = arith.constant 240 : index
          %get3A_167 = tpu.vector_load %arg24[%get3A_165, %get3A_166] {strides = array<i32>} : memref<16x256xf32, #tpu.memory_space<vmem>>, vector<16xf32>,
          %mul3A_168 = arith.mulf %get3A_167, %gather3A : vector<16xf32>
          %swap3A_169 = arith.index_cast %scan3A_59 : i32 to index
          %swap3A_170 = arith.constant 240 : index
          %swap3A_171 = tpu.vector_load %arg24[%swap3A_169, %swap3A_170] {strides = array<i32>} : memref<16x256xf32, #tpu.memory_space<vmem>>, vector<16xf32>,
          tpu.vector_store %arg24[%swap3A_169, %swap3A_170], %mul3A_168 {strides = array<i32>} : memref<16x256xf32, #tpu.memory_space<vmem>>, vector<16xf32>,
          %scan3A_172 = arith.constant 0 : i32
          scf.yield %scan3A_172 : i32
        }
        %scan3A_49 = arith.constant 16 : i32
        %lt3A_50 = arith.constant 312 : i32
        %lt3A_51 = arith.cmpi slt, %add3A, %lt3A_50 : i32
        %convert_element_type3A_52 = arith.extui %lt3A_51 : i1 to i32
        %cond3A_53 = arith.constant 0 : i32
        %cond3A_54 = arith.cmpi ne, %convert_element_type3A_52, %cond3A_53 : i32
        scf.if %cond3A_54 {
          %add3A_59 = arith.addi %mul3A_0, %mul3A_40 : i32
          "tpu.region"() ({
            %run_scoped3A_60 = tpu.sem_alloc : memref<!tpu.dma_semaphore, #tpu.memory_space<semaphore_mem>>
            %dma_start3A = arith.constant 0 : i32
            %dma_start3A_61 = tpu.memref_slice %arg6[%add3A_59, %dma_start3A] : memref<10000x256xf32, #tpu.memory_space<hbm>> -> memref<16x256xf32, #tpu.memory_space<hbm>>
            %dma_start3A_62 = arith.constant 0 : i32
            %dma_start3A_63 = tpu.memref_slice %arg6[%add3A_59, %dma_start3A_62] : memref<10000x256xf32, #tpu.memory_space<hbm>> -> memref<16x256xf32, #tpu.memory_space<hbm>>
            tpu.enqueue_dma source(%arg24 : memref<16x256xf32, #tpu.memory_space<vmem>>) target(%dma_start3A_63 : memref<16x256xf32, #tpu.memory_space<hbm>>) target_semaphore(%run_scoped3A_60 : memref<!tpu.dma_semaphore, #tpu.memory_space<semaphore_mem>>)
            %dma_wait3A = arith.constant 0 : i32
            %dma_wait3A_64 = tpu.memref_slice %arg6[%add3A_59, %dma_wait3A] : memref<10000x256xf32, #tpu.memory_space<hbm>> -> memref<16x256xf32, #tpu.memory_space<hbm>>
            %dma_wait3A_65 = arith.constant 0 : i32
            %dma_wait3A_66 = tpu.memref_slice %arg6[%add3A_59, %dma_wait3A_65] : memref<10000x256xf32, #tpu.memory_space<hbm>> -> memref<16x256xf32, #tpu.memory_space<hbm>>
            tpu.wait_dma2 semaphore(%run_scoped3A_60 : memref<!tpu.dma_semaphore, #tpu.memory_space<semaphore_mem>>) src(%arg24 : memref<16x256xf32, #tpu.memory_space<vmem>>) dst(%dma_wait3A_66 : memref<16x256xf32, #tpu.memory_space<hbm>>)
            tpu.yield
          }) : () -> ()
        } else {
        }
        %eq3A = arith.constant 312 : i32
        %eq3A_55 = arith.cmpi eq, %add3A, %eq3A : i32
        %convert_element_type3A_56 = arith.extui %eq3A_55 : i1 to i32
        %cond3A_57 = arith.constant 0 : i32
        %cond3A_58 = arith.cmpi ne, %convert_element_type3A_56, %cond3A_57 : i32
        scf.if %cond3A_58 {
          %add3A_59 = arith.addi %mul3A_0, %mul3A_40 : i32
          "tpu.region"() ({
            %run_scoped3A_60 = tpu.sem_alloc : memref<!tpu.dma_semaphore, #tpu.memory_space<semaphore_mem>>
            %dma_start3A = arith.constant 0 : i32
            %dma_start3A_61 = arith.constant 0 : i32
            %dma_start3A_62 = tpu.memref_slice %arg24[%dma_start3A, %dma_start3A_61] : memref<16x256xf32, #tpu.memory_space<vmem>> -> memref<8x256xf32, #tpu.memory_space<vmem>>
            %dma_start3A_63 = arith.constant 0 : i32
            %dma_start3A_64 = tpu.memref_slice %arg6[%add3A_59, %dma_start3A_63] : memref<10000x256xf32, #tpu.memory_space<hbm>> -> memref<8x256xf32, #tpu.memory_space<hbm>>
            %dma_start3A_65 = arith.constant 0 : i32
            %dma_start3A_66 = tpu.memref_slice %arg6[%add3A_59, %dma_start3A_65] : memref<10000x256xf32, #tpu.memory_space<hbm>> -> memref<8x256xf32, #tpu.memory_space<hbm>>
            %dma_start3A_67 = arith.constant 0 : i32
            %dma_start3A_68 = arith.constant 0 : i32
            %dma_start3A_69 = tpu.memref_slice %arg24[%dma_start3A_67, %dma_start3A_68] : memref<16x256xf32, #tpu.memory_space<vmem>> -> memref<8x256xf32, #tpu.memory_space<vmem>>
            tpu.enqueue_dma source(%dma_start3A_69 : memref<8x256xf32, #tpu.memory_space<vmem>>) target(%dma_start3A_66 : memref<8x256xf32, #tpu.memory_space<hbm>>) target_semaphore(%run_scoped3A_60 : memref<!tpu.dma_semaphore, #tpu.memory_space<semaphore_mem>>)
            %dma_wait3A = arith.constant 0 : i32
            %dma_wait3A_70 = arith.constant 0 : i32
            %dma_wait3A_71 = tpu.memref_slice %arg24[%dma_wait3A, %dma_wait3A_70] : memref<16x256xf32, #tpu.memory_space<vmem>> -> memref<8x256xf32, #tpu.memory_space<vmem>>
            %dma_wait3A_72 = arith.constant 0 : i32
            %dma_wait3A_73 = tpu.memref_slice %arg6[%add3A_59, %dma_wait3A_72] : memref<10000x256xf32, #tpu.memory_space<hbm>> -> memref<8x256xf32, #tpu.memory_space<hbm>>
            %dma_wait3A_74 = arith.constant 0 : i32
            %dma_wait3A_75 = tpu.memref_slice %arg6[%add3A_59, %dma_wait3A_74] : memref<10000x256xf32, #tpu.memory_space<hbm>> -> memref<8x256xf32, #tpu.memory_space<hbm>>
            %dma_wait3A_76 = arith.constant 0 : i32
            %dma_wait3A_77 = arith.constant 0 : i32
            %dma_wait3A_78 = tpu.memref_slice %arg24[%dma_wait3A_76, %dma_wait3A_77] : memref<16x256xf32, #tpu.memory_space<vmem>> -> memref<8x256xf32, #tpu.memory_space<vmem>>
            tpu.wait_dma2 semaphore(%run_scoped3A_60 : memref<!tpu.dma_semaphore, #tpu.memory_space<semaphore_mem>>) src(%dma_wait3A_78 : memref<8x256xf32, #tpu.memory_space<vmem>>) dst(%dma_wait3A_75 : memref<8x256xf32, #tpu.memory_space<hbm>>)
            tpu.yield
          }) : () -> ()
        } else {
        }
      } else {
      }
      %scan3A_38 = arith.constant 0 : i32
      scf.yield %scan3A_38 : i32
    }
    %scan3A_33 = arith.constant 24 : i32
    return
  }
}

#map = affine_map<(d0, d1) -> (0, 0)>
#map1 = affine_map<(d0, d1) -> (0)>
module attributes {stable_mosaic.version = 14 : i64} {
  func.func @k(%arg0: i32, %arg1: i32, %arg2: memref<10000x256xf32, #tpu.memory_space<hbm>>, %arg3: memref<8x10000xf32, #tpu.memory_space<hbm>>, %arg4: memref<163840xi32, #tpu.memory_space<hbm>>, %arg5: memref<163840xi32, #tpu.memory_space<hbm>>, %arg6: memref<10000x256xf32, #tpu.memory_space<hbm>>, %arg7: memref<10016xf32, #tpu.memory_space<vmem>>, %arg8: memref<10016xf32, #tpu.memory_space<vmem>>, %arg9: memref<1024xi32, #tpu.memory_space<vmem>>, %arg10: memref<1024xi32, #tpu.memory_space<vmem>>, %arg11: memref<1104xi32, #tpu.memory_space<vmem>>, %arg12: memref<1104xi32, #tpu.memory_space<vmem>>, %arg13: memref<1104xf32, #tpu.memory_space<vmem>>, %arg14: memref<8x128xf32, #tpu.memory_space<vmem>>, %arg15: memref<8x128xi32, #tpu.memory_space<vmem>>, %arg16: memref<32xf32, #tpu.memory_space<vmem>>, %arg17: memref<32xf32, #tpu.memory_space<vmem>>, %arg18: memref<32xi32, #tpu.memory_space<vmem>>, %arg19: memref<32xi32, #tpu.memory_space<vmem>>, %arg20: memref<32x256xf32, #tpu.memory_space<vmem>>, %arg21: memref<32x256xf32, #tpu.memory_space<vmem>>, %arg22: memref<16xf32, #tpu.memory_space<vmem>>, %arg23: memref<16xi32, #tpu.memory_space<vmem>>, %arg24: memref<16x256xf32, #tpu.memory_space<vmem>>, %arg25: memref<384xf32, #tpu.memory_space<vmem>>, %arg26: memref<5008x256xf32, #tpu.memory_space<vmem_shared>>, %arg27: memref<6144xf32, #tpu.memory_space<vmem_shared>>, %arg28: memref<!tpu.dma_semaphore, #tpu.memory_space<semaphore_mem>>, %arg29: memref<!tpu.dma_semaphore, #tpu.memory_space<semaphore_mem>>, %arg30: memref<!tpu.dma_semaphore, #tpu.memory_space<semaphore_mem>>, %arg31: memref<!tpu.dma_semaphore, #tpu.memory_space<semaphore_mem>>, %arg32: memref<!tpu.dma_semaphore, #tpu.memory_space<semaphore_mem>>) attributes {dimension_semantics = [#tpu.dimension_semantics<core_parallel>, #tpu.dimension_semantics<subcore_parallel>], iteration_bounds = array<i64: 2, 16>, scalar_prefetch = 0 : i64, scratch_operands = 26 : i64, tpu.core_type = #tpu.core_type<sc_vector_subcore>, window_params = [{transform_indices = #map}, {transform_indices = #map}, {transform_indices = #map1}, {transform_indices = #map1}, {transform_indices = #map}]} {
    %mul3A = arith.constant 5000 : i32
    %mul3A_0 = arith.muli %arg0, %mul3A : i32
    %iota3A = tpu.iota {dimensions = array<i32: 0>} : vector<16xi32>
    %run_scoped3A = arith.constant 0 : i32
    "tpu.region"() ({
      %run_scoped3A_34 = tpu.sem_alloc : memref<!tpu.dma_semaphore, #tpu.memory_space<semaphore_mem>>
      %dma_start3A = arith.constant 0 : i32
      %dma_start3A_35 = tpu.memref_slice %arg7[%dma_start3A] : memref<10016xf32, #tpu.memory_space<vmem>> -> memref<10000xf32, #tpu.memory_space<vmem>>
      %dma_start3A_36 = arith.constant 0 : i32
      %dma_start3A_37 = tpu.memref_slice %arg3[%run_scoped3A, %dma_start3A_36] : memref<8x10000xf32, #tpu.memory_space<hbm>> -> memref<1x10000xf32, #tpu.memory_space<hbm>>
      %dma_start3A_38 = tpu.memref_squeeze %dma_start3A_37 : memref<1x10000xf32, #tpu.memory_space<hbm>> -> memref<10000xf32, #tpu.memory_space<hbm>>
      %dma_start3A_39 = arith.constant 0 : i32
      %dma_start3A_40 = tpu.memref_slice %arg7[%dma_start3A_39] : memref<10016xf32, #tpu.memory_space<vmem>> -> memref<10000xf32, #tpu.memory_space<vmem>>
      %dma_start3A_41 = arith.constant 0 : i32
      %dma_start3A_42 = tpu.memref_slice %arg3[%run_scoped3A, %dma_start3A_41] : memref<8x10000xf32, #tpu.memory_space<hbm>> -> memref<1x10000xf32, #tpu.memory_space<hbm>>
      %dma_start3A_43 = tpu.memref_squeeze %dma_start3A_42 : memref<1x10000xf32, #tpu.memory_space<hbm>> -> memref<10000xf32, #tpu.memory_space<hbm>>
      tpu.enqueue_dma source(%dma_start3A_43 : memref<10000xf32, #tpu.memory_space<hbm>>) target(%dma_start3A_40 : memref<10000xf32, #tpu.memory_space<vmem>>) target_semaphore(%run_scoped3A_34 : memref<!tpu.dma_semaphore, #tpu.memory_space<semaphore_mem>>)
      %dma_wait3A = arith.constant 0 : i32
      %dma_wait3A_44 = tpu.memref_slice %arg7[%dma_wait3A] : memref<10016xf32, #tpu.memory_space<vmem>> -> memref<10000xf32, #tpu.memory_space<vmem>>
      %dma_wait3A_45 = arith.constant 0 : i32
      %dma_wait3A_46 = tpu.memref_slice %arg3[%run_scoped3A, %dma_wait3A_45] : memref<8x10000xf32, #tpu.memory_space<hbm>> -> memref<1x10000xf32, #tpu.memory_space<hbm>>
      %dma_wait3A_47 = tpu.memref_squeeze %dma_wait3A_46 : memref<1x10000xf32, #tpu.memory_space<hbm>> -> memref<10000xf32, #tpu.memory_space<hbm>>
      %dma_wait3A_48 = arith.constant 0 : i32
      %dma_wait3A_49 = tpu.memref_slice %arg7[%dma_wait3A_48] : memref<10016xf32, #tpu.memory_space<vmem>> -> memref<10000xf32, #tpu.memory_space<vmem>>
      %dma_wait3A_50 = arith.constant 0 : i32
      %dma_wait3A_51 = tpu.memref_slice %arg3[%run_scoped3A, %dma_wait3A_50] : memref<8x10000xf32, #tpu.memory_space<hbm>> -> memref<1x10000xf32, #tpu.memory_space<hbm>>
      %dma_wait3A_52 = tpu.memref_squeeze %dma_wait3A_51 : memref<1x10000xf32, #tpu.memory_space<hbm>> -> memref<10000xf32, #tpu.memory_space<hbm>>
      tpu.wait_dma2 semaphore(%run_scoped3A_34 : memref<!tpu.dma_semaphore, #tpu.memory_space<semaphore_mem>>) src(%dma_wait3A_52 : memref<10000xf32, #tpu.memory_space<hbm>>) dst(%dma_wait3A_49 : memref<10000xf32, #tpu.memory_space<vmem>>)
      tpu.yield
    }) : () -> ()
    %run_scoped3A_1 = arith.constant 1 : i32
    "tpu.region"() ({
      %run_scoped3A_34 = tpu.sem_alloc : memref<!tpu.dma_semaphore, #tpu.memory_space<semaphore_mem>>
      %dma_start3A = arith.constant 0 : i32
      %dma_start3A_35 = tpu.memref_slice %arg8[%dma_start3A] : memref<10016xf32, #tpu.memory_space<vmem>> -> memref<10000xf32, #tpu.memory_space<vmem>>
      %dma_start3A_36 = arith.constant 0 : i32
      %dma_start3A_37 = tpu.memref_slice %arg3[%run_scoped3A_1, %dma_start3A_36] : memref<8x10000xf32, #tpu.memory_space<hbm>> -> memref<1x10000xf32, #tpu.memory_space<hbm>>
      %dma_start3A_38 = tpu.memref_squeeze %dma_start3A_37 : memref<1x10000xf32, #tpu.memory_space<hbm>> -> memref<10000xf32, #tpu.memory_space<hbm>>
      %dma_start3A_39 = arith.constant 0 : i32
      %dma_start3A_40 = tpu.memref_slice %arg8[%dma_start3A_39] : memref<10016xf32, #tpu.memory_space<vmem>> -> memref<10000xf32, #tpu.memory_space<vmem>>
      %dma_start3A_41 = arith.constant 0 : i32
      %dma_start3A_42 = tpu.memref_slice %arg3[%run_scoped3A_1, %dma_start3A_41] : memref<8x10000xf32, #tpu.memory_space<hbm>> -> memref<1x10000xf32, #tpu.memory_space<hbm>>
      %dma_start3A_43 = tpu.memref_squeeze %dma_start3A_42 : memref<1x10000xf32, #tpu.memory_space<hbm>> -> memref<10000xf32, #tpu.memory_space<hbm>>
      tpu.enqueue_dma source(%dma_start3A_43 : memref<10000xf32, #tpu.memory_space<hbm>>) target(%dma_start3A_40 : memref<10000xf32, #tpu.memory_space<vmem>>) target_semaphore(%run_scoped3A_34 : memref<!tpu.dma_semaphore, #tpu.memory_space<semaphore_mem>>)
      %dma_wait3A = arith.constant 0 : i32
      %dma_wait3A_44 = tpu.memref_slice %arg8[%dma_wait3A] : memref<10016xf32, #tpu.memory_space<vmem>> -> memref<10000xf32, #tpu.memory_space<vmem>>
      %dma_wait3A_45 = arith.constant 0 : i32
      %dma_wait3A_46 = tpu.memref_slice %arg3[%run_scoped3A_1, %dma_wait3A_45] : memref<8x10000xf32, #tpu.memory_space<hbm>> -> memref<1x10000xf32, #tpu.memory_space<hbm>>
      %dma_wait3A_47 = tpu.memref_squeeze %dma_wait3A_46 : memref<1x10000xf32, #tpu.memory_space<hbm>> -> memref<10000xf32, #tpu.memory_space<hbm>>
      %dma_wait3A_48 = arith.constant 0 : i32
      %dma_wait3A_49 = tpu.memref_slice %arg8[%dma_wait3A_48] : memref<10016xf32, #tpu.memory_space<vmem>> -> memref<10000xf32, #tpu.memory_space<vmem>>
      %dma_wait3A_50 = arith.constant 0 : i32
      %dma_wait3A_51 = tpu.memref_slice %arg3[%run_scoped3A_1, %dma_wait3A_50] : memref<8x10000xf32, #tpu.memory_space<hbm>> -> memref<1x10000xf32, #tpu.memory_space<hbm>>
      %dma_wait3A_52 = tpu.memref_squeeze %dma_wait3A_51 : memref<1x10000xf32, #tpu.memory_space<hbm>> -> memref<10000xf32, #tpu.memory_space<hbm>>
      tpu.wait_dma2 semaphore(%run_scoped3A_34 : memref<!tpu.dma_semaphore, #tpu.memory_space<semaphore_mem>>) src(%dma_wait3A_52 : memref<10000xf32, #tpu.memory_space<hbm>>) dst(%dma_wait3A_49 : memref<10000xf32, #tpu.memory_space<vmem>>)
      tpu.yield
    }) : () -> ()
    %scan3A = arith.constant 0 : i32
    %scan3A_2 = arith.constant 0 : i32
    %scan3A_3 = arith.constant 24 : i32
    %scan3A_4 = arith.addi %scan3A_2, %scan3A_3 : i32
    %scan3A_5 = arith.constant 1 : i32
    %scan3A_6 = scf.for %scan3A_34 = %scan3A_2 to %scan3A_4 step %scan3A_5 iter_args(%scan3A_35 = %scan3A) -> (i32)  : i32 {
      %mul3A_36 = arith.constant 16 : i32
      %mul3A_37 = arith.muli %scan3A_34, %mul3A_36 : i32
      %add3A = arith.addi %mul3A_37, %arg1 : i32
      %lt3A = arith.constant 313 : i32
      %lt3A_38 = arith.cmpi slt, %add3A, %lt3A : i32
      %convert_element_type3A = arith.extui %lt3A_38 : i1 to i32
      %cond3A = arith.constant 0 : i32
      %cond3A_39 = arith.cmpi ne, %convert_element_type3A, %cond3A : i32
      scf.if %cond3A_39 {
        %mul3A_41 = arith.constant 16 : i32
        %mul3A_42 = arith.muli %add3A, %mul3A_41 : i32
        %add3A_43 = vector.broadcast %mul3A_42 : i32 to vector<16xi32>
        %add3A_44 = arith.addi %add3A_43, %iota3A : vector<16xi32>
        %lt3A_45 = arith.constant 5000 : i32
        %lt3A_46 = vector.broadcast %lt3A_45 : i32 to vector<16xi32>
        %lt3A_47 = arith.cmpi slt, %add3A_44, %lt3A_46 : vector<16xi32>
        %add3A_48 = vector.broadcast %mul3A_0 : i32 to vector<16xi32>
        %add3A_49 = arith.addi %add3A_44, %add3A_48 : vector<16xi32>
        %min3A = arith.constant 9999 : i32
        %min3A_50 = vector.broadcast %min3A : i32 to vector<16xi32>
        %min3A_51 = arith.minsi %add3A_49, %min3A_50 : vector<16xi32>
        %gather3A = tpu.vector_load_idx %arg7[%min3A_51] : memref<10016xf32, #tpu.memory_space<vmem>>[vector<16xi32>], vector<16xf32>,
        %gather3A_52 = tpu.vector_load_idx %arg8[%min3A_51] : memref<10016xf32, #tpu.memory_space<vmem>>[vector<16xi32>], vector<16xf32>,
        %add3A_53 = arith.addf %gather3A, %gather3A_52 : vector<16xf32>
        %gt3A = arith.constant 0.000000e+00 : f32
        %gt3A_54 = vector.broadcast %gt3A : f32 to vector<16xf32>
        %gt3A_55 = arith.cmpf ogt, %add3A_53, %gt3A_54 : vector<16xf32>
        %mul3A_56 = arith.constant 2.000000e-01 : f32
        %mul3A_57 = vector.broadcast %mul3A_56 : f32 to vector<16xf32>
        %mul3A_58 = arith.mulf %mul3A_57, %add3A_53 : vector<16xf32>
        %select_n3A = arith.select %gt3A_55, %add3A_53, %mul3A_58 : vector<16xi1>, vector<16xf32>
        %exp3A = math.exp %select_n3A : vector<16xf32>
        %jit3A = arith.constant 0.000000e+00 : f32
        %broadcast_in_dim3A = vector.broadcast %jit3A : f32 to vector<16xf32>
        %select_n3A_59 = arith.select %lt3A_47, %exp3A, %broadcast_in_dim3A : vector<16xi1>, vector<16xf32>
        "tpu.region"() ({
          %run_scoped3A_70 = tpu.sem_alloc : memref<!tpu.dma_semaphore, #tpu.memory_space<semaphore_mem>>
          %dma_start3A = arith.constant 0 : i32
          %dma_start3A_71 = arith.constant 0 : i32
          %dma_start3A_72 = tpu.memref_slice %arg2[%dma_start3A, %dma_start3A_71] : memref<10000x256xf32, #tpu.memory_space<hbm>> -> memref<10000x256xf32, #tpu.memory_space<hbm>>
          tpu.enqueue_indirect_dma source(%dma_start3A_72 : memref<10000x256xf32, #tpu.memory_space<hbm>>) target(%arg24 : memref<16x256xf32, #tpu.memory_space<vmem>>) offsets(%min3A_51 : vector<16xi32>) semaphore(%run_scoped3A_70 : memref<!tpu.dma_semaphore, #tpu.memory_space<semaphore_mem>>)
          %dma_wait3A = arith.constant 0 : i32
          %dma_wait3A_73 = arith.constant 0 : i32
          %dma_wait3A_74 = tpu.memref_slice %arg2[%dma_wait3A, %dma_wait3A_73] : memref<10000x256xf32, #tpu.memory_space<hbm>> -> memref<10000x256xf32, #tpu.memory_space<hbm>>
          tpu.wait_indirect_dma semaphore(%run_scoped3A_70 : memref<!tpu.dma_semaphore, #tpu.memory_space<semaphore_mem>>) src(%dma_wait3A_74 : memref<10000x256xf32, #tpu.memory_space<hbm>>) dst(%arg24 : memref<16x256xf32, #tpu.memory_space<vmem>>)
          tpu.yield
        }) : () -> ()
        %swap3A = arith.constant 0 : index
        %swap3A_60 = tpu.vector_load %arg22[%swap3A] {strides = array<i32>} : memref<16xf32, #tpu.memory_space<vmem>>, vector<16xf32>,
        tpu.vector_store %arg22[%swap3A], %select_n3A_59 {strides = array<i32>} : memref<16xf32, #tpu.memory_space<vmem>>, vector<16xf32>,
        %swap3A_61 = arith.constant 0 : index
        %swap3A_62 = tpu.vector_load %arg23[%swap3A_61] {strides = array<i32>} : memref<16xi32, #tpu.memory_space<vmem>>, vector<16xi32>,
        tpu.vector_store %arg23[%swap3A_61], %add3A_44 {strides = array<i32>} : memref<16xi32, #tpu.memory_space<vmem>>, vector<16xi32>,
        "tpu.region"() ({
          %run_scoped3A_70 = tpu.sem_alloc : memref<!tpu.dma_semaphore, #tpu.memory_space<semaphore_mem>>
          %dma_start3A = arith.constant 0 : i32
          %dma_start3A_71 = tpu.memref_slice %arg27[%dma_start3A] : memref<6144xf32, #tpu.memory_space<vmem_shared>> -> memref<6144xf32, #tpu.memory_space<vmem_shared>>
          tpu.enqueue_indirect_dma source(%arg22 : memref<16xf32, #tpu.memory_space<vmem>>) target(%dma_start3A_71 : memref<6144xf32, #tpu.memory_space<vmem_shared>>) offsets(%arg23 : memref<16xi32, #tpu.memory_space<vmem>>) semaphore(%run_scoped3A_70 : memref<!tpu.dma_semaphore, #tpu.memory_space<semaphore_mem>>)
          %dma_wait3A = arith.constant 0 : i32
          %dma_wait3A_72 = tpu.memref_slice %arg27[%dma_wait3A] : memref<6144xf32, #tpu.memory_space<vmem_shared>> -> memref<6144xf32, #tpu.memory_space<vmem_shared>>
          tpu.wait_indirect_dma semaphore(%run_scoped3A_70 : memref<!tpu.dma_semaphore, #tpu.memory_space<semaphore_mem>>) src(%arg22 : memref<16xf32, #tpu.memory_space<vmem>>) dst(%dma_wait3A_72 : memref<6144xf32, #tpu.memory_space<vmem_shared>>)
          tpu.yield
        }) : () -> ()
        %scan3A_63 = arith.constant 0 : i32
        %scan3A_64 = arith.constant 0 : i32
        %scan3A_65 = arith.constant 16 : i32
        %scan3A_66 = arith.addi %scan3A_64, %scan3A_65 : i32
        %scan3A_67 = arith.constant 1 : i32
        %scan3A_68 = scf.for %scan3A_70 = %scan3A_64 to %scan3A_66 step %scan3A_67 iter_args(%scan3A_71 = %scan3A_63) -> (i32)  : i32 {
          %add3A_72 = arith.constant 0 : i32
          %add3A_73 = arith.addi %add3A_72, %scan3A_70 : i32
          %broadcast_in_dim3A_74 = vector.broadcast %add3A_73 : i32 to vector<16xi32>
          %gather3A_75 = tpu.vector_load_idx %arg22[%broadcast_in_dim3A_74] : memref<16xf32, #tpu.memory_space<vmem>>[vector<16xi32>], vector<16xf32>,
          %get3A = arith.index_cast %scan3A_70 : i32 to index
          %get3A_76 = arith.constant 0 : index
          %get3A_77 = tpu.vector_load %arg24[%get3A, %get3A_76] {strides = array<i32>} : memref<16x256xf32, #tpu.memory_space<vmem>>, vector<16xf32>,
          %mul3A_78 = arith.mulf %get3A_77, %gather3A_75 : vector<16xf32>
          %swap3A_79 = arith.index_cast %scan3A_70 : i32 to index
          %swap3A_80 = arith.constant 0 : index
          %swap3A_81 = tpu.vector_load %arg24[%swap3A_79, %swap3A_80] {strides = array<i32>} : memref<16x256xf32, #tpu.memory_space<vmem>>, vector<16xf32>,
          tpu.vector_store %arg24[%swap3A_79, %swap3A_80], %mul3A_78 {strides = array<i32>} : memref<16x256xf32, #tpu.memory_space<vmem>>, vector<16xf32>,
          %get3A_82 = arith.index_cast %scan3A_70 : i32 to index
          %get3A_83 = arith.constant 16 : index
          %get3A_84 = tpu.vector_load %arg24[%get3A_82, %get3A_83] {strides = array<i32>} : memref<16x256xf32, #tpu.memory_space<vmem>>, vector<16xf32>,
          %mul3A_85 = arith.mulf %get3A_84, %gather3A_75 : vector<16xf32>
          %swap3A_86 = arith.index_cast %scan3A_70 : i32 to index
          %swap3A_87 = arith.constant 16 : index
          %swap3A_88 = tpu.vector_load %arg24[%swap3A_86, %swap3A_87] {strides = array<i32>} : memref<16x256xf32, #tpu.memory_space<vmem>>, vector<16xf32>,
          tpu.vector_store %arg24[%swap3A_86, %swap3A_87], %mul3A_85 {strides = array<i32>} : memref<16x256xf32, #tpu.memory_space<vmem>>, vector<16xf32>,
          %get3A_89 = arith.index_cast %scan3A_70 : i32 to index
          %get3A_90 = arith.constant 32 : index
          %get3A_91 = tpu.vector_load %arg24[%get3A_89, %get3A_90] {strides = array<i32>} : memref<16x256xf32, #tpu.memory_space<vmem>>, vector<16xf32>,
          %mul3A_92 = arith.mulf %get3A_91, %gather3A_75 : vector<16xf32>
          %swap3A_93 = arith.index_cast %scan3A_70 : i32 to index
          %swap3A_94 = arith.constant 32 : index
          %swap3A_95 = tpu.vector_load %arg24[%swap3A_93, %swap3A_94] {strides = array<i32>} : memref<16x256xf32, #tpu.memory_space<vmem>>, vector<16xf32>,
          tpu.vector_store %arg24[%swap3A_93, %swap3A_94], %mul3A_92 {strides = array<i32>} : memref<16x256xf32, #tpu.memory_space<vmem>>, vector<16xf32>,
          %get3A_96 = arith.index_cast %scan3A_70 : i32 to index
          %get3A_97 = arith.constant 48 : index
          %get3A_98 = tpu.vector_load %arg24[%get3A_96, %get3A_97] {strides = array<i32>} : memref<16x256xf32, #tpu.memory_space<vmem>>, vector<16xf32>,
          %mul3A_99 = arith.mulf %get3A_98, %gather3A_75 : vector<16xf32>
          %swap3A_100 = arith.index_cast %scan3A_70 : i32 to index
          %swap3A_101 = arith.constant 48 : index
          %swap3A_102 = tpu.vector_load %arg24[%swap3A_100, %swap3A_101] {strides = array<i32>} : memref<16x256xf32, #tpu.memory_space<vmem>>, vector<16xf32>,
          tpu.vector_store %arg24[%swap3A_100, %swap3A_101], %mul3A_99 {strides = array<i32>} : memref<16x256xf32, #tpu.memory_space<vmem>>, vector<16xf32>,
          %get3A_103 = arith.index_cast %scan3A_70 : i32 to index
          %get3A_104 = arith.constant 64 : index
          %get3A_105 = tpu.vector_load %arg24[%get3A_103, %get3A_104] {strides = array<i32>} : memref<16x256xf32, #tpu.memory_space<vmem>>, vector<16xf32>,
          %mul3A_106 = arith.mulf %get3A_105, %gather3A_75 : vector<16xf32>
          %swap3A_107 = arith.index_cast %scan3A_70 : i32 to index
          %swap3A_108 = arith.constant 64 : index
          %swap3A_109 = tpu.vector_load %arg24[%swap3A_107, %swap3A_108] {strides = array<i32>} : memref<16x256xf32, #tpu.memory_space<vmem>>, vector<16xf32>,
          tpu.vector_store %arg24[%swap3A_107, %swap3A_108], %mul3A_106 {strides = array<i32>} : memref<16x256xf32, #tpu.memory_space<vmem>>, vector<16xf32>,
          %get3A_110 = arith.index_cast %scan3A_70 : i32 to index
          %get3A_111 = arith.constant 80 : index
          %get3A_112 = tpu.vector_load %arg24[%get3A_110, %get3A_111] {strides = array<i32>} : memref<16x256xf32, #tpu.memory_space<vmem>>, vector<16xf32>,
          %mul3A_113 = arith.mulf %get3A_112, %gather3A_75 : vector<16xf32>
          %swap3A_114 = arith.index_cast %scan3A_70 : i32 to index
          %swap3A_115 = arith.constant 80 : index
          %swap3A_116 = tpu.vector_load %arg24[%swap3A_114, %swap3A_115] {strides = array<i32>} : memref<16x256xf32, #tpu.memory_space<vmem>>, vector<16xf32>,
          tpu.vector_store %arg24[%swap3A_114, %swap3A_115], %mul3A_113 {strides = array<i32>} : memref<16x256xf32, #tpu.memory_space<vmem>>, vector<16xf32>,
          %get3A_117 = arith.index_cast %scan3A_70 : i32 to index
          %get3A_118 = arith.constant 96 : index
          %get3A_119 = tpu.vector_load %arg24[%get3A_117, %get3A_118] {strides = array<i32>} : memref<16x256xf32, #tpu.memory_space<vmem>>, vector<16xf32>,
          %mul3A_120 = arith.mulf %get3A_119, %gather3A_75 : vector<16xf32>
          %swap3A_121 = arith.index_cast %scan3A_70 : i32 to index
          %swap3A_122 = arith.constant 96 : index
          %swap3A_123 = tpu.vector_load %arg24[%swap3A_121, %swap3A_122] {strides = array<i32>} : memref<16x256xf32, #tpu.memory_space<vmem>>, vector<16xf32>,
          tpu.vector_store %arg24[%swap3A_121, %swap3A_122], %mul3A_120 {strides = array<i32>} : memref<16x256xf32, #tpu.memory_space<vmem>>, vector<16xf32>,
          %get3A_124 = arith.index_cast %scan3A_70 : i32 to index
          %get3A_125 = arith.constant 112 : index
          %get3A_126 = tpu.vector_load %arg24[%get3A_124, %get3A_125] {strides = array<i32>} : memref<16x256xf32, #tpu.memory_space<vmem>>, vector<16xf32>,
          %mul3A_127 = arith.mulf %get3A_126, %gather3A_75 : vector<16xf32>
          %swap3A_128 = arith.index_cast %scan3A_70 : i32 to index
          %swap3A_129 = arith.constant 112 : index
          %swap3A_130 = tpu.vector_load %arg24[%swap3A_128, %swap3A_129] {strides = array<i32>} : memref<16x256xf32, #tpu.memory_space<vmem>>, vector<16xf32>,
          tpu.vector_store %arg24[%swap3A_128, %swap3A_129], %mul3A_127 {strides = array<i32>} : memref<16x256xf32, #tpu.memory_space<vmem>>, vector<16xf32>,
          %get3A_131 = arith.index_cast %scan3A_70 : i32 to index
          %get3A_132 = arith.constant 128 : index
          %get3A_133 = tpu.vector_load %arg24[%get3A_131, %get3A_132] {strides = array<i32>} : memref<16x256xf32, #tpu.memory_space<vmem>>, vector<16xf32>,
          %mul3A_134 = arith.mulf %get3A_133, %gather3A_75 : vector<16xf32>
          %swap3A_135 = arith.index_cast %scan3A_70 : i32 to index
          %swap3A_136 = arith.constant 128 : index
          %swap3A_137 = tpu.vector_load %arg24[%swap3A_135, %swap3A_136] {strides = array<i32>} : memref<16x256xf32, #tpu.memory_space<vmem>>, vector<16xf32>,
          tpu.vector_store %arg24[%swap3A_135, %swap3A_136], %mul3A_134 {strides = array<i32>} : memref<16x256xf32, #tpu.memory_space<vmem>>, vector<16xf32>,
          %get3A_138 = arith.index_cast %scan3A_70 : i32 to index
          %get3A_139 = arith.constant 144 : index
          %get3A_140 = tpu.vector_load %arg24[%get3A_138, %get3A_139] {strides = array<i32>} : memref<16x256xf32, #tpu.memory_space<vmem>>, vector<16xf32>,
          %mul3A_141 = arith.mulf %get3A_140, %gather3A_75 : vector<16xf32>
          %swap3A_142 = arith.index_cast %scan3A_70 : i32 to index
          %swap3A_143 = arith.constant 144 : index
          %swap3A_144 = tpu.vector_load %arg24[%swap3A_142, %swap3A_143] {strides = array<i32>} : memref<16x256xf32, #tpu.memory_space<vmem>>, vector<16xf32>,
          tpu.vector_store %arg24[%swap3A_142, %swap3A_143], %mul3A_141 {strides = array<i32>} : memref<16x256xf32, #tpu.memory_space<vmem>>, vector<16xf32>,
          %get3A_145 = arith.index_cast %scan3A_70 : i32 to index
          %get3A_146 = arith.constant 160 : index
          %get3A_147 = tpu.vector_load %arg24[%get3A_145, %get3A_146] {strides = array<i32>} : memref<16x256xf32, #tpu.memory_space<vmem>>, vector<16xf32>,
          %mul3A_148 = arith.mulf %get3A_147, %gather3A_75 : vector<16xf32>
          %swap3A_149 = arith.index_cast %scan3A_70 : i32 to index
          %swap3A_150 = arith.constant 160 : index
          %swap3A_151 = tpu.vector_load %arg24[%swap3A_149, %swap3A_150] {strides = array<i32>} : memref<16x256xf32, #tpu.memory_space<vmem>>, vector<16xf32>,
          tpu.vector_store %arg24[%swap3A_149, %swap3A_150], %mul3A_148 {strides = array<i32>} : memref<16x256xf32, #tpu.memory_space<vmem>>, vector<16xf32>,
          %get3A_152 = arith.index_cast %scan3A_70 : i32 to index
          %get3A_153 = arith.constant 176 : index
          %get3A_154 = tpu.vector_load %arg24[%get3A_152, %get3A_153] {strides = array<i32>} : memref<16x256xf32, #tpu.memory_space<vmem>>, vector<16xf32>,
          %mul3A_155 = arith.mulf %get3A_154, %gather3A_75 : vector<16xf32>
          %swap3A_156 = arith.index_cast %scan3A_70 : i32 to index
          %swap3A_157 = arith.constant 176 : index
          %swap3A_158 = tpu.vector_load %arg24[%swap3A_156, %swap3A_157] {strides = array<i32>} : memref<16x256xf32, #tpu.memory_space<vmem>>, vector<16xf32>,
          tpu.vector_store %arg24[%swap3A_156, %swap3A_157], %mul3A_155 {strides = array<i32>} : memref<16x256xf32, #tpu.memory_space<vmem>>, vector<16xf32>,
          %get3A_159 = arith.index_cast %scan3A_70 : i32 to index
          %get3A_160 = arith.constant 192 : index
          %get3A_161 = tpu.vector_load %arg24[%get3A_159, %get3A_160] {strides = array<i32>} : memref<16x256xf32, #tpu.memory_space<vmem>>, vector<16xf32>,
          %mul3A_162 = arith.mulf %get3A_161, %gather3A_75 : vector<16xf32>
          %swap3A_163 = arith.index_cast %scan3A_70 : i32 to index
          %swap3A_164 = arith.constant 192 : index
          %swap3A_165 = tpu.vector_load %arg24[%swap3A_163, %swap3A_164] {strides = array<i32>} : memref<16x256xf32, #tpu.memory_space<vmem>>, vector<16xf32>,
          tpu.vector_store %arg24[%swap3A_163, %swap3A_164], %mul3A_162 {strides = array<i32>} : memref<16x256xf32, #tpu.memory_space<vmem>>, vector<16xf32>,
          %get3A_166 = arith.index_cast %scan3A_70 : i32 to index
          %get3A_167 = arith.constant 208 : index
          %get3A_168 = tpu.vector_load %arg24[%get3A_166, %get3A_167] {strides = array<i32>} : memref<16x256xf32, #tpu.memory_space<vmem>>, vector<16xf32>,
          %mul3A_169 = arith.mulf %get3A_168, %gather3A_75 : vector<16xf32>
          %swap3A_170 = arith.index_cast %scan3A_70 : i32 to index
          %swap3A_171 = arith.constant 208 : index
          %swap3A_172 = tpu.vector_load %arg24[%swap3A_170, %swap3A_171] {strides = array<i32>} : memref<16x256xf32, #tpu.memory_space<vmem>>, vector<16xf32>,
          tpu.vector_store %arg24[%swap3A_170, %swap3A_171], %mul3A_169 {strides = array<i32>} : memref<16x256xf32, #tpu.memory_space<vmem>>, vector<16xf32>,
          %get3A_173 = arith.index_cast %scan3A_70 : i32 to index
          %get3A_174 = arith.constant 224 : index
          %get3A_175 = tpu.vector_load %arg24[%get3A_173, %get3A_174] {strides = array<i32>} : memref<16x256xf32, #tpu.memory_space<vmem>>, vector<16xf32>,
          %mul3A_176 = arith.mulf %get3A_175, %gather3A_75 : vector<16xf32>
          %swap3A_177 = arith.index_cast %scan3A_70 : i32 to index
          %swap3A_178 = arith.constant 224 : index
          %swap3A_179 = tpu.vector_load %arg24[%swap3A_177, %swap3A_178] {strides = array<i32>} : memref<16x256xf32, #tpu.memory_space<vmem>>, vector<16xf32>,
          tpu.vector_store %arg24[%swap3A_177, %swap3A_178], %mul3A_176 {strides = array<i32>} : memref<16x256xf32, #tpu.memory_space<vmem>>, vector<16xf32>,
          %get3A_180 = arith.index_cast %scan3A_70 : i32 to index
          %get3A_181 = arith.constant 240 : index
          %get3A_182 = tpu.vector_load %arg24[%get3A_180, %get3A_181] {strides = array<i32>} : memref<16x256xf32, #tpu.memory_space<vmem>>, vector<16xf32>,
          %mul3A_183 = arith.mulf %get3A_182, %gather3A_75 : vector<16xf32>
          %swap3A_184 = arith.index_cast %scan3A_70 : i32 to index
          %swap3A_185 = arith.constant 240 : index
          %swap3A_186 = tpu.vector_load %arg24[%swap3A_184, %swap3A_185] {strides = array<i32>} : memref<16x256xf32, #tpu.memory_space<vmem>>, vector<16xf32>,
          tpu.vector_store %arg24[%swap3A_184, %swap3A_185], %mul3A_183 {strides = array<i32>} : memref<16x256xf32, #tpu.memory_space<vmem>>, vector<16xf32>,
          %scan3A_187 = arith.constant 0 : i32
          scf.yield %scan3A_187 : i32
        }
        %scan3A_69 = arith.constant 16 : i32
        "tpu.region"() ({
          %run_scoped3A_70 = tpu.sem_alloc : memref<!tpu.dma_semaphore, #tpu.memory_space<semaphore_mem>>
          %dma_start3A = arith.constant 0 : i32
          %dma_start3A_71 = arith.constant 0 : i32
          %dma_start3A_72 = tpu.memref_slice %arg26[%dma_start3A, %dma_start3A_71] : memref<5008x256xf32, #tpu.memory_space<vmem_shared>> -> memref<5008x256xf32, #tpu.memory_space<vmem_shared>>
          tpu.enqueue_indirect_dma source(%arg24 : memref<16x256xf32, #tpu.memory_space<vmem>>) target(%dma_start3A_72 : memref<5008x256xf32, #tpu.memory_space<vmem_shared>>) offsets(%arg23 : memref<16xi32, #tpu.memory_space<vmem>>) semaphore(%run_scoped3A_70 : memref<!tpu.dma_semaphore, #tpu.memory_space<semaphore_mem>>)
          %dma_wait3A = arith.constant 0 : i32
          %dma_wait3A_73 = arith.constant 0 : i32
          %dma_wait3A_74 = tpu.memref_slice %arg26[%dma_wait3A, %dma_wait3A_73] : memref<5008x256xf32, #tpu.memory_space<vmem_shared>> -> memref<5008x256xf32, #tpu.memory_space<vmem_shared>>
          tpu.wait_indirect_dma semaphore(%run_scoped3A_70 : memref<!tpu.dma_semaphore, #tpu.memory_space<semaphore_mem>>) src(%arg24 : memref<16x256xf32, #tpu.memory_space<vmem>>) dst(%dma_wait3A_74 : memref<5008x256xf32, #tpu.memory_space<vmem_shared>>)
          tpu.yield
        }) : () -> ()
      } else {
      }
      %scan3A_40 = arith.constant 0 : i32
      scf.yield %scan3A_40 : i32
    }
    %scan3A_7 = arith.constant 24 : i32
    %barrier3A = arith.constant 0 : index
    tpu.barrier barrier_id(%barrier3A)
    %scan3A_8 = arith.constant 0 : i32
    %scan3A_9 = arith.constant 0 : i32
    %scan3A_10 = arith.constant 10 : i32
    %scan3A_11 = arith.addi %scan3A_9, %scan3A_10 : i32
    %scan3A_12 = arith.constant 1 : i32
    %scan3A_13 = scf.for %scan3A_34 = %scan3A_9 to %scan3A_11 step %scan3A_12 iter_args(%scan3A_35 = %scan3A_8) -> (i32)  : i32 {
      %mul3A_36 = arith.constant 10240 : i32
      %mul3A_37 = arith.muli %arg1, %mul3A_36 : i32
      %mul3A_38 = arith.constant 1024 : i32
      %mul3A_39 = arith.muli %scan3A_34, %mul3A_38 : i32
      %add3A = arith.addi %mul3A_37, %mul3A_39 : i32
      "tpu.region"() ({
        %run_scoped3A_300 = tpu.sem_alloc : memref<!tpu.dma_semaphore, #tpu.memory_space<semaphore_mem>>
        %dma_start3A_301 = tpu.memref_slice %arg4[%add3A] : memref<163840xi32, #tpu.memory_space<hbm>> -> memref<1024xi32, #tpu.memory_space<hbm>>
        %dma_start3A_302 = tpu.memref_slice %arg4[%add3A] : memref<163840xi32, #tpu.memory_space<hbm>> -> memref<1024xi32, #tpu.memory_space<hbm>>
        tpu.enqueue_dma source(%dma_start3A_302 : memref<1024xi32, #tpu.memory_space<hbm>>) target(%arg9 : memref<1024xi32, #tpu.memory_space<vmem>>) target_semaphore(%run_scoped3A_300 : memref<!tpu.dma_semaphore, #tpu.memory_space<semaphore_mem>>)
        %dma_wait3A_303 = tpu.memref_slice %arg4[%add3A] : memref<163840xi32, #tpu.memory_space<hbm>> -> memref<1024xi32, #tpu.memory_space<hbm>>
        %dma_wait3A_304 = tpu.memref_slice %arg4[%add3A] : memref<163840xi32, #tpu.memory_space<hbm>> -> memref<1024xi32, #tpu.memory_space<hbm>>
        tpu.wait_dma2 semaphore(%run_scoped3A_300 : memref<!tpu.dma_semaphore, #tpu.memory_space<semaphore_mem>>) src(%dma_wait3A_304 : memref<1024xi32, #tpu.memory_space<hbm>>) dst(%arg9 : memref<1024xi32, #tpu.memory_space<vmem>>)
        tpu.yield
      }) : () -> ()
      "tpu.region"() ({
        %run_scoped3A_300 = tpu.sem_alloc : memref<!tpu.dma_semaphore, #tpu.memory_space<semaphore_mem>>
        %dma_start3A_301 = tpu.memref_slice %arg5[%add3A] : memref<163840xi32, #tpu.memory_space<hbm>> -> memref<1024xi32, #tpu.memory_space<hbm>>
        %dma_start3A_302 = tpu.memref_slice %arg5[%add3A] : memref<163840xi32, #tpu.memory_space<hbm>> -> memref<1024xi32, #tpu.memory_space<hbm>>
        tpu.enqueue_dma source(%dma_start3A_302 : memref<1024xi32, #tpu.memory_space<hbm>>) target(%arg10 : memref<1024xi32, #tpu.memory_space<vmem>>) target_semaphore(%run_scoped3A_300 : memref<!tpu.dma_semaphore, #tpu.memory_space<semaphore_mem>>)
        %dma_wait3A_303 = tpu.memref_slice %arg5[%add3A] : memref<163840xi32, #tpu.memory_space<hbm>> -> memref<1024xi32, #tpu.memory_space<hbm>>
        %dma_wait3A_304 = tpu.memref_slice %arg5[%add3A] : memref<163840xi32, #tpu.memory_space<hbm>> -> memref<1024xi32, #tpu.memory_space<hbm>>
        tpu.wait_dma2 semaphore(%run_scoped3A_300 : memref<!tpu.dma_semaphore, #tpu.memory_space<semaphore_mem>>) src(%dma_wait3A_304 : memref<1024xi32, #tpu.memory_space<hbm>>) dst(%arg10 : memref<1024xi32, #tpu.memory_space<vmem>>)
        tpu.yield
      }) : () -> ()
      %scan3A_40 = arith.constant 0 : i32
      %scan3A_41 = arith.constant 0 : i32
      %scan3A_42 = arith.constant 64 : i32
      %scan3A_43 = arith.addi %scan3A_41, %scan3A_42 : i32
      %scan3A_44 = arith.constant 1 : i32
      %scan3A_45 = scf.for %scan3A_300 = %scan3A_41 to %scan3A_43 step %scan3A_44 iter_args(%scan3A_301 = %scan3A_40) -> (i32)  : i32 {
        %mul3A_302 = arith.constant 16 : i32
        %mul3A_303 = arith.muli %scan3A_300, %mul3A_302 : i32
        %get3A = arith.index_cast %mul3A_303 : i32 to index
        %get3A_304 = tpu.vector_load %arg9[%get3A] {strides = array<i32>} : memref<1024xi32, #tpu.memory_space<vmem>>, vector<16xi32>,
        %mul3A_305 = arith.constant 16 : i32
        %mul3A_306 = arith.muli %scan3A_300, %mul3A_305 : i32
        %get3A_307 = arith.index_cast %mul3A_306 : i32 to index
        %get3A_308 = tpu.vector_load %arg10[%get3A_307] {strides = array<i32>} : memref<1024xi32, #tpu.memory_space<vmem>>, vector<16xi32>,
        %gather3A = tpu.vector_load_idx %arg7[%get3A_304] : memref<10016xf32, #tpu.memory_space<vmem>>[vector<16xi32>], vector<16xf32>,
        %gather3A_309 = tpu.vector_load_idx %arg8[%get3A_308] : memref<10016xf32, #tpu.memory_space<vmem>>[vector<16xi32>], vector<16xf32>,
        %add3A_310 = arith.addf %gather3A, %gather3A_309 : vector<16xf32>
        %gt3A_311 = arith.constant 0.000000e+00 : f32
        %gt3A_312 = vector.broadcast %gt3A_311 : f32 to vector<16xf32>
        %gt3A_313 = arith.cmpf ogt, %add3A_310, %gt3A_312 : vector<16xf32>
        %mul3A_314 = arith.constant 2.000000e-01 : f32
        %mul3A_315 = vector.broadcast %mul3A_314 : f32 to vector<16xf32>
        %mul3A_316 = arith.mulf %mul3A_315, %add3A_310 : vector<16xf32>
        %select_n3A = arith.select %gt3A_313, %add3A_310, %mul3A_316 : vector<16xi1>, vector<16xf32>
        %exp3A = math.exp %select_n3A : vector<16xf32>
        %sub3A = vector.broadcast %mul3A_0 : i32 to vector<16xi32>
        %sub3A_317 = arith.subi %get3A_308, %sub3A : vector<16xi32>
        %ge3A = arith.constant 0 : i32
        %ge3A_318 = vector.broadcast %ge3A : i32 to vector<16xi32>
        %ge3A_319 = arith.cmpi sge, %sub3A_317, %ge3A_318 : vector<16xi32>
        %lt3A = arith.constant 5000 : i32
        %lt3A_320 = vector.broadcast %lt3A : i32 to vector<16xi32>
        %lt3A_321 = arith.cmpi slt, %sub3A_317, %lt3A_320 : vector<16xi32>
        %and3A = arith.andi %ge3A_319, %lt3A_321 : vector<16xi1>
        %jit3A = arith.constant 0.000000e+00 : f32
        %broadcast_in_dim3A_322 = vector.broadcast %jit3A : f32 to vector<16xf32>
        %select_n3A_323 = arith.select %and3A, %exp3A, %broadcast_in_dim3A_322 : vector<16xi1>, vector<16xf32>
        %jit3A_324 = arith.constant 5000 : i32
        %broadcast_in_dim3A_325 = vector.broadcast %jit3A_324 : i32 to vector<16xi32>
        %select_n3A_326 = arith.select %and3A, %sub3A_317, %broadcast_in_dim3A_325 : vector<16xi1>, vector<16xi32>
        %and3A_327 = arith.constant 7 : i32
        %and3A_328 = arith.andi %scan3A_300, %and3A_327 : i32
        %mul3A_329 = arith.constant 16 : i32
        %mul3A_330 = arith.muli %and3A_328, %mul3A_329 : i32
        %shift_right_arithmetic3A_331 = arith.constant 3 : i32
        %shift_right_arithmetic3A_332 = arith.shrsi %scan3A_300, %shift_right_arithmetic3A_331 : i32
        %swap3A_333 = arith.index_cast %shift_right_arithmetic3A_332 : i32 to index
        %swap3A_334 = arith.index_cast %mul3A_330 : i32 to index
        %swap3A_335 = tpu.vector_load %arg14[%swap3A_333, %swap3A_334] {strides = array<i32>} : memref<8x128xf32, #tpu.memory_space<vmem>>, vector<16xf32>,
        tpu.vector_store %arg14[%swap3A_333, %swap3A_334], %select_n3A_323 {strides = array<i32>} : memref<8x128xf32, #tpu.memory_space<vmem>>, vector<16xf32>,
        %shift_right_arithmetic3A_336 = arith.constant 3 : i32
        %shift_right_arithmetic3A_337 = arith.shrsi %scan3A_300, %shift_right_arithmetic3A_336 : i32
        %swap3A_338 = arith.index_cast %shift_right_arithmetic3A_337 : i32 to index
        %swap3A_339 = arith.index_cast %mul3A_330 : i32 to index
        %swap3A_340 = tpu.vector_load %arg15[%swap3A_338, %swap3A_339] {strides = array<i32>} : memref<8x128xi32, #tpu.memory_space<vmem>>, vector<16xi32>,
        tpu.vector_store %arg15[%swap3A_338, %swap3A_339], %select_n3A_326 {strides = array<i32>} : memref<8x128xi32, #tpu.memory_space<vmem>>, vector<16xi32>,
        %swap3A_341 = arith.index_cast %scan3A_301 : i32 to index
        %swap3A_342 = tpu.vector_load %arg11[%swap3A_341] masked %and3A {strides = array<i32>} : memref<1104xi32, #tpu.memory_space<vmem>>, vector<16xi32>, vector<16xi1>
        tpu.vector_store %arg11[%swap3A_341], %get3A_304 masked %and3A {strides = array<i32>} : memref<1104xi32, #tpu.memory_space<vmem>>, vector<16xi32>, vector<16xi1>
        %swap3A_343 = arith.index_cast %scan3A_301 : i32 to index
        %swap3A_344 = tpu.vector_load %arg12[%swap3A_343] masked %and3A {strides = array<i32>} : memref<1104xi32, #tpu.memory_space<vmem>>, vector<16xi32>, vector<16xi1>
        tpu.vector_store %arg12[%swap3A_343], %select_n3A_326 masked %and3A {strides = array<i32>} : memref<1104xi32, #tpu.memory_space<vmem>>, vector<16xi32>, vector<16xi1>
        %swap3A_345 = arith.index_cast %scan3A_301 : i32 to index
        %swap3A_346 = tpu.vector_load %arg13[%swap3A_345] masked %and3A {strides = array<i32>} : memref<1104xf32, #tpu.memory_space<vmem>>, vector<16xf32>, vector<16xi1>
        tpu.vector_store %arg13[%swap3A_345], %select_n3A_323 masked %and3A {strides = array<i32>} : memref<1104xf32, #tpu.memory_space<vmem>>, vector<16xf32>, vector<16xi1>
        %all_reduce_population_count3A = tpu.all_reduce %and3A {dim = 0 : i64, kind = #tpu.reduction_kind<sum>} : vector<16xi1> -> vector<16xi32>
        %reduce_max3A = arith.constant true
        %reduce_max3A_347 = vector.broadcast %reduce_max3A : i1 to vector<16xi1>
        %reduce_max3A_348 = arith.constant -2147483648 : i32
        %reduce_max3A_349 = vector.broadcast %reduce_max3A_348 : i32 to vector<16xi32>
        %reduce_max3A_350 = arith.xori %all_reduce_population_count3A, %reduce_max3A_349 : vector<16xi32>
        %reduce_max3A_351 = tpu.scan <max>, %reduce_max3A_350 masked %reduce_max3A_347 : vector<16xi32>, vector<16xi1> -> vector<16xi32>
        %reduce_max3A_352 = arith.xori %reduce_max3A_351, %reduce_max3A_349 : vector<16xi32>
        %reduce_max3A_353 = vector.extract %reduce_max3A_352[15] : i32 from vector<16xi32>
        %add3A_354 = arith.addi %scan3A_301, %reduce_max3A_353 : i32
        scf.yield %add3A_354 : i32
      }
      %scan3A_46 = arith.constant 64 : i32
      %add3A_47 = arith.constant 0 : i32
      %add3A_48 = arith.addi %scan3A_45, %add3A_47 : i32
      %broadcast_in_dim3A = arith.constant 0 : i32
      %broadcast_in_dim3A_49 = vector.broadcast %broadcast_in_dim3A : i32 to vector<16xi32>
      %swap3A = arith.index_cast %add3A_48 : i32 to index
      %swap3A_50 = tpu.vector_load %arg11[%swap3A] {strides = array<i32>} : memref<1104xi32, #tpu.memory_space<vmem>>, vector<16xi32>,
      tpu.vector_store %arg11[%swap3A], %broadcast_in_dim3A_49 {strides = array<i32>} : memref<1104xi32, #tpu.memory_space<vmem>>, vector<16xi32>,
      %broadcast_in_dim3A_51 = arith.constant 5000 : i32
      %broadcast_in_dim3A_52 = vector.broadcast %broadcast_in_dim3A_51 : i32 to vector<16xi32>
      %swap3A_53 = arith.index_cast %add3A_48 : i32 to index
      %swap3A_54 = tpu.vector_load %arg12[%swap3A_53] {strides = array<i32>} : memref<1104xi32, #tpu.memory_space<vmem>>, vector<16xi32>,
      tpu.vector_store %arg12[%swap3A_53], %broadcast_in_dim3A_52 {strides = array<i32>} : memref<1104xi32, #tpu.memory_space<vmem>>, vector<16xi32>,
      %broadcast_in_dim3A_55 = arith.constant 0.000000e+00 : f32
      %broadcast_in_dim3A_56 = vector.broadcast %broadcast_in_dim3A_55 : f32 to vector<16xf32>
      %swap3A_57 = arith.index_cast %add3A_48 : i32 to index
      %swap3A_58 = tpu.vector_load %arg13[%swap3A_57] {strides = array<i32>} : memref<1104xf32, #tpu.memory_space<vmem>>, vector<16xf32>,
      tpu.vector_store %arg13[%swap3A_57], %broadcast_in_dim3A_56 {strides = array<i32>} : memref<1104xf32, #tpu.memory_space<vmem>>, vector<16xf32>,
      %add3A_59 = arith.constant 16 : i32
      %add3A_60 = arith.addi %scan3A_45, %add3A_59 : i32
      %broadcast_in_dim3A_61 = arith.constant 0 : i32
      %broadcast_in_dim3A_62 = vector.broadcast %broadcast_in_dim3A_61 : i32 to vector<16xi32>
      %swap3A_63 = arith.index_cast %add3A_60 : i32 to index
      %swap3A_64 = tpu.vector_load %arg11[%swap3A_63] {strides = array<i32>} : memref<1104xi32, #tpu.memory_space<vmem>>, vector<16xi32>,
      tpu.vector_store %arg11[%swap3A_63], %broadcast_in_dim3A_62 {strides = array<i32>} : memref<1104xi32, #tpu.memory_space<vmem>>, vector<16xi32>,
      %broadcast_in_dim3A_65 = arith.constant 5000 : i32
      %broadcast_in_dim3A_66 = vector.broadcast %broadcast_in_dim3A_65 : i32 to vector<16xi32>
      %swap3A_67 = arith.index_cast %add3A_60 : i32 to index
      %swap3A_68 = tpu.vector_load %arg12[%swap3A_67] {strides = array<i32>} : memref<1104xi32, #tpu.memory_space<vmem>>, vector<16xi32>,
      tpu.vector_store %arg12[%swap3A_67], %broadcast_in_dim3A_66 {strides = array<i32>} : memref<1104xi32, #tpu.memory_space<vmem>>, vector<16xi32>,
      %broadcast_in_dim3A_69 = arith.constant 0.000000e+00 : f32
      %broadcast_in_dim3A_70 = vector.broadcast %broadcast_in_dim3A_69 : f32 to vector<16xf32>
      %swap3A_71 = arith.index_cast %add3A_60 : i32 to index
      %swap3A_72 = tpu.vector_load %arg13[%swap3A_71] {strides = array<i32>} : memref<1104xf32, #tpu.memory_space<vmem>>, vector<16xf32>,
      tpu.vector_store %arg13[%swap3A_71], %broadcast_in_dim3A_70 {strides = array<i32>} : memref<1104xf32, #tpu.memory_space<vmem>>, vector<16xf32>,
      %add3A_73 = arith.constant 32 : i32
      %add3A_74 = arith.addi %scan3A_45, %add3A_73 : i32
      %broadcast_in_dim3A_75 = arith.constant 0 : i32
      %broadcast_in_dim3A_76 = vector.broadcast %broadcast_in_dim3A_75 : i32 to vector<16xi32>
      %swap3A_77 = arith.index_cast %add3A_74 : i32 to index
      %swap3A_78 = tpu.vector_load %arg11[%swap3A_77] {strides = array<i32>} : memref<1104xi32, #tpu.memory_space<vmem>>, vector<16xi32>,
      tpu.vector_store %arg11[%swap3A_77], %broadcast_in_dim3A_76 {strides = array<i32>} : memref<1104xi32, #tpu.memory_space<vmem>>, vector<16xi32>,
      %broadcast_in_dim3A_79 = arith.constant 5000 : i32
      %broadcast_in_dim3A_80 = vector.broadcast %broadcast_in_dim3A_79 : i32 to vector<16xi32>
      %swap3A_81 = arith.index_cast %add3A_74 : i32 to index
      %swap3A_82 = tpu.vector_load %arg12[%swap3A_81] {strides = array<i32>} : memref<1104xi32, #tpu.memory_space<vmem>>, vector<16xi32>,
      tpu.vector_store %arg12[%swap3A_81], %broadcast_in_dim3A_80 {strides = array<i32>} : memref<1104xi32, #tpu.memory_space<vmem>>, vector<16xi32>,
      %broadcast_in_dim3A_83 = arith.constant 0.000000e+00 : f32
      %broadcast_in_dim3A_84 = vector.broadcast %broadcast_in_dim3A_83 : f32 to vector<16xf32>
      %swap3A_85 = arith.index_cast %add3A_74 : i32 to index
      %swap3A_86 = tpu.vector_load %arg13[%swap3A_85] {strides = array<i32>} : memref<1104xf32, #tpu.memory_space<vmem>>, vector<16xf32>,
      tpu.vector_store %arg13[%swap3A_85], %broadcast_in_dim3A_84 {strides = array<i32>} : memref<1104xf32, #tpu.memory_space<vmem>>, vector<16xf32>,
      %add3A_87 = arith.constant 48 : i32
      %add3A_88 = arith.addi %scan3A_45, %add3A_87 : i32
      %broadcast_in_dim3A_89 = arith.constant 0 : i32
      %broadcast_in_dim3A_90 = vector.broadcast %broadcast_in_dim3A_89 : i32 to vector<16xi32>
      %swap3A_91 = arith.index_cast %add3A_88 : i32 to index
      %swap3A_92 = tpu.vector_load %arg11[%swap3A_91] {strides = array<i32>} : memref<1104xi32, #tpu.memory_space<vmem>>, vector<16xi32>,
      tpu.vector_store %arg11[%swap3A_91], %broadcast_in_dim3A_90 {strides = array<i32>} : memref<1104xi32, #tpu.memory_space<vmem>>, vector<16xi32>,
      %broadcast_in_dim3A_93 = arith.constant 5000 : i32
      %broadcast_in_dim3A_94 = vector.broadcast %broadcast_in_dim3A_93 : i32 to vector<16xi32>
      %swap3A_95 = arith.index_cast %add3A_88 : i32 to index
      %swap3A_96 = tpu.vector_load %arg12[%swap3A_95] {strides = array<i32>} : memref<1104xi32, #tpu.memory_space<vmem>>, vector<16xi32>,
      tpu.vector_store %arg12[%swap3A_95], %broadcast_in_dim3A_94 {strides = array<i32>} : memref<1104xi32, #tpu.memory_space<vmem>>, vector<16xi32>,
      %broadcast_in_dim3A_97 = arith.constant 0.000000e+00 : f32
      %broadcast_in_dim3A_98 = vector.broadcast %broadcast_in_dim3A_97 : f32 to vector<16xf32>
      %swap3A_99 = arith.index_cast %add3A_88 : i32 to index
      %swap3A_100 = tpu.vector_load %arg13[%swap3A_99] {strides = array<i32>} : memref<1104xf32, #tpu.memory_space<vmem>>, vector<16xf32>,
      tpu.vector_store %arg13[%swap3A_99], %broadcast_in_dim3A_98 {strides = array<i32>} : memref<1104xf32, #tpu.memory_space<vmem>>, vector<16xf32>,
      %add3A_101 = arith.constant 64 : i32
      %add3A_102 = arith.addi %scan3A_45, %add3A_101 : i32
      %broadcast_in_dim3A_103 = arith.constant 0 : i32
      %broadcast_in_dim3A_104 = vector.broadcast %broadcast_in_dim3A_103 : i32 to vector<16xi32>
      %swap3A_105 = arith.index_cast %add3A_102 : i32 to index
      %swap3A_106 = tpu.vector_load %arg11[%swap3A_105] {strides = array<i32>} : memref<1104xi32, #tpu.memory_space<vmem>>, vector<16xi32>,
      tpu.vector_store %arg11[%swap3A_105], %broadcast_in_dim3A_104 {strides = array<i32>} : memref<1104xi32, #tpu.memory_space<vmem>>, vector<16xi32>,
      %broadcast_in_dim3A_107 = arith.constant 5000 : i32
      %broadcast_in_dim3A_108 = vector.broadcast %broadcast_in_dim3A_107 : i32 to vector<16xi32>
      %swap3A_109 = arith.index_cast %add3A_102 : i32 to index
      %swap3A_110 = tpu.vector_load %arg12[%swap3A_109] {strides = array<i32>} : memref<1104xi32, #tpu.memory_space<vmem>>, vector<16xi32>,
      tpu.vector_store %arg12[%swap3A_109], %broadcast_in_dim3A_108 {strides = array<i32>} : memref<1104xi32, #tpu.memory_space<vmem>>, vector<16xi32>,
      %broadcast_in_dim3A_111 = arith.constant 0.000000e+00 : f32
      %broadcast_in_dim3A_112 = vector.broadcast %broadcast_in_dim3A_111 : f32 to vector<16xf32>
      %swap3A_113 = arith.index_cast %add3A_102 : i32 to index
      %swap3A_114 = tpu.vector_load %arg13[%swap3A_113] {strides = array<i32>} : memref<1104xf32, #tpu.memory_space<vmem>>, vector<16xf32>,
      tpu.vector_store %arg13[%swap3A_113], %broadcast_in_dim3A_112 {strides = array<i32>} : memref<1104xf32, #tpu.memory_space<vmem>>, vector<16xf32>,
      %add3A_115 = arith.constant 63 : i32
      %add3A_116 = arith.addi %scan3A_45, %add3A_115 : i32
      %shift_right_arithmetic3A = arith.constant 6 : i32
      %shift_right_arithmetic3A_117 = arith.shrsi %add3A_116, %shift_right_arithmetic3A : i32
      %shift_left3A = arith.constant 2 : i32
      %shift_left3A_118 = arith.shli %shift_right_arithmetic3A_117, %shift_left3A : i32
      %dma_start3A = arith.constant 0 : i32
      %dma_start3A_119 = arith.constant 0 : i32
      %dma_start3A_120 = arith.constant 0 : i32
      %dma_start3A_121 = tpu.memref_slice %arg14[%dma_start3A, %dma_start3A_120] : memref<8x128xf32, #tpu.memory_space<vmem>> -> memref<1x128xf32, #tpu.memory_space<vmem>>
      %dma_start3A_122 = tpu.memref_squeeze %dma_start3A_121 : memref<1x128xf32, #tpu.memory_space<vmem>> -> memref<128xf32, #tpu.memory_space<vmem>>
      %dma_start3A_123 = arith.constant 0 : i32
      %dma_start3A_124 = tpu.memref_slice %arg15[%dma_start3A_119, %dma_start3A_123] : memref<8x128xi32, #tpu.memory_space<vmem>> -> memref<1x128xi32, #tpu.memory_space<vmem>>
      %dma_start3A_125 = tpu.memref_squeeze %dma_start3A_124 : memref<1x128xi32, #tpu.memory_space<vmem>> -> memref<128xi32, #tpu.memory_space<vmem>>
      %dma_start3A_126 = arith.constant 0 : i32
      %dma_start3A_127 = tpu.memref_slice %arg27[%dma_start3A_126] : memref<6144xf32, #tpu.memory_space<vmem_shared>> -> memref<6144xf32, #tpu.memory_space<vmem_shared>>
      tpu.enqueue_indirect_dma source(%dma_start3A_122 : memref<128xf32, #tpu.memory_space<vmem>>) target(%dma_start3A_127 : memref<6144xf32, #tpu.memory_space<vmem_shared>>) offsets(%dma_start3A_125 : memref<128xi32, #tpu.memory_space<vmem>>) semaphore(%arg32 : memref<!tpu.dma_semaphore, #tpu.memory_space<semaphore_mem>>) {add = true}
      %dma_start3A_128 = arith.constant 1 : i32
      %dma_start3A_129 = arith.constant 1 : i32
      %dma_start3A_130 = arith.constant 0 : i32
      %dma_start3A_131 = tpu.memref_slice %arg14[%dma_start3A_128, %dma_start3A_130] : memref<8x128xf32, #tpu.memory_space<vmem>> -> memref<1x128xf32, #tpu.memory_space<vmem>>
      %dma_start3A_132 = tpu.memref_squeeze %dma_start3A_131 : memref<1x128xf32, #tpu.memory_space<vmem>> -> memref<128xf32, #tpu.memory_space<vmem>>
      %dma_start3A_133 = arith.constant 0 : i32
      %dma_start3A_134 = tpu.memref_slice %arg15[%dma_start3A_129, %dma_start3A_133] : memref<8x128xi32, #tpu.memory_space<vmem>> -> memref<1x128xi32, #tpu.memory_space<vmem>>
      %dma_start3A_135 = tpu.memref_squeeze %dma_start3A_134 : memref<1x128xi32, #tpu.memory_space<vmem>> -> memref<128xi32, #tpu.memory_space<vmem>>
      %dma_start3A_136 = arith.constant 0 : i32
      %dma_start3A_137 = tpu.memref_slice %arg27[%dma_start3A_136] : memref<6144xf32, #tpu.memory_space<vmem_shared>> -> memref<6144xf32, #tpu.memory_space<vmem_shared>>
      tpu.enqueue_indirect_dma source(%dma_start3A_132 : memref<128xf32, #tpu.memory_space<vmem>>) target(%dma_start3A_137 : memref<6144xf32, #tpu.memory_space<vmem_shared>>) offsets(%dma_start3A_135 : memref<128xi32, #tpu.memory_space<vmem>>) semaphore(%arg32 : memref<!tpu.dma_semaphore, #tpu.memory_space<semaphore_mem>>) {add = true}
      %dma_start3A_138 = arith.constant 2 : i32
      %dma_start3A_139 = arith.constant 2 : i32
      %dma_start3A_140 = arith.constant 0 : i32
      %dma_start3A_141 = tpu.memref_slice %arg14[%dma_start3A_138, %dma_start3A_140] : memref<8x128xf32, #tpu.memory_space<vmem>> -> memref<1x128xf32, #tpu.memory_space<vmem>>
      %dma_start3A_142 = tpu.memref_squeeze %dma_start3A_141 : memref<1x128xf32, #tpu.memory_space<vmem>> -> memref<128xf32, #tpu.memory_space<vmem>>
      %dma_start3A_143 = arith.constant 0 : i32
      %dma_start3A_144 = tpu.memref_slice %arg15[%dma_start3A_139, %dma_start3A_143] : memref<8x128xi32, #tpu.memory_space<vmem>> -> memref<1x128xi32, #tpu.memory_space<vmem>>
      %dma_start3A_145 = tpu.memref_squeeze %dma_start3A_144 : memref<1x128xi32, #tpu.memory_space<vmem>> -> memref<128xi32, #tpu.memory_space<vmem>>
      %dma_start3A_146 = arith.constant 0 : i32
      %dma_start3A_147 = tpu.memref_slice %arg27[%dma_start3A_146] : memref<6144xf32, #tpu.memory_space<vmem_shared>> -> memref<6144xf32, #tpu.memory_space<vmem_shared>>
      tpu.enqueue_indirect_dma source(%dma_start3A_142 : memref<128xf32, #tpu.memory_space<vmem>>) target(%dma_start3A_147 : memref<6144xf32, #tpu.memory_space<vmem_shared>>) offsets(%dma_start3A_145 : memref<128xi32, #tpu.memory_space<vmem>>) semaphore(%arg32 : memref<!tpu.dma_semaphore, #tpu.memory_space<semaphore_mem>>) {add = true}
      %dma_start3A_148 = arith.constant 3 : i32
      %dma_start3A_149 = arith.constant 3 : i32
      %dma_start3A_150 = arith.constant 0 : i32
      %dma_start3A_151 = tpu.memref_slice %arg14[%dma_start3A_148, %dma_start3A_150] : memref<8x128xf32, #tpu.memory_space<vmem>> -> memref<1x128xf32, #tpu.memory_space<vmem>>
      %dma_start3A_152 = tpu.memref_squeeze %dma_start3A_151 : memref<1x128xf32, #tpu.memory_space<vmem>> -> memref<128xf32, #tpu.memory_space<vmem>>
      %dma_start3A_153 = arith.constant 0 : i32
      %dma_start3A_154 = tpu.memref_slice %arg15[%dma_start3A_149, %dma_start3A_153] : memref<8x128xi32, #tpu.memory_space<vmem>> -> memref<1x128xi32, #tpu.memory_space<vmem>>
      %dma_start3A_155 = tpu.memref_squeeze %dma_start3A_154 : memref<1x128xi32, #tpu.memory_space<vmem>> -> memref<128xi32, #tpu.memory_space<vmem>>
      %dma_start3A_156 = arith.constant 0 : i32
      %dma_start3A_157 = tpu.memref_slice %arg27[%dma_start3A_156] : memref<6144xf32, #tpu.memory_space<vmem_shared>> -> memref<6144xf32, #tpu.memory_space<vmem_shared>>
      tpu.enqueue_indirect_dma source(%dma_start3A_152 : memref<128xf32, #tpu.memory_space<vmem>>) target(%dma_start3A_157 : memref<6144xf32, #tpu.memory_space<vmem_shared>>) offsets(%dma_start3A_155 : memref<128xi32, #tpu.memory_space<vmem>>) semaphore(%arg32 : memref<!tpu.dma_semaphore, #tpu.memory_space<semaphore_mem>>) {add = true}
      %dma_start3A_158 = arith.constant 4 : i32
      %dma_start3A_159 = arith.constant 4 : i32
      %dma_start3A_160 = arith.constant 0 : i32
      %dma_start3A_161 = tpu.memref_slice %arg14[%dma_start3A_158, %dma_start3A_160] : memref<8x128xf32, #tpu.memory_space<vmem>> -> memref<1x128xf32, #tpu.memory_space<vmem>>
      %dma_start3A_162 = tpu.memref_squeeze %dma_start3A_161 : memref<1x128xf32, #tpu.memory_space<vmem>> -> memref<128xf32, #tpu.memory_space<vmem>>
      %dma_start3A_163 = arith.constant 0 : i32
      %dma_start3A_164 = tpu.memref_slice %arg15[%dma_start3A_159, %dma_start3A_163] : memref<8x128xi32, #tpu.memory_space<vmem>> -> memref<1x128xi32, #tpu.memory_space<vmem>>
      %dma_start3A_165 = tpu.memref_squeeze %dma_start3A_164 : memref<1x128xi32, #tpu.memory_space<vmem>> -> memref<128xi32, #tpu.memory_space<vmem>>
      %dma_start3A_166 = arith.constant 0 : i32
      %dma_start3A_167 = tpu.memref_slice %arg27[%dma_start3A_166] : memref<6144xf32, #tpu.memory_space<vmem_shared>> -> memref<6144xf32, #tpu.memory_space<vmem_shared>>
      tpu.enqueue_indirect_dma source(%dma_start3A_162 : memref<128xf32, #tpu.memory_space<vmem>>) target(%dma_start3A_167 : memref<6144xf32, #tpu.memory_space<vmem_shared>>) offsets(%dma_start3A_165 : memref<128xi32, #tpu.memory_space<vmem>>) semaphore(%arg32 : memref<!tpu.dma_semaphore, #tpu.memory_space<semaphore_mem>>) {add = true}
      %dma_start3A_168 = arith.constant 5 : i32
      %dma_start3A_169 = arith.constant 5 : i32
      %dma_start3A_170 = arith.constant 0 : i32
      %dma_start3A_171 = tpu.memref_slice %arg14[%dma_start3A_168, %dma_start3A_170] : memref<8x128xf32, #tpu.memory_space<vmem>> -> memref<1x128xf32, #tpu.memory_space<vmem>>
      %dma_start3A_172 = tpu.memref_squeeze %dma_start3A_171 : memref<1x128xf32, #tpu.memory_space<vmem>> -> memref<128xf32, #tpu.memory_space<vmem>>
      %dma_start3A_173 = arith.constant 0 : i32
      %dma_start3A_174 = tpu.memref_slice %arg15[%dma_start3A_169, %dma_start3A_173] : memref<8x128xi32, #tpu.memory_space<vmem>> -> memref<1x128xi32, #tpu.memory_space<vmem>>
      %dma_start3A_175 = tpu.memref_squeeze %dma_start3A_174 : memref<1x128xi32, #tpu.memory_space<vmem>> -> memref<128xi32, #tpu.memory_space<vmem>>
      %dma_start3A_176 = arith.constant 0 : i32
      %dma_start3A_177 = tpu.memref_slice %arg27[%dma_start3A_176] : memref<6144xf32, #tpu.memory_space<vmem_shared>> -> memref<6144xf32, #tpu.memory_space<vmem_shared>>
      tpu.enqueue_indirect_dma source(%dma_start3A_172 : memref<128xf32, #tpu.memory_space<vmem>>) target(%dma_start3A_177 : memref<6144xf32, #tpu.memory_space<vmem_shared>>) offsets(%dma_start3A_175 : memref<128xi32, #tpu.memory_space<vmem>>) semaphore(%arg32 : memref<!tpu.dma_semaphore, #tpu.memory_space<semaphore_mem>>) {add = true}
      %dma_start3A_178 = arith.constant 6 : i32
      %dma_start3A_179 = arith.constant 6 : i32
      %dma_start3A_180 = arith.constant 0 : i32
      %dma_start3A_181 = tpu.memref_slice %arg14[%dma_start3A_178, %dma_start3A_180] : memref<8x128xf32, #tpu.memory_space<vmem>> -> memref<1x128xf32, #tpu.memory_space<vmem>>
      %dma_start3A_182 = tpu.memref_squeeze %dma_start3A_181 : memref<1x128xf32, #tpu.memory_space<vmem>> -> memref<128xf32, #tpu.memory_space<vmem>>
      %dma_start3A_183 = arith.constant 0 : i32
      %dma_start3A_184 = tpu.memref_slice %arg15[%dma_start3A_179, %dma_start3A_183] : memref<8x128xi32, #tpu.memory_space<vmem>> -> memref<1x128xi32, #tpu.memory_space<vmem>>
      %dma_start3A_185 = tpu.memref_squeeze %dma_start3A_184 : memref<1x128xi32, #tpu.memory_space<vmem>> -> memref<128xi32, #tpu.memory_space<vmem>>
      %dma_start3A_186 = arith.constant 0 : i32
      %dma_start3A_187 = tpu.memref_slice %arg27[%dma_start3A_186] : memref<6144xf32, #tpu.memory_space<vmem_shared>> -> memref<6144xf32, #tpu.memory_space<vmem_shared>>
      tpu.enqueue_indirect_dma source(%dma_start3A_182 : memref<128xf32, #tpu.memory_space<vmem>>) target(%dma_start3A_187 : memref<6144xf32, #tpu.memory_space<vmem_shared>>) offsets(%dma_start3A_185 : memref<128xi32, #tpu.memory_space<vmem>>) semaphore(%arg32 : memref<!tpu.dma_semaphore, #tpu.memory_space<semaphore_mem>>) {add = true}
      %dma_start3A_188 = arith.constant 7 : i32
      %dma_start3A_189 = arith.constant 7 : i32
      %dma_start3A_190 = arith.constant 0 : i32
      %dma_start3A_191 = tpu.memref_slice %arg14[%dma_start3A_188, %dma_start3A_190] : memref<8x128xf32, #tpu.memory_space<vmem>> -> memref<1x128xf32, #tpu.memory_space<vmem>>
      %dma_start3A_192 = tpu.memref_squeeze %dma_start3A_191 : memref<1x128xf32, #tpu.memory_space<vmem>> -> memref<128xf32, #tpu.memory_space<vmem>>
      %dma_start3A_193 = arith.constant 0 : i32
      %dma_start3A_194 = tpu.memref_slice %arg15[%dma_start3A_189, %dma_start3A_193] : memref<8x128xi32, #tpu.memory_space<vmem>> -> memref<1x128xi32, #tpu.memory_space<vmem>>
      %dma_start3A_195 = tpu.memref_squeeze %dma_start3A_194 : memref<1x128xi32, #tpu.memory_space<vmem>> -> memref<128xi32, #tpu.memory_space<vmem>>
      %dma_start3A_196 = arith.constant 0 : i32
      %dma_start3A_197 = tpu.memref_slice %arg27[%dma_start3A_196] : memref<6144xf32, #tpu.memory_space<vmem_shared>> -> memref<6144xf32, #tpu.memory_space<vmem_shared>>
      tpu.enqueue_indirect_dma source(%dma_start3A_192 : memref<128xf32, #tpu.memory_space<vmem>>) target(%dma_start3A_197 : memref<6144xf32, #tpu.memory_space<vmem_shared>>) offsets(%dma_start3A_195 : memref<128xi32, #tpu.memory_space<vmem>>) semaphore(%arg32 : memref<!tpu.dma_semaphore, #tpu.memory_space<semaphore_mem>>) {add = true}
      %shift_right_arithmetic3A_198 = arith.constant 1 : i32
      %shift_right_arithmetic3A_199 = arith.shrsi %shift_left3A_118, %shift_right_arithmetic3A_198 : i32
      %gt3A = arith.constant 0 : i32
      %gt3A_200 = arith.cmpi sgt, %shift_right_arithmetic3A_199, %gt3A : i32
      %convert_element_type3A = arith.extui %gt3A_200 : i1 to i32
      %cond3A = arith.constant 0 : i32
      %cond3A_201 = arith.cmpi ne, %convert_element_type3A, %cond3A : i32
      scf.if %cond3A_201 {
        %dma_start3A_300 = arith.constant 0 : i32
        %dma_start3A_301 = tpu.memref_slice %arg11[%dma_start3A_300] : memref<1104xi32, #tpu.memory_space<vmem>> -> memref<32xi32, #tpu.memory_space<vmem>>
        %dma_start3A_302 = arith.constant 0 : i32
        %dma_start3A_303 = arith.constant 0 : i32
        %dma_start3A_304 = tpu.memref_slice %arg2[%dma_start3A_302, %dma_start3A_303] : memref<10000x256xf32, #tpu.memory_space<hbm>> -> memref<10000x256xf32, #tpu.memory_space<hbm>>
        tpu.enqueue_indirect_dma source(%dma_start3A_304 : memref<10000x256xf32, #tpu.memory_space<hbm>>) target(%arg20 : memref<32x256xf32, #tpu.memory_space<vmem>>) offsets(%dma_start3A_301 : memref<32xi32, #tpu.memory_space<vmem>>) semaphore(%arg28 : memref<!tpu.dma_semaphore, #tpu.memory_space<semaphore_mem>>)
      } else {
      }
      %shift_right_arithmetic3A_202 = arith.constant 1 : i32
      %shift_right_arithmetic3A_203 = arith.shrsi %shift_right_arithmetic3A_199, %shift_right_arithmetic3A_202 : i32
      %while3A = arith.constant 0 : i32
      %while3A_204 = arith.constant 0 : i32
      %while3A_205 = arith.subi %shift_right_arithmetic3A_203, %while3A : i32
      %while3A_206 = arith.addi %while3A, %while3A_205 : i32
      %while3A_207 = arith.constant 1 : i32
      %while3A_208 = arith.divsi %while3A_205, %while3A_207 : i32
      %while3A_209 = arith.muli %while3A_208, %while3A_207 : i32
      %while3A_210 = arith.addi %while3A, %while3A_209 : i32
      %while3A_211 = arith.constant 1 : i32
      %while3A_212 = scf.for %while3A_300 = %while3A to %while3A_210 step %while3A_211 iter_args(%while3A_301 = %while3A_204) -> (i32)  : i32 {
        %mul3A_302 = arith.constant 2 : i32
        %mul3A_303 = arith.muli %while3A_300, %mul3A_302 : i32
        %add3A_304 = arith.constant 0 : i32
        %add3A_305 = arith.addi %mul3A_303, %add3A_304 : i32
        %ge3A = arith.constant 1 : i32
        %ge3A_306 = arith.cmpi sge, %add3A_305, %ge3A : i32
        %convert_element_type3A_307 = arith.extui %ge3A_306 : i1 to i32
        %cond3A_308 = arith.constant 0 : i32
        %cond3A_309 = arith.cmpi ne, %convert_element_type3A_307, %cond3A_308 : i32
        scf.if %cond3A_309 {
          %dma_wait3A_406 = arith.constant 0 : i32
          %dma_wait3A_407 = arith.constant 0 : i32
          %dma_wait3A_408 = tpu.memref_slice %arg2[%dma_wait3A_406, %dma_wait3A_407] : memref<10000x256xf32, #tpu.memory_space<hbm>> -> memref<32x256xf32, #tpu.memory_space<hbm>>
          %dma_wait3A_409 = arith.constant 0 : i32
          %dma_wait3A_410 = arith.constant 0 : i32
          %dma_wait3A_411 = tpu.memref_slice %arg2[%dma_wait3A_409, %dma_wait3A_410] : memref<10000x256xf32, #tpu.memory_space<hbm>> -> memref<32x256xf32, #tpu.memory_space<hbm>>
          tpu.wait_dma2 semaphore(%arg31 : memref<!tpu.dma_semaphore, #tpu.memory_space<semaphore_mem>>) src(%dma_wait3A_411 : memref<32x256xf32, #tpu.memory_space<hbm>>) dst(%arg21 : memref<32x256xf32, #tpu.memory_space<vmem>>)
        } else {
        }
        %add3A_310 = arith.constant 1 : i32
        %add3A_311 = arith.addi %add3A_305, %add3A_310 : i32
        %lt3A = arith.cmpi slt, %add3A_311, %shift_right_arithmetic3A_199 : i32
        %convert_element_type3A_312 = arith.extui %lt3A : i1 to i32
        %cond3A_313 = arith.constant 0 : i32
        %cond3A_314 = arith.cmpi ne, %convert_element_type3A_312, %cond3A_313 : i32
        scf.if %cond3A_314 {
          %add3A_406 = arith.constant 1 : i32
          %add3A_407 = arith.addi %add3A_305, %add3A_406 : i32
          %mul3A_408 = arith.constant 32 : i32
          %mul3A_409 = arith.muli %add3A_407, %mul3A_408 : i32
          %dma_start3A_410 = tpu.memref_slice %arg11[%mul3A_409] : memref<1104xi32, #tpu.memory_space<vmem>> -> memref<32xi32, #tpu.memory_space<vmem>>
          %dma_start3A_411 = arith.constant 0 : i32
          %dma_start3A_412 = arith.constant 0 : i32
          %dma_start3A_413 = tpu.memref_slice %arg2[%dma_start3A_411, %dma_start3A_412] : memref<10000x256xf32, #tpu.memory_space<hbm>> -> memref<10000x256xf32, #tpu.memory_space<hbm>>
          tpu.enqueue_indirect_dma source(%dma_start3A_413 : memref<10000x256xf32, #tpu.memory_space<hbm>>) target(%arg21 : memref<32x256xf32, #tpu.memory_space<vmem>>) offsets(%dma_start3A_410 : memref<32xi32, #tpu.memory_space<vmem>>) semaphore(%arg29 : memref<!tpu.dma_semaphore, #tpu.memory_space<semaphore_mem>>)
        } else {
        }
        %dma_wait3A_315 = arith.constant 0 : i32
        %dma_wait3A_316 = arith.constant 0 : i32
        %dma_wait3A_317 = tpu.memref_slice %arg2[%dma_wait3A_315, %dma_wait3A_316] : memref<10000x256xf32, #tpu.memory_space<hbm>> -> memref<32x256xf32, #tpu.memory_space<hbm>>
        %dma_wait3A_318 = arith.constant 0 : i32
        %dma_wait3A_319 = arith.constant 0 : i32
        %dma_wait3A_320 = tpu.memref_slice %arg2[%dma_wait3A_318, %dma_wait3A_319] : memref<10000x256xf32, #tpu.memory_space<hbm>> -> memref<32x256xf32, #tpu.memory_space<hbm>>
        tpu.wait_dma2 semaphore(%arg28 : memref<!tpu.dma_semaphore, #tpu.memory_space<semaphore_mem>>) src(%dma_wait3A_320 : memref<32x256xf32, #tpu.memory_space<hbm>>) dst(%arg20 : memref<32x256xf32, #tpu.memory_space<vmem>>)
        %mul3A_321 = arith.constant 32 : i32
        %mul3A_322 = arith.muli %add3A_305, %mul3A_321 : i32
        %mul3A_323 = arith.constant 32 : i32
        %mul3A_324 = arith.muli %add3A_305, %mul3A_323 : i32
        %add3A_325 = arith.constant 16 : i32
        %add3A_326 = arith.addi %mul3A_324, %add3A_325 : i32
        %get3A = arith.index_cast %mul3A_322 : i32 to index
        %get3A_327 = tpu.vector_load %arg13[%get3A] {strides = array<i32>} : memref<1104xf32, #tpu.memory_space<vmem>>, vector<16xf32>,
        %swap3A_328 = arith.constant 0 : index
        %swap3A_329 = tpu.vector_load %arg16[%swap3A_328] {strides = array<i32>} : memref<32xf32, #tpu.memory_space<vmem>>, vector<16xf32>,
        tpu.vector_store %arg16[%swap3A_328], %get3A_327 {strides = array<i32>} : memref<32xf32, #tpu.memory_space<vmem>>, vector<16xf32>,
        %get3A_330 = arith.index_cast %add3A_326 : i32 to index
        %get3A_331 = tpu.vector_load %arg13[%get3A_330] {strides = array<i32>} : memref<1104xf32, #tpu.memory_space<vmem>>, vector<16xf32>,
        %swap3A_332 = arith.constant 16 : index
        %swap3A_333 = tpu.vector_load %arg16[%swap3A_332] {strides = array<i32>} : memref<32xf32, #tpu.memory_space<vmem>>, vector<16xf32>,
        tpu.vector_store %arg16[%swap3A_332], %get3A_331 {strides = array<i32>} : memref<32xf32, #tpu.memory_space<vmem>>, vector<16xf32>,
        %get3A_334 = arith.index_cast %mul3A_322 : i32 to index
        %get3A_335 = tpu.vector_load %arg12[%get3A_334] {strides = array<i32>} : memref<1104xi32, #tpu.memory_space<vmem>>, vector<16xi32>,
        %swap3A_336 = arith.constant 0 : index
        %swap3A_337 = tpu.vector_load %arg18[%swap3A_336] {strides = array<i32>} : memref<32xi32, #tpu.memory_space<vmem>>, vector<16xi32>,
        tpu.vector_store %arg18[%swap3A_336], %get3A_335 {strides = array<i32>} : memref<32xi32, #tpu.memory_space<vmem>>, vector<16xi32>,
        %get3A_338 = arith.index_cast %add3A_326 : i32 to index
        %get3A_339 = tpu.vector_load %arg12[%get3A_338] {strides = array<i32>} : memref<1104xi32, #tpu.memory_space<vmem>>, vector<16xi32>,
        %swap3A_340 = arith.constant 16 : index
        %swap3A_341 = tpu.vector_load %arg18[%swap3A_340] {strides = array<i32>} : memref<32xi32, #tpu.memory_space<vmem>>, vector<16xi32>,
        tpu.vector_store %arg18[%swap3A_340], %get3A_339 {strides = array<i32>} : memref<32xi32, #tpu.memory_space<vmem>>, vector<16xi32>,
        %scan3A_342 = arith.constant 0 : i32
        %scan3A_343 = arith.constant 0 : i32
        %scan3A_344 = arith.constant 32 : i32
        %scan3A_345 = arith.addi %scan3A_343, %scan3A_344 : i32
        %scan3A_346 = arith.constant 1 : i32
        %scan3A_347 = scf.for %scan3A_406 = %scan3A_343 to %scan3A_345 step %scan3A_346 iter_args(%scan3A_407 = %scan3A_342) -> (i32)  : i32 {
          %add3A_408 = arith.constant 0 : i32
          %add3A_409 = arith.addi %add3A_408, %scan3A_406 : i32
          %broadcast_in_dim3A_410 = vector.broadcast %add3A_409 : i32 to vector<16xi32>
          %gather3A = tpu.vector_load_idx %arg16[%broadcast_in_dim3A_410] : memref<32xf32, #tpu.memory_space<vmem>>[vector<16xi32>], vector<16xf32>,
          %get3A_411 = arith.index_cast %scan3A_406 : i32 to index
          %get3A_412 = arith.constant 0 : index
          %get3A_413 = tpu.vector_load %arg20[%get3A_411, %get3A_412] {strides = array<i32>} : memref<32x256xf32, #tpu.memory_space<vmem>>, vector<16xf32>,
          %mul3A_414 = arith.mulf %get3A_413, %gather3A : vector<16xf32>
          %swap3A_415 = arith.index_cast %scan3A_406 : i32 to index
          %swap3A_416 = arith.constant 0 : index
          %swap3A_417 = tpu.vector_load %arg20[%swap3A_415, %swap3A_416] {strides = array<i32>} : memref<32x256xf32, #tpu.memory_space<vmem>>, vector<16xf32>,
          tpu.vector_store %arg20[%swap3A_415, %swap3A_416], %mul3A_414 {strides = array<i32>} : memref<32x256xf32, #tpu.memory_space<vmem>>, vector<16xf32>,
          %get3A_418 = arith.index_cast %scan3A_406 : i32 to index
          %get3A_419 = arith.constant 16 : index
          %get3A_420 = tpu.vector_load %arg20[%get3A_418, %get3A_419] {strides = array<i32>} : memref<32x256xf32, #tpu.memory_space<vmem>>, vector<16xf32>,
          %mul3A_421 = arith.mulf %get3A_420, %gather3A : vector<16xf32>
          %swap3A_422 = arith.index_cast %scan3A_406 : i32 to index
          %swap3A_423 = arith.constant 16 : index
          %swap3A_424 = tpu.vector_load %arg20[%swap3A_422, %swap3A_423] {strides = array<i32>} : memref<32x256xf32, #tpu.memory_space<vmem>>, vector<16xf32>,
          tpu.vector_store %arg20[%swap3A_422, %swap3A_423], %mul3A_421 {strides = array<i32>} : memref<32x256xf32, #tpu.memory_space<vmem>>, vector<16xf32>,
          %get3A_425 = arith.index_cast %scan3A_406 : i32 to index
          %get3A_426 = arith.constant 32 : index
          %get3A_427 = tpu.vector_load %arg20[%get3A_425, %get3A_426] {strides = array<i32>} : memref<32x256xf32, #tpu.memory_space<vmem>>, vector<16xf32>,
          %mul3A_428 = arith.mulf %get3A_427, %gather3A : vector<16xf32>
          %swap3A_429 = arith.index_cast %scan3A_406 : i32 to index
          %swap3A_430 = arith.constant 32 : index
          %swap3A_431 = tpu.vector_load %arg20[%swap3A_429, %swap3A_430] {strides = array<i32>} : memref<32x256xf32, #tpu.memory_space<vmem>>, vector<16xf32>,
          tpu.vector_store %arg20[%swap3A_429, %swap3A_430], %mul3A_428 {strides = array<i32>} : memref<32x256xf32, #tpu.memory_space<vmem>>, vector<16xf32>,
          %get3A_432 = arith.index_cast %scan3A_406 : i32 to index
          %get3A_433 = arith.constant 48 : index
          %get3A_434 = tpu.vector_load %arg20[%get3A_432, %get3A_433] {strides = array<i32>} : memref<32x256xf32, #tpu.memory_space<vmem>>, vector<16xf32>,
          %mul3A_435 = arith.mulf %get3A_434, %gather3A : vector<16xf32>
          %swap3A_436 = arith.index_cast %scan3A_406 : i32 to index
          %swap3A_437 = arith.constant 48 : index
          %swap3A_438 = tpu.vector_load %arg20[%swap3A_436, %swap3A_437] {strides = array<i32>} : memref<32x256xf32, #tpu.memory_space<vmem>>, vector<16xf32>,
          tpu.vector_store %arg20[%swap3A_436, %swap3A_437], %mul3A_435 {strides = array<i32>} : memref<32x256xf32, #tpu.memory_space<vmem>>, vector<16xf32>,
          %get3A_439 = arith.index_cast %scan3A_406 : i32 to index
          %get3A_440 = arith.constant 64 : index
          %get3A_441 = tpu.vector_load %arg20[%get3A_439, %get3A_440] {strides = array<i32>} : memref<32x256xf32, #tpu.memory_space<vmem>>, vector<16xf32>,
          %mul3A_442 = arith.mulf %get3A_441, %gather3A : vector<16xf32>
          %swap3A_443 = arith.index_cast %scan3A_406 : i32 to index
          %swap3A_444 = arith.constant 64 : index
          %swap3A_445 = tpu.vector_load %arg20[%swap3A_443, %swap3A_444] {strides = array<i32>} : memref<32x256xf32, #tpu.memory_space<vmem>>, vector<16xf32>,
          tpu.vector_store %arg20[%swap3A_443, %swap3A_444], %mul3A_442 {strides = array<i32>} : memref<32x256xf32, #tpu.memory_space<vmem>>, vector<16xf32>,
          %get3A_446 = arith.index_cast %scan3A_406 : i32 to index
          %get3A_447 = arith.constant 80 : index
          %get3A_448 = tpu.vector_load %arg20[%get3A_446, %get3A_447] {strides = array<i32>} : memref<32x256xf32, #tpu.memory_space<vmem>>, vector<16xf32>,
          %mul3A_449 = arith.mulf %get3A_448, %gather3A : vector<16xf32>
          %swap3A_450 = arith.index_cast %scan3A_406 : i32 to index
          %swap3A_451 = arith.constant 80 : index
          %swap3A_452 = tpu.vector_load %arg20[%swap3A_450, %swap3A_451] {strides = array<i32>} : memref<32x256xf32, #tpu.memory_space<vmem>>, vector<16xf32>,
          tpu.vector_store %arg20[%swap3A_450, %swap3A_451], %mul3A_449 {strides = array<i32>} : memref<32x256xf32, #tpu.memory_space<vmem>>, vector<16xf32>,
          %get3A_453 = arith.index_cast %scan3A_406 : i32 to index
          %get3A_454 = arith.constant 96 : index
          %get3A_455 = tpu.vector_load %arg20[%get3A_453, %get3A_454] {strides = array<i32>} : memref<32x256xf32, #tpu.memory_space<vmem>>, vector<16xf32>,
          %mul3A_456 = arith.mulf %get3A_455, %gather3A : vector<16xf32>
          %swap3A_457 = arith.index_cast %scan3A_406 : i32 to index
          %swap3A_458 = arith.constant 96 : index
          %swap3A_459 = tpu.vector_load %arg20[%swap3A_457, %swap3A_458] {strides = array<i32>} : memref<32x256xf32, #tpu.memory_space<vmem>>, vector<16xf32>,
          tpu.vector_store %arg20[%swap3A_457, %swap3A_458], %mul3A_456 {strides = array<i32>} : memref<32x256xf32, #tpu.memory_space<vmem>>, vector<16xf32>,
          %get3A_460 = arith.index_cast %scan3A_406 : i32 to index
          %get3A_461 = arith.constant 112 : index
          %get3A_462 = tpu.vector_load %arg20[%get3A_460, %get3A_461] {strides = array<i32>} : memref<32x256xf32, #tpu.memory_space<vmem>>, vector<16xf32>,
          %mul3A_463 = arith.mulf %get3A_462, %gather3A : vector<16xf32>
          %swap3A_464 = arith.index_cast %scan3A_406 : i32 to index
          %swap3A_465 = arith.constant 112 : index
          %swap3A_466 = tpu.vector_load %arg20[%swap3A_464, %swap3A_465] {strides = array<i32>} : memref<32x256xf32, #tpu.memory_space<vmem>>, vector<16xf32>,
          tpu.vector_store %arg20[%swap3A_464, %swap3A_465], %mul3A_463 {strides = array<i32>} : memref<32x256xf32, #tpu.memory_space<vmem>>, vector<16xf32>,
          %get3A_467 = arith.index_cast %scan3A_406 : i32 to index
          %get3A_468 = arith.constant 128 : index
          %get3A_469 = tpu.vector_load %arg20[%get3A_467, %get3A_468] {strides = array<i32>} : memref<32x256xf32, #tpu.memory_space<vmem>>, vector<16xf32>,
          %mul3A_470 = arith.mulf %get3A_469, %gather3A : vector<16xf32>
          %swap3A_471 = arith.index_cast %scan3A_406 : i32 to index
          %swap3A_472 = arith.constant 128 : index
          %swap3A_473 = tpu.vector_load %arg20[%swap3A_471, %swap3A_472] {strides = array<i32>} : memref<32x256xf32, #tpu.memory_space<vmem>>, vector<16xf32>,
          tpu.vector_store %arg20[%swap3A_471, %swap3A_472], %mul3A_470 {strides = array<i32>} : memref<32x256xf32, #tpu.memory_space<vmem>>, vector<16xf32>,
          %get3A_474 = arith.index_cast %scan3A_406 : i32 to index
          %get3A_475 = arith.constant 144 : index
          %get3A_476 = tpu.vector_load %arg20[%get3A_474, %get3A_475] {strides = array<i32>} : memref<32x256xf32, #tpu.memory_space<vmem>>, vector<16xf32>,
          %mul3A_477 = arith.mulf %get3A_476, %gather3A : vector<16xf32>
          %swap3A_478 = arith.index_cast %scan3A_406 : i32 to index
          %swap3A_479 = arith.constant 144 : index
          %swap3A_480 = tpu.vector_load %arg20[%swap3A_478, %swap3A_479] {strides = array<i32>} : memref<32x256xf32, #tpu.memory_space<vmem>>, vector<16xf32>,
          tpu.vector_store %arg20[%swap3A_478, %swap3A_479], %mul3A_477 {strides = array<i32>} : memref<32x256xf32, #tpu.memory_space<vmem>>, vector<16xf32>,
          %get3A_481 = arith.index_cast %scan3A_406 : i32 to index
          %get3A_482 = arith.constant 160 : index
          %get3A_483 = tpu.vector_load %arg20[%get3A_481, %get3A_482] {strides = array<i32>} : memref<32x256xf32, #tpu.memory_space<vmem>>, vector<16xf32>,
          %mul3A_484 = arith.mulf %get3A_483, %gather3A : vector<16xf32>
          %swap3A_485 = arith.index_cast %scan3A_406 : i32 to index
          %swap3A_486 = arith.constant 160 : index
          %swap3A_487 = tpu.vector_load %arg20[%swap3A_485, %swap3A_486] {strides = array<i32>} : memref<32x256xf32, #tpu.memory_space<vmem>>, vector<16xf32>,
          tpu.vector_store %arg20[%swap3A_485, %swap3A_486], %mul3A_484 {strides = array<i32>} : memref<32x256xf32, #tpu.memory_space<vmem>>, vector<16xf32>,
          %get3A_488 = arith.index_cast %scan3A_406 : i32 to index
          %get3A_489 = arith.constant 176 : index
          %get3A_490 = tpu.vector_load %arg20[%get3A_488, %get3A_489] {strides = array<i32>} : memref<32x256xf32, #tpu.memory_space<vmem>>, vector<16xf32>,
          %mul3A_491 = arith.mulf %get3A_490, %gather3A : vector<16xf32>
          %swap3A_492 = arith.index_cast %scan3A_406 : i32 to index
          %swap3A_493 = arith.constant 176 : index
          %swap3A_494 = tpu.vector_load %arg20[%swap3A_492, %swap3A_493] {strides = array<i32>} : memref<32x256xf32, #tpu.memory_space<vmem>>, vector<16xf32>,
          tpu.vector_store %arg20[%swap3A_492, %swap3A_493], %mul3A_491 {strides = array<i32>} : memref<32x256xf32, #tpu.memory_space<vmem>>, vector<16xf32>,
          %get3A_495 = arith.index_cast %scan3A_406 : i32 to index
          %get3A_496 = arith.constant 192 : index
          %get3A_497 = tpu.vector_load %arg20[%get3A_495, %get3A_496] {strides = array<i32>} : memref<32x256xf32, #tpu.memory_space<vmem>>, vector<16xf32>,
          %mul3A_498 = arith.mulf %get3A_497, %gather3A : vector<16xf32>
          %swap3A_499 = arith.index_cast %scan3A_406 : i32 to index
          %swap3A_500 = arith.constant 192 : index
          %swap3A_501 = tpu.vector_load %arg20[%swap3A_499, %swap3A_500] {strides = array<i32>} : memref<32x256xf32, #tpu.memory_space<vmem>>, vector<16xf32>,
          tpu.vector_store %arg20[%swap3A_499, %swap3A_500], %mul3A_498 {strides = array<i32>} : memref<32x256xf32, #tpu.memory_space<vmem>>, vector<16xf32>,
          %get3A_502 = arith.index_cast %scan3A_406 : i32 to index
          %get3A_503 = arith.constant 208 : index
          %get3A_504 = tpu.vector_load %arg20[%get3A_502, %get3A_503] {strides = array<i32>} : memref<32x256xf32, #tpu.memory_space<vmem>>, vector<16xf32>,
          %mul3A_505 = arith.mulf %get3A_504, %gather3A : vector<16xf32>
          %swap3A_506 = arith.index_cast %scan3A_406 : i32 to index
          %swap3A_507 = arith.constant 208 : index
          %swap3A_508 = tpu.vector_load %arg20[%swap3A_506, %swap3A_507] {strides = array<i32>} : memref<32x256xf32, #tpu.memory_space<vmem>>, vector<16xf32>,
          tpu.vector_store %arg20[%swap3A_506, %swap3A_507], %mul3A_505 {strides = array<i32>} : memref<32x256xf32, #tpu.memory_space<vmem>>, vector<16xf32>,
          %get3A_509 = arith.index_cast %scan3A_406 : i32 to index
          %get3A_510 = arith.constant 224 : index
          %get3A_511 = tpu.vector_load %arg20[%get3A_509, %get3A_510] {strides = array<i32>} : memref<32x256xf32, #tpu.memory_space<vmem>>, vector<16xf32>,
          %mul3A_512 = arith.mulf %get3A_511, %gather3A : vector<16xf32>
          %swap3A_513 = arith.index_cast %scan3A_406 : i32 to index
          %swap3A_514 = arith.constant 224 : index
          %swap3A_515 = tpu.vector_load %arg20[%swap3A_513, %swap3A_514] {strides = array<i32>} : memref<32x256xf32, #tpu.memory_space<vmem>>, vector<16xf32>,
          tpu.vector_store %arg20[%swap3A_513, %swap3A_514], %mul3A_512 {strides = array<i32>} : memref<32x256xf32, #tpu.memory_space<vmem>>, vector<16xf32>,
          %get3A_516 = arith.index_cast %scan3A_406 : i32 to index
          %get3A_517 = arith.constant 240 : index
          %get3A_518 = tpu.vector_load %arg20[%get3A_516, %get3A_517] {strides = array<i32>} : memref<32x256xf32, #tpu.memory_space<vmem>>, vector<16xf32>,
          %mul3A_519 = arith.mulf %get3A_518, %gather3A : vector<16xf32>
          %swap3A_520 = arith.index_cast %scan3A_406 : i32 to index
          %swap3A_521 = arith.constant 240 : index
          %swap3A_522 = tpu.vector_load %arg20[%swap3A_520, %swap3A_521] {strides = array<i32>} : memref<32x256xf32, #tpu.memory_space<vmem>>, vector<16xf32>,
          tpu.vector_store %arg20[%swap3A_520, %swap3A_521], %mul3A_519 {strides = array<i32>} : memref<32x256xf32, #tpu.memory_space<vmem>>, vector<16xf32>,
          %scan3A_523 = arith.constant 0 : i32
          scf.yield %scan3A_523 : i32
        }
        %scan3A_348 = arith.constant 32 : i32
        %dma_start3A_349 = arith.constant 0 : i32
        %dma_start3A_350 = arith.constant 0 : i32
        %dma_start3A_351 = tpu.memref_slice %arg26[%dma_start3A_349, %dma_start3A_350] : memref<5008x256xf32, #tpu.memory_space<vmem_shared>> -> memref<5008x256xf32, #tpu.memory_space<vmem_shared>>
        tpu.enqueue_indirect_dma source(%arg20 : memref<32x256xf32, #tpu.memory_space<vmem>>) target(%dma_start3A_351 : memref<5008x256xf32, #tpu.memory_space<vmem_shared>>) offsets(%arg18 : memref<32xi32, #tpu.memory_space<vmem>>) semaphore(%arg30 : memref<!tpu.dma_semaphore, #tpu.memory_space<semaphore_mem>>) {add = true}
        %mul3A_352 = arith.constant 2 : i32
        %mul3A_353 = arith.muli %while3A_300, %mul3A_352 : i32
        %add3A_354 = arith.constant 1 : i32
        %add3A_355 = arith.addi %mul3A_353, %add3A_354 : i32
        %ge3A_356 = arith.constant 1 : i32
        %ge3A_357 = arith.cmpi sge, %add3A_355, %ge3A_356 : i32
        %convert_element_type3A_358 = arith.extui %ge3A_357 : i1 to i32
        %cond3A_359 = arith.constant 0 : i32
        %cond3A_360 = arith.cmpi ne, %convert_element_type3A_358, %cond3A_359 : i32
        scf.if %cond3A_360 {
          %dma_wait3A_406 = arith.constant 0 : i32
          %dma_wait3A_407 = arith.constant 0 : i32
          %dma_wait3A_408 = tpu.memref_slice %arg2[%dma_wait3A_406, %dma_wait3A_407] : memref<10000x256xf32, #tpu.memory_space<hbm>> -> memref<32x256xf32, #tpu.memory_space<hbm>>
          %dma_wait3A_409 = arith.constant 0 : i32
          %dma_wait3A_410 = arith.constant 0 : i32
          %dma_wait3A_411 = tpu.memref_slice %arg2[%dma_wait3A_409, %dma_wait3A_410] : memref<10000x256xf32, #tpu.memory_space<hbm>> -> memref<32x256xf32, #tpu.memory_space<hbm>>
          tpu.wait_dma2 semaphore(%arg30 : memref<!tpu.dma_semaphore, #tpu.memory_space<semaphore_mem>>) src(%dma_wait3A_411 : memref<32x256xf32, #tpu.memory_space<hbm>>) dst(%arg20 : memref<32x256xf32, #tpu.memory_space<vmem>>)
        } else {
        }
        %add3A_361 = arith.constant 1 : i32
        %add3A_362 = arith.addi %add3A_355, %add3A_361 : i32
        %lt3A_363 = arith.cmpi slt, %add3A_362, %shift_right_arithmetic3A_199 : i32
        %convert_element_type3A_364 = arith.extui %lt3A_363 : i1 to i32
        %cond3A_365 = arith.constant 0 : i32
        %cond3A_366 = arith.cmpi ne, %convert_element_type3A_364, %cond3A_365 : i32
        scf.if %cond3A_366 {
          %add3A_406 = arith.constant 1 : i32
          %add3A_407 = arith.addi %add3A_355, %add3A_406 : i32
          %mul3A_408 = arith.constant 32 : i32
          %mul3A_409 = arith.muli %add3A_407, %mul3A_408 : i32
          %dma_start3A_410 = tpu.memref_slice %arg11[%mul3A_409] : memref<1104xi32, #tpu.memory_space<vmem>> -> memref<32xi32, #tpu.memory_space<vmem>>
          %dma_start3A_411 = arith.constant 0 : i32
          %dma_start3A_412 = arith.constant 0 : i32
          %dma_start3A_413 = tpu.memref_slice %arg2[%dma_start3A_411, %dma_start3A_412] : memref<10000x256xf32, #tpu.memory_space<hbm>> -> memref<10000x256xf32, #tpu.memory_space<hbm>>
          tpu.enqueue_indirect_dma source(%dma_start3A_413 : memref<10000x256xf32, #tpu.memory_space<hbm>>) target(%arg20 : memref<32x256xf32, #tpu.memory_space<vmem>>) offsets(%dma_start3A_410 : memref<32xi32, #tpu.memory_space<vmem>>) semaphore(%arg28 : memref<!tpu.dma_semaphore, #tpu.memory_space<semaphore_mem>>)
        } else {
        }
        %dma_wait3A_367 = arith.constant 0 : i32
        %dma_wait3A_368 = arith.constant 0 : i32
        %dma_wait3A_369 = tpu.memref_slice %arg2[%dma_wait3A_367, %dma_wait3A_368] : memref<10000x256xf32, #tpu.memory_space<hbm>> -> memref<32x256xf32, #tpu.memory_space<hbm>>
        %dma_wait3A_370 = arith.constant 0 : i32
        %dma_wait3A_371 = arith.constant 0 : i32
        %dma_wait3A_372 = tpu.memref_slice %arg2[%dma_wait3A_370, %dma_wait3A_371] : memref<10000x256xf32, #tpu.memory_space<hbm>> -> memref<32x256xf32, #tpu.memory_space<hbm>>
        tpu.wait_dma2 semaphore(%arg29 : memref<!tpu.dma_semaphore, #tpu.memory_space<semaphore_mem>>) src(%dma_wait3A_372 : memref<32x256xf32, #tpu.memory_space<hbm>>) dst(%arg21 : memref<32x256xf32, #tpu.memory_space<vmem>>)
        %mul3A_373 = arith.constant 32 : i32
        %mul3A_374 = arith.muli %add3A_355, %mul3A_373 : i32
        %mul3A_375 = arith.constant 32 : i32
        %mul3A_376 = arith.muli %add3A_355, %mul3A_375 : i32
        %add3A_377 = arith.constant 16 : i32
        %add3A_378 = arith.addi %mul3A_376, %add3A_377 : i32
        %get3A_379 = arith.index_cast %mul3A_374 : i32 to index
        %get3A_380 = tpu.vector_load %arg13[%get3A_379] {strides = array<i32>} : memref<1104xf32, #tpu.memory_space<vmem>>, vector<16xf32>,
        %swap3A_381 = arith.constant 0 : index
        %swap3A_382 = tpu.vector_load %arg17[%swap3A_381] {strides = array<i32>} : memref<32xf32, #tpu.memory_space<vmem>>, vector<16xf32>,
        tpu.vector_store %arg17[%swap3A_381], %get3A_380 {strides = array<i32>} : memref<32xf32, #tpu.memory_space<vmem>>, vector<16xf32>,
        %get3A_383 = arith.index_cast %add3A_378 : i32 to index
        %get3A_384 = tpu.vector_load %arg13[%get3A_383] {strides = array<i32>} : memref<1104xf32, #tpu.memory_space<vmem>>, vector<16xf32>,
        %swap3A_385 = arith.constant 16 : index
        %swap3A_386 = tpu.vector_load %arg17[%swap3A_385] {strides = array<i32>} : memref<32xf32, #tpu.memory_space<vmem>>, vector<16xf32>,
        tpu.vector_store %arg17[%swap3A_385], %get3A_384 {strides = array<i32>} : memref<32xf32, #tpu.memory_space<vmem>>, vector<16xf32>,
        %get3A_387 = arith.index_cast %mul3A_374 : i32 to index
        %get3A_388 = tpu.vector_load %arg12[%get3A_387] {strides = array<i32>} : memref<1104xi32, #tpu.memory_space<vmem>>, vector<16xi32>,
        %swap3A_389 = arith.constant 0 : index
        %swap3A_390 = tpu.vector_load %arg19[%swap3A_389] {strides = array<i32>} : memref<32xi32, #tpu.memory_space<vmem>>, vector<16xi32>,
        tpu.vector_store %arg19[%swap3A_389], %get3A_388 {strides = array<i32>} : memref<32xi32, #tpu.memory_space<vmem>>, vector<16xi32>,
        %get3A_391 = arith.index_cast %add3A_378 : i32 to index
        %get3A_392 = tpu.vector_load %arg12[%get3A_391] {strides = array<i32>} : memref<1104xi32, #tpu.memory_space<vmem>>, vector<16xi32>,
        %swap3A_393 = arith.constant 16 : index
        %swap3A_394 = tpu.vector_load %arg19[%swap3A_393] {strides = array<i32>} : memref<32xi32, #tpu.memory_space<vmem>>, vector<16xi32>,
        tpu.vector_store %arg19[%swap3A_393], %get3A_392 {strides = array<i32>} : memref<32xi32, #tpu.memory_space<vmem>>, vector<16xi32>,
        %scan3A_395 = arith.constant 0 : i32
        %scan3A_396 = arith.constant 0 : i32
        %scan3A_397 = arith.constant 32 : i32
        %scan3A_398 = arith.addi %scan3A_396, %scan3A_397 : i32
        %scan3A_399 = arith.constant 1 : i32
        %scan3A_400 = scf.for %scan3A_406 = %scan3A_396 to %scan3A_398 step %scan3A_399 iter_args(%scan3A_407 = %scan3A_395) -> (i32)  : i32 {
          %add3A_408 = arith.constant 0 : i32
          %add3A_409 = arith.addi %add3A_408, %scan3A_406 : i32
          %broadcast_in_dim3A_410 = vector.broadcast %add3A_409 : i32 to vector<16xi32>
          %gather3A = tpu.vector_load_idx %arg17[%broadcast_in_dim3A_410] : memref<32xf32, #tpu.memory_space<vmem>>[vector<16xi32>], vector<16xf32>,
          %get3A_411 = arith.index_cast %scan3A_406 : i32 to index
          %get3A_412 = arith.constant 0 : index
          %get3A_413 = tpu.vector_load %arg21[%get3A_411, %get3A_412] {strides = array<i32>} : memref<32x256xf32, #tpu.memory_space<vmem>>, vector<16xf32>,
          %mul3A_414 = arith.mulf %get3A_413, %gather3A : vector<16xf32>
          %swap3A_415 = arith.index_cast %scan3A_406 : i32 to index
          %swap3A_416 = arith.constant 0 : index
          %swap3A_417 = tpu.vector_load %arg21[%swap3A_415, %swap3A_416] {strides = array<i32>} : memref<32x256xf32, #tpu.memory_space<vmem>>, vector<16xf32>,
          tpu.vector_store %arg21[%swap3A_415, %swap3A_416], %mul3A_414 {strides = array<i32>} : memref<32x256xf32, #tpu.memory_space<vmem>>, vector<16xf32>,
          %get3A_418 = arith.index_cast %scan3A_406 : i32 to index
          %get3A_419 = arith.constant 16 : index
          %get3A_420 = tpu.vector_load %arg21[%get3A_418, %get3A_419] {strides = array<i32>} : memref<32x256xf32, #tpu.memory_space<vmem>>, vector<16xf32>,
          %mul3A_421 = arith.mulf %get3A_420, %gather3A : vector<16xf32>
          %swap3A_422 = arith.index_cast %scan3A_406 : i32 to index
          %swap3A_423 = arith.constant 16 : index
          %swap3A_424 = tpu.vector_load %arg21[%swap3A_422, %swap3A_423] {strides = array<i32>} : memref<32x256xf32, #tpu.memory_space<vmem>>, vector<16xf32>,
          tpu.vector_store %arg21[%swap3A_422, %swap3A_423], %mul3A_421 {strides = array<i32>} : memref<32x256xf32, #tpu.memory_space<vmem>>, vector<16xf32>,
          %get3A_425 = arith.index_cast %scan3A_406 : i32 to index
          %get3A_426 = arith.constant 32 : index
          %get3A_427 = tpu.vector_load %arg21[%get3A_425, %get3A_426] {strides = array<i32>} : memref<32x256xf32, #tpu.memory_space<vmem>>, vector<16xf32>,
          %mul3A_428 = arith.mulf %get3A_427, %gather3A : vector<16xf32>
          %swap3A_429 = arith.index_cast %scan3A_406 : i32 to index
          %swap3A_430 = arith.constant 32 : index
          %swap3A_431 = tpu.vector_load %arg21[%swap3A_429, %swap3A_430] {strides = array<i32>} : memref<32x256xf32, #tpu.memory_space<vmem>>, vector<16xf32>,
          tpu.vector_store %arg21[%swap3A_429, %swap3A_430], %mul3A_428 {strides = array<i32>} : memref<32x256xf32, #tpu.memory_space<vmem>>, vector<16xf32>,
          %get3A_432 = arith.index_cast %scan3A_406 : i32 to index
          %get3A_433 = arith.constant 48 : index
          %get3A_434 = tpu.vector_load %arg21[%get3A_432, %get3A_433] {strides = array<i32>} : memref<32x256xf32, #tpu.memory_space<vmem>>, vector<16xf32>,
          %mul3A_435 = arith.mulf %get3A_434, %gather3A : vector<16xf32>
          %swap3A_436 = arith.index_cast %scan3A_406 : i32 to index
          %swap3A_437 = arith.constant 48 : index
          %swap3A_438 = tpu.vector_load %arg21[%swap3A_436, %swap3A_437] {strides = array<i32>} : memref<32x256xf32, #tpu.memory_space<vmem>>, vector<16xf32>,
          tpu.vector_store %arg21[%swap3A_436, %swap3A_437], %mul3A_435 {strides = array<i32>} : memref<32x256xf32, #tpu.memory_space<vmem>>, vector<16xf32>,
          %get3A_439 = arith.index_cast %scan3A_406 : i32 to index
          %get3A_440 = arith.constant 64 : index
          %get3A_441 = tpu.vector_load %arg21[%get3A_439, %get3A_440] {strides = array<i32>} : memref<32x256xf32, #tpu.memory_space<vmem>>, vector<16xf32>,
          %mul3A_442 = arith.mulf %get3A_441, %gather3A : vector<16xf32>
          %swap3A_443 = arith.index_cast %scan3A_406 : i32 to index
          %swap3A_444 = arith.constant 64 : index
          %swap3A_445 = tpu.vector_load %arg21[%swap3A_443, %swap3A_444] {strides = array<i32>} : memref<32x256xf32, #tpu.memory_space<vmem>>, vector<16xf32>,
          tpu.vector_store %arg21[%swap3A_443, %swap3A_444], %mul3A_442 {strides = array<i32>} : memref<32x256xf32, #tpu.memory_space<vmem>>, vector<16xf32>,
          %get3A_446 = arith.index_cast %scan3A_406 : i32 to index
          %get3A_447 = arith.constant 80 : index
          %get3A_448 = tpu.vector_load %arg21[%get3A_446, %get3A_447] {strides = array<i32>} : memref<32x256xf32, #tpu.memory_space<vmem>>, vector<16xf32>,
          %mul3A_449 = arith.mulf %get3A_448, %gather3A : vector<16xf32>
          %swap3A_450 = arith.index_cast %scan3A_406 : i32 to index
          %swap3A_451 = arith.constant 80 : index
          %swap3A_452 = tpu.vector_load %arg21[%swap3A_450, %swap3A_451] {strides = array<i32>} : memref<32x256xf32, #tpu.memory_space<vmem>>, vector<16xf32>,
          tpu.vector_store %arg21[%swap3A_450, %swap3A_451], %mul3A_449 {strides = array<i32>} : memref<32x256xf32, #tpu.memory_space<vmem>>, vector<16xf32>,
          %get3A_453 = arith.index_cast %scan3A_406 : i32 to index
          %get3A_454 = arith.constant 96 : index
          %get3A_455 = tpu.vector_load %arg21[%get3A_453, %get3A_454] {strides = array<i32>} : memref<32x256xf32, #tpu.memory_space<vmem>>, vector<16xf32>,
          %mul3A_456 = arith.mulf %get3A_455, %gather3A : vector<16xf32>
          %swap3A_457 = arith.index_cast %scan3A_406 : i32 to index
          %swap3A_458 = arith.constant 96 : index
          %swap3A_459 = tpu.vector_load %arg21[%swap3A_457, %swap3A_458] {strides = array<i32>} : memref<32x256xf32, #tpu.memory_space<vmem>>, vector<16xf32>,
          tpu.vector_store %arg21[%swap3A_457, %swap3A_458], %mul3A_456 {strides = array<i32>} : memref<32x256xf32, #tpu.memory_space<vmem>>, vector<16xf32>,
          %get3A_460 = arith.index_cast %scan3A_406 : i32 to index
          %get3A_461 = arith.constant 112 : index
          %get3A_462 = tpu.vector_load %arg21[%get3A_460, %get3A_461] {strides = array<i32>} : memref<32x256xf32, #tpu.memory_space<vmem>>, vector<16xf32>,
          %mul3A_463 = arith.mulf %get3A_462, %gather3A : vector<16xf32>
          %swap3A_464 = arith.index_cast %scan3A_406 : i32 to index
          %swap3A_465 = arith.constant 112 : index
          %swap3A_466 = tpu.vector_load %arg21[%swap3A_464, %swap3A_465] {strides = array<i32>} : memref<32x256xf32, #tpu.memory_space<vmem>>, vector<16xf32>,
          tpu.vector_store %arg21[%swap3A_464, %swap3A_465], %mul3A_463 {strides = array<i32>} : memref<32x256xf32, #tpu.memory_space<vmem>>, vector<16xf32>,
          %get3A_467 = arith.index_cast %scan3A_406 : i32 to index
          %get3A_468 = arith.constant 128 : index
          %get3A_469 = tpu.vector_load %arg21[%get3A_467, %get3A_468] {strides = array<i32>} : memref<32x256xf32, #tpu.memory_space<vmem>>, vector<16xf32>,
          %mul3A_470 = arith.mulf %get3A_469, %gather3A : vector<16xf32>
          %swap3A_471 = arith.index_cast %scan3A_406 : i32 to index
          %swap3A_472 = arith.constant 128 : index
          %swap3A_473 = tpu.vector_load %arg21[%swap3A_471, %swap3A_472] {strides = array<i32>} : memref<32x256xf32, #tpu.memory_space<vmem>>, vector<16xf32>,
          tpu.vector_store %arg21[%swap3A_471, %swap3A_472], %mul3A_470 {strides = array<i32>} : memref<32x256xf32, #tpu.memory_space<vmem>>, vector<16xf32>,
          %get3A_474 = arith.index_cast %scan3A_406 : i32 to index
          %get3A_475 = arith.constant 144 : index
          %get3A_476 = tpu.vector_load %arg21[%get3A_474, %get3A_475] {strides = array<i32>} : memref<32x256xf32, #tpu.memory_space<vmem>>, vector<16xf32>,
          %mul3A_477 = arith.mulf %get3A_476, %gather3A : vector<16xf32>
          %swap3A_478 = arith.index_cast %scan3A_406 : i32 to index
          %swap3A_479 = arith.constant 144 : index
          %swap3A_480 = tpu.vector_load %arg21[%swap3A_478, %swap3A_479] {strides = array<i32>} : memref<32x256xf32, #tpu.memory_space<vmem>>, vector<16xf32>,
          tpu.vector_store %arg21[%swap3A_478, %swap3A_479], %mul3A_477 {strides = array<i32>} : memref<32x256xf32, #tpu.memory_space<vmem>>, vector<16xf32>,
          %get3A_481 = arith.index_cast %scan3A_406 : i32 to index
          %get3A_482 = arith.constant 160 : index
          %get3A_483 = tpu.vector_load %arg21[%get3A_481, %get3A_482] {strides = array<i32>} : memref<32x256xf32, #tpu.memory_space<vmem>>, vector<16xf32>,
          %mul3A_484 = arith.mulf %get3A_483, %gather3A : vector<16xf32>
          %swap3A_485 = arith.index_cast %scan3A_406 : i32 to index
          %swap3A_486 = arith.constant 160 : index
          %swap3A_487 = tpu.vector_load %arg21[%swap3A_485, %swap3A_486] {strides = array<i32>} : memref<32x256xf32, #tpu.memory_space<vmem>>, vector<16xf32>,
          tpu.vector_store %arg21[%swap3A_485, %swap3A_486], %mul3A_484 {strides = array<i32>} : memref<32x256xf32, #tpu.memory_space<vmem>>, vector<16xf32>,
          %get3A_488 = arith.index_cast %scan3A_406 : i32 to index
          %get3A_489 = arith.constant 176 : index
          %get3A_490 = tpu.vector_load %arg21[%get3A_488, %get3A_489] {strides = array<i32>} : memref<32x256xf32, #tpu.memory_space<vmem>>, vector<16xf32>,
          %mul3A_491 = arith.mulf %get3A_490, %gather3A : vector<16xf32>
          %swap3A_492 = arith.index_cast %scan3A_406 : i32 to index
          %swap3A_493 = arith.constant 176 : index
          %swap3A_494 = tpu.vector_load %arg21[%swap3A_492, %swap3A_493] {strides = array<i32>} : memref<32x256xf32, #tpu.memory_space<vmem>>, vector<16xf32>,
          tpu.vector_store %arg21[%swap3A_492, %swap3A_493], %mul3A_491 {strides = array<i32>} : memref<32x256xf32, #tpu.memory_space<vmem>>, vector<16xf32>,
          %get3A_495 = arith.index_cast %scan3A_406 : i32 to index
          %get3A_496 = arith.constant 192 : index
          %get3A_497 = tpu.vector_load %arg21[%get3A_495, %get3A_496] {strides = array<i32>} : memref<32x256xf32, #tpu.memory_space<vmem>>, vector<16xf32>,
          %mul3A_498 = arith.mulf %get3A_497, %gather3A : vector<16xf32>
          %swap3A_499 = arith.index_cast %scan3A_406 : i32 to index
          %swap3A_500 = arith.constant 192 : index
          %swap3A_501 = tpu.vector_load %arg21[%swap3A_499, %swap3A_500] {strides = array<i32>} : memref<32x256xf32, #tpu.memory_space<vmem>>, vector<16xf32>,
          tpu.vector_store %arg21[%swap3A_499, %swap3A_500], %mul3A_498 {strides = array<i32>} : memref<32x256xf32, #tpu.memory_space<vmem>>, vector<16xf32>,
          %get3A_502 = arith.index_cast %scan3A_406 : i32 to index
          %get3A_503 = arith.constant 208 : index
          %get3A_504 = tpu.vector_load %arg21[%get3A_502, %get3A_503] {strides = array<i32>} : memref<32x256xf32, #tpu.memory_space<vmem>>, vector<16xf32>,
          %mul3A_505 = arith.mulf %get3A_504, %gather3A : vector<16xf32>
          %swap3A_506 = arith.index_cast %scan3A_406 : i32 to index
          %swap3A_507 = arith.constant 208 : index
          %swap3A_508 = tpu.vector_load %arg21[%swap3A_506, %swap3A_507] {strides = array<i32>} : memref<32x256xf32, #tpu.memory_space<vmem>>, vector<16xf32>,
          tpu.vector_store %arg21[%swap3A_506, %swap3A_507], %mul3A_505 {strides = array<i32>} : memref<32x256xf32, #tpu.memory_space<vmem>>, vector<16xf32>,
          %get3A_509 = arith.index_cast %scan3A_406 : i32 to index
          %get3A_510 = arith.constant 224 : index
          %get3A_511 = tpu.vector_load %arg21[%get3A_509, %get3A_510] {strides = array<i32>} : memref<32x256xf32, #tpu.memory_space<vmem>>, vector<16xf32>,
          %mul3A_512 = arith.mulf %get3A_511, %gather3A : vector<16xf32>
          %swap3A_513 = arith.index_cast %scan3A_406 : i32 to index
          %swap3A_514 = arith.constant 224 : index
          %swap3A_515 = tpu.vector_load %arg21[%swap3A_513, %swap3A_514] {strides = array<i32>} : memref<32x256xf32, #tpu.memory_space<vmem>>, vector<16xf32>,
          tpu.vector_store %arg21[%swap3A_513, %swap3A_514], %mul3A_512 {strides = array<i32>} : memref<32x256xf32, #tpu.memory_space<vmem>>, vector<16xf32>,
          %get3A_516 = arith.index_cast %scan3A_406 : i32 to index
          %get3A_517 = arith.constant 240 : index
          %get3A_518 = tpu.vector_load %arg21[%get3A_516, %get3A_517] {strides = array<i32>} : memref<32x256xf32, #tpu.memory_space<vmem>>, vector<16xf32>,
          %mul3A_519 = arith.mulf %get3A_518, %gather3A : vector<16xf32>
          %swap3A_520 = arith.index_cast %scan3A_406 : i32 to index
          %swap3A_521 = arith.constant 240 : index
          %swap3A_522 = tpu.vector_load %arg21[%swap3A_520, %swap3A_521] {strides = array<i32>} : memref<32x256xf32, #tpu.memory_space<vmem>>, vector<16xf32>,
          tpu.vector_store %arg21[%swap3A_520, %swap3A_521], %mul3A_519 {strides = array<i32>} : memref<32x256xf32, #tpu.memory_space<vmem>>, vector<16xf32>,
          %scan3A_523 = arith.constant 0 : i32
          scf.yield %scan3A_523 : i32
        }
        %scan3A_401 = arith.constant 32 : i32
        %dma_start3A_402 = arith.constant 0 : i32
        %dma_start3A_403 = arith.constant 0 : i32
        %dma_start3A_404 = tpu.memref_slice %arg26[%dma_start3A_402, %dma_start3A_403] : memref<5008x256xf32, #tpu.memory_space<vmem_shared>> -> memref<5008x256xf32, #tpu.memory_space<vmem_shared>>
        tpu.enqueue_indirect_dma source(%arg21 : memref<32x256xf32, #tpu.memory_space<vmem>>) target(%dma_start3A_404 : memref<5008x256xf32, #tpu.memory_space<vmem_shared>>) offsets(%arg19 : memref<32xi32, #tpu.memory_space<vmem>>) semaphore(%arg31 : memref<!tpu.dma_semaphore, #tpu.memory_space<semaphore_mem>>) {add = true}
        %while3A_405 = arith.constant 0 : i32
        scf.yield %while3A_405 : i32
      }
      %while3A_213 = arith.constant 1 : i32
      %while3A_214 = scf.for %while3A_300 = %while3A_210 to %while3A_206 step %while3A_213 iter_args(%while3A_301 = %while3A_212) -> (i32)  : i32 {
        %mul3A_302 = arith.constant 2 : i32
        %mul3A_303 = arith.muli %while3A_300, %mul3A_302 : i32
        %add3A_304 = arith.constant 0 : i32
        %add3A_305 = arith.addi %mul3A_303, %add3A_304 : i32
        %ge3A = arith.constant 1 : i32
        %ge3A_306 = arith.cmpi sge, %add3A_305, %ge3A : i32
        %convert_element_type3A_307 = arith.extui %ge3A_306 : i1 to i32
        %cond3A_308 = arith.constant 0 : i32
        %cond3A_309 = arith.cmpi ne, %convert_element_type3A_307, %cond3A_308 : i32
        scf.if %cond3A_309 {
          %dma_wait3A_406 = arith.constant 0 : i32
          %dma_wait3A_407 = arith.constant 0 : i32
          %dma_wait3A_408 = tpu.memref_slice %arg2[%dma_wait3A_406, %dma_wait3A_407] : memref<10000x256xf32, #tpu.memory_space<hbm>> -> memref<32x256xf32, #tpu.memory_space<hbm>>
          %dma_wait3A_409 = arith.constant 0 : i32
          %dma_wait3A_410 = arith.constant 0 : i32
          %dma_wait3A_411 = tpu.memref_slice %arg2[%dma_wait3A_409, %dma_wait3A_410] : memref<10000x256xf32, #tpu.memory_space<hbm>> -> memref<32x256xf32, #tpu.memory_space<hbm>>
          tpu.wait_dma2 semaphore(%arg31 : memref<!tpu.dma_semaphore, #tpu.memory_space<semaphore_mem>>) src(%dma_wait3A_411 : memref<32x256xf32, #tpu.memory_space<hbm>>) dst(%arg21 : memref<32x256xf32, #tpu.memory_space<vmem>>)
        } else {
        }
        %add3A_310 = arith.constant 1 : i32
        %add3A_311 = arith.addi %add3A_305, %add3A_310 : i32
        %lt3A = arith.cmpi slt, %add3A_311, %shift_right_arithmetic3A_199 : i32
        %convert_element_type3A_312 = arith.extui %lt3A : i1 to i32
        %cond3A_313 = arith.constant 0 : i32
        %cond3A_314 = arith.cmpi ne, %convert_element_type3A_312, %cond3A_313 : i32
        scf.if %cond3A_314 {
          %add3A_406 = arith.constant 1 : i32
          %add3A_407 = arith.addi %add3A_305, %add3A_406 : i32
          %mul3A_408 = arith.constant 32 : i32
          %mul3A_409 = arith.muli %add3A_407, %mul3A_408 : i32
          %dma_start3A_410 = tpu.memref_slice %arg11[%mul3A_409] : memref<1104xi32, #tpu.memory_space<vmem>> -> memref<32xi32, #tpu.memory_space<vmem>>
          %dma_start3A_411 = arith.constant 0 : i32
          %dma_start3A_412 = arith.constant 0 : i32
          %dma_start3A_413 = tpu.memref_slice %arg2[%dma_start3A_411, %dma_start3A_412] : memref<10000x256xf32, #tpu.memory_space<hbm>> -> memref<10000x256xf32, #tpu.memory_space<hbm>>
          tpu.enqueue_indirect_dma source(%dma_start3A_413 : memref<10000x256xf32, #tpu.memory_space<hbm>>) target(%arg21 : memref<32x256xf32, #tpu.memory_space<vmem>>) offsets(%dma_start3A_410 : memref<32xi32, #tpu.memory_space<vmem>>) semaphore(%arg29 : memref<!tpu.dma_semaphore, #tpu.memory_space<semaphore_mem>>)
        } else {
        }
        %dma_wait3A_315 = arith.constant 0 : i32
        %dma_wait3A_316 = arith.constant 0 : i32
        %dma_wait3A_317 = tpu.memref_slice %arg2[%dma_wait3A_315, %dma_wait3A_316] : memref<10000x256xf32, #tpu.memory_space<hbm>> -> memref<32x256xf32, #tpu.memory_space<hbm>>
        %dma_wait3A_318 = arith.constant 0 : i32
        %dma_wait3A_319 = arith.constant 0 : i32
        %dma_wait3A_320 = tpu.memref_slice %arg2[%dma_wait3A_318, %dma_wait3A_319] : memref<10000x256xf32, #tpu.memory_space<hbm>> -> memref<32x256xf32, #tpu.memory_space<hbm>>
        tpu.wait_dma2 semaphore(%arg28 : memref<!tpu.dma_semaphore, #tpu.memory_space<semaphore_mem>>) src(%dma_wait3A_320 : memref<32x256xf32, #tpu.memory_space<hbm>>) dst(%arg20 : memref<32x256xf32, #tpu.memory_space<vmem>>)
        %mul3A_321 = arith.constant 32 : i32
        %mul3A_322 = arith.muli %add3A_305, %mul3A_321 : i32
        %mul3A_323 = arith.constant 32 : i32
        %mul3A_324 = arith.muli %add3A_305, %mul3A_323 : i32
        %add3A_325 = arith.constant 16 : i32
        %add3A_326 = arith.addi %mul3A_324, %add3A_325 : i32
        %get3A = arith.index_cast %mul3A_322 : i32 to index
        %get3A_327 = tpu.vector_load %arg13[%get3A] {strides = array<i32>} : memref<1104xf32, #tpu.memory_space<vmem>>, vector<16xf32>,
        %swap3A_328 = arith.constant 0 : index
        %swap3A_329 = tpu.vector_load %arg16[%swap3A_328] {strides = array<i32>} : memref<32xf32, #tpu.memory_space<vmem>>, vector<16xf32>,
        tpu.vector_store %arg16[%swap3A_328], %get3A_327 {strides = array<i32>} : memref<32xf32, #tpu.memory_space<vmem>>, vector<16xf32>,
        %get3A_330 = arith.index_cast %add3A_326 : i32 to index
        %get3A_331 = tpu.vector_load %arg13[%get3A_330] {strides = array<i32>} : memref<1104xf32, #tpu.memory_space<vmem>>, vector<16xf32>,
        %swap3A_332 = arith.constant 16 : index
        %swap3A_333 = tpu.vector_load %arg16[%swap3A_332] {strides = array<i32>} : memref<32xf32, #tpu.memory_space<vmem>>, vector<16xf32>,
        tpu.vector_store %arg16[%swap3A_332], %get3A_331 {strides = array<i32>} : memref<32xf32, #tpu.memory_space<vmem>>, vector<16xf32>,
        %get3A_334 = arith.index_cast %mul3A_322 : i32 to index
        %get3A_335 = tpu.vector_load %arg12[%get3A_334] {strides = array<i32>} : memref<1104xi32, #tpu.memory_space<vmem>>, vector<16xi32>,
        %swap3A_336 = arith.constant 0 : index
        %swap3A_337 = tpu.vector_load %arg18[%swap3A_336] {strides = array<i32>} : memref<32xi32, #tpu.memory_space<vmem>>, vector<16xi32>,
        tpu.vector_store %arg18[%swap3A_336], %get3A_335 {strides = array<i32>} : memref<32xi32, #tpu.memory_space<vmem>>, vector<16xi32>,
        %get3A_338 = arith.index_cast %add3A_326 : i32 to index
        %get3A_339 = tpu.vector_load %arg12[%get3A_338] {strides = array<i32>} : memref<1104xi32, #tpu.memory_space<vmem>>, vector<16xi32>,
        %swap3A_340 = arith.constant 16 : index
        %swap3A_341 = tpu.vector_load %arg18[%swap3A_340] {strides = array<i32>} : memref<32xi32, #tpu.memory_space<vmem>>, vector<16xi32>,
        tpu.vector_store %arg18[%swap3A_340], %get3A_339 {strides = array<i32>} : memref<32xi32, #tpu.memory_space<vmem>>, vector<16xi32>,
        %scan3A_342 = arith.constant 0 : i32
        %scan3A_343 = arith.constant 0 : i32
        %scan3A_344 = arith.constant 32 : i32
        %scan3A_345 = arith.addi %scan3A_343, %scan3A_344 : i32
        %scan3A_346 = arith.constant 1 : i32
        %scan3A_347 = scf.for %scan3A_406 = %scan3A_343 to %scan3A_345 step %scan3A_346 iter_args(%scan3A_407 = %scan3A_342) -> (i32)  : i32 {
          %add3A_408 = arith.constant 0 : i32
          %add3A_409 = arith.addi %add3A_408, %scan3A_406 : i32
          %broadcast_in_dim3A_410 = vector.broadcast %add3A_409 : i32 to vector<16xi32>
          %gather3A = tpu.vector_load_idx %arg16[%broadcast_in_dim3A_410] : memref<32xf32, #tpu.memory_space<vmem>>[vector<16xi32>], vector<16xf32>,
          %get3A_411 = arith.index_cast %scan3A_406 : i32 to index
          %get3A_412 = arith.constant 0 : index
          %get3A_413 = tpu.vector_load %arg20[%get3A_411, %get3A_412] {strides = array<i32>} : memref<32x256xf32, #tpu.memory_space<vmem>>, vector<16xf32>,
          %mul3A_414 = arith.mulf %get3A_413, %gather3A : vector<16xf32>
          %swap3A_415 = arith.index_cast %scan3A_406 : i32 to index
          %swap3A_416 = arith.constant 0 : index
          %swap3A_417 = tpu.vector_load %arg20[%swap3A_415, %swap3A_416] {strides = array<i32>} : memref<32x256xf32, #tpu.memory_space<vmem>>, vector<16xf32>,
          tpu.vector_store %arg20[%swap3A_415, %swap3A_416], %mul3A_414 {strides = array<i32>} : memref<32x256xf32, #tpu.memory_space<vmem>>, vector<16xf32>,
          %get3A_418 = arith.index_cast %scan3A_406 : i32 to index
          %get3A_419 = arith.constant 16 : index
          %get3A_420 = tpu.vector_load %arg20[%get3A_418, %get3A_419] {strides = array<i32>} : memref<32x256xf32, #tpu.memory_space<vmem>>, vector<16xf32>,
          %mul3A_421 = arith.mulf %get3A_420, %gather3A : vector<16xf32>
          %swap3A_422 = arith.index_cast %scan3A_406 : i32 to index
          %swap3A_423 = arith.constant 16 : index
          %swap3A_424 = tpu.vector_load %arg20[%swap3A_422, %swap3A_423] {strides = array<i32>} : memref<32x256xf32, #tpu.memory_space<vmem>>, vector<16xf32>,
          tpu.vector_store %arg20[%swap3A_422, %swap3A_423], %mul3A_421 {strides = array<i32>} : memref<32x256xf32, #tpu.memory_space<vmem>>, vector<16xf32>,
          %get3A_425 = arith.index_cast %scan3A_406 : i32 to index
          %get3A_426 = arith.constant 32 : index
          %get3A_427 = tpu.vector_load %arg20[%get3A_425, %get3A_426] {strides = array<i32>} : memref<32x256xf32, #tpu.memory_space<vmem>>, vector<16xf32>,
          %mul3A_428 = arith.mulf %get3A_427, %gather3A : vector<16xf32>
          %swap3A_429 = arith.index_cast %scan3A_406 : i32 to index
          %swap3A_430 = arith.constant 32 : index
          %swap3A_431 = tpu.vector_load %arg20[%swap3A_429, %swap3A_430] {strides = array<i32>} : memref<32x256xf32, #tpu.memory_space<vmem>>, vector<16xf32>,
          tpu.vector_store %arg20[%swap3A_429, %swap3A_430], %mul3A_428 {strides = array<i32>} : memref<32x256xf32, #tpu.memory_space<vmem>>, vector<16xf32>,
          %get3A_432 = arith.index_cast %scan3A_406 : i32 to index
          %get3A_433 = arith.constant 48 : index
          %get3A_434 = tpu.vector_load %arg20[%get3A_432, %get3A_433] {strides = array<i32>} : memref<32x256xf32, #tpu.memory_space<vmem>>, vector<16xf32>,
          %mul3A_435 = arith.mulf %get3A_434, %gather3A : vector<16xf32>
          %swap3A_436 = arith.index_cast %scan3A_406 : i32 to index
          %swap3A_437 = arith.constant 48 : index
          %swap3A_438 = tpu.vector_load %arg20[%swap3A_436, %swap3A_437] {strides = array<i32>} : memref<32x256xf32, #tpu.memory_space<vmem>>, vector<16xf32>,
          tpu.vector_store %arg20[%swap3A_436, %swap3A_437], %mul3A_435 {strides = array<i32>} : memref<32x256xf32, #tpu.memory_space<vmem>>, vector<16xf32>,
          %get3A_439 = arith.index_cast %scan3A_406 : i32 to index
          %get3A_440 = arith.constant 64 : index
          %get3A_441 = tpu.vector_load %arg20[%get3A_439, %get3A_440] {strides = array<i32>} : memref<32x256xf32, #tpu.memory_space<vmem>>, vector<16xf32>,
          %mul3A_442 = arith.mulf %get3A_441, %gather3A : vector<16xf32>
          %swap3A_443 = arith.index_cast %scan3A_406 : i32 to index
          %swap3A_444 = arith.constant 64 : index
          %swap3A_445 = tpu.vector_load %arg20[%swap3A_443, %swap3A_444] {strides = array<i32>} : memref<32x256xf32, #tpu.memory_space<vmem>>, vector<16xf32>,
          tpu.vector_store %arg20[%swap3A_443, %swap3A_444], %mul3A_442 {strides = array<i32>} : memref<32x256xf32, #tpu.memory_space<vmem>>, vector<16xf32>,
          %get3A_446 = arith.index_cast %scan3A_406 : i32 to index
          %get3A_447 = arith.constant 80 : index
          %get3A_448 = tpu.vector_load %arg20[%get3A_446, %get3A_447] {strides = array<i32>} : memref<32x256xf32, #tpu.memory_space<vmem>>, vector<16xf32>,
          %mul3A_449 = arith.mulf %get3A_448, %gather3A : vector<16xf32>
          %swap3A_450 = arith.index_cast %scan3A_406 : i32 to index
          %swap3A_451 = arith.constant 80 : index
          %swap3A_452 = tpu.vector_load %arg20[%swap3A_450, %swap3A_451] {strides = array<i32>} : memref<32x256xf32, #tpu.memory_space<vmem>>, vector<16xf32>,
          tpu.vector_store %arg20[%swap3A_450, %swap3A_451], %mul3A_449 {strides = array<i32>} : memref<32x256xf32, #tpu.memory_space<vmem>>, vector<16xf32>,
          %get3A_453 = arith.index_cast %scan3A_406 : i32 to index
          %get3A_454 = arith.constant 96 : index
          %get3A_455 = tpu.vector_load %arg20[%get3A_453, %get3A_454] {strides = array<i32>} : memref<32x256xf32, #tpu.memory_space<vmem>>, vector<16xf32>,
          %mul3A_456 = arith.mulf %get3A_455, %gather3A : vector<16xf32>
          %swap3A_457 = arith.index_cast %scan3A_406 : i32 to index
          %swap3A_458 = arith.constant 96 : index
          %swap3A_459 = tpu.vector_load %arg20[%swap3A_457, %swap3A_458] {strides = array<i32>} : memref<32x256xf32, #tpu.memory_space<vmem>>, vector<16xf32>,
          tpu.vector_store %arg20[%swap3A_457, %swap3A_458], %mul3A_456 {strides = array<i32>} : memref<32x256xf32, #tpu.memory_space<vmem>>, vector<16xf32>,
          %get3A_460 = arith.index_cast %scan3A_406 : i32 to index
          %get3A_461 = arith.constant 112 : index
          %get3A_462 = tpu.vector_load %arg20[%get3A_460, %get3A_461] {strides = array<i32>} : memref<32x256xf32, #tpu.memory_space<vmem>>, vector<16xf32>,
          %mul3A_463 = arith.mulf %get3A_462, %gather3A : vector<16xf32>
          %swap3A_464 = arith.index_cast %scan3A_406 : i32 to index
          %swap3A_465 = arith.constant 112 : index
          %swap3A_466 = tpu.vector_load %arg20[%swap3A_464, %swap3A_465] {strides = array<i32>} : memref<32x256xf32, #tpu.memory_space<vmem>>, vector<16xf32>,
          tpu.vector_store %arg20[%swap3A_464, %swap3A_465], %mul3A_463 {strides = array<i32>} : memref<32x256xf32, #tpu.memory_space<vmem>>, vector<16xf32>,
          %get3A_467 = arith.index_cast %scan3A_406 : i32 to index
          %get3A_468 = arith.constant 128 : index
          %get3A_469 = tpu.vector_load %arg20[%get3A_467, %get3A_468] {strides = array<i32>} : memref<32x256xf32, #tpu.memory_space<vmem>>, vector<16xf32>,
          %mul3A_470 = arith.mulf %get3A_469, %gather3A : vector<16xf32>
          %swap3A_471 = arith.index_cast %scan3A_406 : i32 to index
          %swap3A_472 = arith.constant 128 : index
          %swap3A_473 = tpu.vector_load %arg20[%swap3A_471, %swap3A_472] {strides = array<i32>} : memref<32x256xf32, #tpu.memory_space<vmem>>, vector<16xf32>,
          tpu.vector_store %arg20[%swap3A_471, %swap3A_472], %mul3A_470 {strides = array<i32>} : memref<32x256xf32, #tpu.memory_space<vmem>>, vector<16xf32>,
          %get3A_474 = arith.index_cast %scan3A_406 : i32 to index
          %get3A_475 = arith.constant 144 : index
          %get3A_476 = tpu.vector_load %arg20[%get3A_474, %get3A_475] {strides = array<i32>} : memref<32x256xf32, #tpu.memory_space<vmem>>, vector<16xf32>,
          %mul3A_477 = arith.mulf %get3A_476, %gather3A : vector<16xf32>
          %swap3A_478 = arith.index_cast %scan3A_406 : i32 to index
          %swap3A_479 = arith.constant 144 : index
          %swap3A_480 = tpu.vector_load %arg20[%swap3A_478, %swap3A_479] {strides = array<i32>} : memref<32x256xf32, #tpu.memory_space<vmem>>, vector<16xf32>,
          tpu.vector_store %arg20[%swap3A_478, %swap3A_479], %mul3A_477 {strides = array<i32>} : memref<32x256xf32, #tpu.memory_space<vmem>>, vector<16xf32>,
          %get3A_481 = arith.index_cast %scan3A_406 : i32 to index
          %get3A_482 = arith.constant 160 : index
          %get3A_483 = tpu.vector_load %arg20[%get3A_481, %get3A_482] {strides = array<i32>} : memref<32x256xf32, #tpu.memory_space<vmem>>, vector<16xf32>,
          %mul3A_484 = arith.mulf %get3A_483, %gather3A : vector<16xf32>
          %swap3A_485 = arith.index_cast %scan3A_406 : i32 to index
          %swap3A_486 = arith.constant 160 : index
          %swap3A_487 = tpu.vector_load %arg20[%swap3A_485, %swap3A_486] {strides = array<i32>} : memref<32x256xf32, #tpu.memory_space<vmem>>, vector<16xf32>,
          tpu.vector_store %arg20[%swap3A_485, %swap3A_486], %mul3A_484 {strides = array<i32>} : memref<32x256xf32, #tpu.memory_space<vmem>>, vector<16xf32>,
          %get3A_488 = arith.index_cast %scan3A_406 : i32 to index
          %get3A_489 = arith.constant 176 : index
          %get3A_490 = tpu.vector_load %arg20[%get3A_488, %get3A_489] {strides = array<i32>} : memref<32x256xf32, #tpu.memory_space<vmem>>, vector<16xf32>,
          %mul3A_491 = arith.mulf %get3A_490, %gather3A : vector<16xf32>
          %swap3A_492 = arith.index_cast %scan3A_406 : i32 to index
          %swap3A_493 = arith.constant 176 : index
          %swap3A_494 = tpu.vector_load %arg20[%swap3A_492, %swap3A_493] {strides = array<i32>} : memref<32x256xf32, #tpu.memory_space<vmem>>, vector<16xf32>,
          tpu.vector_store %arg20[%swap3A_492, %swap3A_493], %mul3A_491 {strides = array<i32>} : memref<32x256xf32, #tpu.memory_space<vmem>>, vector<16xf32>,
          %get3A_495 = arith.index_cast %scan3A_406 : i32 to index
          %get3A_496 = arith.constant 192 : index
          %get3A_497 = tpu.vector_load %arg20[%get3A_495, %get3A_496] {strides = array<i32>} : memref<32x256xf32, #tpu.memory_space<vmem>>, vector<16xf32>,
          %mul3A_498 = arith.mulf %get3A_497, %gather3A : vector<16xf32>
          %swap3A_499 = arith.index_cast %scan3A_406 : i32 to index
          %swap3A_500 = arith.constant 192 : index
          %swap3A_501 = tpu.vector_load %arg20[%swap3A_499, %swap3A_500] {strides = array<i32>} : memref<32x256xf32, #tpu.memory_space<vmem>>, vector<16xf32>,
          tpu.vector_store %arg20[%swap3A_499, %swap3A_500], %mul3A_498 {strides = array<i32>} : memref<32x256xf32, #tpu.memory_space<vmem>>, vector<16xf32>,
          %get3A_502 = arith.index_cast %scan3A_406 : i32 to index
          %get3A_503 = arith.constant 208 : index
          %get3A_504 = tpu.vector_load %arg20[%get3A_502, %get3A_503] {strides = array<i32>} : memref<32x256xf32, #tpu.memory_space<vmem>>, vector<16xf32>,
          %mul3A_505 = arith.mulf %get3A_504, %gather3A : vector<16xf32>
          %swap3A_506 = arith.index_cast %scan3A_406 : i32 to index
          %swap3A_507 = arith.constant 208 : index
          %swap3A_508 = tpu.vector_load %arg20[%swap3A_506, %swap3A_507] {strides = array<i32>} : memref<32x256xf32, #tpu.memory_space<vmem>>, vector<16xf32>,
          tpu.vector_store %arg20[%swap3A_506, %swap3A_507], %mul3A_505 {strides = array<i32>} : memref<32x256xf32, #tpu.memory_space<vmem>>, vector<16xf32>,
          %get3A_509 = arith.index_cast %scan3A_406 : i32 to index
          %get3A_510 = arith.constant 224 : index
          %get3A_511 = tpu.vector_load %arg20[%get3A_509, %get3A_510] {strides = array<i32>} : memref<32x256xf32, #tpu.memory_space<vmem>>, vector<16xf32>,
          %mul3A_512 = arith.mulf %get3A_511, %gather3A : vector<16xf32>
          %swap3A_513 = arith.index_cast %scan3A_406 : i32 to index
          %swap3A_514 = arith.constant 224 : index
          %swap3A_515 = tpu.vector_load %arg20[%swap3A_513, %swap3A_514] {strides = array<i32>} : memref<32x256xf32, #tpu.memory_space<vmem>>, vector<16xf32>,
          tpu.vector_store %arg20[%swap3A_513, %swap3A_514], %mul3A_512 {strides = array<i32>} : memref<32x256xf32, #tpu.memory_space<vmem>>, vector<16xf32>,
          %get3A_516 = arith.index_cast %scan3A_406 : i32 to index
          %get3A_517 = arith.constant 240 : index
          %get3A_518 = tpu.vector_load %arg20[%get3A_516, %get3A_517] {strides = array<i32>} : memref<32x256xf32, #tpu.memory_space<vmem>>, vector<16xf32>,
          %mul3A_519 = arith.mulf %get3A_518, %gather3A : vector<16xf32>
          %swap3A_520 = arith.index_cast %scan3A_406 : i32 to index
          %swap3A_521 = arith.constant 240 : index
          %swap3A_522 = tpu.vector_load %arg20[%swap3A_520, %swap3A_521] {strides = array<i32>} : memref<32x256xf32, #tpu.memory_space<vmem>>, vector<16xf32>,
          tpu.vector_store %arg20[%swap3A_520, %swap3A_521], %mul3A_519 {strides = array<i32>} : memref<32x256xf32, #tpu.memory_space<vmem>>, vector<16xf32>,
          %scan3A_523 = arith.constant 0 : i32
          scf.yield %scan3A_523 : i32
        }
        %scan3A_348 = arith.constant 32 : i32
        %dma_start3A_349 = arith.constant 0 : i32
        %dma_start3A_350 = arith.constant 0 : i32
        %dma_start3A_351 = tpu.memref_slice %arg26[%dma_start3A_349, %dma_start3A_350] : memref<5008x256xf32, #tpu.memory_space<vmem_shared>> -> memref<5008x256xf32, #tpu.memory_space<vmem_shared>>
        tpu.enqueue_indirect_dma source(%arg20 : memref<32x256xf32, #tpu.memory_space<vmem>>) target(%dma_start3A_351 : memref<5008x256xf32, #tpu.memory_space<vmem_shared>>) offsets(%arg18 : memref<32xi32, #tpu.memory_space<vmem>>) semaphore(%arg30 : memref<!tpu.dma_semaphore, #tpu.memory_space<semaphore_mem>>) {add = true}
        %mul3A_352 = arith.constant 2 : i32
        %mul3A_353 = arith.muli %while3A_300, %mul3A_352 : i32
        %add3A_354 = arith.constant 1 : i32
        %add3A_355 = arith.addi %mul3A_353, %add3A_354 : i32
        %ge3A_356 = arith.constant 1 : i32
        %ge3A_357 = arith.cmpi sge, %add3A_355, %ge3A_356 : i32
        %convert_element_type3A_358 = arith.extui %ge3A_357 : i1 to i32
        %cond3A_359 = arith.constant 0 : i32
        %cond3A_360 = arith.cmpi ne, %convert_element_type3A_358, %cond3A_359 : i32
        scf.if %cond3A_360 {
          %dma_wait3A_406 = arith.constant 0 : i32
          %dma_wait3A_407 = arith.constant 0 : i32
          %dma_wait3A_408 = tpu.memref_slice %arg2[%dma_wait3A_406, %dma_wait3A_407] : memref<10000x256xf32, #tpu.memory_space<hbm>> -> memref<32x256xf32, #tpu.memory_space<hbm>>
          %dma_wait3A_409 = arith.constant 0 : i32
          %dma_wait3A_410 = arith.constant 0 : i32
          %dma_wait3A_411 = tpu.memref_slice %arg2[%dma_wait3A_409, %dma_wait3A_410] : memref<10000x256xf32, #tpu.memory_space<hbm>> -> memref<32x256xf32, #tpu.memory_space<hbm>>
          tpu.wait_dma2 semaphore(%arg30 : memref<!tpu.dma_semaphore, #tpu.memory_space<semaphore_mem>>) src(%dma_wait3A_411 : memref<32x256xf32, #tpu.memory_space<hbm>>) dst(%arg20 : memref<32x256xf32, #tpu.memory_space<vmem>>)
        } else {
        }
        %add3A_361 = arith.constant 1 : i32
        %add3A_362 = arith.addi %add3A_355, %add3A_361 : i32
        %lt3A_363 = arith.cmpi slt, %add3A_362, %shift_right_arithmetic3A_199 : i32
        %convert_element_type3A_364 = arith.extui %lt3A_363 : i1 to i32
        %cond3A_365 = arith.constant 0 : i32
        %cond3A_366 = arith.cmpi ne, %convert_element_type3A_364, %cond3A_365 : i32
        scf.if %cond3A_366 {
          %add3A_406 = arith.constant 1 : i32
          %add3A_407 = arith.addi %add3A_355, %add3A_406 : i32
          %mul3A_408 = arith.constant 32 : i32
          %mul3A_409 = arith.muli %add3A_407, %mul3A_408 : i32
          %dma_start3A_410 = tpu.memref_slice %arg11[%mul3A_409] : memref<1104xi32, #tpu.memory_space<vmem>> -> memref<32xi32, #tpu.memory_space<vmem>>
          %dma_start3A_411 = arith.constant 0 : i32
          %dma_start3A_412 = arith.constant 0 : i32
          %dma_start3A_413 = tpu.memref_slice %arg2[%dma_start3A_411, %dma_start3A_412] : memref<10000x256xf32, #tpu.memory_space<hbm>> -> memref<10000x256xf32, #tpu.memory_space<hbm>>
          tpu.enqueue_indirect_dma source(%dma_start3A_413 : memref<10000x256xf32, #tpu.memory_space<hbm>>) target(%arg20 : memref<32x256xf32, #tpu.memory_space<vmem>>) offsets(%dma_start3A_410 : memref<32xi32, #tpu.memory_space<vmem>>) semaphore(%arg28 : memref<!tpu.dma_semaphore, #tpu.memory_space<semaphore_mem>>)
        } else {
        }
        %dma_wait3A_367 = arith.constant 0 : i32
        %dma_wait3A_368 = arith.constant 0 : i32
        %dma_wait3A_369 = tpu.memref_slice %arg2[%dma_wait3A_367, %dma_wait3A_368] : memref<10000x256xf32, #tpu.memory_space<hbm>> -> memref<32x256xf32, #tpu.memory_space<hbm>>
        %dma_wait3A_370 = arith.constant 0 : i32
        %dma_wait3A_371 = arith.constant 0 : i32
        %dma_wait3A_372 = tpu.memref_slice %arg2[%dma_wait3A_370, %dma_wait3A_371] : memref<10000x256xf32, #tpu.memory_space<hbm>> -> memref<32x256xf32, #tpu.memory_space<hbm>>
        tpu.wait_dma2 semaphore(%arg29 : memref<!tpu.dma_semaphore, #tpu.memory_space<semaphore_mem>>) src(%dma_wait3A_372 : memref<32x256xf32, #tpu.memory_space<hbm>>) dst(%arg21 : memref<32x256xf32, #tpu.memory_space<vmem>>)
        %mul3A_373 = arith.constant 32 : i32
        %mul3A_374 = arith.muli %add3A_355, %mul3A_373 : i32
        %mul3A_375 = arith.constant 32 : i32
        %mul3A_376 = arith.muli %add3A_355, %mul3A_375 : i32
        %add3A_377 = arith.constant 16 : i32
        %add3A_378 = arith.addi %mul3A_376, %add3A_377 : i32
        %get3A_379 = arith.index_cast %mul3A_374 : i32 to index
        %get3A_380 = tpu.vector_load %arg13[%get3A_379] {strides = array<i32>} : memref<1104xf32, #tpu.memory_space<vmem>>, vector<16xf32>,
        %swap3A_381 = arith.constant 0 : index
        %swap3A_382 = tpu.vector_load %arg17[%swap3A_381] {strides = array<i32>} : memref<32xf32, #tpu.memory_space<vmem>>, vector<16xf32>,
        tpu.vector_store %arg17[%swap3A_381], %get3A_380 {strides = array<i32>} : memref<32xf32, #tpu.memory_space<vmem>>, vector<16xf32>,
        %get3A_383 = arith.index_cast %add3A_378 : i32 to index
        %get3A_384 = tpu.vector_load %arg13[%get3A_383] {strides = array<i32>} : memref<1104xf32, #tpu.memory_space<vmem>>, vector<16xf32>,
        %swap3A_385 = arith.constant 16 : index
        %swap3A_386 = tpu.vector_load %arg17[%swap3A_385] {strides = array<i32>} : memref<32xf32, #tpu.memory_space<vmem>>, vector<16xf32>,
        tpu.vector_store %arg17[%swap3A_385], %get3A_384 {strides = array<i32>} : memref<32xf32, #tpu.memory_space<vmem>>, vector<16xf32>,
        %get3A_387 = arith.index_cast %mul3A_374 : i32 to index
        %get3A_388 = tpu.vector_load %arg12[%get3A_387] {strides = array<i32>} : memref<1104xi32, #tpu.memory_space<vmem>>, vector<16xi32>,
        %swap3A_389 = arith.constant 0 : index
        %swap3A_390 = tpu.vector_load %arg19[%swap3A_389] {strides = array<i32>} : memref<32xi32, #tpu.memory_space<vmem>>, vector<16xi32>,
        tpu.vector_store %arg19[%swap3A_389], %get3A_388 {strides = array<i32>} : memref<32xi32, #tpu.memory_space<vmem>>, vector<16xi32>,
        %get3A_391 = arith.index_cast %add3A_378 : i32 to index
        %get3A_392 = tpu.vector_load %arg12[%get3A_391] {strides = array<i32>} : memref<1104xi32, #tpu.memory_space<vmem>>, vector<16xi32>,
        %swap3A_393 = arith.constant 16 : index
        %swap3A_394 = tpu.vector_load %arg19[%swap3A_393] {strides = array<i32>} : memref<32xi32, #tpu.memory_space<vmem>>, vector<16xi32>,
        tpu.vector_store %arg19[%swap3A_393], %get3A_392 {strides = array<i32>} : memref<32xi32, #tpu.memory_space<vmem>>, vector<16xi32>,
        %scan3A_395 = arith.constant 0 : i32
        %scan3A_396 = arith.constant 0 : i32
        %scan3A_397 = arith.constant 32 : i32
        %scan3A_398 = arith.addi %scan3A_396, %scan3A_397 : i32
        %scan3A_399 = arith.constant 1 : i32
        %scan3A_400 = scf.for %scan3A_406 = %scan3A_396 to %scan3A_398 step %scan3A_399 iter_args(%scan3A_407 = %scan3A_395) -> (i32)  : i32 {
          %add3A_408 = arith.constant 0 : i32
          %add3A_409 = arith.addi %add3A_408, %scan3A_406 : i32
          %broadcast_in_dim3A_410 = vector.broadcast %add3A_409 : i32 to vector<16xi32>
          %gather3A = tpu.vector_load_idx %arg17[%broadcast_in_dim3A_410] : memref<32xf32, #tpu.memory_space<vmem>>[vector<16xi32>], vector<16xf32>,
          %get3A_411 = arith.index_cast %scan3A_406 : i32 to index
          %get3A_412 = arith.constant 0 : index
          %get3A_413 = tpu.vector_load %arg21[%get3A_411, %get3A_412] {strides = array<i32>} : memref<32x256xf32, #tpu.memory_space<vmem>>, vector<16xf32>,
          %mul3A_414 = arith.mulf %get3A_413, %gather3A : vector<16xf32>
          %swap3A_415 = arith.index_cast %scan3A_406 : i32 to index
          %swap3A_416 = arith.constant 0 : index
          %swap3A_417 = tpu.vector_load %arg21[%swap3A_415, %swap3A_416] {strides = array<i32>} : memref<32x256xf32, #tpu.memory_space<vmem>>, vector<16xf32>,
          tpu.vector_store %arg21[%swap3A_415, %swap3A_416], %mul3A_414 {strides = array<i32>} : memref<32x256xf32, #tpu.memory_space<vmem>>, vector<16xf32>,
          %get3A_418 = arith.index_cast %scan3A_406 : i32 to index
          %get3A_419 = arith.constant 16 : index
          %get3A_420 = tpu.vector_load %arg21[%get3A_418, %get3A_419] {strides = array<i32>} : memref<32x256xf32, #tpu.memory_space<vmem>>, vector<16xf32>,
          %mul3A_421 = arith.mulf %get3A_420, %gather3A : vector<16xf32>
          %swap3A_422 = arith.index_cast %scan3A_406 : i32 to index
          %swap3A_423 = arith.constant 16 : index
          %swap3A_424 = tpu.vector_load %arg21[%swap3A_422, %swap3A_423] {strides = array<i32>} : memref<32x256xf32, #tpu.memory_space<vmem>>, vector<16xf32>,
          tpu.vector_store %arg21[%swap3A_422, %swap3A_423], %mul3A_421 {strides = array<i32>} : memref<32x256xf32, #tpu.memory_space<vmem>>, vector<16xf32>,
          %get3A_425 = arith.index_cast %scan3A_406 : i32 to index
          %get3A_426 = arith.constant 32 : index
          %get3A_427 = tpu.vector_load %arg21[%get3A_425, %get3A_426] {strides = array<i32>} : memref<32x256xf32, #tpu.memory_space<vmem>>, vector<16xf32>,
          %mul3A_428 = arith.mulf %get3A_427, %gather3A : vector<16xf32>
          %swap3A_429 = arith.index_cast %scan3A_406 : i32 to index
          %swap3A_430 = arith.constant 32 : index
          %swap3A_431 = tpu.vector_load %arg21[%swap3A_429, %swap3A_430] {strides = array<i32>} : memref<32x256xf32, #tpu.memory_space<vmem>>, vector<16xf32>,
          tpu.vector_store %arg21[%swap3A_429, %swap3A_430], %mul3A_428 {strides = array<i32>} : memref<32x256xf32, #tpu.memory_space<vmem>>, vector<16xf32>,
          %get3A_432 = arith.index_cast %scan3A_406 : i32 to index
          %get3A_433 = arith.constant 48 : index
          %get3A_434 = tpu.vector_load %arg21[%get3A_432, %get3A_433] {strides = array<i32>} : memref<32x256xf32, #tpu.memory_space<vmem>>, vector<16xf32>,
          %mul3A_435 = arith.mulf %get3A_434, %gather3A : vector<16xf32>
          %swap3A_436 = arith.index_cast %scan3A_406 : i32 to index
          %swap3A_437 = arith.constant 48 : index
          %swap3A_438 = tpu.vector_load %arg21[%swap3A_436, %swap3A_437] {strides = array<i32>} : memref<32x256xf32, #tpu.memory_space<vmem>>, vector<16xf32>,
          tpu.vector_store %arg21[%swap3A_436, %swap3A_437], %mul3A_435 {strides = array<i32>} : memref<32x256xf32, #tpu.memory_space<vmem>>, vector<16xf32>,
          %get3A_439 = arith.index_cast %scan3A_406 : i32 to index
          %get3A_440 = arith.constant 64 : index
          %get3A_441 = tpu.vector_load %arg21[%get3A_439, %get3A_440] {strides = array<i32>} : memref<32x256xf32, #tpu.memory_space<vmem>>, vector<16xf32>,
          %mul3A_442 = arith.mulf %get3A_441, %gather3A : vector<16xf32>
          %swap3A_443 = arith.index_cast %scan3A_406 : i32 to index
          %swap3A_444 = arith.constant 64 : index
          %swap3A_445 = tpu.vector_load %arg21[%swap3A_443, %swap3A_444] {strides = array<i32>} : memref<32x256xf32, #tpu.memory_space<vmem>>, vector<16xf32>,
          tpu.vector_store %arg21[%swap3A_443, %swap3A_444], %mul3A_442 {strides = array<i32>} : memref<32x256xf32, #tpu.memory_space<vmem>>, vector<16xf32>,
          %get3A_446 = arith.index_cast %scan3A_406 : i32 to index
          %get3A_447 = arith.constant 80 : index
          %get3A_448 = tpu.vector_load %arg21[%get3A_446, %get3A_447] {strides = array<i32>} : memref<32x256xf32, #tpu.memory_space<vmem>>, vector<16xf32>,
          %mul3A_449 = arith.mulf %get3A_448, %gather3A : vector<16xf32>
          %swap3A_450 = arith.index_cast %scan3A_406 : i32 to index
          %swap3A_451 = arith.constant 80 : index
          %swap3A_452 = tpu.vector_load %arg21[%swap3A_450, %swap3A_451] {strides = array<i32>} : memref<32x256xf32, #tpu.memory_space<vmem>>, vector<16xf32>,
          tpu.vector_store %arg21[%swap3A_450, %swap3A_451], %mul3A_449 {strides = array<i32>} : memref<32x256xf32, #tpu.memory_space<vmem>>, vector<16xf32>,
          %get3A_453 = arith.index_cast %scan3A_406 : i32 to index
          %get3A_454 = arith.constant 96 : index
          %get3A_455 = tpu.vector_load %arg21[%get3A_453, %get3A_454] {strides = array<i32>} : memref<32x256xf32, #tpu.memory_space<vmem>>, vector<16xf32>,
          %mul3A_456 = arith.mulf %get3A_455, %gather3A : vector<16xf32>
          %swap3A_457 = arith.index_cast %scan3A_406 : i32 to index
          %swap3A_458 = arith.constant 96 : index
          %swap3A_459 = tpu.vector_load %arg21[%swap3A_457, %swap3A_458] {strides = array<i32>} : memref<32x256xf32, #tpu.memory_space<vmem>>, vector<16xf32>,
          tpu.vector_store %arg21[%swap3A_457, %swap3A_458], %mul3A_456 {strides = array<i32>} : memref<32x256xf32, #tpu.memory_space<vmem>>, vector<16xf32>,
          %get3A_460 = arith.index_cast %scan3A_406 : i32 to index
          %get3A_461 = arith.constant 112 : index
          %get3A_462 = tpu.vector_load %arg21[%get3A_460, %get3A_461] {strides = array<i32>} : memref<32x256xf32, #tpu.memory_space<vmem>>, vector<16xf32>,
          %mul3A_463 = arith.mulf %get3A_462, %gather3A : vector<16xf32>
          %swap3A_464 = arith.index_cast %scan3A_406 : i32 to index
          %swap3A_465 = arith.constant 112 : index
          %swap3A_466 = tpu.vector_load %arg21[%swap3A_464, %swap3A_465] {strides = array<i32>} : memref<32x256xf32, #tpu.memory_space<vmem>>, vector<16xf32>,
          tpu.vector_store %arg21[%swap3A_464, %swap3A_465], %mul3A_463 {strides = array<i32>} : memref<32x256xf32, #tpu.memory_space<vmem>>, vector<16xf32>,
          %get3A_467 = arith.index_cast %scan3A_406 : i32 to index
          %get3A_468 = arith.constant 128 : index
          %get3A_469 = tpu.vector_load %arg21[%get3A_467, %get3A_468] {strides = array<i32>} : memref<32x256xf32, #tpu.memory_space<vmem>>, vector<16xf32>,
          %mul3A_470 = arith.mulf %get3A_469, %gather3A : vector<16xf32>
          %swap3A_471 = arith.index_cast %scan3A_406 : i32 to index
          %swap3A_472 = arith.constant 128 : index
          %swap3A_473 = tpu.vector_load %arg21[%swap3A_471, %swap3A_472] {strides = array<i32>} : memref<32x256xf32, #tpu.memory_space<vmem>>, vector<16xf32>,
          tpu.vector_store %arg21[%swap3A_471, %swap3A_472], %mul3A_470 {strides = array<i32>} : memref<32x256xf32, #tpu.memory_space<vmem>>, vector<16xf32>,
          %get3A_474 = arith.index_cast %scan3A_406 : i32 to index
          %get3A_475 = arith.constant 144 : index
          %get3A_476 = tpu.vector_load %arg21[%get3A_474, %get3A_475] {strides = array<i32>} : memref<32x256xf32, #tpu.memory_space<vmem>>, vector<16xf32>,
          %mul3A_477 = arith.mulf %get3A_476, %gather3A : vector<16xf32>
          %swap3A_478 = arith.index_cast %scan3A_406 : i32 to index
          %swap3A_479 = arith.constant 144 : index
          %swap3A_480 = tpu.vector_load %arg21[%swap3A_478, %swap3A_479] {strides = array<i32>} : memref<32x256xf32, #tpu.memory_space<vmem>>, vector<16xf32>,
          tpu.vector_store %arg21[%swap3A_478, %swap3A_479], %mul3A_477 {strides = array<i32>} : memref<32x256xf32, #tpu.memory_space<vmem>>, vector<16xf32>,
          %get3A_481 = arith.index_cast %scan3A_406 : i32 to index
          %get3A_482 = arith.constant 160 : index
          %get3A_483 = tpu.vector_load %arg21[%get3A_481, %get3A_482] {strides = array<i32>} : memref<32x256xf32, #tpu.memory_space<vmem>>, vector<16xf32>,
          %mul3A_484 = arith.mulf %get3A_483, %gather3A : vector<16xf32>
          %swap3A_485 = arith.index_cast %scan3A_406 : i32 to index
          %swap3A_486 = arith.constant 160 : index
          %swap3A_487 = tpu.vector_load %arg21[%swap3A_485, %swap3A_486] {strides = array<i32>} : memref<32x256xf32, #tpu.memory_space<vmem>>, vector<16xf32>,
          tpu.vector_store %arg21[%swap3A_485, %swap3A_486], %mul3A_484 {strides = array<i32>} : memref<32x256xf32, #tpu.memory_space<vmem>>, vector<16xf32>,
          %get3A_488 = arith.index_cast %scan3A_406 : i32 to index
          %get3A_489 = arith.constant 176 : index
          %get3A_490 = tpu.vector_load %arg21[%get3A_488, %get3A_489] {strides = array<i32>} : memref<32x256xf32, #tpu.memory_space<vmem>>, vector<16xf32>,
          %mul3A_491 = arith.mulf %get3A_490, %gather3A : vector<16xf32>
          %swap3A_492 = arith.index_cast %scan3A_406 : i32 to index
          %swap3A_493 = arith.constant 176 : index
          %swap3A_494 = tpu.vector_load %arg21[%swap3A_492, %swap3A_493] {strides = array<i32>} : memref<32x256xf32, #tpu.memory_space<vmem>>, vector<16xf32>,
          tpu.vector_store %arg21[%swap3A_492, %swap3A_493], %mul3A_491 {strides = array<i32>} : memref<32x256xf32, #tpu.memory_space<vmem>>, vector<16xf32>,
          %get3A_495 = arith.index_cast %scan3A_406 : i32 to index
          %get3A_496 = arith.constant 192 : index
          %get3A_497 = tpu.vector_load %arg21[%get3A_495, %get3A_496] {strides = array<i32>} : memref<32x256xf32, #tpu.memory_space<vmem>>, vector<16xf32>,
          %mul3A_498 = arith.mulf %get3A_497, %gather3A : vector<16xf32>
          %swap3A_499 = arith.index_cast %scan3A_406 : i32 to index
          %swap3A_500 = arith.constant 192 : index
          %swap3A_501 = tpu.vector_load %arg21[%swap3A_499, %swap3A_500] {strides = array<i32>} : memref<32x256xf32, #tpu.memory_space<vmem>>, vector<16xf32>,
          tpu.vector_store %arg21[%swap3A_499, %swap3A_500], %mul3A_498 {strides = array<i32>} : memref<32x256xf32, #tpu.memory_space<vmem>>, vector<16xf32>,
          %get3A_502 = arith.index_cast %scan3A_406 : i32 to index
          %get3A_503 = arith.constant 208 : index
          %get3A_504 = tpu.vector_load %arg21[%get3A_502, %get3A_503] {strides = array<i32>} : memref<32x256xf32, #tpu.memory_space<vmem>>, vector<16xf32>,
          %mul3A_505 = arith.mulf %get3A_504, %gather3A : vector<16xf32>
          %swap3A_506 = arith.index_cast %scan3A_406 : i32 to index
          %swap3A_507 = arith.constant 208 : index
          %swap3A_508 = tpu.vector_load %arg21[%swap3A_506, %swap3A_507] {strides = array<i32>} : memref<32x256xf32, #tpu.memory_space<vmem>>, vector<16xf32>,
          tpu.vector_store %arg21[%swap3A_506, %swap3A_507], %mul3A_505 {strides = array<i32>} : memref<32x256xf32, #tpu.memory_space<vmem>>, vector<16xf32>,
          %get3A_509 = arith.index_cast %scan3A_406 : i32 to index
          %get3A_510 = arith.constant 224 : index
          %get3A_511 = tpu.vector_load %arg21[%get3A_509, %get3A_510] {strides = array<i32>} : memref<32x256xf32, #tpu.memory_space<vmem>>, vector<16xf32>,
          %mul3A_512 = arith.mulf %get3A_511, %gather3A : vector<16xf32>
          %swap3A_513 = arith.index_cast %scan3A_406 : i32 to index
          %swap3A_514 = arith.constant 224 : index
          %swap3A_515 = tpu.vector_load %arg21[%swap3A_513, %swap3A_514] {strides = array<i32>} : memref<32x256xf32, #tpu.memory_space<vmem>>, vector<16xf32>,
          tpu.vector_store %arg21[%swap3A_513, %swap3A_514], %mul3A_512 {strides = array<i32>} : memref<32x256xf32, #tpu.memory_space<vmem>>, vector<16xf32>,
          %get3A_516 = arith.index_cast %scan3A_406 : i32 to index
          %get3A_517 = arith.constant 240 : index
          %get3A_518 = tpu.vector_load %arg21[%get3A_516, %get3A_517] {strides = array<i32>} : memref<32x256xf32, #tpu.memory_space<vmem>>, vector<16xf32>,
          %mul3A_519 = arith.mulf %get3A_518, %gather3A : vector<16xf32>
          %swap3A_520 = arith.index_cast %scan3A_406 : i32 to index
          %swap3A_521 = arith.constant 240 : index
          %swap3A_522 = tpu.vector_load %arg21[%swap3A_520, %swap3A_521] {strides = array<i32>} : memref<32x256xf32, #tpu.memory_space<vmem>>, vector<16xf32>,
          tpu.vector_store %arg21[%swap3A_520, %swap3A_521], %mul3A_519 {strides = array<i32>} : memref<32x256xf32, #tpu.memory_space<vmem>>, vector<16xf32>,
          %scan3A_523 = arith.constant 0 : i32
          scf.yield %scan3A_523 : i32
        }
        %scan3A_401 = arith.constant 32 : i32
        %dma_start3A_402 = arith.constant 0 : i32
        %dma_start3A_403 = arith.constant 0 : i32
        %dma_start3A_404 = tpu.memref_slice %arg26[%dma_start3A_402, %dma_start3A_403] : memref<5008x256xf32, #tpu.memory_space<vmem_shared>> -> memref<5008x256xf32, #tpu.memory_space<vmem_shared>>
        tpu.enqueue_indirect_dma source(%arg21 : memref<32x256xf32, #tpu.memory_space<vmem>>) target(%dma_start3A_404 : memref<5008x256xf32, #tpu.memory_space<vmem_shared>>) offsets(%arg19 : memref<32xi32, #tpu.memory_space<vmem>>) semaphore(%arg31 : memref<!tpu.dma_semaphore, #tpu.memory_space<semaphore_mem>>) {add = true}
        %while3A_405 = arith.constant 0 : i32
        scf.yield %while3A_405 : i32
      }
      %gt3A_215 = arith.constant 0 : i32
      %gt3A_216 = arith.cmpi sgt, %shift_right_arithmetic3A_199, %gt3A_215 : i32
      %convert_element_type3A_217 = arith.extui %gt3A_216 : i1 to i32
      %cond3A_218 = arith.constant 0 : i32
      %cond3A_219 = arith.cmpi ne, %convert_element_type3A_217, %cond3A_218 : i32
      scf.if %cond3A_219 {
        %dma_wait3A_300 = arith.constant 0 : i32
        %dma_wait3A_301 = arith.constant 0 : i32
        %dma_wait3A_302 = tpu.memref_slice %arg2[%dma_wait3A_300, %dma_wait3A_301] : memref<10000x256xf32, #tpu.memory_space<hbm>> -> memref<32x256xf32, #tpu.memory_space<hbm>>
        %dma_wait3A_303 = arith.constant 0 : i32
        %dma_wait3A_304 = arith.constant 0 : i32
        %dma_wait3A_305 = tpu.memref_slice %arg2[%dma_wait3A_303, %dma_wait3A_304] : memref<10000x256xf32, #tpu.memory_space<hbm>> -> memref<32x256xf32, #tpu.memory_space<hbm>>
        tpu.wait_dma2 semaphore(%arg31 : memref<!tpu.dma_semaphore, #tpu.memory_space<semaphore_mem>>) src(%dma_wait3A_305 : memref<32x256xf32, #tpu.memory_space<hbm>>) dst(%arg21 : memref<32x256xf32, #tpu.memory_space<vmem>>)
      } else {
      }
      %dma_wait3A = arith.constant 0 : i32
      %dma_wait3A_220 = arith.constant 0 : i32
      %dma_wait3A_221 = arith.constant 0 : i32
      %dma_wait3A_222 = tpu.memref_slice %arg14[%dma_wait3A, %dma_wait3A_221] : memref<8x128xf32, #tpu.memory_space<vmem>> -> memref<1x128xf32, #tpu.memory_space<vmem>>
      %dma_wait3A_223 = tpu.memref_squeeze %dma_wait3A_222 : memref<1x128xf32, #tpu.memory_space<vmem>> -> memref<128xf32, #tpu.memory_space<vmem>>
      %dma_wait3A_224 = arith.constant 0 : i32
      %dma_wait3A_225 = tpu.memref_slice %arg15[%dma_wait3A_220, %dma_wait3A_224] : memref<8x128xi32, #tpu.memory_space<vmem>> -> memref<1x128xi32, #tpu.memory_space<vmem>>
      %dma_wait3A_226 = tpu.memref_squeeze %dma_wait3A_225 : memref<1x128xi32, #tpu.memory_space<vmem>> -> memref<128xi32, #tpu.memory_space<vmem>>
      %dma_wait3A_227 = arith.constant 0 : i32
      %dma_wait3A_228 = tpu.memref_slice %arg27[%dma_wait3A_227] : memref<6144xf32, #tpu.memory_space<vmem_shared>> -> memref<6144xf32, #tpu.memory_space<vmem_shared>>
      tpu.wait_indirect_dma semaphore(%arg32 : memref<!tpu.dma_semaphore, #tpu.memory_space<semaphore_mem>>) src(%dma_wait3A_223 : memref<128xf32, #tpu.memory_space<vmem>>) dst(%dma_wait3A_228 : memref<6144xf32, #tpu.memory_space<vmem_shared>>)
      %dma_wait3A_229 = arith.constant 1 : i32
      %dma_wait3A_230 = arith.constant 1 : i32
      %dma_wait3A_231 = arith.constant 0 : i32
      %dma_wait3A_232 = tpu.memref_slice %arg14[%dma_wait3A_229, %dma_wait3A_231] : memref<8x128xf32, #tpu.memory_space<vmem>> -> memref<1x128xf32, #tpu.memory_space<vmem>>
      %dma_wait3A_233 = tpu.memref_squeeze %dma_wait3A_232 : memref<1x128xf32, #tpu.memory_space<vmem>> -> memref<128xf32, #tpu.memory_space<vmem>>
      %dma_wait3A_234 = arith.constant 0 : i32
      %dma_wait3A_235 = tpu.memref_slice %arg15[%dma_wait3A_230, %dma_wait3A_234] : memref<8x128xi32, #tpu.memory_space<vmem>> -> memref<1x128xi32, #tpu.memory_space<vmem>>
      %dma_wait3A_236 = tpu.memref_squeeze %dma_wait3A_235 : memref<1x128xi32, #tpu.memory_space<vmem>> -> memref<128xi32, #tpu.memory_space<vmem>>
      %dma_wait3A_237 = arith.constant 0 : i32
      %dma_wait3A_238 = tpu.memref_slice %arg27[%dma_wait3A_237] : memref<6144xf32, #tpu.memory_space<vmem_shared>> -> memref<6144xf32, #tpu.memory_space<vmem_shared>>
      tpu.wait_indirect_dma semaphore(%arg32 : memref<!tpu.dma_semaphore, #tpu.memory_space<semaphore_mem>>) src(%dma_wait3A_233 : memref<128xf32, #tpu.memory_space<vmem>>) dst(%dma_wait3A_238 : memref<6144xf32, #tpu.memory_space<vmem_shared>>)
      %dma_wait3A_239 = arith.constant 2 : i32
      %dma_wait3A_240 = arith.constant 2 : i32
      %dma_wait3A_241 = arith.constant 0 : i32
      %dma_wait3A_242 = tpu.memref_slice %arg14[%dma_wait3A_239, %dma_wait3A_241] : memref<8x128xf32, #tpu.memory_space<vmem>> -> memref<1x128xf32, #tpu.memory_space<vmem>>
      %dma_wait3A_243 = tpu.memref_squeeze %dma_wait3A_242 : memref<1x128xf32, #tpu.memory_space<vmem>> -> memref<128xf32, #tpu.memory_space<vmem>>
      %dma_wait3A_244 = arith.constant 0 : i32
      %dma_wait3A_245 = tpu.memref_slice %arg15[%dma_wait3A_240, %dma_wait3A_244] : memref<8x128xi32, #tpu.memory_space<vmem>> -> memref<1x128xi32, #tpu.memory_space<vmem>>
      %dma_wait3A_246 = tpu.memref_squeeze %dma_wait3A_245 : memref<1x128xi32, #tpu.memory_space<vmem>> -> memref<128xi32, #tpu.memory_space<vmem>>
      %dma_wait3A_247 = arith.constant 0 : i32
      %dma_wait3A_248 = tpu.memref_slice %arg27[%dma_wait3A_247] : memref<6144xf32, #tpu.memory_space<vmem_shared>> -> memref<6144xf32, #tpu.memory_space<vmem_shared>>
      tpu.wait_indirect_dma semaphore(%arg32 : memref<!tpu.dma_semaphore, #tpu.memory_space<semaphore_mem>>) src(%dma_wait3A_243 : memref<128xf32, #tpu.memory_space<vmem>>) dst(%dma_wait3A_248 : memref<6144xf32, #tpu.memory_space<vmem_shared>>)
      %dma_wait3A_249 = arith.constant 3 : i32
      %dma_wait3A_250 = arith.constant 3 : i32
      %dma_wait3A_251 = arith.constant 0 : i32
      %dma_wait3A_252 = tpu.memref_slice %arg14[%dma_wait3A_249, %dma_wait3A_251] : memref<8x128xf32, #tpu.memory_space<vmem>> -> memref<1x128xf32, #tpu.memory_space<vmem>>
      %dma_wait3A_253 = tpu.memref_squeeze %dma_wait3A_252 : memref<1x128xf32, #tpu.memory_space<vmem>> -> memref<128xf32, #tpu.memory_space<vmem>>
      %dma_wait3A_254 = arith.constant 0 : i32
      %dma_wait3A_255 = tpu.memref_slice %arg15[%dma_wait3A_250, %dma_wait3A_254] : memref<8x128xi32, #tpu.memory_space<vmem>> -> memref<1x128xi32, #tpu.memory_space<vmem>>
      %dma_wait3A_256 = tpu.memref_squeeze %dma_wait3A_255 : memref<1x128xi32, #tpu.memory_space<vmem>> -> memref<128xi32, #tpu.memory_space<vmem>>
      %dma_wait3A_257 = arith.constant 0 : i32
      %dma_wait3A_258 = tpu.memref_slice %arg27[%dma_wait3A_257] : memref<6144xf32, #tpu.memory_space<vmem_shared>> -> memref<6144xf32, #tpu.memory_space<vmem_shared>>
      tpu.wait_indirect_dma semaphore(%arg32 : memref<!tpu.dma_semaphore, #tpu.memory_space<semaphore_mem>>) src(%dma_wait3A_253 : memref<128xf32, #tpu.memory_space<vmem>>) dst(%dma_wait3A_258 : memref<6144xf32, #tpu.memory_space<vmem_shared>>)
      %dma_wait3A_259 = arith.constant 4 : i32
      %dma_wait3A_260 = arith.constant 4 : i32
      %dma_wait3A_261 = arith.constant 0 : i32
      %dma_wait3A_262 = tpu.memref_slice %arg14[%dma_wait3A_259, %dma_wait3A_261] : memref<8x128xf32, #tpu.memory_space<vmem>> -> memref<1x128xf32, #tpu.memory_space<vmem>>
      %dma_wait3A_263 = tpu.memref_squeeze %dma_wait3A_262 : memref<1x128xf32, #tpu.memory_space<vmem>> -> memref<128xf32, #tpu.memory_space<vmem>>
      %dma_wait3A_264 = arith.constant 0 : i32
      %dma_wait3A_265 = tpu.memref_slice %arg15[%dma_wait3A_260, %dma_wait3A_264] : memref<8x128xi32, #tpu.memory_space<vmem>> -> memref<1x128xi32, #tpu.memory_space<vmem>>
      %dma_wait3A_266 = tpu.memref_squeeze %dma_wait3A_265 : memref<1x128xi32, #tpu.memory_space<vmem>> -> memref<128xi32, #tpu.memory_space<vmem>>
      %dma_wait3A_267 = arith.constant 0 : i32
      %dma_wait3A_268 = tpu.memref_slice %arg27[%dma_wait3A_267] : memref<6144xf32, #tpu.memory_space<vmem_shared>> -> memref<6144xf32, #tpu.memory_space<vmem_shared>>
      tpu.wait_indirect_dma semaphore(%arg32 : memref<!tpu.dma_semaphore, #tpu.memory_space<semaphore_mem>>) src(%dma_wait3A_263 : memref<128xf32, #tpu.memory_space<vmem>>) dst(%dma_wait3A_268 : memref<6144xf32, #tpu.memory_space<vmem_shared>>)
      %dma_wait3A_269 = arith.constant 5 : i32
      %dma_wait3A_270 = arith.constant 5 : i32
      %dma_wait3A_271 = arith.constant 0 : i32
      %dma_wait3A_272 = tpu.memref_slice %arg14[%dma_wait3A_269, %dma_wait3A_271] : memref<8x128xf32, #tpu.memory_space<vmem>> -> memref<1x128xf32, #tpu.memory_space<vmem>>
      %dma_wait3A_273 = tpu.memref_squeeze %dma_wait3A_272 : memref<1x128xf32, #tpu.memory_space<vmem>> -> memref<128xf32, #tpu.memory_space<vmem>>
      %dma_wait3A_274 = arith.constant 0 : i32
      %dma_wait3A_275 = tpu.memref_slice %arg15[%dma_wait3A_270, %dma_wait3A_274] : memref<8x128xi32, #tpu.memory_space<vmem>> -> memref<1x128xi32, #tpu.memory_space<vmem>>
      %dma_wait3A_276 = tpu.memref_squeeze %dma_wait3A_275 : memref<1x128xi32, #tpu.memory_space<vmem>> -> memref<128xi32, #tpu.memory_space<vmem>>
      %dma_wait3A_277 = arith.constant 0 : i32
      %dma_wait3A_278 = tpu.memref_slice %arg27[%dma_wait3A_277] : memref<6144xf32, #tpu.memory_space<vmem_shared>> -> memref<6144xf32, #tpu.memory_space<vmem_shared>>
      tpu.wait_indirect_dma semaphore(%arg32 : memref<!tpu.dma_semaphore, #tpu.memory_space<semaphore_mem>>) src(%dma_wait3A_273 : memref<128xf32, #tpu.memory_space<vmem>>) dst(%dma_wait3A_278 : memref<6144xf32, #tpu.memory_space<vmem_shared>>)
      %dma_wait3A_279 = arith.constant 6 : i32
      %dma_wait3A_280 = arith.constant 6 : i32
      %dma_wait3A_281 = arith.constant 0 : i32
      %dma_wait3A_282 = tpu.memref_slice %arg14[%dma_wait3A_279, %dma_wait3A_281] : memref<8x128xf32, #tpu.memory_space<vmem>> -> memref<1x128xf32, #tpu.memory_space<vmem>>
      %dma_wait3A_283 = tpu.memref_squeeze %dma_wait3A_282 : memref<1x128xf32, #tpu.memory_space<vmem>> -> memref<128xf32, #tpu.memory_space<vmem>>
      %dma_wait3A_284 = arith.constant 0 : i32
      %dma_wait3A_285 = tpu.memref_slice %arg15[%dma_wait3A_280, %dma_wait3A_284] : memref<8x128xi32, #tpu.memory_space<vmem>> -> memref<1x128xi32, #tpu.memory_space<vmem>>
      %dma_wait3A_286 = tpu.memref_squeeze %dma_wait3A_285 : memref<1x128xi32, #tpu.memory_space<vmem>> -> memref<128xi32, #tpu.memory_space<vmem>>
      %dma_wait3A_287 = arith.constant 0 : i32
      %dma_wait3A_288 = tpu.memref_slice %arg27[%dma_wait3A_287] : memref<6144xf32, #tpu.memory_space<vmem_shared>> -> memref<6144xf32, #tpu.memory_space<vmem_shared>>
      tpu.wait_indirect_dma semaphore(%arg32 : memref<!tpu.dma_semaphore, #tpu.memory_space<semaphore_mem>>) src(%dma_wait3A_283 : memref<128xf32, #tpu.memory_space<vmem>>) dst(%dma_wait3A_288 : memref<6144xf32, #tpu.memory_space<vmem_shared>>)
      %dma_wait3A_289 = arith.constant 7 : i32
      %dma_wait3A_290 = arith.constant 7 : i32
      %dma_wait3A_291 = arith.constant 0 : i32
      %dma_wait3A_292 = tpu.memref_slice %arg14[%dma_wait3A_289, %dma_wait3A_291] : memref<8x128xf32, #tpu.memory_space<vmem>> -> memref<1x128xf32, #tpu.memory_space<vmem>>
      %dma_wait3A_293 = tpu.memref_squeeze %dma_wait3A_292 : memref<1x128xf32, #tpu.memory_space<vmem>> -> memref<128xf32, #tpu.memory_space<vmem>>
      %dma_wait3A_294 = arith.constant 0 : i32
      %dma_wait3A_295 = tpu.memref_slice %arg15[%dma_wait3A_290, %dma_wait3A_294] : memref<8x128xi32, #tpu.memory_space<vmem>> -> memref<1x128xi32, #tpu.memory_space<vmem>>
      %dma_wait3A_296 = tpu.memref_squeeze %dma_wait3A_295 : memref<1x128xi32, #tpu.memory_space<vmem>> -> memref<128xi32, #tpu.memory_space<vmem>>
      %dma_wait3A_297 = arith.constant 0 : i32
      %dma_wait3A_298 = tpu.memref_slice %arg27[%dma_wait3A_297] : memref<6144xf32, #tpu.memory_space<vmem_shared>> -> memref<6144xf32, #tpu.memory_space<vmem_shared>>
      tpu.wait_indirect_dma semaphore(%arg32 : memref<!tpu.dma_semaphore, #tpu.memory_space<semaphore_mem>>) src(%dma_wait3A_293 : memref<128xf32, #tpu.memory_space<vmem>>) dst(%dma_wait3A_298 : memref<6144xf32, #tpu.memory_space<vmem_shared>>)
      %scan3A_299 = arith.constant 0 : i32
      scf.yield %scan3A_299 : i32
    }
    %scan3A_14 = arith.constant 10 : i32
    %barrier3A_15 = arith.constant 0 : index
    tpu.barrier barrier_id(%barrier3A_15)
    %mul3A_16 = arith.constant 24 : i32
    %mul3A_17 = arith.muli %arg1, %mul3A_16 : i32
    %mul3A_18 = arith.constant 16 : i32
    %mul3A_19 = arith.muli %mul3A_17, %mul3A_18 : i32
    "tpu.region"() ({
      %run_scoped3A_34 = tpu.sem_alloc : memref<!tpu.dma_semaphore, #tpu.memory_space<semaphore_mem>>
      %dma_start3A = tpu.memref_slice %arg27[%mul3A_19] : memref<6144xf32, #tpu.memory_space<vmem_shared>> -> memref<384xf32, #tpu.memory_space<vmem_shared>>
      %dma_start3A_35 = tpu.memref_slice %arg27[%mul3A_19] : memref<6144xf32, #tpu.memory_space<vmem_shared>> -> memref<384xf32, #tpu.memory_space<vmem_shared>>
      tpu.enqueue_dma source(%dma_start3A_35 : memref<384xf32, #tpu.memory_space<vmem_shared>>) target(%arg25 : memref<384xf32, #tpu.memory_space<vmem>>) target_semaphore(%run_scoped3A_34 : memref<!tpu.dma_semaphore, #tpu.memory_space<semaphore_mem>>)
      %dma_wait3A = tpu.memref_slice %arg27[%mul3A_19] : memref<6144xf32, #tpu.memory_space<vmem_shared>> -> memref<384xf32, #tpu.memory_space<vmem_shared>>
      %dma_wait3A_36 = tpu.memref_slice %arg27[%mul3A_19] : memref<6144xf32, #tpu.memory_space<vmem_shared>> -> memref<384xf32, #tpu.memory_space<vmem_shared>>
      tpu.wait_dma2 semaphore(%run_scoped3A_34 : memref<!tpu.dma_semaphore, #tpu.memory_space<semaphore_mem>>) src(%dma_wait3A_36 : memref<384xf32, #tpu.memory_space<vmem_shared>>) dst(%arg25 : memref<384xf32, #tpu.memory_space<vmem>>)
      tpu.yield
    }) : () -> ()
    %scan3A_20 = arith.constant 0 : i32
    %scan3A_21 = arith.constant 0 : i32
    %scan3A_22 = arith.constant 24 : i32
    %scan3A_23 = arith.addi %scan3A_21, %scan3A_22 : i32
    %scan3A_24 = arith.constant 1 : i32
    %scan3A_25 = scf.for %scan3A_34 = %scan3A_21 to %scan3A_23 step %scan3A_24 iter_args(%scan3A_35 = %scan3A_20) -> (i32)  : i32 {
      %mul3A_36 = arith.constant 16 : i32
      %mul3A_37 = arith.muli %scan3A_34, %mul3A_36 : i32
      %get3A = arith.index_cast %mul3A_37 : i32 to index
      %get3A_38 = tpu.vector_load %arg25[%get3A] {strides = array<i32>} : memref<384xf32, #tpu.memory_space<vmem>>, vector<16xf32>,
      %add3A = arith.constant 1.000000e-16 : f32
      %add3A_39 = vector.broadcast %add3A : f32 to vector<16xf32>
      %add3A_40 = arith.addf %get3A_38, %add3A_39 : vector<16xf32>
      %div3A = arith.constant 1.000000e+00 : f32
      %div3A_41 = vector.broadcast %div3A : f32 to vector<16xf32>
      %div3A_42 = arith.divf %div3A_41, %add3A_40 : vector<16xf32>
      %swap3A = arith.index_cast %mul3A_37 : i32 to index
      %swap3A_43 = tpu.vector_load %arg25[%swap3A] {strides = array<i32>} : memref<384xf32, #tpu.memory_space<vmem>>, vector<16xf32>,
      tpu.vector_store %arg25[%swap3A], %div3A_42 {strides = array<i32>} : memref<384xf32, #tpu.memory_space<vmem>>, vector<16xf32>,
      %scan3A_44 = arith.constant 0 : i32
      scf.yield %scan3A_44 : i32
    }
    %scan3A_26 = arith.constant 24 : i32
    %scan3A_27 = arith.constant 0 : i32
    %scan3A_28 = arith.constant 0 : i32
    %scan3A_29 = arith.constant 24 : i32
    %scan3A_30 = arith.addi %scan3A_28, %scan3A_29 : i32
    %scan3A_31 = arith.constant 1 : i32
    %scan3A_32 = scf.for %scan3A_34 = %scan3A_28 to %scan3A_30 step %scan3A_31 iter_args(%scan3A_35 = %scan3A_27) -> (i32)  : i32 {
      %add3A = arith.addi %mul3A_17, %scan3A_34 : i32
      %lt3A = arith.constant 313 : i32
      %lt3A_36 = arith.cmpi slt, %add3A, %lt3A : i32
      %convert_element_type3A = arith.extui %lt3A_36 : i1 to i32
      %cond3A = arith.constant 0 : i32
      %cond3A_37 = arith.cmpi ne, %convert_element_type3A, %cond3A : i32
      scf.if %cond3A_37 {
        %mul3A_39 = arith.constant 16 : i32
        %mul3A_40 = arith.muli %add3A, %mul3A_39 : i32
        "tpu.region"() ({
          %run_scoped3A_59 = tpu.sem_alloc : memref<!tpu.dma_semaphore, #tpu.memory_space<semaphore_mem>>
          %dma_start3A = arith.constant 0 : i32
          %dma_start3A_60 = tpu.memref_slice %arg26[%mul3A_40, %dma_start3A] : memref<5008x256xf32, #tpu.memory_space<vmem_shared>> -> memref<16x256xf32, #tpu.memory_space<vmem_shared>>
          %dma_start3A_61 = arith.constant 0 : i32
          %dma_start3A_62 = tpu.memref_slice %arg26[%mul3A_40, %dma_start3A_61] : memref<5008x256xf32, #tpu.memory_space<vmem_shared>> -> memref<16x256xf32, #tpu.memory_space<vmem_shared>>
          tpu.enqueue_dma source(%dma_start3A_62 : memref<16x256xf32, #tpu.memory_space<vmem_shared>>) target(%arg24 : memref<16x256xf32, #tpu.memory_space<vmem>>) target_semaphore(%run_scoped3A_59 : memref<!tpu.dma_semaphore, #tpu.memory_space<semaphore_mem>>)
          %dma_wait3A = arith.constant 0 : i32
          %dma_wait3A_63 = tpu.memref_slice %arg26[%mul3A_40, %dma_wait3A] : memref<5008x256xf32, #tpu.memory_space<vmem_shared>> -> memref<16x256xf32, #tpu.memory_space<vmem_shared>>
          %dma_wait3A_64 = arith.constant 0 : i32
          %dma_wait3A_65 = tpu.memref_slice %arg26[%mul3A_40, %dma_wait3A_64] : memref<5008x256xf32, #tpu.memory_space<vmem_shared>> -> memref<16x256xf32, #tpu.memory_space<vmem_shared>>
          tpu.wait_dma2 semaphore(%run_scoped3A_59 : memref<!tpu.dma_semaphore, #tpu.memory_space<semaphore_mem>>) src(%dma_wait3A_65 : memref<16x256xf32, #tpu.memory_space<vmem_shared>>) dst(%arg24 : memref<16x256xf32, #tpu.memory_space<vmem>>)
          tpu.yield
        }) : () -> ()
        %mul3A_41 = arith.constant 16 : i32
        %mul3A_42 = arith.muli %scan3A_34, %mul3A_41 : i32
        %scan3A_43 = arith.constant 0 : i32
        %scan3A_44 = arith.constant 0 : i32
        %scan3A_45 = arith.constant 16 : i32
        %scan3A_46 = arith.addi %scan3A_44, %scan3A_45 : i32
        %scan3A_47 = arith.constant 1 : i32
        %scan3A_48 = scf.for %scan3A_59 = %scan3A_44 to %scan3A_46 step %scan3A_47 iter_args(%scan3A_60 = %scan3A_43) -> (i32)  : i32 {
          %add3A_61 = arith.addi %mul3A_42, %scan3A_59 : i32
          %broadcast_in_dim3A = vector.broadcast %add3A_61 : i32 to vector<16xi32>
          %gather3A = tpu.vector_load_idx %arg25[%broadcast_in_dim3A] : memref<384xf32, #tpu.memory_space<vmem>>[vector<16xi32>], vector<16xf32>,
          %get3A = arith.index_cast %scan3A_59 : i32 to index
          %get3A_62 = arith.constant 0 : index
          %get3A_63 = tpu.vector_load %arg24[%get3A, %get3A_62] {strides = array<i32>} : memref<16x256xf32, #tpu.memory_space<vmem>>, vector<16xf32>,
          %mul3A_64 = arith.mulf %get3A_63, %gather3A : vector<16xf32>
          %swap3A = arith.index_cast %scan3A_59 : i32 to index
          %swap3A_65 = arith.constant 0 : index
          %swap3A_66 = tpu.vector_load %arg24[%swap3A, %swap3A_65] {strides = array<i32>} : memref<16x256xf32, #tpu.memory_space<vmem>>, vector<16xf32>,
          tpu.vector_store %arg24[%swap3A, %swap3A_65], %mul3A_64 {strides = array<i32>} : memref<16x256xf32, #tpu.memory_space<vmem>>, vector<16xf32>,
          %get3A_67 = arith.index_cast %scan3A_59 : i32 to index
          %get3A_68 = arith.constant 16 : index
          %get3A_69 = tpu.vector_load %arg24[%get3A_67, %get3A_68] {strides = array<i32>} : memref<16x256xf32, #tpu.memory_space<vmem>>, vector<16xf32>,
          %mul3A_70 = arith.mulf %get3A_69, %gather3A : vector<16xf32>
          %swap3A_71 = arith.index_cast %scan3A_59 : i32 to index
          %swap3A_72 = arith.constant 16 : index
          %swap3A_73 = tpu.vector_load %arg24[%swap3A_71, %swap3A_72] {strides = array<i32>} : memref<16x256xf32, #tpu.memory_space<vmem>>, vector<16xf32>,
          tpu.vector_store %arg24[%swap3A_71, %swap3A_72], %mul3A_70 {strides = array<i32>} : memref<16x256xf32, #tpu.memory_space<vmem>>, vector<16xf32>,
          %get3A_74 = arith.index_cast %scan3A_59 : i32 to index
          %get3A_75 = arith.constant 32 : index
          %get3A_76 = tpu.vector_load %arg24[%get3A_74, %get3A_75] {strides = array<i32>} : memref<16x256xf32, #tpu.memory_space<vmem>>, vector<16xf32>,
          %mul3A_77 = arith.mulf %get3A_76, %gather3A : vector<16xf32>
          %swap3A_78 = arith.index_cast %scan3A_59 : i32 to index
          %swap3A_79 = arith.constant 32 : index
          %swap3A_80 = tpu.vector_load %arg24[%swap3A_78, %swap3A_79] {strides = array<i32>} : memref<16x256xf32, #tpu.memory_space<vmem>>, vector<16xf32>,
          tpu.vector_store %arg24[%swap3A_78, %swap3A_79], %mul3A_77 {strides = array<i32>} : memref<16x256xf32, #tpu.memory_space<vmem>>, vector<16xf32>,
          %get3A_81 = arith.index_cast %scan3A_59 : i32 to index
          %get3A_82 = arith.constant 48 : index
          %get3A_83 = tpu.vector_load %arg24[%get3A_81, %get3A_82] {strides = array<i32>} : memref<16x256xf32, #tpu.memory_space<vmem>>, vector<16xf32>,
          %mul3A_84 = arith.mulf %get3A_83, %gather3A : vector<16xf32>
          %swap3A_85 = arith.index_cast %scan3A_59 : i32 to index
          %swap3A_86 = arith.constant 48 : index
          %swap3A_87 = tpu.vector_load %arg24[%swap3A_85, %swap3A_86] {strides = array<i32>} : memref<16x256xf32, #tpu.memory_space<vmem>>, vector<16xf32>,
          tpu.vector_store %arg24[%swap3A_85, %swap3A_86], %mul3A_84 {strides = array<i32>} : memref<16x256xf32, #tpu.memory_space<vmem>>, vector<16xf32>,
          %get3A_88 = arith.index_cast %scan3A_59 : i32 to index
          %get3A_89 = arith.constant 64 : index
          %get3A_90 = tpu.vector_load %arg24[%get3A_88, %get3A_89] {strides = array<i32>} : memref<16x256xf32, #tpu.memory_space<vmem>>, vector<16xf32>,
          %mul3A_91 = arith.mulf %get3A_90, %gather3A : vector<16xf32>
          %swap3A_92 = arith.index_cast %scan3A_59 : i32 to index
          %swap3A_93 = arith.constant 64 : index
          %swap3A_94 = tpu.vector_load %arg24[%swap3A_92, %swap3A_93] {strides = array<i32>} : memref<16x256xf32, #tpu.memory_space<vmem>>, vector<16xf32>,
          tpu.vector_store %arg24[%swap3A_92, %swap3A_93], %mul3A_91 {strides = array<i32>} : memref<16x256xf32, #tpu.memory_space<vmem>>, vector<16xf32>,
          %get3A_95 = arith.index_cast %scan3A_59 : i32 to index
          %get3A_96 = arith.constant 80 : index
          %get3A_97 = tpu.vector_load %arg24[%get3A_95, %get3A_96] {strides = array<i32>} : memref<16x256xf32, #tpu.memory_space<vmem>>, vector<16xf32>,
          %mul3A_98 = arith.mulf %get3A_97, %gather3A : vector<16xf32>
          %swap3A_99 = arith.index_cast %scan3A_59 : i32 to index
          %swap3A_100 = arith.constant 80 : index
          %swap3A_101 = tpu.vector_load %arg24[%swap3A_99, %swap3A_100] {strides = array<i32>} : memref<16x256xf32, #tpu.memory_space<vmem>>, vector<16xf32>,
          tpu.vector_store %arg24[%swap3A_99, %swap3A_100], %mul3A_98 {strides = array<i32>} : memref<16x256xf32, #tpu.memory_space<vmem>>, vector<16xf32>,
          %get3A_102 = arith.index_cast %scan3A_59 : i32 to index
          %get3A_103 = arith.constant 96 : index
          %get3A_104 = tpu.vector_load %arg24[%get3A_102, %get3A_103] {strides = array<i32>} : memref<16x256xf32, #tpu.memory_space<vmem>>, vector<16xf32>,
          %mul3A_105 = arith.mulf %get3A_104, %gather3A : vector<16xf32>
          %swap3A_106 = arith.index_cast %scan3A_59 : i32 to index
          %swap3A_107 = arith.constant 96 : index
          %swap3A_108 = tpu.vector_load %arg24[%swap3A_106, %swap3A_107] {strides = array<i32>} : memref<16x256xf32, #tpu.memory_space<vmem>>, vector<16xf32>,
          tpu.vector_store %arg24[%swap3A_106, %swap3A_107], %mul3A_105 {strides = array<i32>} : memref<16x256xf32, #tpu.memory_space<vmem>>, vector<16xf32>,
          %get3A_109 = arith.index_cast %scan3A_59 : i32 to index
          %get3A_110 = arith.constant 112 : index
          %get3A_111 = tpu.vector_load %arg24[%get3A_109, %get3A_110] {strides = array<i32>} : memref<16x256xf32, #tpu.memory_space<vmem>>, vector<16xf32>,
          %mul3A_112 = arith.mulf %get3A_111, %gather3A : vector<16xf32>
          %swap3A_113 = arith.index_cast %scan3A_59 : i32 to index
          %swap3A_114 = arith.constant 112 : index
          %swap3A_115 = tpu.vector_load %arg24[%swap3A_113, %swap3A_114] {strides = array<i32>} : memref<16x256xf32, #tpu.memory_space<vmem>>, vector<16xf32>,
          tpu.vector_store %arg24[%swap3A_113, %swap3A_114], %mul3A_112 {strides = array<i32>} : memref<16x256xf32, #tpu.memory_space<vmem>>, vector<16xf32>,
          %get3A_116 = arith.index_cast %scan3A_59 : i32 to index
          %get3A_117 = arith.constant 128 : index
          %get3A_118 = tpu.vector_load %arg24[%get3A_116, %get3A_117] {strides = array<i32>} : memref<16x256xf32, #tpu.memory_space<vmem>>, vector<16xf32>,
          %mul3A_119 = arith.mulf %get3A_118, %gather3A : vector<16xf32>
          %swap3A_120 = arith.index_cast %scan3A_59 : i32 to index
          %swap3A_121 = arith.constant 128 : index
          %swap3A_122 = tpu.vector_load %arg24[%swap3A_120, %swap3A_121] {strides = array<i32>} : memref<16x256xf32, #tpu.memory_space<vmem>>, vector<16xf32>,
          tpu.vector_store %arg24[%swap3A_120, %swap3A_121], %mul3A_119 {strides = array<i32>} : memref<16x256xf32, #tpu.memory_space<vmem>>, vector<16xf32>,
          %get3A_123 = arith.index_cast %scan3A_59 : i32 to index
          %get3A_124 = arith.constant 144 : index
          %get3A_125 = tpu.vector_load %arg24[%get3A_123, %get3A_124] {strides = array<i32>} : memref<16x256xf32, #tpu.memory_space<vmem>>, vector<16xf32>,
          %mul3A_126 = arith.mulf %get3A_125, %gather3A : vector<16xf32>
          %swap3A_127 = arith.index_cast %scan3A_59 : i32 to index
          %swap3A_128 = arith.constant 144 : index
          %swap3A_129 = tpu.vector_load %arg24[%swap3A_127, %swap3A_128] {strides = array<i32>} : memref<16x256xf32, #tpu.memory_space<vmem>>, vector<16xf32>,
          tpu.vector_store %arg24[%swap3A_127, %swap3A_128], %mul3A_126 {strides = array<i32>} : memref<16x256xf32, #tpu.memory_space<vmem>>, vector<16xf32>,
          %get3A_130 = arith.index_cast %scan3A_59 : i32 to index
          %get3A_131 = arith.constant 160 : index
          %get3A_132 = tpu.vector_load %arg24[%get3A_130, %get3A_131] {strides = array<i32>} : memref<16x256xf32, #tpu.memory_space<vmem>>, vector<16xf32>,
          %mul3A_133 = arith.mulf %get3A_132, %gather3A : vector<16xf32>
          %swap3A_134 = arith.index_cast %scan3A_59 : i32 to index
          %swap3A_135 = arith.constant 160 : index
          %swap3A_136 = tpu.vector_load %arg24[%swap3A_134, %swap3A_135] {strides = array<i32>} : memref<16x256xf32, #tpu.memory_space<vmem>>, vector<16xf32>,
          tpu.vector_store %arg24[%swap3A_134, %swap3A_135], %mul3A_133 {strides = array<i32>} : memref<16x256xf32, #tpu.memory_space<vmem>>, vector<16xf32>,
          %get3A_137 = arith.index_cast %scan3A_59 : i32 to index
          %get3A_138 = arith.constant 176 : index
          %get3A_139 = tpu.vector_load %arg24[%get3A_137, %get3A_138] {strides = array<i32>} : memref<16x256xf32, #tpu.memory_space<vmem>>, vector<16xf32>,
          %mul3A_140 = arith.mulf %get3A_139, %gather3A : vector<16xf32>
          %swap3A_141 = arith.index_cast %scan3A_59 : i32 to index
          %swap3A_142 = arith.constant 176 : index
          %swap3A_143 = tpu.vector_load %arg24[%swap3A_141, %swap3A_142] {strides = array<i32>} : memref<16x256xf32, #tpu.memory_space<vmem>>, vector<16xf32>,
          tpu.vector_store %arg24[%swap3A_141, %swap3A_142], %mul3A_140 {strides = array<i32>} : memref<16x256xf32, #tpu.memory_space<vmem>>, vector<16xf32>,
          %get3A_144 = arith.index_cast %scan3A_59 : i32 to index
          %get3A_145 = arith.constant 192 : index
          %get3A_146 = tpu.vector_load %arg24[%get3A_144, %get3A_145] {strides = array<i32>} : memref<16x256xf32, #tpu.memory_space<vmem>>, vector<16xf32>,
          %mul3A_147 = arith.mulf %get3A_146, %gather3A : vector<16xf32>
          %swap3A_148 = arith.index_cast %scan3A_59 : i32 to index
          %swap3A_149 = arith.constant 192 : index
          %swap3A_150 = tpu.vector_load %arg24[%swap3A_148, %swap3A_149] {strides = array<i32>} : memref<16x256xf32, #tpu.memory_space<vmem>>, vector<16xf32>,
          tpu.vector_store %arg24[%swap3A_148, %swap3A_149], %mul3A_147 {strides = array<i32>} : memref<16x256xf32, #tpu.memory_space<vmem>>, vector<16xf32>,
          %get3A_151 = arith.index_cast %scan3A_59 : i32 to index
          %get3A_152 = arith.constant 208 : index
          %get3A_153 = tpu.vector_load %arg24[%get3A_151, %get3A_152] {strides = array<i32>} : memref<16x256xf32, #tpu.memory_space<vmem>>, vector<16xf32>,
          %mul3A_154 = arith.mulf %get3A_153, %gather3A : vector<16xf32>
          %swap3A_155 = arith.index_cast %scan3A_59 : i32 to index
          %swap3A_156 = arith.constant 208 : index
          %swap3A_157 = tpu.vector_load %arg24[%swap3A_155, %swap3A_156] {strides = array<i32>} : memref<16x256xf32, #tpu.memory_space<vmem>>, vector<16xf32>,
          tpu.vector_store %arg24[%swap3A_155, %swap3A_156], %mul3A_154 {strides = array<i32>} : memref<16x256xf32, #tpu.memory_space<vmem>>, vector<16xf32>,
          %get3A_158 = arith.index_cast %scan3A_59 : i32 to index
          %get3A_159 = arith.constant 224 : index
          %get3A_160 = tpu.vector_load %arg24[%get3A_158, %get3A_159] {strides = array<i32>} : memref<16x256xf32, #tpu.memory_space<vmem>>, vector<16xf32>,
          %mul3A_161 = arith.mulf %get3A_160, %gather3A : vector<16xf32>
          %swap3A_162 = arith.index_cast %scan3A_59 : i32 to index
          %swap3A_163 = arith.constant 224 : index
          %swap3A_164 = tpu.vector_load %arg24[%swap3A_162, %swap3A_163] {strides = array<i32>} : memref<16x256xf32, #tpu.memory_space<vmem>>, vector<16xf32>,
          tpu.vector_store %arg24[%swap3A_162, %swap3A_163], %mul3A_161 {strides = array<i32>} : memref<16x256xf32, #tpu.memory_space<vmem>>, vector<16xf32>,
          %get3A_165 = arith.index_cast %scan3A_59 : i32 to index
          %get3A_166 = arith.constant 240 : index
          %get3A_167 = tpu.vector_load %arg24[%get3A_165, %get3A_166] {strides = array<i32>} : memref<16x256xf32, #tpu.memory_space<vmem>>, vector<16xf32>,
          %mul3A_168 = arith.mulf %get3A_167, %gather3A : vector<16xf32>
          %swap3A_169 = arith.index_cast %scan3A_59 : i32 to index
          %swap3A_170 = arith.constant 240 : index
          %swap3A_171 = tpu.vector_load %arg24[%swap3A_169, %swap3A_170] {strides = array<i32>} : memref<16x256xf32, #tpu.memory_space<vmem>>, vector<16xf32>,
          tpu.vector_store %arg24[%swap3A_169, %swap3A_170], %mul3A_168 {strides = array<i32>} : memref<16x256xf32, #tpu.memory_space<vmem>>, vector<16xf32>,
          %scan3A_172 = arith.constant 0 : i32
          scf.yield %scan3A_172 : i32
        }
        %scan3A_49 = arith.constant 16 : i32
        %lt3A_50 = arith.constant 312 : i32
        %lt3A_51 = arith.cmpi slt, %add3A, %lt3A_50 : i32
        %convert_element_type3A_52 = arith.extui %lt3A_51 : i1 to i32
        %cond3A_53 = arith.constant 0 : i32
        %cond3A_54 = arith.cmpi ne, %convert_element_type3A_52, %cond3A_53 : i32
        scf.if %cond3A_54 {
          %add3A_59 = arith.addi %mul3A_0, %mul3A_40 : i32
          "tpu.region"() ({
            %run_scoped3A_60 = tpu.sem_alloc : memref<!tpu.dma_semaphore, #tpu.memory_space<semaphore_mem>>
            %dma_start3A = arith.constant 0 : i32
            %dma_start3A_61 = tpu.memref_slice %arg6[%add3A_59, %dma_start3A] : memref<10000x256xf32, #tpu.memory_space<hbm>> -> memref<16x256xf32, #tpu.memory_space<hbm>>
            %dma_start3A_62 = arith.constant 0 : i32
            %dma_start3A_63 = tpu.memref_slice %arg6[%add3A_59, %dma_start3A_62] : memref<10000x256xf32, #tpu.memory_space<hbm>> -> memref<16x256xf32, #tpu.memory_space<hbm>>
            tpu.enqueue_dma source(%arg24 : memref<16x256xf32, #tpu.memory_space<vmem>>) target(%dma_start3A_63 : memref<16x256xf32, #tpu.memory_space<hbm>>) target_semaphore(%run_scoped3A_60 : memref<!tpu.dma_semaphore, #tpu.memory_space<semaphore_mem>>)
            %dma_wait3A = arith.constant 0 : i32
            %dma_wait3A_64 = tpu.memref_slice %arg6[%add3A_59, %dma_wait3A] : memref<10000x256xf32, #tpu.memory_space<hbm>> -> memref<16x256xf32, #tpu.memory_space<hbm>>
            %dma_wait3A_65 = arith.constant 0 : i32
            %dma_wait3A_66 = tpu.memref_slice %arg6[%add3A_59, %dma_wait3A_65] : memref<10000x256xf32, #tpu.memory_space<hbm>> -> memref<16x256xf32, #tpu.memory_space<hbm>>
            tpu.wait_dma2 semaphore(%run_scoped3A_60 : memref<!tpu.dma_semaphore, #tpu.memory_space<semaphore_mem>>) src(%arg24 : memref<16x256xf32, #tpu.memory_space<vmem>>) dst(%dma_wait3A_66 : memref<16x256xf32, #tpu.memory_space<hbm>>)
            tpu.yield
          }) : () -> ()
        } else {
        }
        %eq3A = arith.constant 312 : i32
        %eq3A_55 = arith.cmpi eq, %add3A, %eq3A : i32
        %convert_element_type3A_56 = arith.extui %eq3A_55 : i1 to i32
        %cond3A_57 = arith.constant 0 : i32
        %cond3A_58 = arith.cmpi ne, %convert_element_type3A_56, %cond3A_57 : i32
        scf.if %cond3A_58 {
          %add3A_59 = arith.addi %mul3A_0, %mul3A_40 : i32
          "tpu.region"() ({
            %run_scoped3A_60 = tpu.sem_alloc : memref<!tpu.dma_semaphore, #tpu.memory_space<semaphore_mem>>
            %dma_start3A = arith.constant 0 : i32
            %dma_start3A_61 = arith.constant 0 : i32
            %dma_start3A_62 = tpu.memref_slice %arg24[%dma_start3A, %dma_start3A_61] : memref<16x256xf32, #tpu.memory_space<vmem>> -> memref<8x256xf32, #tpu.memory_space<vmem>>
            %dma_start3A_63 = arith.constant 0 : i32
            %dma_start3A_64 = tpu.memref_slice %arg6[%add3A_59, %dma_start3A_63] : memref<10000x256xf32, #tpu.memory_space<hbm>> -> memref<8x256xf32, #tpu.memory_space<hbm>>
            %dma_start3A_65 = arith.constant 0 : i32
            %dma_start3A_66 = tpu.memref_slice %arg6[%add3A_59, %dma_start3A_65] : memref<10000x256xf32, #tpu.memory_space<hbm>> -> memref<8x256xf32, #tpu.memory_space<hbm>>
            %dma_start3A_67 = arith.constant 0 : i32
            %dma_start3A_68 = arith.constant 0 : i32
            %dma_start3A_69 = tpu.memref_slice %arg24[%dma_start3A_67, %dma_start3A_68] : memref<16x256xf32, #tpu.memory_space<vmem>> -> memref<8x256xf32, #tpu.memory_space<vmem>>
            tpu.enqueue_dma source(%dma_start3A_69 : memref<8x256xf32, #tpu.memory_space<vmem>>) target(%dma_start3A_66 : memref<8x256xf32, #tpu.memory_space<hbm>>) target_semaphore(%run_scoped3A_60 : memref<!tpu.dma_semaphore, #tpu.memory_space<semaphore_mem>>)
            %dma_wait3A = arith.constant 0 : i32
            %dma_wait3A_70 = arith.constant 0 : i32
            %dma_wait3A_71 = tpu.memref_slice %arg24[%dma_wait3A, %dma_wait3A_70] : memref<16x256xf32, #tpu.memory_space<vmem>> -> memref<8x256xf32, #tpu.memory_space<vmem>>
            %dma_wait3A_72 = arith.constant 0 : i32
            %dma_wait3A_73 = tpu.memref_slice %arg6[%add3A_59, %dma_wait3A_72] : memref<10000x256xf32, #tpu.memory_space<hbm>> -> memref<8x256xf32, #tpu.memory_space<hbm>>
            %dma_wait3A_74 = arith.constant 0 : i32
            %dma_wait3A_75 = tpu.memref_slice %arg6[%add3A_59, %dma_wait3A_74] : memref<10000x256xf32, #tpu.memory_space<hbm>> -> memref<8x256xf32, #tpu.memory_space<hbm>>
            %dma_wait3A_76 = arith.constant 0 : i32
            %dma_wait3A_77 = arith.constant 0 : i32
            %dma_wait3A_78 = tpu.memref_slice %arg24[%dma_wait3A_76, %dma_wait3A_77] : memref<16x256xf32, #tpu.memory_space<vmem>> -> memref<8x256xf32, #tpu.memory_space<vmem>>
            tpu.wait_dma2 semaphore(%run_scoped3A_60 : memref<!tpu.dma_semaphore, #tpu.memory_space<semaphore_mem>>) src(%dma_wait3A_78 : memref<8x256xf32, #tpu.memory_space<vmem>>) dst(%dma_wait3A_75 : memref<8x256xf32, #tpu.memory_space<hbm>>)
            tpu.yield
          }) : () -> ()
        } else {
        }
      } else {
      }
      %scan3A_38 = arith.constant 0 : i32
      scf.yield %scan3A_38 : i32
    }
    %scan3A_33 = arith.constant 24 : i32
    return
  }
}

module attributes {stable_mosaic.version = 14 : i64} {
  func.func @body(%arg0: i32, %arg1: memref<1024x256xf32, #tpu.memory_space<vmem>>, %arg2: memref<256x256xf32, #tpu.memory_space<vmem>>, %arg3: memref<8x256xf32, #tpu.memory_space<vmem>>, %arg4: memref<1024x256xf32, #tpu.memory_space<vmem>>, %arg5: memref<8x1024xf32, #tpu.memory_space<vmem>>) attributes {dimension_semantics = [#tpu.dimension_semantics<arbitrary>], iteration_bounds = array<i64: 10>, scalar_prefetch = 0 : i64, scratch_operands = 0 : i64, tpu.core_type = #tpu.core_type<tc>, window_params = [{transform_indices = @transform_0, window_bounds = array<i64: 1024, 256>}, {pipeline_mode = #tpu.pipeline_mode<synchronous>, transform_indices = @transform_1, window_bounds = array<i64: 256, 256>}, {pipeline_mode = #tpu.pipeline_mode<synchronous>, transform_indices = @transform_2, window_bounds = array<i64: 8, 256>}, {transform_indices = @transform_3, window_bounds = array<i64: 1024, 256>}, {transform_indices = @transform_4, window_bounds = array<i64: 8, 1024>}]} {
    %get3A = arith.constant 0 : index
    %get3A_0 = arith.constant 0 : index
    %get3A_1 = vector.load %arg1[%get3A, %get3A_0] : memref<1024x256xf32, #tpu.memory_space<vmem>>, vector<1024x256xf32>
    %get3A_2 = arith.constant 0 : index
    %get3A_3 = arith.constant 0 : index
    %get3A_4 = vector.load %arg2[%get3A_2, %get3A_3] : memref<256x256xf32, #tpu.memory_space<vmem>>, vector<256x256xf32>
    %dot_general3A = arith.constant dense<0.000000e+00> : vector<1024x256xf32>
    %dot_general3A_5 = tpu.matmul %get3A_1, %get3A_4, %dot_general3A {dimension_numbers = #tpu.dot_dimension_numbers<[1], [0], [0], [1], [0, 0, 1, 1], [], []>, precision = #tpu.contract_precision<fp32>, transpose_lhs_hint = false} : vector<1024x256xf32>, vector<256x256xf32>, vector<1024x256xf32> -> vector<1024x256xf32>
    %swap3A = arith.constant 0 : index
    %swap3A_6 = arith.constant 0 : index
    %swap3A_7 = vector.load %arg4[%swap3A, %swap3A_6] : memref<1024x256xf32, #tpu.memory_space<vmem>>, vector<1024x256xf32>
    tpu.vector_store %arg4[%swap3A, %swap3A_6], %dot_general3A_5 {strides = array<i32>} : memref<1024x256xf32, #tpu.memory_space<vmem>>, vector<1024x256xf32>,
    %get3A_8 = arith.constant 0 : index
    %get3A_9 = arith.constant 0 : index
    %get3A_10 = vector.load %arg3[%get3A_8, %get3A_9] : memref<8x256xf32, #tpu.memory_space<vmem>>, vector<8x256xf32>
    %dot_general3A_11 = arith.constant dense<0.000000e+00> : vector<8x1024xf32>
    %dot_general3A_12 = tpu.matmul %get3A_10, %dot_general3A_5, %dot_general3A_11 {dimension_numbers = #tpu.dot_dimension_numbers<[1], [1], [0], [0], [0, 0, 1, 0], [], []>, precision = #tpu.contract_precision<fp32>, transpose_lhs_hint = false} : vector<8x256xf32>, vector<1024x256xf32>, vector<8x1024xf32> -> vector<8x1024xf32>
    %swap3A_13 = arith.constant 0 : index
    %swap3A_14 = arith.constant 0 : index
    %swap3A_15 = vector.load %arg5[%swap3A_13, %swap3A_14] : memref<8x1024xf32, #tpu.memory_space<vmem>>, vector<8x1024xf32>
    tpu.vector_store %arg5[%swap3A_13, %swap3A_14], %dot_general3A_12 {strides = array<i32>} : memref<8x1024xf32, #tpu.memory_space<vmem>>, vector<8x1024xf32>,
    return
  }
  func.func @transform_0(%arg0: i32) -> (i32, i32) {
    %c0_i32 = arith.constant 0 : i32
    %c0_i32_0 = arith.constant 0 : i32
    return %arg0, %c0_i32 : i32, i32
  }
  func.func @transform_1(%arg0: i32) -> (i32, i32) {
    %c0_i32 = arith.constant 0 : i32
    %c0_i32_0 = arith.constant 0 : i32
    %c0_i32_1 = arith.constant 0 : i32
    return %c0_i32, %c0_i32_0 : i32, i32
  }
  func.func @transform_2(%arg0: i32) -> (i32, i32) {
    %c0_i32 = arith.constant 0 : i32
    %c0_i32_0 = arith.constant 0 : i32
    %c0_i32_1 = arith.constant 0 : i32
    return %c0_i32, %c0_i32_0 : i32, i32
  }
  func.func @transform_3(%arg0: i32) -> (i32, i32) {
    %c0_i32 = arith.constant 0 : i32
    %c0_i32_0 = arith.constant 0 : i32
    return %arg0, %c0_i32 : i32, i32
  }
  func.func @transform_4(%arg0: i32) -> (i32, i32) {
    %c0_i32 = arith.constant 0 : i32
    %c0_i32_0 = arith.constant 0 : i32
    return %c0_i32, %arg0 : i32, i32
  }
}

module attributes {stable_mosaic.version = 14 : i64} {
  func.func @body(%arg0: i32, %arg1: memref<1024x256xf32, #tpu.memory_space<vmem>>, %arg2: memref<1024x256xf32, #tpu.memory_space<vmem>>, %arg3: memref<1x256xf32, #tpu.memory_space<vmem>>, %arg4: memref<1x256xf32, #tpu.memory_space<vmem>>, %arg5: memref<1x256xf32, #tpu.memory_space<vmem>>, %arg6: memref<1024x256xf32, #tpu.memory_space<vmem>>) attributes {dimension_semantics = [#tpu.dimension_semantics<arbitrary>], iteration_bounds = array<i64: 10>, scalar_prefetch = 0 : i64, scratch_operands = 0 : i64, tpu.core_type = #tpu.core_type<tc>, window_params = [{transform_indices = @transform_0, window_bounds = array<i64: 1024, 256>}, {transform_indices = @transform_1, window_bounds = array<i64: 1024, 256>}, {pipeline_mode = #tpu.pipeline_mode<synchronous>, transform_indices = @transform_2, window_bounds = array<i64: 1, 256>}, {pipeline_mode = #tpu.pipeline_mode<synchronous>, transform_indices = @transform_3, window_bounds = array<i64: 1, 256>}, {pipeline_mode = #tpu.pipeline_mode<synchronous>, transform_indices = @transform_4, window_bounds = array<i64: 1, 256>}, {transform_indices = @transform_5, window_bounds = array<i64: 1024, 256>}]} {
    %get3A = arith.constant 0 : index
    %get3A_0 = arith.constant 0 : index
    %get3A_1 = vector.load %arg1[%get3A, %get3A_0] : memref<1024x256xf32, #tpu.memory_space<vmem>>, vector<1024x256xf32>
    %get3A_2 = arith.constant 0 : index
    %get3A_3 = arith.constant 0 : index
    %get3A_4 = vector.load %arg2[%get3A_2, %get3A_3] : memref<1024x256xf32, #tpu.memory_space<vmem>>, vector<1024x256xf32>
    %add3A = arith.addf %get3A_1, %get3A_4 : vector<1024x256xf32>
    %get3A_5 = arith.constant 0 : index
    %get3A_6 = arith.constant 0 : index
    %get3A_7 = vector.load %arg3[%get3A_5, %get3A_6] : memref<1x256xf32, #tpu.memory_space<vmem>>, vector<1x256xf32>
    %add3A_8 = vector.broadcast %get3A_7 : vector<1x256xf32> to vector<1024x256xf32>
    %add3A_9 = arith.addf %add3A, %add3A_8 : vector<1024x256xf32>
    %reduce_sum3A = arith.constant dense<0.000000e+00> : vector<1024xf32>
    %reduce_sum3A_10 = vector.multi_reduction <add>, %add3A_9, %reduce_sum3A [1] : vector<1024x256xf32> to vector<1024xf32>
    %broadcast_in_dim3A = vector.shape_cast %reduce_sum3A_10 : vector<1024xf32> to vector<1024x1xf32>
    %div3A = arith.constant 2.560000e+02 : f32
    %div3A_11 = vector.broadcast %div3A : f32 to vector<1024x1xf32>
    %div3A_12 = arith.divf %broadcast_in_dim3A, %div3A_11 : vector<1024x1xf32>
    %sub3A = vector.broadcast %div3A_12 : vector<1024x1xf32> to vector<1024x256xf32>
    %sub3A_13 = arith.subf %add3A_9, %sub3A : vector<1024x256xf32>
    %mul3A = arith.mulf %sub3A_13, %sub3A_13 : vector<1024x256xf32>
    %reduce_sum3A_14 = arith.constant dense<0.000000e+00> : vector<1024xf32>
    %reduce_sum3A_15 = vector.multi_reduction <add>, %mul3A, %reduce_sum3A_14 [1] : vector<1024x256xf32> to vector<1024xf32>
    %broadcast_in_dim3A_16 = vector.shape_cast %reduce_sum3A_15 : vector<1024xf32> to vector<1024x1xf32>
    %div3A_17 = arith.constant 2.560000e+02 : f32
    %div3A_18 = vector.broadcast %div3A_17 : f32 to vector<1024x1xf32>
    %div3A_19 = arith.divf %broadcast_in_dim3A_16, %div3A_18 : vector<1024x1xf32>
    %add3A_20 = arith.constant 9.99999974E-6 : f32
    %add3A_21 = vector.broadcast %add3A_20 : f32 to vector<1024x1xf32>
    %add3A_22 = arith.addf %div3A_19, %add3A_21 : vector<1024x1xf32>
    %rsqrt3A = math.rsqrt %add3A_22 : vector<1024x1xf32>
    %mul3A_23 = vector.broadcast %rsqrt3A : vector<1024x1xf32> to vector<1024x256xf32>
    %mul3A_24 = arith.mulf %sub3A_13, %mul3A_23 : vector<1024x256xf32>
    %get3A_25 = arith.constant 0 : index
    %get3A_26 = arith.constant 0 : index
    %get3A_27 = vector.load %arg4[%get3A_25, %get3A_26] : memref<1x256xf32, #tpu.memory_space<vmem>>, vector<1x256xf32>
    %mul3A_28 = vector.broadcast %get3A_27 : vector<1x256xf32> to vector<1024x256xf32>
    %mul3A_29 = arith.mulf %mul3A_24, %mul3A_28 : vector<1024x256xf32>
    %get3A_30 = arith.constant 0 : index
    %get3A_31 = arith.constant 0 : index
    %get3A_32 = vector.load %arg5[%get3A_30, %get3A_31] : memref<1x256xf32, #tpu.memory_space<vmem>>, vector<1x256xf32>
    %add3A_33 = vector.broadcast %get3A_32 : vector<1x256xf32> to vector<1024x256xf32>
    %add3A_34 = arith.addf %mul3A_29, %add3A_33 : vector<1024x256xf32>
    %swap3A = arith.constant 0 : index
    %swap3A_35 = arith.constant 0 : index
    %swap3A_36 = vector.load %arg6[%swap3A, %swap3A_35] : memref<1024x256xf32, #tpu.memory_space<vmem>>, vector<1024x256xf32>
    tpu.vector_store %arg6[%swap3A, %swap3A_35], %add3A_34 {strides = array<i32>} : memref<1024x256xf32, #tpu.memory_space<vmem>>, vector<1024x256xf32>,
    return
  }
  func.func @transform_0(%arg0: i32) -> (i32, i32) {
    %c0_i32 = arith.constant 0 : i32
    %c0_i32_0 = arith.constant 0 : i32
    return %arg0, %c0_i32 : i32, i32
  }
  func.func @transform_1(%arg0: i32) -> (i32, i32) {
    %c0_i32 = arith.constant 0 : i32
    %c0_i32_0 = arith.constant 0 : i32
    return %arg0, %c0_i32 : i32, i32
  }
  func.func @transform_2(%arg0: i32) -> (i32, i32) {
    %c0_i32 = arith.constant 0 : i32
    %c0_i32_0 = arith.constant 0 : i32
    %c0_i32_1 = arith.constant 0 : i32
    return %c0_i32, %c0_i32_0 : i32, i32
  }
  func.func @transform_3(%arg0: i32) -> (i32, i32) {
    %c0_i32 = arith.constant 0 : i32
    %c0_i32_0 = arith.constant 0 : i32
    %c0_i32_1 = arith.constant 0 : i32
    return %c0_i32, %c0_i32_0 : i32, i32
  }
  func.func @transform_4(%arg0: i32) -> (i32, i32) {
    %c0_i32 = arith.constant 0 : i32
    %c0_i32_0 = arith.constant 0 : i32
    %c0_i32_1 = arith.constant 0 : i32
    return %c0_i32, %c0_i32_0 : i32, i32
  }
  func.func @transform_5(%arg0: i32) -> (i32, i32) {
    %c0_i32 = arith.constant 0 : i32
    %c0_i32_0 = arith.constant 0 : i32
    return %arg0, %c0_i32 : i32, i32
  }
}

module attributes {stable_mosaic.version = 14 : i64} {
  func.func @body(%arg0: i32, %arg1: memref<1024x256xf32, #tpu.memory_space<vmem>>, %arg2: memref<1024x256xf32, #tpu.memory_space<vmem>>, %arg3: memref<1x256xf32, #tpu.memory_space<vmem>>, %arg4: memref<1x256xf32, #tpu.memory_space<vmem>>, %arg5: memref<1x256xf32, #tpu.memory_space<vmem>>, %arg6: memref<1024x256xf32, #tpu.memory_space<vmem>>) attributes {dimension_semantics = [#tpu.dimension_semantics<arbitrary>], iteration_bounds = array<i64: 10>, scalar_prefetch = 0 : i64, scratch_operands = 0 : i64, tpu.core_type = #tpu.core_type<tc>, window_params = [{transform_indices = @transform_0, window_bounds = array<i64: 1024, 256>}, {transform_indices = @transform_1, window_bounds = array<i64: 1024, 256>}, {pipeline_mode = #tpu.pipeline_mode<synchronous>, transform_indices = @transform_2, window_bounds = array<i64: 1, 256>}, {pipeline_mode = #tpu.pipeline_mode<synchronous>, transform_indices = @transform_3, window_bounds = array<i64: 1, 256>}, {pipeline_mode = #tpu.pipeline_mode<synchronous>, transform_indices = @transform_4, window_bounds = array<i64: 1, 256>}, {transform_indices = @transform_5, window_bounds = array<i64: 1024, 256>}]} {
    %get3A = arith.constant 0 : index
    %get3A_0 = arith.constant 0 : index
    %get3A_1 = vector.load %arg1[%get3A, %get3A_0] : memref<1024x256xf32, #tpu.memory_space<vmem>>, vector<1024x256xf32>
    %get3A_2 = arith.constant 0 : index
    %get3A_3 = arith.constant 0 : index
    %get3A_4 = vector.load %arg2[%get3A_2, %get3A_3] : memref<1024x256xf32, #tpu.memory_space<vmem>>, vector<1024x256xf32>
    %add3A = arith.addf %get3A_1, %get3A_4 : vector<1024x256xf32>
    %get3A_5 = arith.constant 0 : index
    %get3A_6 = arith.constant 0 : index
    %get3A_7 = vector.load %arg3[%get3A_5, %get3A_6] : memref<1x256xf32, #tpu.memory_space<vmem>>, vector<1x256xf32>
    %add3A_8 = vector.broadcast %get3A_7 : vector<1x256xf32> to vector<1024x256xf32>
    %add3A_9 = arith.addf %add3A, %add3A_8 : vector<1024x256xf32>
    %reduce_sum3A = arith.constant dense<0.000000e+00> : vector<1024xf32>
    %reduce_sum3A_10 = vector.multi_reduction <add>, %add3A_9, %reduce_sum3A [1] : vector<1024x256xf32> to vector<1024xf32>
    %broadcast_in_dim3A = vector.shape_cast %reduce_sum3A_10 : vector<1024xf32> to vector<1024x1xf32>
    %div3A = arith.constant 2.560000e+02 : f32
    %div3A_11 = vector.broadcast %div3A : f32 to vector<1024x1xf32>
    %div3A_12 = arith.divf %broadcast_in_dim3A, %div3A_11 : vector<1024x1xf32>
    %sub3A = vector.broadcast %div3A_12 : vector<1024x1xf32> to vector<1024x256xf32>
    %sub3A_13 = arith.subf %add3A_9, %sub3A : vector<1024x256xf32>
    %mul3A = arith.mulf %sub3A_13, %sub3A_13 : vector<1024x256xf32>
    %reduce_sum3A_14 = arith.constant dense<0.000000e+00> : vector<1024xf32>
    %reduce_sum3A_15 = vector.multi_reduction <add>, %mul3A, %reduce_sum3A_14 [1] : vector<1024x256xf32> to vector<1024xf32>
    %broadcast_in_dim3A_16 = vector.shape_cast %reduce_sum3A_15 : vector<1024xf32> to vector<1024x1xf32>
    %div3A_17 = arith.constant 2.560000e+02 : f32
    %div3A_18 = vector.broadcast %div3A_17 : f32 to vector<1024x1xf32>
    %div3A_19 = arith.divf %broadcast_in_dim3A_16, %div3A_18 : vector<1024x1xf32>
    %add3A_20 = arith.constant 9.99999974E-6 : f32
    %add3A_21 = vector.broadcast %add3A_20 : f32 to vector<1024x1xf32>
    %add3A_22 = arith.addf %div3A_19, %add3A_21 : vector<1024x1xf32>
    %rsqrt3A = math.rsqrt %add3A_22 : vector<1024x1xf32>
    %mul3A_23 = vector.broadcast %rsqrt3A : vector<1024x1xf32> to vector<1024x256xf32>
    %mul3A_24 = arith.mulf %sub3A_13, %mul3A_23 : vector<1024x256xf32>
    %get3A_25 = arith.constant 0 : index
    %get3A_26 = arith.constant 0 : index
    %get3A_27 = vector.load %arg4[%get3A_25, %get3A_26] : memref<1x256xf32, #tpu.memory_space<vmem>>, vector<1x256xf32>
    %mul3A_28 = vector.broadcast %get3A_27 : vector<1x256xf32> to vector<1024x256xf32>
    %mul3A_29 = arith.mulf %mul3A_24, %mul3A_28 : vector<1024x256xf32>
    %get3A_30 = arith.constant 0 : index
    %get3A_31 = arith.constant 0 : index
    %get3A_32 = vector.load %arg5[%get3A_30, %get3A_31] : memref<1x256xf32, #tpu.memory_space<vmem>>, vector<1x256xf32>
    %add3A_33 = vector.broadcast %get3A_32 : vector<1x256xf32> to vector<1024x256xf32>
    %add3A_34 = arith.addf %mul3A_29, %add3A_33 : vector<1024x256xf32>
    %swap3A = arith.constant 0 : index
    %swap3A_35 = arith.constant 0 : index
    %swap3A_36 = vector.load %arg6[%swap3A, %swap3A_35] : memref<1024x256xf32, #tpu.memory_space<vmem>>, vector<1024x256xf32>
    tpu.vector_store %arg6[%swap3A, %swap3A_35], %add3A_34 {strides = array<i32>} : memref<1024x256xf32, #tpu.memory_space<vmem>>, vector<1024x256xf32>,
    return
  }
  func.func @transform_0(%arg0: i32) -> (i32, i32) {
    %c0_i32 = arith.constant 0 : i32
    %c0_i32_0 = arith.constant 0 : i32
    return %arg0, %c0_i32 : i32, i32
  }
  func.func @transform_1(%arg0: i32) -> (i32, i32) {
    %c0_i32 = arith.constant 0 : i32
    %c0_i32_0 = arith.constant 0 : i32
    return %arg0, %c0_i32 : i32, i32
  }
  func.func @transform_2(%arg0: i32) -> (i32, i32) {
    %c0_i32 = arith.constant 0 : i32
    %c0_i32_0 = arith.constant 0 : i32
    %c0_i32_1 = arith.constant 0 : i32
    return %c0_i32, %c0_i32_0 : i32, i32
  }
  func.func @transform_3(%arg0: i32) -> (i32, i32) {
    %c0_i32 = arith.constant 0 : i32
    %c0_i32_0 = arith.constant 0 : i32
    %c0_i32_1 = arith.constant 0 : i32
    return %c0_i32, %c0_i32_0 : i32, i32
  }
  func.func @transform_4(%arg0: i32) -> (i32, i32) {
    %c0_i32 = arith.constant 0 : i32
    %c0_i32_0 = arith.constant 0 : i32
    %c0_i32_1 = arith.constant 0 : i32
    return %c0_i32, %c0_i32_0 : i32, i32
  }
  func.func @transform_5(%arg0: i32) -> (i32, i32) {
    %c0_i32 = arith.constant 0 : i32
    %c0_i32_0 = arith.constant 0 : i32
    return %arg0, %c0_i32 : i32, i32
  }
}

</mosaic_0001>

<sc_bundles>
// kernel: kernel.11.cloned.1.call-start
scs
__scs_entry_jumppad:
0x0: {  	(pc) =	sbr.rel $0x88, $3  }
0x1: {  	(tag) =	ssettag $0x0;
	lr =	simm.s32 $0x1  }
0x2: {  	[smem:$0x3F93] =	sst lr;
	_ =	strace $0xD0000000  }
0x3: {  	_ = 	snop  }
0x4: {  	_ = 	snop  }
0x5: {  	_ = 	snop  }
0x6: {  	_ = 	snop  }
0x7: {  	_ = 	snop  }
__scs_overlays_trampoline_lowered:
0x8: {  	[smem:$0x3FA2] =	sst s0  }
0x9: {  	[smem:$0x3FA3] =	sst s1  }
0xa: {  	[smem:$0x3FA4] =	sst s2  }
0xb: {  	[smem:$0x3FA5] =	sst s3  }
0xc: {  	[smem:$0x3FA6] =	sst s4  }
0xd: {  	[smem:$0x3FA7] =	sst s5  }
0xe: {  	[smem:$0x3FA8] =	sst s6  }
0xf: {  	[smem:$0x3FA9] =	sst s7  }
0x10: {  	[smem:$0x3FAA] =	sst s8  }
0x11: {  	[smem:$0x3FAB] =	sst s9;
	s0 =	simm.s32 @!p0 $0x0  }
0x12: {  	s1 =	sld [smem:$0x3F91];
	s0 =	simm.s32 @p0 $0x1  }
0x13: {  	[smem:$0x3FAC] =	sst s0;
	s0 =	simm.s32 @!p1 $0x0  }
0x14: {  	s2 =	sld [smem:$0x3F90];
	s0 =	simm.s32 @p1 $0x1  }
0x15: {  	[smem:$0x3FAD] =	sst s0;
	s0 =	simm.s32 @!p2 $0x0  }
0x16: {  	s3 =	sld [smem:$0x3FDB];
	s0 =	simm.s32 @p2 $0x1  }
0x17: {  	s4 =	simm.s32 $0x1BF5;
	[smem:$0x3FAF] =	sst s0  }
0x18: {  	s0 =	sld [smem:$0x3F92];
	_ =	swait.ge [sflag:s4], $0x0  }
0x19: {  	s7 =	sld [smem:$0x3F93]  }
0x1a: {  	s8 =	sadd.s32 $0xFFFFE003, lr  }
0x1b: {  	s9 =	sadd.s32 $0xFFFFFEF7, lr;
	s5 =	simm.s32 $0xFFFFFFFF;
	p2 =	slt.u32 s8, $0xFFFFF086  }
0x1c: {  	p1 =	slt.u32 s9, $0xF7A;
	s5 =	simm.s32 @!p2 $0x0  }
0x1d: {  	s5 =	simm.s32 @p1 $0x1;
	p0 =	seq.s32 s7, s2  }
0x1e: {  	s7 =	smul.u32 @!p0 $0xF7A, s2;
	p2 =	seq.s32 @!p0 s5, $0x0  }
0x1f: {  	s9 =	smul.u32 $0xF7A, s1;
	s8 =	simm.s32 @!p0 $0x1BF5;
	p2 =	por !p2, p0  }
0x20: {  	[sflag:s8] =	ssyncset.s32 @!p0 $0xFFFFF086;
	s6 =	sadd.s32 @!p0 s3, s7;
	s7 =	simm.s32 @!p0 $0x108  }
0x21: {  	s3 =	sadd.s32 s3, s9;
	s6 =	sadd.s32 @!p0 $0x88, s6;
	s7 =	simm.s32 @p2 $0x1082  }
0x22: {  	[simem:s7], [sflag:s8] =	dma.local @!p0 [hbm:s6], $0xF7A  }
0x23: {  	s9 =	sor.u32 $0xD0000000, s2;
	s6 =	simm.s32 $0x108;
	_ =	swait.ge @!p0 [sflag:s8], $0x0  }
0x24: {  	s3 =	sadd.s32 $0x88, s3;
	s6 =	simm.s32 @!p1 $0x1082;
	[sflag:s4] =	ssyncset.s32 $0xFFFFF086  }
0x25: {  	[simem:s6], [sflag:s4] =	dma.local [hbm:s3], $0xF7A  }
0x26: {  	[smem:$0x3F93] =	sst s1;
	(tag) =	ssettag s2;
	_ =	strace s9  }
0x27: {  	s1 =	sld [smem:$0x3FA3]  }
0x28: {  	s2 =	sld [smem:$0x3FA4]  }
0x29: {  	s4 =	sld [smem:$0x3FA6]  }
0x2a: {  	p0 =	seq.s32 s5, $0x0;
	s5 =	sld [smem:$0x3FA7]  }
0x2b: {  	s6 =	sld [smem:$0x3FA8]  }
0x2c: {  	s7 =	sld [smem:$0x3FA9]  }
0x2d: {  	s3 =	simm.s32 $0x108;
	s8 =	sld [smem:$0x3FAA]  }
0x2e: {  	s3 =	simm.s32 @!p0 $0x1082;
	s9 =	sld [smem:$0x3FAB]  }
0x2f: {  	lr =	sadd.s32 s0, s3;
	s0 =	sld [smem:$0x3FA2]  }
0x30: {  	s3 =	sld [smem:$0x3FA5]  }
0x31: {  	[smem:$0x3FAE] =	sst s10  }
0x32: {  	s10 =	sld [smem:$0x3FAC];
	_ =	sdelay $0x3  }
0x33: {  	p0 =	seq.s32 s10, $0x1;
	s10 =	sld [smem:$0x3FAE];
	_ =	sdelay $0x3  }
0x34: {  	[smem:$0x3FAE] =	sst s10  }
0x35: {  	s10 =	sld [smem:$0x3FAD];
	_ =	sdelay $0x3  }
0x36: {  	p1 =	seq.s32 s10, $0x1;
	s10 =	sld [smem:$0x3FAE];
	_ =	sdelay $0x3  }
0x37: {  	[smem:$0x3FAE] =	sst s10  }
0x38: {  	s10 =	sld [smem:$0x3FAF]  }
0x39: {  	_ = 	snop;
	(pc) =	sbr.ind lr, $3  }
0x3a: {  	_ = 	snop  }
0x3b: {  	_ = 	snop  }
0x3c: {  	p2 =	seq.s32 s10, $0x1;
	s10 =	sld [smem:$0x3FAE]  }
0x3d: {  	_ =	shalt  }
0x3e: {  	_ =	shalt  }
0x3f: {  	_ =	shalt  }
0x40: {  	_ =	shalt  }
0x41: {  	_ =	shalt  }
0x42: {  	_ =	shalt  }
0x43: {  	_ =	shalt  }
0x44: {  	_ =	shalt  }
0x45: {  	_ =	shalt  }
0x46: {  	_ =	shalt  }
0x47: {  	_ =	shalt  }
0x48: {  	_ =	shalt  }
0x49: {  	_ =	shalt  }
0x4a: {  	_ =	shalt  }
0x4b: {  	_ =	shalt  }
0x4c: {  	_ =	shalt  }
0x4d: {  	_ =	shalt  }
0x4e: {  	_ =	shalt  }
0x4f: {  	_ =	shalt  }
0x50: {  	_ =	shalt  }
0x51: {  	_ =	shalt  }
0x52: {  	_ =	shalt  }
0x53: {  	_ =	shalt  }
0x54: {  	_ =	shalt  }
0x55: {  	_ =	shalt  }
0x56: {  	_ =	shalt  }
0x57: {  	_ =	shalt  }
0x58: {  	_ =	shalt  }
0x59: {  	_ =	shalt  }
0x5a: {  	_ =	shalt  }
0x5b: {  	_ =	shalt  }
0x5c: {  	_ =	shalt  }
0x5d: {  	_ =	shalt  }
0x5e: {  	_ =	shalt  }
0x5f: {  	_ =	shalt  }
0x60: {  	_ =	shalt  }
0x61: {  	_ =	shalt  }
0x62: {  	_ =	shalt  }
0x63: {  	_ =	shalt  }
0x64: {  	_ =	shalt  }
0x65: {  	_ =	shalt  }
0x66: {  	_ =	shalt  }
0x67: {  	_ =	shalt  }
0x68: {  	_ =	shalt  }
0x69: {  	_ =	shalt  }
0x6a: {  	_ =	shalt  }
0x6b: {  	_ =	shalt  }
0x6c: {  	_ =	shalt  }
0x6d: {  	_ =	shalt  }
0x6e: {  	_ =	shalt  }
0x6f: {  	_ =	shalt  }
0x70: {  	_ =	shalt  }
0x71: {  	_ =	shalt  }
0x72: {  	_ =	shalt  }
0x73: {  	_ =	shalt  }
0x74: {  	_ =	shalt  }
0x75: {  	_ =	shalt  }
0x76: {  	_ =	shalt  }
0x77: {  	_ =	shalt  }
0x78: {  	_ =	shalt  }
0x79: {  	_ =	shalt  }
0x7a: {  	_ =	shalt  }
0x7b: {  	_ =	shalt  }
0x7c: {  	_ =	shalt  }
0x7d: {  	_ =	shalt  }
0x7e: {  	_ =	shalt  }
0x7f: {  	_ =	shalt  }
0x80: {  	_ =	shalt  }
0x81: {  	_ =	shalt  }
0x82: {  	_ =	shalt  }
0x83: {  	_ =	shalt  }
0x84: {  	_ =	shalt  }
0x85: {  	_ =	shalt  }
0x86: {  	_ =	shalt  }
0x87: {  	_ =	shalt  }
.Lfunc_end0:
.L_simem_size_0:
called_computation.1_lowered:
.L_overlay_start_0:
0x88: {  	s2 =	sld [smem:$0x3FD9]  }
0x89: {  	s3 =	sld [smem:$0x3FFE];
	_ =	sdelay $0x1  }
0x8a: {  	s1 =	srdreg.scid  }
0x8b: {  	s0 =	sand.u32 $0x1, s1  }
0x8c: {  	s17 =	sshll.u32 s0, $0xA;
	s2 =	sadd.s32 s3, s2  }
0x8d: {  	s2 =	sadd.s32 s2, s17  }
0x8e: {  	[smem:$0x3FBA] =	sst s2  }
0x8f: {  	_ = 	snop  }
0x90: {  	s2 =	sld [smem:$0x3FD0];
	(tm) =	ssettm $0x1  }
0x91: {  	s18 =	sld [smem:$0x3FFB];
	_ =	sdelay $0x3  }
0x92: {  	_ =	strace s18  }
0x93: {  	s3 =	sld [smem:$0x3FFC];
	_ =	sdelay $0x3  }
0x94: {  	_ =	strace s3  }
0x95: {  	s3 =	sld [smem:$0x3FFD];
	_ =	sdelay $0x3  }
0x96: {  	_ =	strace s3  }
0x97: {  	_ =	strace $0x8FFFFFFF  }
0x98: {  	s19 =	sld [smem:$0x3FDB];
	_ =	sdelay $0x1  }
0x99: {  	s4 =	simm.s32 $_scs_section_size  }
0x9a: {  	s5 =	simm.s32 $_size__tile_overlayer_lowered;
	s6 =	simm.s32 $_tile_overlayer_lowered  }
0x9b: {  	s22 =	simm.s32 $0x1BFF;
	s21 =	sshll.u32 s6, $0x1;
	s3 =	sadd.s32 s4, s19  }
0x9c: {  	s7 =	simm.s32 $0x0;
	s20 =	sshll.u32 s5, $0x1;
	s5 =	sadd.s32 s21, s3  }
0x9d: {  	[timem:s7], [sflag:s22] =	dma.local [hbm:s5], s20  }
0x9e: {  	_ =	swait.ge [sflag:s22], s20  }
0x9f: {  	s4 =	ssub.s32 $0x0, s20;
	[sflag:s22] =	ssyncset.done $0x0  }
0xa0: {  	[sflag:s22] =	ssyncadd.s32 s4;
	_ =	sdelay $0x1  }
0xa1: {  	s23 =	simm.s32 $0x1B8B  }
0xa2: {  	_ =	swait.ge [sflag:s23], $0x1  }
0xa3: {  	[sflag:s23] =	ssyncset.done $0x0  }
0xa4: {  	s25 =	simm.s32 $0x1B8E;
	s24 =	sld [smem:$0x3FFE];
	[sflag:s23] =	ssyncadd.s32 $0xFFFFFFFF  }
0xa5: {  	s26 =	simm.s32 $execute0_lowered;
	[smem:$0x3FD2] =	sst s25  }
0xa6: {  	s5 =	sshll.u32 s26, $0x1;
	_ =	strace $0x80000049;
	[dreg:$0x1] =	wrdreg $0xFFFFFFFF  }
0xa7: {  	s28 =	simm.s32 $_size_execute0_lowered;
	s3 =	sadd.s32 s3, s5;
	[dreg:$0x0] =	wrdreg $0x0  }
0xa8: {  	s5 =	sshll.u32 s28, $0x1;
	[dreg:$0x2] =	wrdreg s3  }
0xa9: {  	[dreg:$0x3] =	wrdreg s5  }
0xaa: {  	[dreg:$0x4] =	wrdreg $0xC0  }
0xab: {  	_ =	task [dreg:s7], $0x5FFFF  }
0xac: {  	[dreg:$0x1] =	wrdreg $0xFFFFFFFF  }
0xad: {  	[dreg:$0x0] =	wrdreg $0x60  }
0xae: {  	[dreg:$0x2] =	wrdreg s2  }
0xaf: {  	[dreg:$0x3] =	wrdreg s24  }
0xb0: {  	[dreg:$0x4] =	wrdreg $0x1F6500  }
0xb1: {  	[dreg:$0x5] =	wrdreg $0xBD500  }
0xb2: {  	[dreg:$0x6] =	wrdreg $0x9  }
0xb3: {  	_ =	task.clear_ibuf [dreg:s7], $0x7FFFF;
	_ =	strace $0x90000049  }
0xb4: {  	s29 =	simm.s32 $0x9;
	_ =	strace $0x8000004B  }
0xb5: {  	_ =	swait.ge [sflag:s29], $0x1  }
0xb6: {  	[sflag:s29] =	ssyncadd.s32 $0xFFFFFFFF  }
0xb7: {  	_ =	strace $0x9000004B  }
0xb8: {  	_ =	sfence  }
0xb9: {  	s30 =	sld [smem:$0x0];
	_ =	sdelay $0x2  }
0xba: {  	s31 =	sshll.u32 s1, $0xD;
	s1 =	sshrl.u32 s1, $0x2  }
0xbb: {  	s3 =	sand.u32 $0x4000, s31;
	s1 =	sadd.s32 s1, s30  }
0xbc: {  	s0 =	sor.u32 s3, s0;
	s1 =	sshll.u32 s1, $0x11  }
0xbd: {  	s0 =	sor.u32 s1, s0  }
0xbe: {  	s0 =	sadd.s32 $0x8F2B, s0  }
0xbf: {  	[sflag:s0] =	ssyncadd.remote.s32 $0x1  }
0xc0: {  	_ =	sfence.sel $0xFFFF  }
0xc1: {  	[dreg:$0x0] =	wrdreg $0xFFFFFFFF;
	(pc) =	sbr.abs _section_cstart, $3  }
0xc2: {  	[dreg:$0x1] =	wrdreg $0xFFFFFFFF  }
0xc3: {  	_ =	task.clear_ibuf [dreg:s7], $0x2FFFF;
	_ =	strace $0x9FFFFFFF  }
0xc4: {  	(tm) =	ssettm $0x7FFFFFFF  }
0xc5: {  	_ =	shalt  }
tec
execute0_lowered:
.L_overlay_start_1:
0x0: {  	(tag) =	ssettag $0x1  }
0x1: {  	s1 =	rddreg [dreg:$0x0]  }
0x2: {  	s0 =	rddreg [dreg:$0x1]  }
0x3: {  	s2 =	rddreg [dreg:$0x2]  }
0x4: {  	s3 =	rddreg [dreg:$0x3];
	s4 =	simm.s32 $0x0;
	s5 =	srdreg.scid  }
0x5: {  	s14 =	stileid.u32;
	s16 =	simm.s32 $0x6;
	s28 =	simm.s32 $0x20  }
0x6: {  	s29 =	simm.s32 $0x6B70;
	s30 =	simm.s32 $0x6BB0;
	s31 =	simm.s32 $0x3  }
0x7: {  	s12 =	simm.s32 $0x8BB0;
	s15 =	simm.s32 $0x5;
	[smem:$0x7FF] =	sst s4  }
0x8: {  	s6 =	sadd.s32 $0x6A00, s0;
	s5 =	sand.u32 $0x1, s5;
	s8 =	smul.u32 $0x600, s14  }
0x9: {  	s17 =	sadd.s32 $0x1A00, s0;
	s7 =	sadd.s32 $0x9200, s0;
	s22 =	smul.u32 $0x2800, s14  }
0xa: {  	s19 =	smul.u32 $0x18, s14;
	_ =	strace $0x8000004A;
	[dreg:$0x5] =	wrdreg s6  }
0xb: {  	s9 =	sadd.s32 $0xE200, s0;
	[dreg:$0x6] =	wrdreg s17;
	s18 =	smul.u32 $0x1388, s5  }
0xc: {  	s0 =	sadd.s32 $0x6EE2, s0;
	[dreg:$0x7] =	wrdreg s7;
	s11 =	smul.u32 $0x138800, s5  }
0xd: {  	s21 =	ssub.s32 $0x2, s5;
	[dreg:$0x8] =	wrdreg s0;
	s5 =	smul.u32 $0x27100, s5  }
0xe: {  	s17 =	simm.s32 $0x2720;
	s6 =	simm.s32 $0x6B50;
	s10 =	sshrl.u32 s21, $0x1  }
0xf: {  	[dreg:$0x9] =	wrdreg s22;
	s23 =	sshrl.u32 s8, $0x2;
	s22 =	simm.s32 $0xABB0  }
0x10: {  	s8 =	simm.s32 $0x0;
	[dreg:$0xa] =	wrdreg s19;
	s7 =	ssub.s32 s21, s10  }
0x11: {  	s24 =	sshrl.u32 s11, $0x3;
	s0 =	sadd.s32 s23, s2;
	s20 =	sadd.s32 s9, s5  }
.Ltmp0:
0x12: {  	s23 =	simm.s32 $0xABD0;
	s5 =	simm.s32 $0xBBD0;
	(pc) =	sbr.rel .LBB2_1-.Ltmp0, $4  }
0x13: {  	[dreg:$0xb] =	wrdreg s0;
	s25 =	sadd.s32 s9, s24;
	s26 =	smax.u32 s7, $0x1  }
0x14: {  	s24 =	simm.s32 $0x1;
	s0 =	simm.s32 $0x2;
	[dreg:$0xc] =	wrdreg s20  }
0x15: {  	v1 =	vlaneseq.u32;
	vm0 =	vmmov $0xffff;
	v2 =	vimm.s32 $0x0;
	s9 =	simm.s32 $0x6B90;
	s21 =	sadd.s32 $0x27000, s25;
	[dreg:$0xe] =	wrdreg s26  }
0x16: {  	v3 =	vimm.s32 $0x1388;
	v4 =	vimm.f32 $0.0e+00;
	v0 =	vmov s18;
	s25 =	simm.s32 $0x80;
	s26 =	simm.s32 $0x6B30;
	[dreg:$0xd] =	wrdreg s21  }
.LBB2_24:
0x17: {  	s8 =	rddreg [dreg:$0xf]  }
0x18: {  	s7 =	rddreg [dreg:$0xe];
	s8 =	sadd.s32 $0x1, s8  }
0x19: {  	p0 =	sne.s32 s8, s7  }
.Ltmp1:
0x1a: {  	_ = 	snop;
	(pc) =	sbr.rel @!p0 .LBB2_25-.Ltmp1, $2  }
0x1b: {  	_ =	sdelay $0x2  }
0x1c: {  	s14 =	stileid.u32  }
.LBB2_1:
0x1d: {  	[dreg:$0xf] =	wrdreg s8  }
0x1e: {  	s7 =	rddreg [dreg:$0x5]  }
0x1f: {  	[tilespmem:s4], [sflag:$0x6] =	stream.linear.gather [hbm4b:s7+s4], $0x2710, $0x38;
	[tilespmem:$0x1F7D0] =	vst v63  }
0x20: {  	_ =	swait.ge [sflag:s16], $0x2710  }
0x21: {  	[sflag:s16] =	ssyncset.done $0x0  }
.Ltmp2:
0x22: {  	s21 =	rddreg [dreg:$0x8];
	[sflag:s16] =	ssyncadd.s32 $0xFFFFD8F0;
	(pc) =	sbr.rel .LBB2_2-.Ltmp2, $4  }
0x23: {  	[tilespmem:s17], [sflag:$0x6] =	stream.linear.gather [hbm4b:s21+s4], $0x2710, $0x38;
	[tilespmem:$0x1F7D0] =	vst v63  }
0x24: {  	_ =	swait.ge [sflag:s16], $0x2710  }
0x25: {  	[sflag:s16] =	ssyncset.done $0x0  }
0x26: {  	s13 =	simm.s32 $0x0;
	[sflag:s16] =	ssyncadd.s32 $0xFFFFD8F0  }
.LBB2_6:
0x27: {  	s13 =	sadd.s32 $0x1, s13  }
0x28: {  	p0 =	sne.s32 s13, $0x18  }
.Ltmp3:
0x29: {  	_ = 	snop;
	(pc) =	sbr.rel @!p0 .LBB2_7-.Ltmp3, $1  }
0x2a: {  	_ =	sdelay $0x3  }
.LBB2_2:
0x2b: {  	s7 =	sshll.u32 s13, $0x4  }
0x2c: {  	s7 =	sor.u32 s14, s7  }
0x2d: {  	p0 =	sgt.u32 s7, $0x138  }
.Ltmp4:
0x2e: {  	_ = 	snop;
	(pc) =	sbr.rel @p0 .LBB2_6-.Ltmp4, $1  }
0x2f: {  	_ =	sdelay $0x3  }
0x30: {  	s7 =	sshll.u32 s7, $0x4  }
0x31: {  	v5 =	vor.u32 s7, v1  }
0x32: {  	v6 =	vadd.s32 v0, v5  }
0x33: {  	v6 =	vmin.u32 v6, $0x270F;
	_ =	sdelay $0x3  }
0x34: {  	s8 =	simm.s32 $0x0  }
0x35: {  	v7 =	vld.idx.msk [tilespmem:v6+s8+$0x0], $0xffff  }
0x36: {  	v8 =	vld.idx.msk [tilespmem:v6+s17+$0x0], $0xffff;
	_ =	sdelay $0x4  }
0x37: {  	v7 =	vadd.f32 v8, v7;
	_ =	sdelay $0x1  }
0x38: {  	v8 =	vmul.f32 $2.000000030e-01, v7  }
0x39: {  	vm1 =	vgt.f32 v7, $0.0e+00  }
0x3a: {  	v7 =	vsel vm1, v7, v8  }
0x3b: {  	v7 =	vmul.f32 $1.442695020e+00, v7;
	_ =	sdelay $0x1  }
0x3c: {  	(erf) = vpow2.f32 v7;
	_ =	sdelay $0x7  }
0x3d: {  	s21 =	simm.s32 $0x7  }
0x3e: {  	[tilespmem:s23], [sflag:$0x7] =	stream.indirect_vreg.gather [hbm4b:s1+s8], $0x100, v6, vm0, $0xb8;
	v7 =	vpop (erf);
	[tilespmem:$0x1F7D0] =	vst v63  }
0x3f: {  	_ =	swait.ge [sflag:s21], $0x1000  }
0x40: {  	vm1 =	vlt.u32 v5, $0x1388;
	[sflag:s21] =	ssyncset.done $0x0  }
0x41: {  	v6 =	vnsel vm1, $0x0, v7;
	[sflag:s21] =	ssyncadd.s32 $0xFFFFF000  }
0x42: {  	[tilespmem:$0xABB0] =	vst v6  }
0x43: {  	s10 =	simm.s32 $0x10;
	s11 =	simm.s32 $0xABC0;
	[tilespmem:$0xABC0] =	vst v5  }
0x44: {  	[spmem:s2] =	stream.indirect.scatter [tilespmem:s22], [sflag:$0x7], $0x1, s11, s10, $0xb8;
	[tilespmem:$0x1F7D0] =	vst v63  }
0x45: {  	_ =	swait.ge [sflag:s21], $0x10  }
0x46: {  	[sflag:s21] =	ssyncset.done $0x0  }
0x47: {  	s7 =	simm.s32 $0xAC50;
	[sflag:s21] =	ssyncadd.s32 $0xFFFFFFF0  }
0x48: {  	v5 =	vld [tilespmem:s7+$0xFFFFFFF0]  }
0x49: {  	v17 =	vld [tilespmem:s7+$0x70]  }
0x4a: {  	v6 =	vld [tilespmem:s7+$0x60]  }
0x4b: {  	v7 =	vld [tilespmem:s7+$0x20]  }
0x4c: {  	v8 =	vmov s8;
	v9 =	vld [tilespmem:s7+$0x10]  }
0x4d: {  	v12 =	vld [tilespmem:s7+$0x30]  }
0x4e: {  	v20 =	vld [tilespmem:s7+$0x50]  }
0x4f: {  	v13 =	vld [tilespmem:s7+$0xFFFFFF80]  }
0x50: {  	v11 =	vld [tilespmem:s7+$0x0]  }
0x51: {  	v8 =	vld.idx.msk [tilespmem:v8+s22+$0x0], $0xffff  }
0x52: {  	v18 =	vld [tilespmem:s7+$0xFFFFFFA0]  }
0x53: {  	v10 =	vld [tilespmem:s7+$0xFFFFFFD0]  }
0x54: {  	v16 =	vld [tilespmem:s7+$0xFFFFFF90]  }
0x55: {  	v14 =	vld [tilespmem:s7+$0xFFFFFFB0]  }
0x56: {  	v15 =	vld [tilespmem:s7+$0x40]  }
0x57: {  	v19 =	vmul.f32 v13, v8;
	v13 =	vld [tilespmem:s7+$0xFFFFFFC0];
	v21 =	vmul.f32 v17, v8  }
0x58: {  	s8 =	simm.s32 $0x1;
	s10 =	simm.s32 $0xAC50;
	v17 =	vmul.f32 v18, v8;
	v18 =	vld [tilespmem:s7+$0xFFFFFFE0];
	v20 =	vmul.f32 v20, v8  }
.LBB2_4:
0x59: {  	p0 =	sne.s32 s8, $0xF  }
0x5a: {  	v16 =	vmul.f32 v16, v8;
	v12 =	vmul.f32 v12, v8;
	[tilespmem:s7+$0x70] =	vst v21;
	s10 =	sadd.s32 $0x100, s10;
	s11 =	smov.u32 s8;
	s8 =	sadd.s32 $0x1, s8  }
0x5b: {  	v9 =	vmul.f32 v9, v8;
	[tilespmem:s7+$0xFFFFFF80] =	vst v19;
	v14 =	vmul.f32 v14, v8  }
0x5c: {  	v11 =	vmul.f32 v11, v8;
	v15 =	vmul.f32 v15, v8;
	[tilespmem:s7+$0x50] =	vst v20  }
0x5d: {  	v10 =	vmul.f32 v10, v8;
	v13 =	vmul.f32 v13, v8;
	[tilespmem:s7+$0x30] =	vst v12  }
0x5e: {  	v12 =	vmul.f32 v18, v8;
	v18 =	vmul.f32 v5, v8;
	[tilespmem:s7+$0x10] =	vst v9  }
0x5f: {  	v7 =	vmul.f32 v7, v8;
	v6 =	vmul.f32 v6, v8;
	[tilespmem:s7+$0xFFFFFFA0] =	vst v17  }
0x60: {  	[tilespmem:s7+$0x0] =	vst v11  }
0x61: {  	v5 =	vld [tilespmem:s10+$0xFFFFFFF0];
	[tilespmem:s7+$0xFFFFFFE0] =	vst v12  }
0x62: {  	v17 =	vld [tilespmem:s10+$0x70];
	[tilespmem:s7+$0x60] =	vst v6  }
0x63: {  	v6 =	vld [tilespmem:s10+$0x60];
	[tilespmem:s7+$0x20] =	vst v7  }
0x64: {  	v7 =	vld [tilespmem:s10+$0x20];
	[tilespmem:s7+$0xFFFFFFD0] =	vst v10  }
0x65: {  	v8 =	vmov s11;
	v9 =	vld [tilespmem:s10+$0x10];
	[tilespmem:s7+$0xFFFFFF90] =	vst v16  }
0x66: {  	v12 =	vld [tilespmem:s10+$0x30];
	[tilespmem:s7+$0xFFFFFFF0] =	vst v18  }
0x67: {  	v20 =	vld [tilespmem:s10+$0x50];
	[tilespmem:s7+$0x40] =	vst v15  }
0x68: {  	v18 =	vld [tilespmem:s10+$0xFFFFFF80];
	[tilespmem:s7+$0xFFFFFFB0] =	vst v14  }
0x69: {  	v11 =	vld [tilespmem:s10+$0x0];
	[tilespmem:s7+$0xFFFFFFC0] =	vst v13;
	s7 =	smov.u32 s10  }
0x6a: {  	v8 =	vld.idx.msk [tilespmem:v8+s22+$0x0], $0xffff  }
0x6b: {  	v22 =	vld [tilespmem:s10+$0xFFFFFFA0]  }
0x6c: {  	v10 =	vld [tilespmem:s10+$0xFFFFFFD0]  }
.Ltmp5:
0x6d: {  	v16 =	vld [tilespmem:s10+$0xFFFFFF90];
	(pc) =	sbr.rel @p0 .LBB2_4-.Ltmp5, $4  }
0x6e: {  	v14 =	vld [tilespmem:s10+$0xFFFFFFB0]  }
0x6f: {  	v15 =	vld [tilespmem:s10+$0x40]  }
0x70: {  	v19 =	vmul.f32 v18, v8;
	v21 =	vmul.f32 v17, v8;
	v13 =	vld [tilespmem:s10+$0xFFFFFFC0]  }
0x71: {  	v20 =	vmul.f32 v20, v8;
	v17 =	vmul.f32 v22, v8;
	v18 =	vld [tilespmem:s10+$0xFFFFFFE0]  }
0x72: {  	[tilespmem:s7+$0x70] =	vst v21  }
0x73: {  	[tilespmem:s7+$0xFFFFFF80] =	vst v19  }
0x74: {  	v12 =	vmul.f32 v12, v8;
	[tilespmem:s7+$0x50] =	vst v20  }
0x75: {  	v9 =	vmul.f32 v9, v8;
	[tilespmem:s7+$0xFFFFFFA0] =	vst v17  }
0x76: {  	v11 =	vmul.f32 v11, v8;
	[tilespmem:s7+$0x30] =	vst v12  }
0x77: {  	v6 =	vmul.f32 v6, v8;
	[tilespmem:s7+$0x10] =	vst v9  }
0x78: {  	v7 =	vmul.f32 v7, v8;
	[tilespmem:s7+$0x0] =	vst v11  }
0x79: {  	v63 =	vmul.f32 v10, v8;
	[tilespmem:s7+$0x60] =	vst v6  }
0x7a: {  	v5 =	vmul.f32 v5, v8;
	[tilespmem:s7+$0x20] =	vst v7  }
0x7b: {  	v6 =	vmul.f32 v16, v8;
	[tilespmem:s7+$0xFFFFFFD0] =	vst v63  }
0x7c: {  	v7 =	vmul.f32 v15, v8;
	[tilespmem:s7+$0xFFFFFFF0] =	vst v5  }
0x7d: {  	v5 =	vmul.f32 v13, v8;
	[tilespmem:s7+$0xFFFFFF90] =	vst v6  }
0x7e: {  	v62 =	vmul.f32 v18, v8;
	[tilespmem:s7+$0x40] =	vst v7  }
0x7f: {  	v6 =	vmul.f32 v14, v8;
	[tilespmem:s7+$0xFFFFFFC0] =	vst v5  }
0x80: {  	[tilespmem:s7+$0xFFFFFFE0] =	vst v62  }
.Ltmp6:
0x81: {  	s21 =	simm.s32 $0x10;
	s8 =	simm.s32 $0xABC0;
	[tilespmem:s7+$0xFFFFFFB0] =	vst v6;
	(pc) =	sbr.rel .LBB2_6-.Ltmp6, $4  }
0x82: {  	[spmem:s3] =	stream.indirect.scatter [tilespmem:s23], [sflag:$0x6], $0x100, s8, s21, $0xb8;
	[tilespmem:$0x1F7D0] =	vst v63  }
0x83: {  	_ =	swait.ge [sflag:s16], $0x1000  }
0x84: {  	[sflag:s16] =	ssyncset.done $0x0  }
0x85: {  	[sflag:s16] =	ssyncadd.s32 $0xFFFFF000  }
.LBB2_7:
.Ltmp7:
0x86: {  	(pc) =	sbr.rel .LBB2_8-.Ltmp7, $3  }
0x87: {  	_ =	sdelay $0x1  }
0x88: {  	[bflag:$0x0] =	sbarrier.arrive $0xFFFF  }
0x89: {  	s14 =	simm.s32 $0x0  }
.LBB2_17:
0x8a: {  	s7 =	simm.s32 @!p0 $0x4  }
0x8b: {  	_ =	swait.ge @!p0 [sflag:s7], $0x2000  }
0x8c: {  	[sflag:s7] =	ssyncset.done @!p0 $0x0  }
0x8d: {  	[sflag:s7] =	ssyncadd.s32 @!p0 $0xFFFFE000  }
0x8e: {  	_ =	swait.ge [sflag:s15], $0x80  }
0x8f: {  	[sflag:s15] =	ssyncset.done $0x0  }
0x90: {  	[sflag:s15] =	ssyncadd.s32 $0xFFFFFF80  }
0x91: {  	_ =	swait.ge [sflag:s15], $0x80  }
0x92: {  	[sflag:s15] =	ssyncset.done $0x0  }
0x93: {  	[sflag:s15] =	ssyncadd.s32 $0xFFFFFF80  }
0x94: {  	_ =	swait.ge [sflag:s15], $0x80  }
0x95: {  	[sflag:s15] =	ssyncset.done $0x0  }
0x96: {  	[sflag:s15] =	ssyncadd.s32 $0xFFFFFF80  }
0x97: {  	_ =	swait.ge [sflag:s15], $0x80  }
0x98: {  	[sflag:s15] =	ssyncset.done $0x0  }
0x99: {  	[sflag:s15] =	ssyncadd.s32 $0xFFFFFF80  }
0x9a: {  	_ =	swait.ge [sflag:s15], $0x80  }
0x9b: {  	[sflag:s15] =	ssyncset.done $0x0  }
0x9c: {  	[sflag:s15] =	ssyncadd.s32 $0xFFFFFF80  }
0x9d: {  	_ =	swait.ge [sflag:s15], $0x80  }
0x9e: {  	[sflag:s15] =	ssyncset.done $0x0  }
0x9f: {  	s14 =	sadd.s32 $0x1, s14;
	[sflag:s15] =	ssyncadd.s32 $0xFFFFFF80  }
0xa0: {  	p0 =	sne.s32 s14, $0xA;
	_ =	swait.ge [sflag:s15], $0x80  }
.Ltmp8:
0xa1: {  	[sflag:s15] =	ssyncset.done $0x0;
	(pc) =	sbr.rel @!p0 .LBB2_18-.Ltmp8, $4  }
0xa2: {  	[sflag:s15] =	ssyncadd.s32 $0xFFFFFF80  }
0xa3: {  	_ =	swait.ge [sflag:s15], $0x80  }
0xa4: {  	[sflag:s15] =	ssyncset.done $0x0  }
0xa5: {  	[sflag:s15] =	ssyncadd.s32 $0xFFFFFF80  }
.LBB2_8:
0xa6: {  	s7 =	sshll.u32 s14, $0xA;
	s8 =	rddreg [dreg:$0x9]  }
0xa7: {  	s7 =	sadd.s32 s8, s7  }
0xa8: {  	s18 =	rddreg [dreg:$0x6];
	s7 =	sshrl.u32 s7, $0x3  }
0xa9: {  	s10 =	simm.s32 $0x4E40;
	s11 =	simm.s32 $0x0;
	s8 =	sadd.s32 s18, s7  }
0xaa: {  	[tilespmem:s10], [sflag:$0x6] =	stream.linear.gather [hbm4b:s8+s11], $0x400, $0x38;
	[tilespmem:$0x1F7D0] =	vst v63  }
0xab: {  	_ =	swait.ge [sflag:s16], $0x400  }
0xac: {  	[sflag:s16] =	ssyncset.done $0x0;
	s19 =	rddreg [dreg:$0x7]  }
0xad: {  	s20 =	simm.s32 $0x5240;
	[sflag:s16] =	ssyncadd.s32 $0xFFFFFC00;
	s7 =	sadd.s32 s19, s7  }
0xae: {  	[tilespmem:s20], [sflag:$0x6] =	stream.linear.gather [hbm4b:s7+s11], $0x400, $0x38;
	[tilespmem:$0x1F7D0] =	vst v63  }
0xaf: {  	_ =	swait.ge [sflag:s16], $0x400  }
0xb0: {  	[sflag:s16] =	ssyncset.done $0x0  }
0xb1: {  	s21 =	simm.s32 $0x0;
	[sflag:s16] =	ssyncadd.s32 $0xFFFFFC00  }
0xb2: {  	v7 =	vld [tilespmem:s21+$0x4E40]  }
0xb3: {  	v5 =	vld [tilespmem:s21+$0x5240];
	_ =	sdelay $0x4  }
0xb4: {  	v6 =	vsub.s32 v5, v0  }
0xb5: {  	vm1 =	vlt.u32 v6, $0x1388  }
0xb6: {  	v8 =	vmpcnt.ones.xlane vm1  }
0xb7: {  	v9 =	vld.idx.msk [tilespmem:v7+s4+$0x0], $0xffff  }
0xb8: {  	v5 =	vld.idx.msk [tilespmem:v5+s17+$0x0], $0xffff;
	v8 =	vxor.u32 $0x80000000, v8  }
0xb9: {  	(xrf0) =	vmax.scan.msk.u32 $0xffff, v8;
	_ =	sdelay $0x3  }
0xba: {  	v5 =	vadd.f32 v5, v9;
	_ =	sdelay $0x1  }
0xbb: {  	v8 =	vmul.f32 $2.000000030e-01, v5;
	v63, _, _ =	vpop (xrf0)  }
0xbc: {  	vm2 =	vgt.f32 v5, $0.0e+00;
	(v2sf) =	vpush v63, $0xF  }
0xbd: {  	v5 =	vsel vm2, v5, v8  }
0xbe: {  	v5 =	vmul.f32 $1.442695020e+00, v5;
	_ =	sdelay $0x1  }
0xbf: {  	(erf) = vpow2.f32 v5;
	_ =	sdelay $0x8  }
0xc0: {  	v6 =	vmin.u32 v6, $0x1388;
	v5 =	vpop (erf)  }
0xc1: {  	[tilespmem:s21+$0x6730] =	vst v6;
	v5 =	vnsel vm1, $0x0, v5  }
0xc2: {  	[tilespmem:s21+$0x6330] =	vst v5;
	s23 =	spop (v2sf)  }
0xc3: {  	s8 =	simm.s32 $0x0;
	s7 =	simm.s32 $0x40;
	[tilespmem:s11+$0x5640] =	vst.msk vm1, v7;
	s10 =	sadd.s32 $0x0, s23  }
.LBB2_9:
0xc4: {  	p0 =	sne.s32 s7, $0xFC0  }
0xc5: {  	[tilespmem:s8+$0x5A90] =	vst.msk vm1, v6;
	s10 =	sadd.s32 $0x80000000, s10;
	s11 =	smov.u32 s7;
	s7 =	sadd.s32 $0x40, s7  }
0xc6: {  	s11 =	sshra.s32 s11, $0x2;
	[tilespmem:s8+$0x5EE0] =	vst.msk vm1, v5;
	s8 =	smov.u32 s10  }
0xc7: {  	v7 =	vld [tilespmem:s11+$0x4E40]  }
0xc8: {  	v5 =	vld [tilespmem:s11+$0x5240];
	_ =	sdelay $0x4  }
0xc9: {  	v6 =	vsub.s32 v5, v0  }
0xca: {  	vm1 =	vlt.u32 v6, $0x1388  }
0xcb: {  	v8 =	vld.idx.msk [tilespmem:v7+s4+$0x0], $0xffff;
	v9 =	vmpcnt.ones.xlane vm1  }
0xcc: {  	v5 =	vld.idx.msk [tilespmem:v5+s17+$0x0], $0xffff  }
0xcd: {  	v9 =	vxor.u32 $0x80000000, v9  }
0xce: {  	(xrf0) =	vmax.scan.msk.u32 $0xffff, v9;
	_ =	sdelay $0x3  }
0xcf: {  	v5 =	vadd.f32 v5, v8;
	_ =	sdelay $0x1  }
0xd0: {  	vm2 =	vgt.f32 v5, $0.0e+00;
	v8 =	vmul.f32 $2.000000030e-01, v5;
	v9, _, _ =	vpop (xrf0)  }
0xd1: {  	(v2sf) =	vpush v9, $0xF  }
0xd2: {  	v5 =	vsel vm2, v5, v8  }
0xd3: {  	v5 =	vmul.f32 $1.442695020e+00, v5;
	_ =	sdelay $0x1  }
0xd4: {  	(erf) = vpow2.f32 v5;
	_ =	sdelay $0x7  }
.Ltmp9:
0xd5: {  	(pc) =	sbr.rel @p0 .LBB2_9-.Ltmp9, $4  }
0xd6: {  	v6 =	vmin.u32 v6, $0x1388;
	v5 =	vpop (erf)  }
0xd7: {  	v5 =	vnsel vm1, $0x0, v5;
	[tilespmem:s11+$0x6730] =	vst v6  }
0xd8: {  	[tilespmem:s11+$0x6330] =	vst v5;
	s11 =	spop (v2sf)  }
0xd9: {  	[tilespmem:s10+$0x5640] =	vst.msk vm1, v7;
	s10 =	sadd.s32 s11, s10  }
0xda: {  	[tilespmem:s8+$0x5A90] =	vst.msk vm1, v6  }
0xdb: {  	s7 =	sadd.s32 $0x80000000, s10;
	[tilespmem:s8+$0x5EE0] =	vst.msk vm1, v5  }
0xdc: {  	[tilespmem:s7+$0x5640] =	vst v2  }
0xdd: {  	[tilespmem:s7+$0x5A90] =	vst v3  }
0xde: {  	[tilespmem:s7+$0x5EE0] =	vst v4  }
0xdf: {  	[tilespmem:s7+$0x5650] =	vst v2  }
0xe0: {  	[tilespmem:s7+$0x5AA0] =	vst v3  }
0xe1: {  	[tilespmem:s7+$0x5EF0] =	vst v4  }
0xe2: {  	[tilespmem:s7+$0x5660] =	vst v2  }
0xe3: {  	[tilespmem:s7+$0x5AB0] =	vst v3  }
0xe4: {  	[tilespmem:s7+$0x5F00] =	vst v4  }
0xe5: {  	[tilespmem:s7+$0x5670] =	vst v2  }
0xe6: {  	[tilespmem:s7+$0x5AC0] =	vst v3  }
0xe7: {  	[tilespmem:s7+$0x5F10] =	vst v4  }
0xe8: {  	[tilespmem:s7+$0x5680] =	vst v2  }
0xe9: {  	[tilespmem:s7+$0x5AD0] =	vst v3  }
0xea: {  	s21 =	simm.s32 $0x6730;
	s23 =	simm.s32 $0x6330;
	[tilespmem:s7+$0x5F20] =	vst v4  }
0xeb: {  	[spmem:s2] =	stream.indirect.scatter.add.f32 [tilespmem:s23], [sflag:$0x5], $0x1, s21, s25, $0xb8;
	[tilespmem:$0x1F7D0] =	vst v63  }
0xec: {  	s10 =	simm.s32 $0x67B0;
	s11 =	simm.s32 $0x63B0  }
0xed: {  	[spmem:s2] =	stream.indirect.scatter.add.f32 [tilespmem:s11], [sflag:$0x5], $0x1, s10, s25, $0xb8;
	[tilespmem:$0x1F7D0] =	vst v63  }
0xee: {  	s13 =	simm.s32 $0x6830;
	s18 =	simm.s32 $0x6430  }
0xef: {  	[spmem:s2] =	stream.indirect.scatter.add.f32 [tilespmem:s18], [sflag:$0x5], $0x1, s13, s25, $0xb8;
	[tilespmem:$0x1F7D0] =	vst v63  }
0xf0: {  	s19 =	simm.s32 $0x68B0;
	s20 =	simm.s32 $0x64B0;
	s21 =	simm.s32 $0x6930  }
0xf1: {  	[spmem:s2] =	stream.indirect.scatter.add.f32 [tilespmem:s20], [sflag:$0x5], $0x1, s19, s25, $0xb8;
	[tilespmem:$0x1F7D0] =	vst v63  }
0xf2: {  	s23 =	simm.s32 $0x6530;
	s11 =	simm.s32 $0x69B0;
	s20 =	sadd.s32 $0x3F, s7  }
0xf3: {  	[spmem:s2] =	stream.indirect.scatter.add.f32 [tilespmem:s23], [sflag:$0x5], $0x1, s21, s25, $0xb8;
	[tilespmem:$0x1F7D0] =	vst v63  }
0xf4: {  	s13 =	simm.s32 $0x65B0;
	s7 =	sshra.s32 s20, $0x5;
	s20 =	sshra.s32 s20, $0x6  }
0xf5: {  	[spmem:s2] =	stream.indirect.scatter.add.f32 [tilespmem:s13], [sflag:$0x5], $0x1, s11, s25, $0xb8;
	[tilespmem:$0x1F7D0] =	vst v63  }
0xf6: {  	s18 =	simm.s32 $0x6A30;
	s19 =	simm.s32 $0x6630;
	p1 =	slt.s32 s20, $0x1  }
0xf7: {  	[spmem:s2] =	stream.indirect.scatter.add.f32 [tilespmem:s19], [sflag:$0x5], $0x1, s18, s25, $0xb8;
	[tilespmem:$0x1F7D0] =	vst v63  }
.Ltmp10:
0xf8: {  	_ = 	snop;
	(pc) =	sbr.rel @p1 .LBB2_17-.Ltmp10, $4  }
0xf9: {  	s21 =	simm.s32 $0x6AB0;
	s23 =	simm.s32 $0x66B0;
	p0 =	slt.s32 s7, $0x2  }
0xfa: {  	[spmem:s2] =	stream.indirect.scatter.add.f32 [tilespmem:s23], [sflag:$0x5], $0x1, s21, s25, $0xb8;
	[tilespmem:$0x1F7D0] =	vst v63  }
0xfb: {  	s10 =	simm.s32 @!p0 $0x20;
	s11 =	simm.s32 @!p0 $0x5640;
	s18 =	simm.s32 @!p0 $0x6BB0  }
0xfc: {  	[tilespmem:s18], [sflag:$0x1] =	stream.indirect.gather @!p0 [hbm4b:s1+s10], $0x100, s11, s10, $0xb8;
	[tilespmem:$0x1F7D0] =	vst v63  }
0xfd: {  	s21 =	sand.u32 $0xFFFFFFFE, s7;
	s23 =	simm.s32 $0x0;
	s18 =	simm.s32 $0x0  }
.LBB2_12:
0xfe: {  	s8 =	sshll.u32 s18, $0x1;
	p1 =	seq.s32 s18, $0x0  }
0xff: {  	s10 =	simm.s32 @!p1 $0x4;
	s7 =	sor.u32 $0x1, s8  }
0x100: {  	_ =	swait.ge @!p1 [sflag:s10], $0x2000;
	p2 =	sge.s32 s7, s21  }
0x101: {  	[sflag:s10] =	ssyncset.done @!p1 $0x0;
	s11 =	sshll.u32 @!p2 s7, $0x7  }
0x102: {  	[sflag:s10] =	ssyncadd.s32 @!p1 $0xFFFFE000;
	s10 =	sshra.s32 @!p2 s11, $0x2  }
0x103: {  	s19 =	simm.s32 @!p2 $0x8BB0;
	s11 =	simm.s32 @!p2 $0x20;
	s10 =	sadd.s32 @!p2 $0x5640, s10  }
0x104: {  	[tilespmem:s19], [sflag:$0x2] =	stream.indirect.gather @!p2 [hbm4b:s1+s11], $0x100, s10, s11, $0xb8;
	[tilespmem:$0x1F7D0] =	vst v63  }
0x105: {  	_ =	swait.ge [sflag:s24], $0x2000  }
0x106: {  	[sflag:s24] =	ssyncset.done $0x0  }
0x107: {  	s19 =	sshll.u32 s18, $0x6;
	[sflag:s24] =	ssyncadd.s32 $0xFFFFE000  }
0x108: {  	v5 =	vld [tilespmem:s19+$0x5EE0];
	_ =	sdelay $0x4  }
0x109: {  	[tilespmem:$0x6B30] =	vst v5  }
0x10a: {  	v5 =	vld [tilespmem:s19+$0x5EF0];
	_ =	sdelay $0x4  }
0x10b: {  	[tilespmem:$0x6B40] =	vst v5  }
0x10c: {  	v5 =	vld [tilespmem:s19+$0x5A90];
	_ =	sdelay $0x4  }
0x10d: {  	[tilespmem:$0x6B70] =	vst v5  }
0x10e: {  	v5 =	vld [tilespmem:s19+$0x5AA0];
	_ =	sdelay $0x4  }
0x10f: {  	s10 =	simm.s32 $0x6C30;
	[tilespmem:$0x6B80] =	vst v5  }
0x110: {  	v5 =	vld [tilespmem:s10+$0xFFFFFFF0]  }
0x111: {  	v17 =	vld [tilespmem:s10+$0x70]  }
0x112: {  	v6 =	vld [tilespmem:s10+$0x60]  }
0x113: {  	v7 =	vld [tilespmem:s10+$0x20]  }
0x114: {  	v8 =	vmov s23;
	v9 =	vld [tilespmem:s10+$0x10]  }
0x115: {  	v12 =	vld [tilespmem:s10+$0x30]  }
0x116: {  	v20 =	vld [tilespmem:s10+$0x50]  }
0x117: {  	v13 =	vld [tilespmem:s10+$0xFFFFFF80]  }
0x118: {  	v11 =	vld [tilespmem:s10+$0x0]  }
0x119: {  	v8 =	vld.idx.msk [tilespmem:v8+s26+$0x0], $0xffff  }
0x11a: {  	v18 =	vld [tilespmem:s10+$0xFFFFFFA0]  }
0x11b: {  	v10 =	vld [tilespmem:s10+$0xFFFFFFD0]  }
0x11c: {  	v16 =	vld [tilespmem:s10+$0xFFFFFF90]  }
0x11d: {  	v14 =	vld [tilespmem:s10+$0xFFFFFFB0]  }
0x11e: {  	v15 =	vld [tilespmem:s10+$0x40]  }
0x11f: {  	v19 =	vmul.f32 v13, v8;
	v13 =	vld [tilespmem:s10+$0xFFFFFFC0];
	v21 =	vmul.f32 v17, v8  }
0x120: {  	s11 =	simm.s32 $0x1;
	s19 =	simm.s32 $0x6C30;
	v17 =	vmul.f32 v18, v8;
	v18 =	vld [tilespmem:s10+$0xFFFFFFE0];
	v20 =	vmul.f32 v20, v8  }
.LBB2_13:
0x121: {  	p1 =	sne.s32 s11, $0x1F  }
0x122: {  	v16 =	vmul.f32 v16, v8;
	v12 =	vmul.f32 v12, v8;
	[tilespmem:s10+$0x70] =	vst v21;
	s19 =	sadd.s32 $0x100, s19;
	s13 =	smov.u32 s11;
	s11 =	sadd.s32 $0x1, s11  }
0x123: {  	v9 =	vmul.f32 v9, v8;
	[tilespmem:s10+$0xFFFFFF80] =	vst v19;
	v14 =	vmul.f32 v14, v8  }
0x124: {  	v11 =	vmul.f32 v11, v8;
	v15 =	vmul.f32 v15, v8;
	[tilespmem:s10+$0x50] =	vst v20  }
0x125: {  	v10 =	vmul.f32 v10, v8;
	v13 =	vmul.f32 v13, v8;
	[tilespmem:s10+$0x30] =	vst v12  }
0x126: {  	v12 =	vmul.f32 v18, v8;
	v18 =	vmul.f32 v5, v8;
	[tilespmem:s10+$0x10] =	vst v9  }
0x127: {  	v7 =	vmul.f32 v7, v8;
	v6 =	vmul.f32 v6, v8;
	[tilespmem:s10+$0xFFFFFFA0] =	vst v17  }
0x128: {  	[tilespmem:s10+$0x0] =	vst v11  }
0x129: {  	v5 =	vld [tilespmem:s19+$0xFFFFFFF0];
	[tilespmem:s10+$0xFFFFFFE0] =	vst v12  }
0x12a: {  	v17 =	vld [tilespmem:s19+$0x70];
	[tilespmem:s10+$0x60] =	vst v6  }
0x12b: {  	v6 =	vld [tilespmem:s19+$0x60];
	[tilespmem:s10+$0x20] =	vst v7  }
0x12c: {  	v7 =	vld [tilespmem:s19+$0x20];
	[tilespmem:s10+$0xFFFFFFD0] =	vst v10  }
0x12d: {  	v8 =	vmov s13;
	v9 =	vld [tilespmem:s19+$0x10];
	[tilespmem:s10+$0xFFFFFF90] =	vst v16  }
0x12e: {  	v12 =	vld [tilespmem:s19+$0x30];
	[tilespmem:s10+$0xFFFFFFF0] =	vst v18  }
0x12f: {  	v20 =	vld [tilespmem:s19+$0x50];
	[tilespmem:s10+$0x40] =	vst v15  }
0x130: {  	v18 =	vld [tilespmem:s19+$0xFFFFFF80];
	[tilespmem:s10+$0xFFFFFFB0] =	vst v14  }
0x131: {  	v11 =	vld [tilespmem:s19+$0x0];
	[tilespmem:s10+$0xFFFFFFC0] =	vst v13;
	s10 =	smov.u32 s19  }
0x132: {  	v8 =	vld.idx.msk [tilespmem:v8+s26+$0x0], $0xffff  }
0x133: {  	v22 =	vld [tilespmem:s19+$0xFFFFFFA0]  }
0x134: {  	v10 =	vld [tilespmem:s19+$0xFFFFFFD0]  }
.Ltmp11:
0x135: {  	v16 =	vld [tilespmem:s19+$0xFFFFFF90];
	(pc) =	sbr.rel @p1 .LBB2_13-.Ltmp11, $4  }
0x136: {  	v14 =	vld [tilespmem:s19+$0xFFFFFFB0]  }
0x137: {  	v15 =	vld [tilespmem:s19+$0x40]  }
0x138: {  	v19 =	vmul.f32 v18, v8;
	v21 =	vmul.f32 v17, v8;
	v13 =	vld [tilespmem:s19+$0xFFFFFFC0]  }
0x139: {  	v20 =	vmul.f32 v20, v8;
	v17 =	vmul.f32 v22, v8;
	v18 =	vld [tilespmem:s19+$0xFFFFFFE0]  }
0x13a: {  	[tilespmem:s10+$0x70] =	vst v21  }
0x13b: {  	[tilespmem:s10+$0xFFFFFF80] =	vst v19  }
0x13c: {  	v12 =	vmul.f32 v12, v8;
	[tilespmem:s10+$0x50] =	vst v20  }
0x13d: {  	v9 =	vmul.f32 v9, v8;
	[tilespmem:s10+$0xFFFFFFA0] =	vst v17  }
0x13e: {  	v11 =	vmul.f32 v11, v8;
	[tilespmem:s10+$0x30] =	vst v12  }
0x13f: {  	v6 =	vmul.f32 v6, v8;
	[tilespmem:s10+$0x10] =	vst v9  }
0x140: {  	v7 =	vmul.f32 v7, v8;
	[tilespmem:s10+$0x0] =	vst v11  }
0x141: {  	v5 =	vmul.f32 v5, v8;
	[tilespmem:s10+$0x60] =	vst v6  }
0x142: {  	v6 =	vmul.f32 v16, v8;
	[tilespmem:s10+$0x20] =	vst v7  }
0x143: {  	v7 =	vmul.f32 v15, v8;
	[tilespmem:s10+$0xFFFFFFF0] =	vst v5  }
0x144: {  	v5 =	vmul.f32 v13, v8;
	[tilespmem:s10+$0xFFFFFF90] =	vst v6  }
0x145: {  	v9 =	vmul.f32 v18, v8;
	[tilespmem:s10+$0x40] =	vst v7  }
0x146: {  	v6 =	vmul.f32 v14, v8;
	[tilespmem:s10+$0xFFFFFFC0] =	vst v5  }
0x147: {  	[tilespmem:s10+$0xFFFFFFE0] =	vst v9;
	v9 =	vmul.f32 v10, v8  }
0x148: {  	s8 =	sadd.s32 $0x2, s8;
	[tilespmem:s10+$0xFFFFFFB0] =	vst v6  }
0x149: {  	p1 =	sge.s32 s8, s21;
	[tilespmem:s10+$0xFFFFFFD0] =	vst v9  }
0x14a: {  	[spmem:s3] =	stream.indirect.scatter.add.f32 [tilespmem:s30], [sflag:$0x3], $0x100, s29, s28, $0xb8;
	[tilespmem:$0x1F7D0] =	vst v63  }
0x14b: {  	s8 =	sshll.u32 @!p1 s8, $0x7;
	_ =	swait.ge [sflag:s31], $0x2000  }
0x14c: {  	s11 =	simm.s32 @!p1 $0x6BB0;
	s8 =	sshra.s32 @!p1 s8, $0x2;
	[sflag:s31] =	ssyncset.done $0x0  }
0x14d: {  	s8 =	sadd.s32 @!p1 $0x5640, s8;
	s10 =	simm.s32 @!p1 $0x20;
	[sflag:s31] =	ssyncadd.s32 $0xFFFFE000  }
0x14e: {  	[tilespmem:s11], [sflag:$0x1] =	stream.indirect.gather @!p1 [hbm4b:s1+s10], $0x100, s8, s10, $0xb8;
	[tilespmem:$0x1F7D0] =	vst v63  }
0x14f: {  	_ =	swait.ge [sflag:s0], $0x2000  }
0x150: {  	[sflag:s0] =	ssyncset.done $0x0  }
0x151: {  	s7 =	sshll.u32 s7, $0x5;
	[sflag:s0] =	ssyncadd.s32 $0xFFFFE000  }
0x152: {  	v5 =	vld [tilespmem:s7+$0x5EE0];
	_ =	sdelay $0x4  }
0x153: {  	[tilespmem:$0x6B50] =	vst v5  }
0x154: {  	v5 =	vld [tilespmem:s7+$0x5EF0];
	_ =	sdelay $0x4  }
0x155: {  	[tilespmem:$0x6B60] =	vst v5  }
0x156: {  	v5 =	vld [tilespmem:s7+$0x5A90];
	_ =	sdelay $0x4  }
0x157: {  	[tilespmem:$0x6B90] =	vst v5  }
0x158: {  	v5 =	vld [tilespmem:s7+$0x5AA0];
	_ =	sdelay $0x4  }
0x159: {  	s7 =	simm.s32 $0x8C30;
	[tilespmem:$0x6BA0] =	vst v5  }
0x15a: {  	v5 =	vld [tilespmem:s7+$0xFFFFFFF0]  }
0x15b: {  	v17 =	vld [tilespmem:s7+$0x70]  }
0x15c: {  	v6 =	vld [tilespmem:s7+$0x60]  }
0x15d: {  	s19 =	simm.s32 $0x0;
	v7 =	vld [tilespmem:s7+$0x20]  }
0x15e: {  	v8 =	vmov s19;
	v9 =	vld [tilespmem:s7+$0x10]  }
0x15f: {  	v12 =	vld [tilespmem:s7+$0x30]  }
0x160: {  	v20 =	vld [tilespmem:s7+$0x50]  }
0x161: {  	v13 =	vld [tilespmem:s7+$0xFFFFFF80]  }
0x162: {  	v11 =	vld [tilespmem:s7+$0x0]  }
0x163: {  	v8 =	vld.idx.msk [tilespmem:v8+s6+$0x0], $0xffff  }
0x164: {  	v18 =	vld [tilespmem:s7+$0xFFFFFFA0]  }
0x165: {  	v10 =	vld [tilespmem:s7+$0xFFFFFFD0]  }
0x166: {  	v16 =	vld [tilespmem:s7+$0xFFFFFF90]  }
0x167: {  	v14 =	vld [tilespmem:s7+$0xFFFFFFB0]  }
0x168: {  	v15 =	vld [tilespmem:s7+$0x40]  }
0x169: {  	v19 =	vmul.f32 v13, v8;
	v13 =	vld [tilespmem:s7+$0xFFFFFFC0];
	v21 =	vmul.f32 v17, v8  }
0x16a: {  	s8 =	simm.s32 $0x1;
	s10 =	simm.s32 $0x8C30;
	v17 =	vmul.f32 v18, v8;
	v18 =	vld [tilespmem:s7+$0xFFFFFFE0];
	v20 =	vmul.f32 v20, v8  }
.LBB2_15:
0x16b: {  	p1 =	sne.s32 s8, $0x1F  }
0x16c: {  	v16 =	vmul.f32 v16, v8;
	v12 =	vmul.f32 v12, v8;
	[tilespmem:s7+$0x70] =	vst v21;
	s10 =	sadd.s32 $0x100, s10;
	s11 =	smov.u32 s8;
	s8 =	sadd.s32 $0x1, s8  }
0x16d: {  	v9 =	vmul.f32 v9, v8;
	[tilespmem:s7+$0xFFFFFF80] =	vst v19;
	v14 =	vmul.f32 v14, v8  }
0x16e: {  	v11 =	vmul.f32 v11, v8;
	v15 =	vmul.f32 v15, v8;
	[tilespmem:s7+$0x50] =	vst v20  }
0x16f: {  	v10 =	vmul.f32 v10, v8;
	v13 =	vmul.f32 v13, v8;
	[tilespmem:s7+$0x30] =	vst v12  }
0x170: {  	v12 =	vmul.f32 v18, v8;
	v18 =	vmul.f32 v5, v8;
	[tilespmem:s7+$0x10] =	vst v9  }
0x171: {  	v7 =	vmul.f32 v7, v8;
	v6 =	vmul.f32 v6, v8;
	[tilespmem:s7+$0xFFFFFFA0] =	vst v17  }
0x172: {  	[tilespmem:s7+$0x0] =	vst v11  }
0x173: {  	v5 =	vld [tilespmem:s10+$0xFFFFFFF0];
	[tilespmem:s7+$0xFFFFFFE0] =	vst v12  }
0x174: {  	v17 =	vld [tilespmem:s10+$0x70];
	[tilespmem:s7+$0x60] =	vst v6  }
0x175: {  	v6 =	vld [tilespmem:s10+$0x60];
	[tilespmem:s7+$0x20] =	vst v7  }
0x176: {  	v7 =	vld [tilespmem:s10+$0x20];
	[tilespmem:s7+$0xFFFFFFD0] =	vst v10  }
0x177: {  	v8 =	vmov s11;
	v9 =	vld [tilespmem:s10+$0x10];
	[tilespmem:s7+$0xFFFFFF90] =	vst v16  }
0x178: {  	v12 =	vld [tilespmem:s10+$0x30];
	[tilespmem:s7+$0xFFFFFFF0] =	vst v18  }
0x179: {  	v20 =	vld [tilespmem:s10+$0x50];
	[tilespmem:s7+$0x40] =	vst v15  }
0x17a: {  	v18 =	vld [tilespmem:s10+$0xFFFFFF80];
	[tilespmem:s7+$0xFFFFFFB0] =	vst v14  }
0x17b: {  	v11 =	vld [tilespmem:s10+$0x0];
	[tilespmem:s7+$0xFFFFFFC0] =	vst v13;
	s7 =	smov.u32 s10  }
0x17c: {  	v8 =	vld.idx.msk [tilespmem:v8+s6+$0x0], $0xffff  }
0x17d: {  	v22 =	vld [tilespmem:s10+$0xFFFFFFA0]  }
0x17e: {  	v10 =	vld [tilespmem:s10+$0xFFFFFFD0]  }
.Ltmp12:
0x17f: {  	v16 =	vld [tilespmem:s10+$0xFFFFFF90];
	(pc) =	sbr.rel @p1 .LBB2_15-.Ltmp12, $4  }
0x180: {  	v14 =	vld [tilespmem:s10+$0xFFFFFFB0]  }
0x181: {  	v15 =	vld [tilespmem:s10+$0x40]  }
0x182: {  	v19 =	vmul.f32 v18, v8;
	v21 =	vmul.f32 v17, v8;
	v13 =	vld [tilespmem:s10+$0xFFFFFFC0]  }
0x183: {  	v20 =	vmul.f32 v20, v8;
	v17 =	vmul.f32 v22, v8;
	v18 =	vld [tilespmem:s10+$0xFFFFFFE0]  }
0x184: {  	[tilespmem:s7+$0x70] =	vst v21  }
0x185: {  	[tilespmem:s7+$0xFFFFFF80] =	vst v19  }
0x186: {  	v12 =	vmul.f32 v12, v8;
	[tilespmem:s7+$0x50] =	vst v20  }
0x187: {  	v9 =	vmul.f32 v9, v8;
	[tilespmem:s7+$0xFFFFFFA0] =	vst v17  }
0x188: {  	v11 =	vmul.f32 v11, v8;
	[tilespmem:s7+$0x30] =	vst v12  }
0x189: {  	v6 =	vmul.f32 v6, v8;
	[tilespmem:s7+$0x10] =	vst v9  }
0x18a: {  	v7 =	vmul.f32 v7, v8;
	[tilespmem:s7+$0x0] =	vst v11  }
0x18b: {  	v63 =	vmul.f32 v10, v8;
	[tilespmem:s7+$0x60] =	vst v6  }
0x18c: {  	v5 =	vmul.f32 v5, v8;
	[tilespmem:s7+$0x20] =	vst v7  }
0x18d: {  	v6 =	vmul.f32 v16, v8;
	[tilespmem:s7+$0xFFFFFFD0] =	vst v63  }
0x18e: {  	s18 =	sadd.s32 $0x1, s18;
	v7 =	vmul.f32 v15, v8;
	[tilespmem:s7+$0xFFFFFFF0] =	vst v5  }
0x18f: {  	p1 =	sne.s32 s18, s20;
	v5 =	vmul.f32 v13, v8;
	[tilespmem:s7+$0xFFFFFF90] =	vst v6  }
.Ltmp13:
0x190: {  	v62 =	vmul.f32 v18, v8;
	[tilespmem:s7+$0x40] =	vst v7;
	(pc) =	sbr.rel @p1 .LBB2_12-.Ltmp13, $4  }
.Ltmp14:
0x191: {  	v6 =	vmul.f32 v14, v8;
	[tilespmem:s7+$0xFFFFFFC0] =	vst v5;
	(pc) =	sbr.rel @!p1 .LBB2_17-.Ltmp14, $4  }
0x192: {  	[tilespmem:s7+$0xFFFFFFE0] =	vst v62  }
0x193: {  	[tilespmem:s7+$0xFFFFFFB0] =	vst v6  }
0x194: {  	[spmem:s3] =	stream.indirect.scatter.add.f32 [tilespmem:s12], [sflag:$0x4], $0x100, s9, s28, $0xb8;
	[tilespmem:$0x1F7D0] =	vst v63  }
0x195: {  	_ = 	snop  }
.LBB2_18:
0x196: {  	[bflag:$0x0] =	sbarrier.arrive $0xFFFF  }
0x197: {  	s7 =	rddreg [dreg:$0xb]  }
0x198: {  	[tilespmem:s5], [sflag:$0x6] =	stream.linear.gather [spmem:s7], $0x180, $0x38;
	[tilespmem:$0x1F7D0] =	vst v63  }
0x199: {  	_ =	swait.ge [sflag:s16], $0x180  }
0x19a: {  	[sflag:s16] =	ssyncset.done $0x0  }
0x19b: {  	[sflag:s16] =	ssyncadd.s32 $0xFFFFFE80  }
0x19c: {  	v5 =	vld [tilespmem:$0xBBD0]  }
0x19d: {  	v6 =	vld [tilespmem:$0xBBE0]  }
0x19e: {  	v7 =	vld [tilespmem:$0xBBF0]  }
0x19f: {  	v8 =	vld [tilespmem:$0xBC00]  }
0x1a0: {  	v9 =	vld [tilespmem:$0xBC10]  }
0x1a1: {  	v10 =	vld [tilespmem:$0xBC20];
	v5 =	vadd.f32 $1.000000020e-16, v5  }
0x1a2: {  	v11 =	vld [tilespmem:$0xBC30];
	v6 =	vadd.f32 $1.000000020e-16, v6  }
0x1a3: {  	(erf) = vrcp.f32 v5;
	v5 =	vadd.f32 $1.000000020e-16, v7;
	v7 =	vld [tilespmem:$0xBC40]  }
0x1a4: {  	v40 =	vld [tilespmem:$0xBC50];
	(erf) = vrcp.f32 v6;
	v6 =	vadd.f32 $1.000000020e-16, v8  }
0x1a5: {  	v41 =	vld [tilespmem:$0xBC60];
	(erf) = vrcp.f32 v5;
	v5 =	vadd.f32 $1.000000020e-16, v9  }
0x1a6: {  	v42 =	vld [tilespmem:$0xBC70];
	(erf) = vrcp.f32 v6;
	v6 =	vadd.f32 $1.000000020e-16, v10  }
0x1a7: {  	v43 =	vld [tilespmem:$0xBC80];
	(erf) = vrcp.f32 v5;
	v5 =	vadd.f32 $1.000000020e-16, v11  }
0x1a8: {  	(erf) = vrcp.f32 v6;
	v6 =	vadd.f32 $1.000000020e-16, v7;
	v7 =	vld [tilespmem:$0xBC90]  }
0x1a9: {  	v44 =	vld [tilespmem:$0xBCA0];
	(erf) = vrcp.f32 v5;
	v5 =	vadd.f32 $1.000000020e-16, v40  }
0x1aa: {  	v45 =	vld [tilespmem:$0xBCB0];
	(erf) = vrcp.f32 v6;
	v6 =	vadd.f32 $1.000000020e-16, v41  }
0x1ab: {  	v46 =	vld [tilespmem:$0xBCC0];
	(erf) = vrcp.f32 v5;
	v5 =	vadd.f32 $1.000000020e-16, v42  }
0x1ac: {  	v47 =	vld [tilespmem:$0xBCD0];
	v12 =	vpop (erf);
	(erf) = vrcp.f32 v6;
	v6 =	vadd.f32 $1.000000020e-16, v43  }
0x1ad: {  	v48 =	vpop (erf);
	(erf) = vrcp.f32 v5;
	v5 =	vadd.f32 $1.000000020e-16, v7;
	v7 =	vld [tilespmem:$0xBCE0]  }
0x1ae: {  	v50 =	vld [tilespmem:$0xBCF0];
	[tilespmem:$0xBBD0] =	vst v12;
	v49 =	vpop (erf);
	(erf) = vrcp.f32 v6;
	v6 =	vadd.f32 $1.000000020e-16, v44  }
0x1af: {  	v52 =	vld [tilespmem:$0xBD00];
	[tilespmem:$0xBBE0] =	vst v48;
	v51 =	vpop (erf);
	(erf) = vrcp.f32 v5;
	v5 =	vadd.f32 $1.000000020e-16, v45  }
0x1b0: {  	v54 =	vld [tilespmem:$0xBD10];
	[tilespmem:$0xBBF0] =	vst v49;
	v53 =	vpop (erf);
	(erf) = vrcp.f32 v6;
	v6 =	vadd.f32 $1.000000020e-16, v46  }
0x1b1: {  	v56 =	vld [tilespmem:$0xBD20];
	[tilespmem:$0xBC00] =	vst v51;
	v55 =	vpop (erf);
	(erf) = vrcp.f32 v5;
	v5 =	vadd.f32 $1.000000020e-16, v47  }
0x1b2: {  	[tilespmem:$0xBC10] =	vst v53;
	v57 =	vpop (erf);
	(erf) = vrcp.f32 v6;
	v6 =	vadd.f32 $1.000000020e-16, v7;
	v7 =	vld [tilespmem:$0xBD30]  }
0x1b3: {  	v59 =	vld [tilespmem:$0xBD40];
	[tilespmem:$0xBC20] =	vst v55;
	v58 =	vpop (erf);
	(erf) = vrcp.f32 v5;
	v5 =	vadd.f32 $1.000000020e-16, v50  }
0x1b4: {  	[tilespmem:$0xBC30] =	vst v57;
	v60 =	vpop (erf);
	(erf) = vrcp.f32 v6;
	v6 =	vadd.f32 $1.000000020e-16, v52  }
0x1b5: {  	[tilespmem:$0xBC40] =	vst v58;
	v61 =	vpop (erf);
	(erf) = vrcp.f32 v5;
	v5 =	vadd.f32 $1.000000020e-16, v54  }
0x1b6: {  	[tilespmem:$0xBC50] =	vst v60;
	v62 =	vpop (erf);
	(erf) = vrcp.f32 v6;
	v6 =	vadd.f32 $1.000000020e-16, v56  }
0x1b7: {  	[tilespmem:$0xBC60] =	vst v61;
	v63 =	vpop (erf);
	(erf) = vrcp.f32 v5;
	v5 =	vadd.f32 $1.000000020e-16, v7  }
0x1b8: {  	[tilespmem:$0xBC70] =	vst v62;
	v7 =	vpop (erf);
	(erf) = vrcp.f32 v6;
	v6 =	vadd.f32 $1.000000020e-16, v59  }
0x1b9: {  	[tilespmem:$0xBC80] =	vst v63  }
0x1ba: {  	[tilespmem:$0xBC90] =	vst v7;
	v7 =	vpop (erf);
	(erf) = vrcp.f32 v5  }
0x1bb: {  	[tilespmem:$0xBCA0] =	vst v7;
	v5 =	vpop (erf);
	(erf) = vrcp.f32 v6  }
0x1bc: {  	v6 =	vpop (erf);
	[tilespmem:$0xBCB0] =	vst v5  }
0x1bd: {  	v5 =	vpop (erf);
	[tilespmem:$0xBCC0] =	vst v6  }
0x1be: {  	v6 =	vpop (erf);
	[tilespmem:$0xBCD0] =	vst v5  }
0x1bf: {  	v5 =	vpop (erf);
	[tilespmem:$0xBCE0] =	vst v6  }
0x1c0: {  	v6 =	vpop (erf);
	[tilespmem:$0xBCF0] =	vst v5  }
.Ltmp15:
0x1c1: {  	v5 =	vpop (erf);
	[tilespmem:$0xBD00] =	vst v6;
	(pc) =	sbr.rel .LBB2_19-.Ltmp15, $4  }
0x1c2: {  	v6 =	vpop (erf);
	[tilespmem:$0xBD10] =	vst v5  }
0x1c3: {  	s19 =	rddreg [dreg:$0xa];
	v5 =	vpop (erf);
	[tilespmem:$0xBD20] =	vst v6  }
0x1c4: {  	s13 =	simm.s32 $0x0;
	s20 =	rddreg [dreg:$0xc];
	[tilespmem:$0xBD30] =	vst v5;
	v5 =	vpop (erf)  }
0x1c5: {  	s14 =	simm.s32 $0x0;
	s23 =	simm.s32 $0xABD0;
	s21 =	rddreg [dreg:$0xd];
	[tilespmem:$0xBD40] =	vst v5  }
.LBB2_23:
0x1c6: {  	s14 =	sadd.s32 $0x1, s14  }
0x1c7: {  	p0 =	sne.s32 s14, $0x18  }
.Ltmp16:
0x1c8: {  	_ = 	snop;
	(pc) =	sbr.rel @!p0 .LBB2_24-.Ltmp16, $2  }
0x1c9: {  	_ =	sdelay $0x2  }
0x1ca: {  	s13 =	sadd.s32 $0x10, s13  }
.LBB2_19:
0x1cb: {  	s7 =	sadd.s32 s19, s14  }
0x1cc: {  	p0 =	sgt.u32 s7, $0x138  }
.Ltmp17:
0x1cd: {  	_ = 	snop;
	(pc) =	sbr.rel @p0 .LBB2_23-.Ltmp17, $1  }
0x1ce: {  	_ =	sdelay $0x3  }
0x1cf: {  	s8 =	sshll.u32 s7, $0xC  }
0x1d0: {  	s8 =	sand.u32 $0x3FFFF000, s8  }
0x1d1: {  	s18 =	simm.s32 $0x7;
	s8 =	sadd.s32 s8, s3  }
0x1d2: {  	[tilespmem:s23], [sflag:$0x7] =	stream.linear.gather [spmem:s8], $0x1000, $0x38;
	[tilespmem:$0x1F7D0] =	vst v63  }
0x1d3: {  	_ =	swait.ge [sflag:s18], $0x1000  }
0x1d4: {  	[sflag:s18] =	ssyncset.done $0x0  }
0x1d5: {  	s8 =	simm.s32 $0xAC50;
	[sflag:s18] =	ssyncadd.s32 $0xFFFFF000  }
0x1d6: {  	v5 =	vld [tilespmem:s8+$0xFFFFFFF0]  }
0x1d7: {  	v17 =	vld [tilespmem:s8+$0x70]  }
0x1d8: {  	v6 =	vld [tilespmem:s8+$0x60]  }
0x1d9: {  	s10 =	sadd.s32 $0x0, s13;
	v7 =	vld [tilespmem:s8+$0x20]  }
0x1da: {  	v8 =	vmov s10;
	v9 =	vld [tilespmem:s8+$0x10]  }
0x1db: {  	v12 =	vld [tilespmem:s8+$0x30]  }
0x1dc: {  	v20 =	vld [tilespmem:s8+$0x50]  }
0x1dd: {  	v13 =	vld [tilespmem:s8+$0xFFFFFF80]  }
0x1de: {  	v11 =	vld [tilespmem:s8+$0x0]  }
0x1df: {  	v8 =	vld.idx.msk [tilespmem:v8+s5+$0x0], $0xffff  }
0x1e0: {  	v18 =	vld [tilespmem:s8+$0xFFFFFFA0]  }
0x1e1: {  	v10 =	vld [tilespmem:s8+$0xFFFFFFD0]  }
0x1e2: {  	v16 =	vld [tilespmem:s8+$0xFFFFFF90]  }
0x1e3: {  	v14 =	vld [tilespmem:s8+$0xFFFFFFB0]  }
0x1e4: {  	v15 =	vld [tilespmem:s8+$0x40]  }
0x1e5: {  	v19 =	vmul.f32 v13, v8;
	v13 =	vld [tilespmem:s8+$0xFFFFFFC0];
	v21 =	vmul.f32 v17, v8  }
0x1e6: {  	s11 =	simm.s32 $0xAC50;
	s10 =	simm.s32 $0x1;
	v17 =	vmul.f32 v18, v8;
	v18 =	vld [tilespmem:s8+$0xFFFFFFE0];
	v20 =	vmul.f32 v20, v8  }
.LBB2_21:
0x1e7: {  	p0 =	sne.s32 s10, $0xF  }
0x1e8: {  	v16 =	vmul.f32 v16, v8;
	v12 =	vmul.f32 v12, v8;
	[tilespmem:s8+$0x70] =	vst v21;
	s11 =	sadd.s32 $0x100, s11;
	s18 =	smov.u32 s10;
	s10 =	sadd.s32 $0x1, s10  }
0x1e9: {  	v9 =	vmul.f32 v9, v8;
	[tilespmem:s8+$0xFFFFFF80] =	vst v19;
	v14 =	vmul.f32 v14, v8  }
0x1ea: {  	v11 =	vmul.f32 v11, v8;
	v15 =	vmul.f32 v15, v8;
	[tilespmem:s8+$0x50] =	vst v20  }
0x1eb: {  	v10 =	vmul.f32 v10, v8;
	v13 =	vmul.f32 v13, v8;
	[tilespmem:s8+$0x30] =	vst v12  }
0x1ec: {  	v12 =	vmul.f32 v18, v8;
	v18 =	vmul.f32 v5, v8;
	[tilespmem:s8+$0x10] =	vst v9  }
0x1ed: {  	v7 =	vmul.f32 v7, v8;
	v6 =	vmul.f32 v6, v8;
	[tilespmem:s8+$0xFFFFFFA0] =	vst v17  }
0x1ee: {  	[tilespmem:s8+$0x0] =	vst v11  }
0x1ef: {  	v5 =	vld [tilespmem:s11+$0xFFFFFFF0];
	[tilespmem:s8+$0xFFFFFFE0] =	vst v12  }
0x1f0: {  	v17 =	vld [tilespmem:s11+$0x70];
	[tilespmem:s8+$0x60] =	vst v6  }
0x1f1: {  	v6 =	vld [tilespmem:s11+$0x60];
	[tilespmem:s8+$0x20] =	vst v7  }
0x1f2: {  	s18 =	sadd.s32 s18, s13;
	v7 =	vld [tilespmem:s11+$0x20];
	[tilespmem:s8+$0xFFFFFFD0] =	vst v10  }
0x1f3: {  	v8 =	vmov s18;
	v9 =	vld [tilespmem:s11+$0x10];
	[tilespmem:s8+$0xFFFFFF90] =	vst v16  }
0x1f4: {  	v12 =	vld [tilespmem:s11+$0x30];
	[tilespmem:s8+$0xFFFFFFF0] =	vst v18  }
0x1f5: {  	v20 =	vld [tilespmem:s11+$0x50];
	[tilespmem:s8+$0x40] =	vst v15  }
0x1f6: {  	v18 =	vld [tilespmem:s11+$0xFFFFFF80];
	[tilespmem:s8+$0xFFFFFFB0] =	vst v14  }
0x1f7: {  	v11 =	vld [tilespmem:s11+$0x0];
	[tilespmem:s8+$0xFFFFFFC0] =	vst v13;
	s8 =	smov.u32 s11  }
0x1f8: {  	v8 =	vld.idx.msk [tilespmem:v8+s5+$0x0], $0xffff  }
0x1f9: {  	v22 =	vld [tilespmem:s11+$0xFFFFFFA0]  }
0x1fa: {  	v10 =	vld [tilespmem:s11+$0xFFFFFFD0]  }
.Ltmp18:
0x1fb: {  	v16 =	vld [tilespmem:s11+$0xFFFFFF90];
	(pc) =	sbr.rel @p0 .LBB2_21-.Ltmp18, $4  }
0x1fc: {  	v14 =	vld [tilespmem:s11+$0xFFFFFFB0]  }
0x1fd: {  	v15 =	vld [tilespmem:s11+$0x40]  }
0x1fe: {  	v19 =	vmul.f32 v18, v8;
	v21 =	vmul.f32 v17, v8;
	v13 =	vld [tilespmem:s11+$0xFFFFFFC0]  }
0x1ff: {  	v20 =	vmul.f32 v20, v8;
	v17 =	vmul.f32 v22, v8;
	v18 =	vld [tilespmem:s11+$0xFFFFFFE0]  }
0x200: {  	[tilespmem:s8+$0x70] =	vst v21  }
0x201: {  	[tilespmem:s8+$0xFFFFFF80] =	vst v19  }
0x202: {  	v12 =	vmul.f32 v12, v8;
	[tilespmem:s8+$0x50] =	vst v20  }
0x203: {  	v9 =	vmul.f32 v9, v8;
	[tilespmem:s8+$0xFFFFFFA0] =	vst v17  }
0x204: {  	v11 =	vmul.f32 v11, v8;
	[tilespmem:s8+$0x30] =	vst v12  }
0x205: {  	v6 =	vmul.f32 v6, v8;
	[tilespmem:s8+$0x10] =	vst v9  }
0x206: {  	v7 =	vmul.f32 v7, v8;
	[tilespmem:s8+$0x0] =	vst v11  }
0x207: {  	v63 =	vmul.f32 v10, v8;
	[tilespmem:s8+$0x60] =	vst v6  }
0x208: {  	v5 =	vmul.f32 v5, v8;
	[tilespmem:s8+$0x20] =	vst v7  }
0x209: {  	v6 =	vmul.f32 v16, v8;
	[tilespmem:s8+$0xFFFFFFD0] =	vst v63  }
0x20a: {  	v7 =	vmul.f32 v15, v8;
	[tilespmem:s8+$0xFFFFFFF0] =	vst v5  }
0x20b: {  	v5 =	vmul.f32 v13, v8;
	[tilespmem:s8+$0xFFFFFF90] =	vst v6  }
0x20c: {  	v62 =	vmul.f32 v18, v8;
	[tilespmem:s8+$0x40] =	vst v7  }
0x20d: {  	v6 =	vmul.f32 v14, v8;
	[tilespmem:s8+$0xFFFFFFC0] =	vst v5  }
0x20e: {  	p0 =	seq.s32 s7, $0x138;
	[tilespmem:s8+$0xFFFFFFE0] =	vst v62  }
0x20f: {  	s10 =	simm.s32 @p0 $0xABD0;
	[tilespmem:s8+$0xFFFFFFB0] =	vst v6;
	s8 =	simm.s32 @p0 $0x0  }
0x210: {  	[hbm4b:s21+s8] =	stream.linear.scatter @p0 [tilespmem:s10], [sflag:$0x6], $0x800, $0x38;
	[tilespmem:$0x1F7D0] =	vst v63  }
0x211: {  	s8 =	simm.s32 @p0 $0x6  }
0x212: {  	s7 =	sshll.u32 @!p0 s7, $0x9;
	_ =	swait.ge @p0 [sflag:s8], $0x800  }
0x213: {  	s7 =	sadd.s32 @!p0 s7, s20;
	[sflag:s8] =	ssyncset.done @p0 $0x0  }
0x214: {  	s10 =	simm.s32 @!p0 $0xABD0;
	[sflag:s8] =	ssyncadd.s32 @p0 $0xFFFFF800;
	s8 =	simm.s32 @!p0 $0x0  }
0x215: {  	[hbm4b:s7+s8] =	stream.linear.scatter @!p0 [tilespmem:s10], [sflag:$0x7], $0x1000, $0x38;
	[tilespmem:$0x1F7D0] =	vst v63  }
.Ltmp19:
0x216: {  	_ = 	snop;
	(pc) =	sbr.rel .LBB2_23-.Ltmp19, $4  }
0x217: {  	s7 =	simm.s32 @!p0 $0x7  }
0x218: {  	_ =	swait.ge @!p0 [sflag:s7], $0x1000  }
0x219: {  	[sflag:s7] =	ssyncset.done @!p0 $0x0  }
0x21a: {  	[sflag:s7] =	ssyncadd.s32 @!p0 $0xFFFFF000  }
.LBB2_25:
0x21b: {  	_ =	sfence.sel $0x180000  }
0x21c: {  	[bflag:$0x0] =	sbarrier.arrive $0xFFFF  }
0x21d: {  	_ =	strace $0x9000004A  }
0x21e: {  	[bflag:$0x2] =	sbarrier.arrive $0xFFFF  }
0x21f: {  	p0 =	sne.s32 s14, $0x0;
	s0 =	rddreg [dreg:$0x4]  }
0x220: {  	s0 =	sadd.s32 @!p0 $0x100000, s0  }
0x221: {  	[sflag:s0] =	ssyncadd.tile.s32 @!p0 $0x1;
	_ =	shalt  }
.Lfunc_end2:
_tile_overlayer_lowered:
.L_overlay_start_2:
0x222: {  	(tag) =	ssettag $0x2  }
0x223: {  	s0 =	rddreg [dreg:$0x0];
	s2 =	stileid.u32  }
0x224: {  	s1 =	rddreg [dreg:$0x1];
	p0 =	sne.s32 s2, $0x0  }
0x225: {  	s3 =	rddreg [dreg:$0x2];
	[bflag:$0x3] =	sbarrier.arrive $0xFFFF;
	s2 =	simm.s32 @!p0 $0x1C06  }
0x226: {  	[timem:s3], [sflag:s2] =	dma.local @!p0 [hbm:s0], s1  }
0x227: {  	s0 =	simm.s32 @!p0 $0x6  }
0x228: {  	_ =	swait.ge @!p0 [sflag:s0], s1  }
0x229: {  	s1 =	ssub.s32 @!p0 $0x0, s1;
	[sflag:s0] =	ssyncset.done @!p0 $0x0  }
0x22a: {  	[sflag:s0] =	ssyncadd.s32 @!p0 s1  }
0x22b: {  	[bflag:$0x3] =	sbarrier.arrive $0xFFFF  }
0x22c: {  	_ =	shalt  }

// kernel: kernel.8.cloned.1.call-start
scs
__scs_entry_jumppad:
0x0: {  	(pc) =	sbr.rel $0x88, $3  }
0x1: {  	(tag) =	ssettag $0x0;
	lr =	simm.s32 $0x1  }
0x2: {  	[smem:$0x3F93] =	sst lr;
	_ =	strace $0xD0000000  }
0x3: {  	_ = 	snop  }
0x4: {  	_ = 	snop  }
0x5: {  	_ = 	snop  }
0x6: {  	_ = 	snop  }
0x7: {  	_ = 	snop  }
__scs_overlays_trampoline_lowered:
0x8: {  	[smem:$0x3FA2] =	sst s0  }
0x9: {  	[smem:$0x3FA3] =	sst s1  }
0xa: {  	[smem:$0x3FA4] =	sst s2  }
0xb: {  	[smem:$0x3FA5] =	sst s3  }
0xc: {  	[smem:$0x3FA6] =	sst s4  }
0xd: {  	[smem:$0x3FA7] =	sst s5  }
0xe: {  	[smem:$0x3FA8] =	sst s6  }
0xf: {  	[smem:$0x3FA9] =	sst s7  }
0x10: {  	[smem:$0x3FAA] =	sst s8  }
0x11: {  	[smem:$0x3FAB] =	sst s9;
	s0 =	simm.s32 @!p0 $0x0  }
0x12: {  	s1 =	sld [smem:$0x3F91];
	s0 =	simm.s32 @p0 $0x1  }
0x13: {  	[smem:$0x3FAC] =	sst s0;
	s0 =	simm.s32 @!p1 $0x0  }
0x14: {  	s2 =	sld [smem:$0x3F90];
	s0 =	simm.s32 @p1 $0x1  }
0x15: {  	[smem:$0x3FAD] =	sst s0;
	s0 =	simm.s32 @!p2 $0x0  }
0x16: {  	s3 =	sld [smem:$0x3FDB];
	s0 =	simm.s32 @p2 $0x1  }
0x17: {  	s4 =	simm.s32 $0x1BF5;
	[smem:$0x3FAF] =	sst s0  }
0x18: {  	s0 =	sld [smem:$0x3F92];
	_ =	swait.ge [sflag:s4], $0x0  }
0x19: {  	s7 =	sld [smem:$0x3F93]  }
0x1a: {  	s8 =	sadd.s32 $0xFFFFE003, lr  }
0x1b: {  	s9 =	sadd.s32 $0xFFFFFEF7, lr;
	s5 =	simm.s32 $0xFFFFFFFF;
	p2 =	slt.u32 s8, $0xFFFFF086  }
0x1c: {  	p1 =	slt.u32 s9, $0xF7A;
	s5 =	simm.s32 @!p2 $0x0  }
0x1d: {  	s5 =	simm.s32 @p1 $0x1;
	p0 =	seq.s32 s7, s2  }
0x1e: {  	s7 =	smul.u32 @!p0 $0xF7A, s2;
	p2 =	seq.s32 @!p0 s5, $0x0  }
0x1f: {  	s9 =	smul.u32 $0xF7A, s1;
	s8 =	simm.s32 @!p0 $0x1BF5;
	p2 =	por !p2, p0  }
0x20: {  	[sflag:s8] =	ssyncset.s32 @!p0 $0xFFFFF086;
	s6 =	sadd.s32 @!p0 s3, s7;
	s7 =	simm.s32 @!p0 $0x108  }
0x21: {  	s3 =	sadd.s32 s3, s9;
	s6 =	sadd.s32 @!p0 $0x88, s6;
	s7 =	simm.s32 @p2 $0x1082  }
0x22: {  	[simem:s7], [sflag:s8] =	dma.local @!p0 [hbm:s6], $0xF7A  }
0x23: {  	s9 =	sor.u32 $0xD0000000, s2;
	s6 =	simm.s32 $0x108;
	_ =	swait.ge @!p0 [sflag:s8], $0x0  }
0x24: {  	s3 =	sadd.s32 $0x88, s3;
	s6 =	simm.s32 @!p1 $0x1082;
	[sflag:s4] =	ssyncset.s32 $0xFFFFF086  }
0x25: {  	[simem:s6], [sflag:s4] =	dma.local [hbm:s3], $0xF7A  }
0x26: {  	[smem:$0x3F93] =	sst s1;
	(tag) =	ssettag s2;
	_ =	strace s9  }
0x27: {  	s1 =	sld [smem:$0x3FA3]  }
0x28: {  	s2 =	sld [smem:$0x3FA4]  }
0x29: {  	s4 =	sld [smem:$0x3FA6]  }
0x2a: {  	p0 =	seq.s32 s5, $0x0;
	s5 =	sld [smem:$0x3FA7]  }
0x2b: {  	s6 =	sld [smem:$0x3FA8]  }
0x2c: {  	s7 =	sld [smem:$0x3FA9]  }
0x2d: {  	s3 =	simm.s32 $0x108;
	s8 =	sld [smem:$0x3FAA]  }
0x2e: {  	s3 =	simm.s32 @!p0 $0x1082;
	s9 =	sld [smem:$0x3FAB]  }
0x2f: {  	lr =	sadd.s32 s0, s3;
	s0 =	sld [smem:$0x3FA2]  }
0x30: {  	s3 =	sld [smem:$0x3FA5]  }
0x31: {  	[smem:$0x3FAE] =	sst s10  }
0x32: {  	s10 =	sld [smem:$0x3FAC];
	_ =	sdelay $0x3  }
0x33: {  	p0 =	seq.s32 s10, $0x1;
	s10 =	sld [smem:$0x3FAE];
	_ =	sdelay $0x3  }
0x34: {  	[smem:$0x3FAE] =	sst s10  }
0x35: {  	s10 =	sld [smem:$0x3FAD];
	_ =	sdelay $0x3  }
0x36: {  	p1 =	seq.s32 s10, $0x1;
	s10 =	sld [smem:$0x3FAE];
	_ =	sdelay $0x3  }
0x37: {  	[smem:$0x3FAE] =	sst s10  }
0x38: {  	s10 =	sld [smem:$0x3FAF]  }
0x39: {  	_ = 	snop;
	(pc) =	sbr.ind lr, $3  }
0x3a: {  	_ = 	snop  }
0x3b: {  	_ = 	snop  }
0x3c: {  	p2 =	seq.s32 s10, $0x1;
	s10 =	sld [smem:$0x3FAE]  }
0x3d: {  	_ =	shalt  }
0x3e: {  	_ =	shalt  }
0x3f: {  	_ =	shalt  }
0x40: {  	_ =	shalt  }
0x41: {  	_ =	shalt  }
0x42: {  	_ =	shalt  }
0x43: {  	_ =	shalt  }
0x44: {  	_ =	shalt  }
0x45: {  	_ =	shalt  }
0x46: {  	_ =	shalt  }
0x47: {  	_ =	shalt  }
0x48: {  	_ =	shalt  }
0x49: {  	_ =	shalt  }
0x4a: {  	_ =	shalt  }
0x4b: {  	_ =	shalt  }
0x4c: {  	_ =	shalt  }
0x4d: {  	_ =	shalt  }
0x4e: {  	_ =	shalt  }
0x4f: {  	_ =	shalt  }
0x50: {  	_ =	shalt  }
0x51: {  	_ =	shalt  }
0x52: {  	_ =	shalt  }
0x53: {  	_ =	shalt  }
0x54: {  	_ =	shalt  }
0x55: {  	_ =	shalt  }
0x56: {  	_ =	shalt  }
0x57: {  	_ =	shalt  }
0x58: {  	_ =	shalt  }
0x59: {  	_ =	shalt  }
0x5a: {  	_ =	shalt  }
0x5b: {  	_ =	shalt  }
0x5c: {  	_ =	shalt  }
0x5d: {  	_ =	shalt  }
0x5e: {  	_ =	shalt  }
0x5f: {  	_ =	shalt  }
0x60: {  	_ =	shalt  }
0x61: {  	_ =	shalt  }
0x62: {  	_ =	shalt  }
0x63: {  	_ =	shalt  }
0x64: {  	_ =	shalt  }
0x65: {  	_ =	shalt  }
0x66: {  	_ =	shalt  }
0x67: {  	_ =	shalt  }
0x68: {  	_ =	shalt  }
0x69: {  	_ =	shalt  }
0x6a: {  	_ =	shalt  }
0x6b: {  	_ =	shalt  }
0x6c: {  	_ =	shalt  }
0x6d: {  	_ =	shalt  }
0x6e: {  	_ =	shalt  }
0x6f: {  	_ =	shalt  }
0x70: {  	_ =	shalt  }
0x71: {  	_ =	shalt  }
0x72: {  	_ =	shalt  }
0x73: {  	_ =	shalt  }
0x74: {  	_ =	shalt  }
0x75: {  	_ =	shalt  }
0x76: {  	_ =	shalt  }
0x77: {  	_ =	shalt  }
0x78: {  	_ =	shalt  }
0x79: {  	_ =	shalt  }
0x7a: {  	_ =	shalt  }
0x7b: {  	_ =	shalt  }
0x7c: {  	_ =	shalt  }
0x7d: {  	_ =	shalt  }
0x7e: {  	_ =	shalt  }
0x7f: {  	_ =	shalt  }
0x80: {  	_ =	shalt  }
0x81: {  	_ =	shalt  }
0x82: {  	_ =	shalt  }
0x83: {  	_ =	shalt  }
0x84: {  	_ =	shalt  }
0x85: {  	_ =	shalt  }
0x86: {  	_ =	shalt  }
0x87: {  	_ =	shalt  }
.Lfunc_end0:
.L_simem_size_0:
called_computation_lowered:
.L_overlay_start_0:
0x88: {  	s2 =	sld [smem:$0x3FD9]  }
0x89: {  	s3 =	sld [smem:$0x3FFE];
	_ =	sdelay $0x1  }
0x8a: {  	s1 =	srdreg.scid  }
0x8b: {  	s0 =	sand.u32 $0x1, s1  }
0x8c: {  	s17 =	sshll.u32 s0, $0xA;
	s2 =	sadd.s32 s3, s2  }
0x8d: {  	s2 =	sadd.s32 s2, s17  }
0x8e: {  	[smem:$0x3FBA] =	sst s2  }
0x8f: {  	_ = 	snop  }
0x90: {  	s2 =	sld [smem:$0x3FD0];
	(tm) =	ssettm $0x1  }
0x91: {  	s18 =	sld [smem:$0x3FFB];
	_ =	sdelay $0x3  }
0x92: {  	_ =	strace s18  }
0x93: {  	s3 =	sld [smem:$0x3FFC];
	_ =	sdelay $0x3  }
0x94: {  	_ =	strace s3  }
0x95: {  	s3 =	sld [smem:$0x3FFD];
	_ =	sdelay $0x3  }
0x96: {  	_ =	strace s3  }
0x97: {  	_ =	strace $0x8FFFFFFF  }
0x98: {  	s19 =	sld [smem:$0x3FDB];
	_ =	sdelay $0x1  }
0x99: {  	s4 =	simm.s32 $_scs_section_size  }
0x9a: {  	s5 =	simm.s32 $_size__tile_overlayer_lowered;
	s6 =	simm.s32 $_tile_overlayer_lowered  }
0x9b: {  	s22 =	simm.s32 $0x1BFF;
	s21 =	sshll.u32 s6, $0x1;
	s3 =	sadd.s32 s4, s19  }
0x9c: {  	s7 =	simm.s32 $0x0;
	s20 =	sshll.u32 s5, $0x1;
	s5 =	sadd.s32 s21, s3  }
0x9d: {  	[timem:s7], [sflag:s22] =	dma.local [hbm:s5], s20  }
0x9e: {  	_ =	swait.ge [sflag:s22], s20  }
0x9f: {  	s4 =	ssub.s32 $0x0, s20;
	[sflag:s22] =	ssyncset.done $0x0  }
0xa0: {  	[sflag:s22] =	ssyncadd.s32 s4;
	_ =	sdelay $0x1  }
0xa1: {  	s23 =	simm.s32 $0x1B8B  }
0xa2: {  	_ =	swait.ge [sflag:s23], $0x1  }
0xa3: {  	[sflag:s23] =	ssyncset.done $0x0  }
0xa4: {  	s25 =	simm.s32 $0x1B8E;
	s24 =	sld [smem:$0x3FFE];
	[sflag:s23] =	ssyncadd.s32 $0xFFFFFFFF  }
0xa5: {  	s26 =	simm.s32 $execute0_lowered;
	[smem:$0x3FD2] =	sst s25  }
0xa6: {  	s5 =	sshll.u32 s26, $0x1;
	_ =	strace $0x80000046;
	[dreg:$0x1] =	wrdreg $0xFFFFFFFF  }
0xa7: {  	s28 =	simm.s32 $_size_execute0_lowered;
	s3 =	sadd.s32 s3, s5;
	[dreg:$0x0] =	wrdreg $0x0  }
0xa8: {  	s5 =	sshll.u32 s28, $0x1;
	[dreg:$0x2] =	wrdreg s3  }
0xa9: {  	[dreg:$0x3] =	wrdreg s5  }
0xaa: {  	[dreg:$0x4] =	wrdreg $0xC0  }
0xab: {  	_ =	task [dreg:s7], $0x5FFFF  }
0xac: {  	[dreg:$0x1] =	wrdreg $0xFFFFFFFF  }
0xad: {  	[dreg:$0x0] =	wrdreg $0x60  }
0xae: {  	[dreg:$0x2] =	wrdreg s2  }
0xaf: {  	[dreg:$0x3] =	wrdreg s24  }
0xb0: {  	[dreg:$0x4] =	wrdreg $0x1F6500  }
0xb1: {  	[dreg:$0x5] =	wrdreg $0xBD500  }
0xb2: {  	[dreg:$0x6] =	wrdreg $0x9  }
0xb3: {  	_ =	task.clear_ibuf [dreg:s7], $0x7FFFF;
	_ =	strace $0x90000046  }
0xb4: {  	s29 =	simm.s32 $0x9;
	_ =	strace $0x80000048  }
0xb5: {  	_ =	swait.ge [sflag:s29], $0x1  }
0xb6: {  	[sflag:s29] =	ssyncadd.s32 $0xFFFFFFFF  }
0xb7: {  	_ =	strace $0x90000048  }
0xb8: {  	_ =	sfence  }
0xb9: {  	s30 =	sld [smem:$0x0];
	_ =	sdelay $0x2  }
0xba: {  	s31 =	sshll.u32 s1, $0xD;
	s1 =	sshrl.u32 s1, $0x2  }
0xbb: {  	s3 =	sand.u32 $0x4000, s31;
	s1 =	sadd.s32 s1, s30  }
0xbc: {  	s0 =	sor.u32 s3, s0;
	s1 =	sshll.u32 s1, $0x11  }
0xbd: {  	s0 =	sor.u32 s1, s0  }
0xbe: {  	s0 =	sadd.s32 $0x8F2B, s0  }
0xbf: {  	[sflag:s0] =	ssyncadd.remote.s32 $0x1  }
0xc0: {  	_ =	sfence.sel $0xFFFF  }
0xc1: {  	[dreg:$0x0] =	wrdreg $0xFFFFFFFF;
	(pc) =	sbr.abs _section_cstart, $3  }
0xc2: {  	[dreg:$0x1] =	wrdreg $0xFFFFFFFF  }
0xc3: {  	_ =	task.clear_ibuf [dreg:s7], $0x2FFFF;
	_ =	strace $0x9FFFFFFF  }
0xc4: {  	(tm) =	ssettm $0x7FFFFFFF  }
0xc5: {  	_ =	shalt  }
tec
execute0_lowered:
.L_overlay_start_1:
0x0: {  	(tag) =	ssettag $0x1  }
0x1: {  	s1 =	rddreg [dreg:$0x0]  }
0x2: {  	s0 =	rddreg [dreg:$0x1]  }
0x3: {  	s2 =	rddreg [dreg:$0x2]  }
0x4: {  	s3 =	rddreg [dreg:$0x3];
	s4 =	simm.s32 $0x0;
	s5 =	srdreg.scid  }
0x5: {  	s14 =	stileid.u32;
	s16 =	simm.s32 $0x6;
	s28 =	simm.s32 $0x20  }
0x6: {  	s29 =	simm.s32 $0x6B70;
	s30 =	simm.s32 $0x6BB0;
	s31 =	simm.s32 $0x3  }
0x7: {  	s12 =	simm.s32 $0x8BB0;
	s15 =	simm.s32 $0x5;
	[smem:$0x7FF] =	sst s4  }
0x8: {  	s6 =	sadd.s32 $0x6A00, s0;
	s5 =	sand.u32 $0x1, s5;
	s8 =	smul.u32 $0x600, s14  }
0x9: {  	s17 =	sadd.s32 $0x1A00, s0;
	s7 =	sadd.s32 $0x9200, s0;
	s22 =	smul.u32 $0x2800, s14  }
0xa: {  	s19 =	smul.u32 $0x18, s14;
	_ =	strace $0x80000047;
	[dreg:$0x5] =	wrdreg s6  }
0xb: {  	s9 =	sadd.s32 $0xE200, s0;
	[dreg:$0x6] =	wrdreg s17;
	s18 =	smul.u32 $0x1388, s5  }
0xc: {  	s0 =	sadd.s32 $0x6EE2, s0;
	[dreg:$0x7] =	wrdreg s7;
	s11 =	smul.u32 $0x138800, s5  }
0xd: {  	s21 =	ssub.s32 $0x2, s5;
	[dreg:$0x8] =	wrdreg s0;
	s5 =	smul.u32 $0x27100, s5  }
0xe: {  	s17 =	simm.s32 $0x2720;
	s6 =	simm.s32 $0x6B50;
	s10 =	sshrl.u32 s21, $0x1  }
0xf: {  	[dreg:$0x9] =	wrdreg s22;
	s23 =	sshrl.u32 s8, $0x2;
	s22 =	simm.s32 $0xABB0  }
0x10: {  	s8 =	simm.s32 $0x0;
	[dreg:$0xa] =	wrdreg s19;
	s7 =	ssub.s32 s21, s10  }
0x11: {  	s24 =	sshrl.u32 s11, $0x3;
	s0 =	sadd.s32 s23, s2;
	s20 =	sadd.s32 s9, s5  }
.Ltmp0:
0x12: {  	s23 =	simm.s32 $0xABD0;
	s5 =	simm.s32 $0xBBD0;
	(pc) =	sbr.rel .LBB2_1-.Ltmp0, $4  }
0x13: {  	[dreg:$0xb] =	wrdreg s0;
	s25 =	sadd.s32 s9, s24;
	s26 =	smax.u32 s7, $0x1  }
0x14: {  	s24 =	simm.s32 $0x1;
	s0 =	simm.s32 $0x2;
	[dreg:$0xc] =	wrdreg s20  }
0x15: {  	v1 =	vlaneseq.u32;
	vm0 =	vmmov $0xffff;
	v2 =	vimm.s32 $0x0;
	s9 =	simm.s32 $0x6B90;
	s21 =	sadd.s32 $0x27000, s25;
	[dreg:$0xe] =	wrdreg s26  }
0x16: {  	v3 =	vimm.s32 $0x1388;
	v4 =	vimm.f32 $0.0e+00;
	v0 =	vmov s18;
	s25 =	simm.s32 $0x80;
	s26 =	simm.s32 $0x6B30;
	[dreg:$0xd] =	wrdreg s21  }
.LBB2_24:
0x17: {  	s8 =	rddreg [dreg:$0xf]  }
0x18: {  	s7 =	rddreg [dreg:$0xe];
	s8 =	sadd.s32 $0x1, s8  }
0x19: {  	p0 =	sne.s32 s8, s7  }
.Ltmp1:
0x1a: {  	_ = 	snop;
	(pc) =	sbr.rel @!p0 .LBB2_25-.Ltmp1, $2  }
0x1b: {  	_ =	sdelay $0x2  }
0x1c: {  	s14 =	stileid.u32  }
.LBB2_1:
0x1d: {  	[dreg:$0xf] =	wrdreg s8  }
0x1e: {  	s7 =	rddreg [dreg:$0x5]  }
0x1f: {  	[tilespmem:s4], [sflag:$0x6] =	stream.linear.gather [hbm4b:s7+s4], $0x2710, $0x38;
	[tilespmem:$0x1F7D0] =	vst v63  }
0x20: {  	_ =	swait.ge [sflag:s16], $0x2710  }
0x21: {  	[sflag:s16] =	ssyncset.done $0x0  }
.Ltmp2:
0x22: {  	s21 =	rddreg [dreg:$0x8];
	[sflag:s16] =	ssyncadd.s32 $0xFFFFD8F0;
	(pc) =	sbr.rel .LBB2_2-.Ltmp2, $4  }
0x23: {  	[tilespmem:s17], [sflag:$0x6] =	stream.linear.gather [hbm4b:s21+s4], $0x2710, $0x38;
	[tilespmem:$0x1F7D0] =	vst v63  }
0x24: {  	_ =	swait.ge [sflag:s16], $0x2710  }
0x25: {  	[sflag:s16] =	ssyncset.done $0x0  }
0x26: {  	s13 =	simm.s32 $0x0;
	[sflag:s16] =	ssyncadd.s32 $0xFFFFD8F0  }
.LBB2_6:
0x27: {  	s13 =	sadd.s32 $0x1, s13  }
0x28: {  	p0 =	sne.s32 s13, $0x18  }
.Ltmp3:
0x29: {  	_ = 	snop;
	(pc) =	sbr.rel @!p0 .LBB2_7-.Ltmp3, $1  }
0x2a: {  	_ =	sdelay $0x3  }
.LBB2_2:
0x2b: {  	s7 =	sshll.u32 s13, $0x4  }
0x2c: {  	s7 =	sor.u32 s14, s7  }
0x2d: {  	p0 =	sgt.u32 s7, $0x138  }
.Ltmp4:
0x2e: {  	_ = 	snop;
	(pc) =	sbr.rel @p0 .LBB2_6-.Ltmp4, $1  }
0x2f: {  	_ =	sdelay $0x3  }
0x30: {  	s7 =	sshll.u32 s7, $0x4  }
0x31: {  	v5 =	vor.u32 s7, v1  }
0x32: {  	v6 =	vadd.s32 v0, v5  }
0x33: {  	v6 =	vmin.u32 v6, $0x270F;
	_ =	sdelay $0x3  }
0x34: {  	s8 =	simm.s32 $0x0  }
0x35: {  	v7 =	vld.idx.msk [tilespmem:v6+s8+$0x0], $0xffff  }
0x36: {  	v8 =	vld.idx.msk [tilespmem:v6+s17+$0x0], $0xffff;
	_ =	sdelay $0x4  }
0x37: {  	v7 =	vadd.f32 v8, v7;
	_ =	sdelay $0x1  }
0x38: {  	v8 =	vmul.f32 $2.000000030e-01, v7  }
0x39: {  	vm1 =	vgt.f32 v7, $0.0e+00  }
0x3a: {  	v7 =	vsel vm1, v7, v8  }
0x3b: {  	v7 =	vmul.f32 $1.442695020e+00, v7;
	_ =	sdelay $0x1  }
0x3c: {  	(erf) = vpow2.f32 v7;
	_ =	sdelay $0x7  }
0x3d: {  	s21 =	simm.s32 $0x7  }
0x3e: {  	[tilespmem:s23], [sflag:$0x7] =	stream.indirect_vreg.gather [hbm4b:s1+s8], $0x100, v6, vm0, $0xb8;
	v7 =	vpop (erf);
	[tilespmem:$0x1F7D0] =	vst v63  }
0x3f: {  	_ =	swait.ge [sflag:s21], $0x1000  }
0x40: {  	vm1 =	vlt.u32 v5, $0x1388;
	[sflag:s21] =	ssyncset.done $0x0  }
0x41: {  	v6 =	vnsel vm1, $0x0, v7;
	[sflag:s21] =	ssyncadd.s32 $0xFFFFF000  }
0x42: {  	[tilespmem:$0xABB0] =	vst v6  }
0x43: {  	s10 =	simm.s32 $0x10;
	s11 =	simm.s32 $0xABC0;
	[tilespmem:$0xABC0] =	vst v5  }
0x44: {  	[spmem:s2] =	stream.indirect.scatter [tilespmem:s22], [sflag:$0x7], $0x1, s11, s10, $0xb8;
	[tilespmem:$0x1F7D0] =	vst v63  }
0x45: {  	_ =	swait.ge [sflag:s21], $0x10  }
0x46: {  	[sflag:s21] =	ssyncset.done $0x0  }
0x47: {  	s7 =	simm.s32 $0xAC50;
	[sflag:s21] =	ssyncadd.s32 $0xFFFFFFF0  }
0x48: {  	v5 =	vld [tilespmem:s7+$0xFFFFFFF0]  }
0x49: {  	v17 =	vld [tilespmem:s7+$0x70]  }
0x4a: {  	v6 =	vld [tilespmem:s7+$0x60]  }
0x4b: {  	v7 =	vld [tilespmem:s7+$0x20]  }
0x4c: {  	v8 =	vmov s8;
	v9 =	vld [tilespmem:s7+$0x10]  }
0x4d: {  	v12 =	vld [tilespmem:s7+$0x30]  }
0x4e: {  	v20 =	vld [tilespmem:s7+$0x50]  }
0x4f: {  	v13 =	vld [tilespmem:s7+$0xFFFFFF80]  }
0x50: {  	v11 =	vld [tilespmem:s7+$0x0]  }
0x51: {  	v8 =	vld.idx.msk [tilespmem:v8+s22+$0x0], $0xffff  }
0x52: {  	v18 =	vld [tilespmem:s7+$0xFFFFFFA0]  }
0x53: {  	v10 =	vld [tilespmem:s7+$0xFFFFFFD0]  }
0x54: {  	v16 =	vld [tilespmem:s7+$0xFFFFFF90]  }
0x55: {  	v14 =	vld [tilespmem:s7+$0xFFFFFFB0]  }
0x56: {  	v15 =	vld [tilespmem:s7+$0x40]  }
0x57: {  	v19 =	vmul.f32 v13, v8;
	v13 =	vld [tilespmem:s7+$0xFFFFFFC0];
	v21 =	vmul.f32 v17, v8  }
0x58: {  	s8 =	simm.s32 $0x1;
	s10 =	simm.s32 $0xAC50;
	v17 =	vmul.f32 v18, v8;
	v18 =	vld [tilespmem:s7+$0xFFFFFFE0];
	v20 =	vmul.f32 v20, v8  }
.LBB2_4:
0x59: {  	p0 =	sne.s32 s8, $0xF  }
0x5a: {  	v16 =	vmul.f32 v16, v8;
	v12 =	vmul.f32 v12, v8;
	[tilespmem:s7+$0x70] =	vst v21;
	s10 =	sadd.s32 $0x100, s10;
	s11 =	smov.u32 s8;
	s8 =	sadd.s32 $0x1, s8  }
0x5b: {  	v9 =	vmul.f32 v9, v8;
	[tilespmem:s7+$0xFFFFFF80] =	vst v19;
	v14 =	vmul.f32 v14, v8  }
0x5c: {  	v11 =	vmul.f32 v11, v8;
	v15 =	vmul.f32 v15, v8;
	[tilespmem:s7+$0x50] =	vst v20  }
0x5d: {  	v10 =	vmul.f32 v10, v8;
	v13 =	vmul.f32 v13, v8;
	[tilespmem:s7+$0x30] =	vst v12  }
0x5e: {  	v12 =	vmul.f32 v18, v8;
	v18 =	vmul.f32 v5, v8;
	[tilespmem:s7+$0x10] =	vst v9  }
0x5f: {  	v7 =	vmul.f32 v7, v8;
	v6 =	vmul.f32 v6, v8;
	[tilespmem:s7+$0xFFFFFFA0] =	vst v17  }
0x60: {  	[tilespmem:s7+$0x0] =	vst v11  }
0x61: {  	v5 =	vld [tilespmem:s10+$0xFFFFFFF0];
	[tilespmem:s7+$0xFFFFFFE0] =	vst v12  }
0x62: {  	v17 =	vld [tilespmem:s10+$0x70];
	[tilespmem:s7+$0x60] =	vst v6  }
0x63: {  	v6 =	vld [tilespmem:s10+$0x60];
	[tilespmem:s7+$0x20] =	vst v7  }
0x64: {  	v7 =	vld [tilespmem:s10+$0x20];
	[tilespmem:s7+$0xFFFFFFD0] =	vst v10  }
0x65: {  	v8 =	vmov s11;
	v9 =	vld [tilespmem:s10+$0x10];
	[tilespmem:s7+$0xFFFFFF90] =	vst v16  }
0x66: {  	v12 =	vld [tilespmem:s10+$0x30];
	[tilespmem:s7+$0xFFFFFFF0] =	vst v18  }
0x67: {  	v20 =	vld [tilespmem:s10+$0x50];
	[tilespmem:s7+$0x40] =	vst v15  }
0x68: {  	v18 =	vld [tilespmem:s10+$0xFFFFFF80];
	[tilespmem:s7+$0xFFFFFFB0] =	vst v14  }
0x69: {  	v11 =	vld [tilespmem:s10+$0x0];
	[tilespmem:s7+$0xFFFFFFC0] =	vst v13;
	s7 =	smov.u32 s10  }
0x6a: {  	v8 =	vld.idx.msk [tilespmem:v8+s22+$0x0], $0xffff  }
0x6b: {  	v22 =	vld [tilespmem:s10+$0xFFFFFFA0]  }
0x6c: {  	v10 =	vld [tilespmem:s10+$0xFFFFFFD0]  }
.Ltmp5:
0x6d: {  	v16 =	vld [tilespmem:s10+$0xFFFFFF90];
	(pc) =	sbr.rel @p0 .LBB2_4-.Ltmp5, $4  }
0x6e: {  	v14 =	vld [tilespmem:s10+$0xFFFFFFB0]  }
0x6f: {  	v15 =	vld [tilespmem:s10+$0x40]  }
0x70: {  	v19 =	vmul.f32 v18, v8;
	v21 =	vmul.f32 v17, v8;
	v13 =	vld [tilespmem:s10+$0xFFFFFFC0]  }
0x71: {  	v20 =	vmul.f32 v20, v8;
	v17 =	vmul.f32 v22, v8;
	v18 =	vld [tilespmem:s10+$0xFFFFFFE0]  }
0x72: {  	[tilespmem:s7+$0x70] =	vst v21  }
0x73: {  	[tilespmem:s7+$0xFFFFFF80] =	vst v19  }
0x74: {  	v12 =	vmul.f32 v12, v8;
	[tilespmem:s7+$0x50] =	vst v20  }
0x75: {  	v9 =	vmul.f32 v9, v8;
	[tilespmem:s7+$0xFFFFFFA0] =	vst v17  }
0x76: {  	v11 =	vmul.f32 v11, v8;
	[tilespmem:s7+$0x30] =	vst v12  }
0x77: {  	v6 =	vmul.f32 v6, v8;
	[tilespmem:s7+$0x10] =	vst v9  }
0x78: {  	v7 =	vmul.f32 v7, v8;
	[tilespmem:s7+$0x0] =	vst v11  }
0x79: {  	v63 =	vmul.f32 v10, v8;
	[tilespmem:s7+$0x60] =	vst v6  }
0x7a: {  	v5 =	vmul.f32 v5, v8;
	[tilespmem:s7+$0x20] =	vst v7  }
0x7b: {  	v6 =	vmul.f32 v16, v8;
	[tilespmem:s7+$0xFFFFFFD0] =	vst v63  }
0x7c: {  	v7 =	vmul.f32 v15, v8;
	[tilespmem:s7+$0xFFFFFFF0] =	vst v5  }
0x7d: {  	v5 =	vmul.f32 v13, v8;
	[tilespmem:s7+$0xFFFFFF90] =	vst v6  }
0x7e: {  	v62 =	vmul.f32 v18, v8;
	[tilespmem:s7+$0x40] =	vst v7  }
0x7f: {  	v6 =	vmul.f32 v14, v8;
	[tilespmem:s7+$0xFFFFFFC0] =	vst v5  }
0x80: {  	[tilespmem:s7+$0xFFFFFFE0] =	vst v62  }
.Ltmp6:
0x81: {  	s21 =	simm.s32 $0x10;
	s8 =	simm.s32 $0xABC0;
	[tilespmem:s7+$0xFFFFFFB0] =	vst v6;
	(pc) =	sbr.rel .LBB2_6-.Ltmp6, $4  }
0x82: {  	[spmem:s3] =	stream.indirect.scatter [tilespmem:s23], [sflag:$0x6], $0x100, s8, s21, $0xb8;
	[tilespmem:$0x1F7D0] =	vst v63  }
0x83: {  	_ =	swait.ge [sflag:s16], $0x1000  }
0x84: {  	[sflag:s16] =	ssyncset.done $0x0  }
0x85: {  	[sflag:s16] =	ssyncadd.s32 $0xFFFFF000  }
.LBB2_7:
.Ltmp7:
0x86: {  	(pc) =	sbr.rel .LBB2_8-.Ltmp7, $3  }
0x87: {  	_ =	sdelay $0x1  }
0x88: {  	[bflag:$0x0] =	sbarrier.arrive $0xFFFF  }
0x89: {  	s14 =	simm.s32 $0x0  }
.LBB2_17:
0x8a: {  	s7 =	simm.s32 @!p0 $0x4  }
0x8b: {  	_ =	swait.ge @!p0 [sflag:s7], $0x2000  }
0x8c: {  	[sflag:s7] =	ssyncset.done @!p0 $0x0  }
0x8d: {  	[sflag:s7] =	ssyncadd.s32 @!p0 $0xFFFFE000  }
0x8e: {  	_ =	swait.ge [sflag:s15], $0x80  }
0x8f: {  	[sflag:s15] =	ssyncset.done $0x0  }
0x90: {  	[sflag:s15] =	ssyncadd.s32 $0xFFFFFF80  }
0x91: {  	_ =	swait.ge [sflag:s15], $0x80  }
0x92: {  	[sflag:s15] =	ssyncset.done $0x0  }
0x93: {  	[sflag:s15] =	ssyncadd.s32 $0xFFFFFF80  }
0x94: {  	_ =	swait.ge [sflag:s15], $0x80  }
0x95: {  	[sflag:s15] =	ssyncset.done $0x0  }
0x96: {  	[sflag:s15] =	ssyncadd.s32 $0xFFFFFF80  }
0x97: {  	_ =	swait.ge [sflag:s15], $0x80  }
0x98: {  	[sflag:s15] =	ssyncset.done $0x0  }
0x99: {  	[sflag:s15] =	ssyncadd.s32 $0xFFFFFF80  }
0x9a: {  	_ =	swait.ge [sflag:s15], $0x80  }
0x9b: {  	[sflag:s15] =	ssyncset.done $0x0  }
0x9c: {  	[sflag:s15] =	ssyncadd.s32 $0xFFFFFF80  }
0x9d: {  	_ =	swait.ge [sflag:s15], $0x80  }
0x9e: {  	[sflag:s15] =	ssyncset.done $0x0  }
0x9f: {  	s14 =	sadd.s32 $0x1, s14;
	[sflag:s15] =	ssyncadd.s32 $0xFFFFFF80  }
0xa0: {  	p0 =	sne.s32 s14, $0xA;
	_ =	swait.ge [sflag:s15], $0x80  }
.Ltmp8:
0xa1: {  	[sflag:s15] =	ssyncset.done $0x0;
	(pc) =	sbr.rel @!p0 .LBB2_18-.Ltmp8, $4  }
0xa2: {  	[sflag:s15] =	ssyncadd.s32 $0xFFFFFF80  }
0xa3: {  	_ =	swait.ge [sflag:s15], $0x80  }
0xa4: {  	[sflag:s15] =	ssyncset.done $0x0  }
0xa5: {  	[sflag:s15] =	ssyncadd.s32 $0xFFFFFF80  }
.LBB2_8:
0xa6: {  	s7 =	sshll.u32 s14, $0xA;
	s8 =	rddreg [dreg:$0x9]  }
0xa7: {  	s7 =	sadd.s32 s8, s7  }
0xa8: {  	s18 =	rddreg [dreg:$0x6];
	s7 =	sshrl.u32 s7, $0x3  }
0xa9: {  	s10 =	simm.s32 $0x4E40;
	s11 =	simm.s32 $0x0;
	s8 =	sadd.s32 s18, s7  }
0xaa: {  	[tilespmem:s10], [sflag:$0x6] =	stream.linear.gather [hbm4b:s8+s11], $0x400, $0x38;
	[tilespmem:$0x1F7D0] =	vst v63  }
0xab: {  	_ =	swait.ge [sflag:s16], $0x400  }
0xac: {  	[sflag:s16] =	ssyncset.done $0x0;
	s19 =	rddreg [dreg:$0x7]  }
0xad: {  	s20 =	simm.s32 $0x5240;
	[sflag:s16] =	ssyncadd.s32 $0xFFFFFC00;
	s7 =	sadd.s32 s19, s7  }
0xae: {  	[tilespmem:s20], [sflag:$0x6] =	stream.linear.gather [hbm4b:s7+s11], $0x400, $0x38;
	[tilespmem:$0x1F7D0] =	vst v63  }
0xaf: {  	_ =	swait.ge [sflag:s16], $0x400  }
0xb0: {  	[sflag:s16] =	ssyncset.done $0x0  }
0xb1: {  	s21 =	simm.s32 $0x0;
	[sflag:s16] =	ssyncadd.s32 $0xFFFFFC00  }
0xb2: {  	v7 =	vld [tilespmem:s21+$0x4E40]  }
0xb3: {  	v5 =	vld [tilespmem:s21+$0x5240];
	_ =	sdelay $0x4  }
0xb4: {  	v6 =	vsub.s32 v5, v0  }
0xb5: {  	vm1 =	vlt.u32 v6, $0x1388  }
0xb6: {  	v8 =	vmpcnt.ones.xlane vm1  }
0xb7: {  	v9 =	vld.idx.msk [tilespmem:v7+s4+$0x0], $0xffff  }
0xb8: {  	v5 =	vld.idx.msk [tilespmem:v5+s17+$0x0], $0xffff;
	v8 =	vxor.u32 $0x80000000, v8  }
0xb9: {  	(xrf0) =	vmax.scan.msk.u32 $0xffff, v8;
	_ =	sdelay $0x3  }
0xba: {  	v5 =	vadd.f32 v5, v9;
	_ =	sdelay $0x1  }
0xbb: {  	v8 =	vmul.f32 $2.000000030e-01, v5;
	v63, _, _ =	vpop (xrf0)  }
0xbc: {  	vm2 =	vgt.f32 v5, $0.0e+00;
	(v2sf) =	vpush v63, $0xF  }
0xbd: {  	v5 =	vsel vm2, v5, v8  }
0xbe: {  	v5 =	vmul.f32 $1.442695020e+00, v5;
	_ =	sdelay $0x1  }
0xbf: {  	(erf) = vpow2.f32 v5;
	_ =	sdelay $0x8  }
0xc0: {  	v6 =	vmin.u32 v6, $0x1388;
	v5 =	vpop (erf)  }
0xc1: {  	[tilespmem:s21+$0x6730] =	vst v6;
	v5 =	vnsel vm1, $0x0, v5  }
0xc2: {  	[tilespmem:s21+$0x6330] =	vst v5;
	s23 =	spop (v2sf)  }
0xc3: {  	s8 =	simm.s32 $0x0;
	s7 =	simm.s32 $0x40;
	[tilespmem:s11+$0x5640] =	vst.msk vm1, v7;
	s10 =	sadd.s32 $0x0, s23  }
.LBB2_9:
0xc4: {  	p0 =	sne.s32 s7, $0xFC0  }
0xc5: {  	[tilespmem:s8+$0x5A90] =	vst.msk vm1, v6;
	s10 =	sadd.s32 $0x80000000, s10;
	s11 =	smov.u32 s7;
	s7 =	sadd.s32 $0x40, s7  }
0xc6: {  	s11 =	sshra.s32 s11, $0x2;
	[tilespmem:s8+$0x5EE0] =	vst.msk vm1, v5;
	s8 =	smov.u32 s10  }
0xc7: {  	v7 =	vld [tilespmem:s11+$0x4E40]  }
0xc8: {  	v5 =	vld [tilespmem:s11+$0x5240];
	_ =	sdelay $0x4  }
0xc9: {  	v6 =	vsub.s32 v5, v0  }
0xca: {  	vm1 =	vlt.u32 v6, $0x1388  }
0xcb: {  	v8 =	vld.idx.msk [tilespmem:v7+s4+$0x0], $0xffff;
	v9 =	vmpcnt.ones.xlane vm1  }
0xcc: {  	v5 =	vld.idx.msk [tilespmem:v5+s17+$0x0], $0xffff  }
0xcd: {  	v9 =	vxor.u32 $0x80000000, v9  }
0xce: {  	(xrf0) =	vmax.scan.msk.u32 $0xffff, v9;
	_ =	sdelay $0x3  }
0xcf: {  	v5 =	vadd.f32 v5, v8;
	_ =	sdelay $0x1  }
0xd0: {  	vm2 =	vgt.f32 v5, $0.0e+00;
	v8 =	vmul.f32 $2.000000030e-01, v5;
	v9, _, _ =	vpop (xrf0)  }
0xd1: {  	(v2sf) =	vpush v9, $0xF  }
0xd2: {  	v5 =	vsel vm2, v5, v8  }
0xd3: {  	v5 =	vmul.f32 $1.442695020e+00, v5;
	_ =	sdelay $0x1  }
0xd4: {  	(erf) = vpow2.f32 v5;
	_ =	sdelay $0x7  }
.Ltmp9:
0xd5: {  	(pc) =	sbr.rel @p0 .LBB2_9-.Ltmp9, $4  }
0xd6: {  	v6 =	vmin.u32 v6, $0x1388;
	v5 =	vpop (erf)  }
0xd7: {  	v5 =	vnsel vm1, $0x0, v5;
	[tilespmem:s11+$0x6730] =	vst v6  }
0xd8: {  	[tilespmem:s11+$0x6330] =	vst v5;
	s11 =	spop (v2sf)  }
0xd9: {  	[tilespmem:s10+$0x5640] =	vst.msk vm1, v7;
	s10 =	sadd.s32 s11, s10  }
0xda: {  	[tilespmem:s8+$0x5A90] =	vst.msk vm1, v6  }
0xdb: {  	s7 =	sadd.s32 $0x80000000, s10;
	[tilespmem:s8+$0x5EE0] =	vst.msk vm1, v5  }
0xdc: {  	[tilespmem:s7+$0x5640] =	vst v2  }
0xdd: {  	[tilespmem:s7+$0x5A90] =	vst v3  }
0xde: {  	[tilespmem:s7+$0x5EE0] =	vst v4  }
0xdf: {  	[tilespmem:s7+$0x5650] =	vst v2  }
0xe0: {  	[tilespmem:s7+$0x5AA0] =	vst v3  }
0xe1: {  	[tilespmem:s7+$0x5EF0] =	vst v4  }
0xe2: {  	[tilespmem:s7+$0x5660] =	vst v2  }
0xe3: {  	[tilespmem:s7+$0x5AB0] =	vst v3  }
0xe4: {  	[tilespmem:s7+$0x5F00] =	vst v4  }
0xe5: {  	[tilespmem:s7+$0x5670] =	vst v2  }
0xe6: {  	[tilespmem:s7+$0x5AC0] =	vst v3  }
0xe7: {  	[tilespmem:s7+$0x5F10] =	vst v4  }
0xe8: {  	[tilespmem:s7+$0x5680] =	vst v2  }
0xe9: {  	[tilespmem:s7+$0x5AD0] =	vst v3  }
0xea: {  	s21 =	simm.s32 $0x6730;
	s23 =	simm.s32 $0x6330;
	[tilespmem:s7+$0x5F20] =	vst v4  }
0xeb: {  	[spmem:s2] =	stream.indirect.scatter.add.f32 [tilespmem:s23], [sflag:$0x5], $0x1, s21, s25, $0xb8;
	[tilespmem:$0x1F7D0] =	vst v63  }
0xec: {  	s10 =	simm.s32 $0x67B0;
	s11 =	simm.s32 $0x63B0  }
0xed: {  	[spmem:s2] =	stream.indirect.scatter.add.f32 [tilespmem:s11], [sflag:$0x5], $0x1, s10, s25, $0xb8;
	[tilespmem:$0x1F7D0] =	vst v63  }
0xee: {  	s13 =	simm.s32 $0x6830;
	s18 =	simm.s32 $0x6430  }
0xef: {  	[spmem:s2] =	stream.indirect.scatter.add.f32 [tilespmem:s18], [sflag:$0x5], $0x1, s13, s25, $0xb8;
	[tilespmem:$0x1F7D0] =	vst v63  }
0xf0: {  	s19 =	simm.s32 $0x68B0;
	s20 =	simm.s32 $0x64B0;
	s21 =	simm.s32 $0x6930  }
0xf1: {  	[spmem:s2] =	stream.indirect.scatter.add.f32 [tilespmem:s20], [sflag:$0x5], $0x1, s19, s25, $0xb8;
	[tilespmem:$0x1F7D0] =	vst v63  }
0xf2: {  	s23 =	simm.s32 $0x6530;
	s11 =	simm.s32 $0x69B0;
	s20 =	sadd.s32 $0x3F, s7  }
0xf3: {  	[spmem:s2] =	stream.indirect.scatter.add.f32 [tilespmem:s23], [sflag:$0x5], $0x1, s21, s25, $0xb8;
	[tilespmem:$0x1F7D0] =	vst v63  }
0xf4: {  	s13 =	simm.s32 $0x65B0;
	s7 =	sshra.s32 s20, $0x5;
	s20 =	sshra.s32 s20, $0x6  }
0xf5: {  	[spmem:s2] =	stream.indirect.scatter.add.f32 [tilespmem:s13], [sflag:$0x5], $0x1, s11, s25, $0xb8;
	[tilespmem:$0x1F7D0] =	vst v63  }
0xf6: {  	s18 =	simm.s32 $0x6A30;
	s19 =	simm.s32 $0x6630;
	p1 =	slt.s32 s20, $0x1  }
0xf7: {  	[spmem:s2] =	stream.indirect.scatter.add.f32 [tilespmem:s19], [sflag:$0x5], $0x1, s18, s25, $0xb8;
	[tilespmem:$0x1F7D0] =	vst v63  }
.Ltmp10:
0xf8: {  	_ = 	snop;
	(pc) =	sbr.rel @p1 .LBB2_17-.Ltmp10, $4  }
0xf9: {  	s21 =	simm.s32 $0x6AB0;
	s23 =	simm.s32 $0x66B0;
	p0 =	slt.s32 s7, $0x2  }
0xfa: {  	[spmem:s2] =	stream.indirect.scatter.add.f32 [tilespmem:s23], [sflag:$0x5], $0x1, s21, s25, $0xb8;
	[tilespmem:$0x1F7D0] =	vst v63  }
0xfb: {  	s10 =	simm.s32 @!p0 $0x20;
	s11 =	simm.s32 @!p0 $0x5640;
	s18 =	simm.s32 @!p0 $0x6BB0  }
0xfc: {  	[tilespmem:s18], [sflag:$0x1] =	stream.indirect.gather @!p0 [hbm4b:s1+s10], $0x100, s11, s10, $0xb8;
	[tilespmem:$0x1F7D0] =	vst v63  }
0xfd: {  	s21 =	sand.u32 $0xFFFFFFFE, s7;
	s23 =	simm.s32 $0x0;
	s18 =	simm.s32 $0x0  }
.LBB2_12:
0xfe: {  	s8 =	sshll.u32 s18, $0x1;
	p1 =	seq.s32 s18, $0x0  }
0xff: {  	s10 =	simm.s32 @!p1 $0x4;
	s7 =	sor.u32 $0x1, s8  }
0x100: {  	_ =	swait.ge @!p1 [sflag:s10], $0x2000;
	p2 =	sge.s32 s7, s21  }
0x101: {  	[sflag:s10] =	ssyncset.done @!p1 $0x0;
	s11 =	sshll.u32 @!p2 s7, $0x7  }
0x102: {  	[sflag:s10] =	ssyncadd.s32 @!p1 $0xFFFFE000;
	s10 =	sshra.s32 @!p2 s11, $0x2  }
0x103: {  	s19 =	simm.s32 @!p2 $0x8BB0;
	s11 =	simm.s32 @!p2 $0x20;
	s10 =	sadd.s32 @!p2 $0x5640, s10  }
0x104: {  	[tilespmem:s19], [sflag:$0x2] =	stream.indirect.gather @!p2 [hbm4b:s1+s11], $0x100, s10, s11, $0xb8;
	[tilespmem:$0x1F7D0] =	vst v63  }
0x105: {  	_ =	swait.ge [sflag:s24], $0x2000  }
0x106: {  	[sflag:s24] =	ssyncset.done $0x0  }
0x107: {  	s19 =	sshll.u32 s18, $0x6;
	[sflag:s24] =	ssyncadd.s32 $0xFFFFE000  }
0x108: {  	v5 =	vld [tilespmem:s19+$0x5EE0];
	_ =	sdelay $0x4  }
0x109: {  	[tilespmem:$0x6B30] =	vst v5  }
0x10a: {  	v5 =	vld [tilespmem:s19+$0x5EF0];
	_ =	sdelay $0x4  }
0x10b: {  	[tilespmem:$0x6B40] =	vst v5  }
0x10c: {  	v5 =	vld [tilespmem:s19+$0x5A90];
	_ =	sdelay $0x4  }
0x10d: {  	[tilespmem:$0x6B70] =	vst v5  }
0x10e: {  	v5 =	vld [tilespmem:s19+$0x5AA0];
	_ =	sdelay $0x4  }
0x10f: {  	s10 =	simm.s32 $0x6C30;
	[tilespmem:$0x6B80] =	vst v5  }
0x110: {  	v5 =	vld [tilespmem:s10+$0xFFFFFFF0]  }
0x111: {  	v17 =	vld [tilespmem:s10+$0x70]  }
0x112: {  	v6 =	vld [tilespmem:s10+$0x60]  }
0x113: {  	v7 =	vld [tilespmem:s10+$0x20]  }
0x114: {  	v8 =	vmov s23;
	v9 =	vld [tilespmem:s10+$0x10]  }
0x115: {  	v12 =	vld [tilespmem:s10+$0x30]  }
0x116: {  	v20 =	vld [tilespmem:s10+$0x50]  }
0x117: {  	v13 =	vld [tilespmem:s10+$0xFFFFFF80]  }
0x118: {  	v11 =	vld [tilespmem:s10+$0x0]  }
0x119: {  	v8 =	vld.idx.msk [tilespmem:v8+s26+$0x0], $0xffff  }
0x11a: {  	v18 =	vld [tilespmem:s10+$0xFFFFFFA0]  }
0x11b: {  	v10 =	vld [tilespmem:s10+$0xFFFFFFD0]  }
0x11c: {  	v16 =	vld [tilespmem:s10+$0xFFFFFF90]  }
0x11d: {  	v14 =	vld [tilespmem:s10+$0xFFFFFFB0]  }
0x11e: {  	v15 =	vld [tilespmem:s10+$0x40]  }
0x11f: {  	v19 =	vmul.f32 v13, v8;
	v13 =	vld [tilespmem:s10+$0xFFFFFFC0];
	v21 =	vmul.f32 v17, v8  }
0x120: {  	s11 =	simm.s32 $0x1;
	s19 =	simm.s32 $0x6C30;
	v17 =	vmul.f32 v18, v8;
	v18 =	vld [tilespmem:s10+$0xFFFFFFE0];
	v20 =	vmul.f32 v20, v8  }
.LBB2_13:
0x121: {  	p1 =	sne.s32 s11, $0x1F  }
0x122: {  	v16 =	vmul.f32 v16, v8;
	v12 =	vmul.f32 v12, v8;
	[tilespmem:s10+$0x70] =	vst v21;
	s19 =	sadd.s32 $0x100, s19;
	s13 =	smov.u32 s11;
	s11 =	sadd.s32 $0x1, s11  }
0x123: {  	v9 =	vmul.f32 v9, v8;
	[tilespmem:s10+$0xFFFFFF80] =	vst v19;
	v14 =	vmul.f32 v14, v8  }
0x124: {  	v11 =	vmul.f32 v11, v8;
	v15 =	vmul.f32 v15, v8;
	[tilespmem:s10+$0x50] =	vst v20  }
0x125: {  	v10 =	vmul.f32 v10, v8;
	v13 =	vmul.f32 v13, v8;
	[tilespmem:s10+$0x30] =	vst v12  }
0x126: {  	v12 =	vmul.f32 v18, v8;
	v18 =	vmul.f32 v5, v8;
	[tilespmem:s10+$0x10] =	vst v9  }
0x127: {  	v7 =	vmul.f32 v7, v8;
	v6 =	vmul.f32 v6, v8;
	[tilespmem:s10+$0xFFFFFFA0] =	vst v17  }
0x128: {  	[tilespmem:s10+$0x0] =	vst v11  }
0x129: {  	v5 =	vld [tilespmem:s19+$0xFFFFFFF0];
	[tilespmem:s10+$0xFFFFFFE0] =	vst v12  }
0x12a: {  	v17 =	vld [tilespmem:s19+$0x70];
	[tilespmem:s10+$0x60] =	vst v6  }
0x12b: {  	v6 =	vld [tilespmem:s19+$0x60];
	[tilespmem:s10+$0x20] =	vst v7  }
0x12c: {  	v7 =	vld [tilespmem:s19+$0x20];
	[tilespmem:s10+$0xFFFFFFD0] =	vst v10  }
0x12d: {  	v8 =	vmov s13;
	v9 =	vld [tilespmem:s19+$0x10];
	[tilespmem:s10+$0xFFFFFF90] =	vst v16  }
0x12e: {  	v12 =	vld [tilespmem:s19+$0x30];
	[tilespmem:s10+$0xFFFFFFF0] =	vst v18  }
0x12f: {  	v20 =	vld [tilespmem:s19+$0x50];
	[tilespmem:s10+$0x40] =	vst v15  }
0x130: {  	v18 =	vld [tilespmem:s19+$0xFFFFFF80];
	[tilespmem:s10+$0xFFFFFFB0] =	vst v14  }
0x131: {  	v11 =	vld [tilespmem:s19+$0x0];
	[tilespmem:s10+$0xFFFFFFC0] =	vst v13;
	s10 =	smov.u32 s19  }
0x132: {  	v8 =	vld.idx.msk [tilespmem:v8+s26+$0x0], $0xffff  }
0x133: {  	v22 =	vld [tilespmem:s19+$0xFFFFFFA0]  }
0x134: {  	v10 =	vld [tilespmem:s19+$0xFFFFFFD0]  }
.Ltmp11:
0x135: {  	v16 =	vld [tilespmem:s19+$0xFFFFFF90];
	(pc) =	sbr.rel @p1 .LBB2_13-.Ltmp11, $4  }
0x136: {  	v14 =	vld [tilespmem:s19+$0xFFFFFFB0]  }
0x137: {  	v15 =	vld [tilespmem:s19+$0x40]  }
0x138: {  	v19 =	vmul.f32 v18, v8;
	v21 =	vmul.f32 v17, v8;
	v13 =	vld [tilespmem:s19+$0xFFFFFFC0]  }
0x139: {  	v20 =	vmul.f32 v20, v8;
	v17 =	vmul.f32 v22, v8;
	v18 =	vld [tilespmem:s19+$0xFFFFFFE0]  }
0x13a: {  	[tilespmem:s10+$0x70] =	vst v21  }
0x13b: {  	[tilespmem:s10+$0xFFFFFF80] =	vst v19  }
0x13c: {  	v12 =	vmul.f32 v12, v8;
	[tilespmem:s10+$0x50] =	vst v20  }
0x13d: {  	v9 =	vmul.f32 v9, v8;
	[tilespmem:s10+$0xFFFFFFA0] =	vst v17  }
0x13e: {  	v11 =	vmul.f32 v11, v8;
	[tilespmem:s10+$0x30] =	vst v12  }
0x13f: {  	v6 =	vmul.f32 v6, v8;
	[tilespmem:s10+$0x10] =	vst v9  }
0x140: {  	v7 =	vmul.f32 v7, v8;
	[tilespmem:s10+$0x0] =	vst v11  }
0x141: {  	v5 =	vmul.f32 v5, v8;
	[tilespmem:s10+$0x60] =	vst v6  }
0x142: {  	v6 =	vmul.f32 v16, v8;
	[tilespmem:s10+$0x20] =	vst v7  }
0x143: {  	v7 =	vmul.f32 v15, v8;
	[tilespmem:s10+$0xFFFFFFF0] =	vst v5  }
0x144: {  	v5 =	vmul.f32 v13, v8;
	[tilespmem:s10+$0xFFFFFF90] =	vst v6  }
0x145: {  	v9 =	vmul.f32 v18, v8;
	[tilespmem:s10+$0x40] =	vst v7  }
0x146: {  	v6 =	vmul.f32 v14, v8;
	[tilespmem:s10+$0xFFFFFFC0] =	vst v5  }
0x147: {  	[tilespmem:s10+$0xFFFFFFE0] =	vst v9;
	v9 =	vmul.f32 v10, v8  }
0x148: {  	s8 =	sadd.s32 $0x2, s8;
	[tilespmem:s10+$0xFFFFFFB0] =	vst v6  }
0x149: {  	p1 =	sge.s32 s8, s21;
	[tilespmem:s10+$0xFFFFFFD0] =	vst v9  }
0x14a: {  	[spmem:s3] =	stream.indirect.scatter.add.f32 [tilespmem:s30], [sflag:$0x3], $0x100, s29, s28, $0xb8;
	[tilespmem:$0x1F7D0] =	vst v63  }
0x14b: {  	s8 =	sshll.u32 @!p1 s8, $0x7;
	_ =	swait.ge [sflag:s31], $0x2000  }
0x14c: {  	s11 =	simm.s32 @!p1 $0x6BB0;
	s8 =	sshra.s32 @!p1 s8, $0x2;
	[sflag:s31] =	ssyncset.done $0x0  }
0x14d: {  	s8 =	sadd.s32 @!p1 $0x5640, s8;
	s10 =	simm.s32 @!p1 $0x20;
	[sflag:s31] =	ssyncadd.s32 $0xFFFFE000  }
0x14e: {  	[tilespmem:s11], [sflag:$0x1] =	stream.indirect.gather @!p1 [hbm4b:s1+s10], $0x100, s8, s10, $0xb8;
	[tilespmem:$0x1F7D0] =	vst v63  }
0x14f: {  	_ =	swait.ge [sflag:s0], $0x2000  }
0x150: {  	[sflag:s0] =	ssyncset.done $0x0  }
0x151: {  	s7 =	sshll.u32 s7, $0x5;
	[sflag:s0] =	ssyncadd.s32 $0xFFFFE000  }
0x152: {  	v5 =	vld [tilespmem:s7+$0x5EE0];
	_ =	sdelay $0x4  }
0x153: {  	[tilespmem:$0x6B50] =	vst v5  }
0x154: {  	v5 =	vld [tilespmem:s7+$0x5EF0];
	_ =	sdelay $0x4  }
0x155: {  	[tilespmem:$0x6B60] =	vst v5  }
0x156: {  	v5 =	vld [tilespmem:s7+$0x5A90];
	_ =	sdelay $0x4  }
0x157: {  	[tilespmem:$0x6B90] =	vst v5  }
0x158: {  	v5 =	vld [tilespmem:s7+$0x5AA0];
	_ =	sdelay $0x4  }
0x159: {  	s7 =	simm.s32 $0x8C30;
	[tilespmem:$0x6BA0] =	vst v5  }
0x15a: {  	v5 =	vld [tilespmem:s7+$0xFFFFFFF0]  }
0x15b: {  	v17 =	vld [tilespmem:s7+$0x70]  }
0x15c: {  	v6 =	vld [tilespmem:s7+$0x60]  }
0x15d: {  	s19 =	simm.s32 $0x0;
	v7 =	vld [tilespmem:s7+$0x20]  }
0x15e: {  	v8 =	vmov s19;
	v9 =	vld [tilespmem:s7+$0x10]  }
0x15f: {  	v12 =	vld [tilespmem:s7+$0x30]  }
0x160: {  	v20 =	vld [tilespmem:s7+$0x50]  }
0x161: {  	v13 =	vld [tilespmem:s7+$0xFFFFFF80]  }
0x162: {  	v11 =	vld [tilespmem:s7+$0x0]  }
0x163: {  	v8 =	vld.idx.msk [tilespmem:v8+s6+$0x0], $0xffff  }
0x164: {  	v18 =	vld [tilespmem:s7+$0xFFFFFFA0]  }
0x165: {  	v10 =	vld [tilespmem:s7+$0xFFFFFFD0]  }
0x166: {  	v16 =	vld [tilespmem:s7+$0xFFFFFF90]  }
0x167: {  	v14 =	vld [tilespmem:s7+$0xFFFFFFB0]  }
0x168: {  	v15 =	vld [tilespmem:s7+$0x40]  }
0x169: {  	v19 =	vmul.f32 v13, v8;
	v13 =	vld [tilespmem:s7+$0xFFFFFFC0];
	v21 =	vmul.f32 v17, v8  }
0x16a: {  	s8 =	simm.s32 $0x1;
	s10 =	simm.s32 $0x8C30;
	v17 =	vmul.f32 v18, v8;
	v18 =	vld [tilespmem:s7+$0xFFFFFFE0];
	v20 =	vmul.f32 v20, v8  }
.LBB2_15:
0x16b: {  	p1 =	sne.s32 s8, $0x1F  }
0x16c: {  	v16 =	vmul.f32 v16, v8;
	v12 =	vmul.f32 v12, v8;
	[tilespmem:s7+$0x70] =	vst v21;
	s10 =	sadd.s32 $0x100, s10;
	s11 =	smov.u32 s8;
	s8 =	sadd.s32 $0x1, s8  }
0x16d: {  	v9 =	vmul.f32 v9, v8;
	[tilespmem:s7+$0xFFFFFF80] =	vst v19;
	v14 =	vmul.f32 v14, v8  }
0x16e: {  	v11 =	vmul.f32 v11, v8;
	v15 =	vmul.f32 v15, v8;
	[tilespmem:s7+$0x50] =	vst v20  }
0x16f: {  	v10 =	vmul.f32 v10, v8;
	v13 =	vmul.f32 v13, v8;
	[tilespmem:s7+$0x30] =	vst v12  }
0x170: {  	v12 =	vmul.f32 v18, v8;
	v18 =	vmul.f32 v5, v8;
	[tilespmem:s7+$0x10] =	vst v9  }
0x171: {  	v7 =	vmul.f32 v7, v8;
	v6 =	vmul.f32 v6, v8;
	[tilespmem:s7+$0xFFFFFFA0] =	vst v17  }
0x172: {  	[tilespmem:s7+$0x0] =	vst v11  }
0x173: {  	v5 =	vld [tilespmem:s10+$0xFFFFFFF0];
	[tilespmem:s7+$0xFFFFFFE0] =	vst v12  }
0x174: {  	v17 =	vld [tilespmem:s10+$0x70];
	[tilespmem:s7+$0x60] =	vst v6  }
0x175: {  	v6 =	vld [tilespmem:s10+$0x60];
	[tilespmem:s7+$0x20] =	vst v7  }
0x176: {  	v7 =	vld [tilespmem:s10+$0x20];
	[tilespmem:s7+$0xFFFFFFD0] =	vst v10  }
0x177: {  	v8 =	vmov s11;
	v9 =	vld [tilespmem:s10+$0x10];
	[tilespmem:s7+$0xFFFFFF90] =	vst v16  }
0x178: {  	v12 =	vld [tilespmem:s10+$0x30];
	[tilespmem:s7+$0xFFFFFFF0] =	vst v18  }
0x179: {  	v20 =	vld [tilespmem:s10+$0x50];
	[tilespmem:s7+$0x40] =	vst v15  }
0x17a: {  	v18 =	vld [tilespmem:s10+$0xFFFFFF80];
	[tilespmem:s7+$0xFFFFFFB0] =	vst v14  }
0x17b: {  	v11 =	vld [tilespmem:s10+$0x0];
	[tilespmem:s7+$0xFFFFFFC0] =	vst v13;
	s7 =	smov.u32 s10  }
0x17c: {  	v8 =	vld.idx.msk [tilespmem:v8+s6+$0x0], $0xffff  }
0x17d: {  	v22 =	vld [tilespmem:s10+$0xFFFFFFA0]  }
0x17e: {  	v10 =	vld [tilespmem:s10+$0xFFFFFFD0]  }
.Ltmp12:
0x17f: {  	v16 =	vld [tilespmem:s10+$0xFFFFFF90];
	(pc) =	sbr.rel @p1 .LBB2_15-.Ltmp12, $4  }
0x180: {  	v14 =	vld [tilespmem:s10+$0xFFFFFFB0]  }
0x181: {  	v15 =	vld [tilespmem:s10+$0x40]  }
0x182: {  	v19 =	vmul.f32 v18, v8;
	v21 =	vmul.f32 v17, v8;
	v13 =	vld [tilespmem:s10+$0xFFFFFFC0]  }
0x183: {  	v20 =	vmul.f32 v20, v8;
	v17 =	vmul.f32 v22, v8;
	v18 =	vld [tilespmem:s10+$0xFFFFFFE0]  }
0x184: {  	[tilespmem:s7+$0x70] =	vst v21  }
0x185: {  	[tilespmem:s7+$0xFFFFFF80] =	vst v19  }
0x186: {  	v12 =	vmul.f32 v12, v8;
	[tilespmem:s7+$0x50] =	vst v20  }
0x187: {  	v9 =	vmul.f32 v9, v8;
	[tilespmem:s7+$0xFFFFFFA0] =	vst v17  }
0x188: {  	v11 =	vmul.f32 v11, v8;
	[tilespmem:s7+$0x30] =	vst v12  }
0x189: {  	v6 =	vmul.f32 v6, v8;
	[tilespmem:s7+$0x10] =	vst v9  }
0x18a: {  	v7 =	vmul.f32 v7, v8;
	[tilespmem:s7+$0x0] =	vst v11  }
0x18b: {  	v63 =	vmul.f32 v10, v8;
	[tilespmem:s7+$0x60] =	vst v6  }
0x18c: {  	v5 =	vmul.f32 v5, v8;
	[tilespmem:s7+$0x20] =	vst v7  }
0x18d: {  	v6 =	vmul.f32 v16, v8;
	[tilespmem:s7+$0xFFFFFFD0] =	vst v63  }
0x18e: {  	s18 =	sadd.s32 $0x1, s18;
	v7 =	vmul.f32 v15, v8;
	[tilespmem:s7+$0xFFFFFFF0] =	vst v5  }
0x18f: {  	p1 =	sne.s32 s18, s20;
	v5 =	vmul.f32 v13, v8;
	[tilespmem:s7+$0xFFFFFF90] =	vst v6  }
.Ltmp13:
0x190: {  	v62 =	vmul.f32 v18, v8;
	[tilespmem:s7+$0x40] =	vst v7;
	(pc) =	sbr.rel @p1 .LBB2_12-.Ltmp13, $4  }
.Ltmp14:
0x191: {  	v6 =	vmul.f32 v14, v8;
	[tilespmem:s7+$0xFFFFFFC0] =	vst v5;
	(pc) =	sbr.rel @!p1 .LBB2_17-.Ltmp14, $4  }
0x192: {  	[tilespmem:s7+$0xFFFFFFE0] =	vst v62  }
0x193: {  	[tilespmem:s7+$0xFFFFFFB0] =	vst v6  }
0x194: {  	[spmem:s3] =	stream.indirect.scatter.add.f32 [tilespmem:s12], [sflag:$0x4], $0x100, s9, s28, $0xb8;
	[tilespmem:$0x1F7D0] =	vst v63  }
0x195: {  	_ = 	snop  }
.LBB2_18:
0x196: {  	[bflag:$0x0] =	sbarrier.arrive $0xFFFF  }
0x197: {  	s7 =	rddreg [dreg:$0xb]  }
0x198: {  	[tilespmem:s5], [sflag:$0x6] =	stream.linear.gather [spmem:s7], $0x180, $0x38;
	[tilespmem:$0x1F7D0] =	vst v63  }
0x199: {  	_ =	swait.ge [sflag:s16], $0x180  }
0x19a: {  	[sflag:s16] =	ssyncset.done $0x0  }
0x19b: {  	[sflag:s16] =	ssyncadd.s32 $0xFFFFFE80  }
0x19c: {  	v5 =	vld [tilespmem:$0xBBD0]  }
0x19d: {  	v6 =	vld [tilespmem:$0xBBE0]  }
0x19e: {  	v7 =	vld [tilespmem:$0xBBF0]  }
0x19f: {  	v8 =	vld [tilespmem:$0xBC00]  }
0x1a0: {  	v9 =	vld [tilespmem:$0xBC10]  }
0x1a1: {  	v10 =	vld [tilespmem:$0xBC20];
	v5 =	vadd.f32 $1.000000020e-16, v5  }
0x1a2: {  	v11 =	vld [tilespmem:$0xBC30];
	v6 =	vadd.f32 $1.000000020e-16, v6  }
0x1a3: {  	(erf) = vrcp.f32 v5;
	v5 =	vadd.f32 $1.000000020e-16, v7;
	v7 =	vld [tilespmem:$0xBC40]  }
0x1a4: {  	v40 =	vld [tilespmem:$0xBC50];
	(erf) = vrcp.f32 v6;
	v6 =	vadd.f32 $1.000000020e-16, v8  }
0x1a5: {  	v41 =	vld [tilespmem:$0xBC60];
	(erf) = vrcp.f32 v5;
	v5 =	vadd.f32 $1.000000020e-16, v9  }
0x1a6: {  	v42 =	vld [tilespmem:$0xBC70];
	(erf) = vrcp.f32 v6;
	v6 =	vadd.f32 $1.000000020e-16, v10  }
0x1a7: {  	v43 =	vld [tilespmem:$0xBC80];
	(erf) = vrcp.f32 v5;
	v5 =	vadd.f32 $1.000000020e-16, v11  }
0x1a8: {  	(erf) = vrcp.f32 v6;
	v6 =	vadd.f32 $1.000000020e-16, v7;
	v7 =	vld [tilespmem:$0xBC90]  }
0x1a9: {  	v44 =	vld [tilespmem:$0xBCA0];
	(erf) = vrcp.f32 v5;
	v5 =	vadd.f32 $1.000000020e-16, v40  }
0x1aa: {  	v45 =	vld [tilespmem:$0xBCB0];
	(erf) = vrcp.f32 v6;
	v6 =	vadd.f32 $1.000000020e-16, v41  }
0x1ab: {  	v46 =	vld [tilespmem:$0xBCC0];
	(erf) = vrcp.f32 v5;
	v5 =	vadd.f32 $1.000000020e-16, v42  }
0x1ac: {  	v47 =	vld [tilespmem:$0xBCD0];
	v12 =	vpop (erf);
	(erf) = vrcp.f32 v6;
	v6 =	vadd.f32 $1.000000020e-16, v43  }
0x1ad: {  	v48 =	vpop (erf);
	(erf) = vrcp.f32 v5;
	v5 =	vadd.f32 $1.000000020e-16, v7;
	v7 =	vld [tilespmem:$0xBCE0]  }
0x1ae: {  	v50 =	vld [tilespmem:$0xBCF0];
	[tilespmem:$0xBBD0] =	vst v12;
	v49 =	vpop (erf);
	(erf) = vrcp.f32 v6;
	v6 =	vadd.f32 $1.000000020e-16, v44  }
0x1af: {  	v52 =	vld [tilespmem:$0xBD00];
	[tilespmem:$0xBBE0] =	vst v48;
	v51 =	vpop (erf);
	(erf) = vrcp.f32 v5;
	v5 =	vadd.f32 $1.000000020e-16, v45  }
0x1b0: {  	v54 =	vld [tilespmem:$0xBD10];
	[tilespmem:$0xBBF0] =	vst v49;
	v53 =	vpop (erf);
	(erf) = vrcp.f32 v6;
	v6 =	vadd.f32 $1.000000020e-16, v46  }
0x1b1: {  	v56 =	vld [tilespmem:$0xBD20];
	[tilespmem:$0xBC00] =	vst v51;
	v55 =	vpop (erf);
	(erf) = vrcp.f32 v5;
	v5 =	vadd.f32 $1.000000020e-16, v47  }
0x1b2: {  	[tilespmem:$0xBC10] =	vst v53;
	v57 =	vpop (erf);
	(erf) = vrcp.f32 v6;
	v6 =	vadd.f32 $1.000000020e-16, v7;
	v7 =	vld [tilespmem:$0xBD30]  }
0x1b3: {  	v59 =	vld [tilespmem:$0xBD40];
	[tilespmem:$0xBC20] =	vst v55;
	v58 =	vpop (erf);
	(erf) = vrcp.f32 v5;
	v5 =	vadd.f32 $1.000000020e-16, v50  }
0x1b4: {  	[tilespmem:$0xBC30] =	vst v57;
	v60 =	vpop (erf);
	(erf) = vrcp.f32 v6;
	v6 =	vadd.f32 $1.000000020e-16, v52  }
0x1b5: {  	[tilespmem:$0xBC40] =	vst v58;
	v61 =	vpop (erf);
	(erf) = vrcp.f32 v5;
	v5 =	vadd.f32 $1.000000020e-16, v54  }
0x1b6: {  	[tilespmem:$0xBC50] =	vst v60;
	v62 =	vpop (erf);
	(erf) = vrcp.f32 v6;
	v6 =	vadd.f32 $1.000000020e-16, v56  }
0x1b7: {  	[tilespmem:$0xBC60] =	vst v61;
	v63 =	vpop (erf);
	(erf) = vrcp.f32 v5;
	v5 =	vadd.f32 $1.000000020e-16, v7  }
0x1b8: {  	[tilespmem:$0xBC70] =	vst v62;
	v7 =	vpop (erf);
	(erf) = vrcp.f32 v6;
	v6 =	vadd.f32 $1.000000020e-16, v59  }
0x1b9: {  	[tilespmem:$0xBC80] =	vst v63  }
0x1ba: {  	[tilespmem:$0xBC90] =	vst v7;
	v7 =	vpop (erf);
	(erf) = vrcp.f32 v5  }
0x1bb: {  	[tilespmem:$0xBCA0] =	vst v7;
	v5 =	vpop (erf);
	(erf) = vrcp.f32 v6  }
0x1bc: {  	v6 =	vpop (erf);
	[tilespmem:$0xBCB0] =	vst v5  }
0x1bd: {  	v5 =	vpop (erf);
	[tilespmem:$0xBCC0] =	vst v6  }
0x1be: {  	v6 =	vpop (erf);
	[tilespmem:$0xBCD0] =	vst v5  }
0x1bf: {  	v5 =	vpop (erf);
	[tilespmem:$0xBCE0] =	vst v6  }
0x1c0: {  	v6 =	vpop (erf);
	[tilespmem:$0xBCF0] =	vst v5  }
.Ltmp15:
0x1c1: {  	v5 =	vpop (erf);
	[tilespmem:$0xBD00] =	vst v6;
	(pc) =	sbr.rel .LBB2_19-.Ltmp15, $4  }
0x1c2: {  	v6 =	vpop (erf);
	[tilespmem:$0xBD10] =	vst v5  }
0x1c3: {  	s19 =	rddreg [dreg:$0xa];
	v5 =	vpop (erf);
	[tilespmem:$0xBD20] =	vst v6  }
0x1c4: {  	s13 =	simm.s32 $0x0;
	s20 =	rddreg [dreg:$0xc];
	[tilespmem:$0xBD30] =	vst v5;
	v5 =	vpop (erf)  }
0x1c5: {  	s14 =	simm.s32 $0x0;
	s23 =	simm.s32 $0xABD0;
	s21 =	rddreg [dreg:$0xd];
	[tilespmem:$0xBD40] =	vst v5  }
.LBB2_23:
0x1c6: {  	s14 =	sadd.s32 $0x1, s14  }
0x1c7: {  	p0 =	sne.s32 s14, $0x18  }
.Ltmp16:
0x1c8: {  	_ = 	snop;
	(pc) =	sbr.rel @!p0 .LBB2_24-.Ltmp16, $2  }
0x1c9: {  	_ =	sdelay $0x2  }
0x1ca: {  	s13 =	sadd.s32 $0x10, s13  }
.LBB2_19:
0x1cb: {  	s7 =	sadd.s32 s19, s14  }
0x1cc: {  	p0 =	sgt.u32 s7, $0x138  }
.Ltmp17:
0x1cd: {  	_ = 	snop;
	(pc) =	sbr.rel @p0 .LBB2_23-.Ltmp17, $1  }
0x1ce: {  	_ =	sdelay $0x3  }
0x1cf: {  	s8 =	sshll.u32 s7, $0xC  }
0x1d0: {  	s8 =	sand.u32 $0x3FFFF000, s8  }
0x1d1: {  	s18 =	simm.s32 $0x7;
	s8 =	sadd.s32 s8, s3  }
0x1d2: {  	[tilespmem:s23], [sflag:$0x7] =	stream.linear.gather [spmem:s8], $0x1000, $0x38;
	[tilespmem:$0x1F7D0] =	vst v63  }
0x1d3: {  	_ =	swait.ge [sflag:s18], $0x1000  }
0x1d4: {  	[sflag:s18] =	ssyncset.done $0x0  }
0x1d5: {  	s8 =	simm.s32 $0xAC50;
	[sflag:s18] =	ssyncadd.s32 $0xFFFFF000  }
0x1d6: {  	v5 =	vld [tilespmem:s8+$0xFFFFFFF0]  }
0x1d7: {  	v17 =	vld [tilespmem:s8+$0x70]  }
0x1d8: {  	v6 =	vld [tilespmem:s8+$0x60]  }
0x1d9: {  	s10 =	sadd.s32 $0x0, s13;
	v7 =	vld [tilespmem:s8+$0x20]  }
0x1da: {  	v8 =	vmov s10;
	v9 =	vld [tilespmem:s8+$0x10]  }
0x1db: {  	v12 =	vld [tilespmem:s8+$0x30]  }
0x1dc: {  	v20 =	vld [tilespmem:s8+$0x50]  }
0x1dd: {  	v13 =	vld [tilespmem:s8+$0xFFFFFF80]  }
0x1de: {  	v11 =	vld [tilespmem:s8+$0x0]  }
0x1df: {  	v8 =	vld.idx.msk [tilespmem:v8+s5+$0x0], $0xffff  }
0x1e0: {  	v18 =	vld [tilespmem:s8+$0xFFFFFFA0]  }
0x1e1: {  	v10 =	vld [tilespmem:s8+$0xFFFFFFD0]  }
0x1e2: {  	v16 =	vld [tilespmem:s8+$0xFFFFFF90]  }
0x1e3: {  	v14 =	vld [tilespmem:s8+$0xFFFFFFB0]  }
0x1e4: {  	v15 =	vld [tilespmem:s8+$0x40]  }
0x1e5: {  	v19 =	vmul.f32 v13, v8;
	v13 =	vld [tilespmem:s8+$0xFFFFFFC0];
	v21 =	vmul.f32 v17, v8  }
0x1e6: {  	s11 =	simm.s32 $0xAC50;
	s10 =	simm.s32 $0x1;
	v17 =	vmul.f32 v18, v8;
	v18 =	vld [tilespmem:s8+$0xFFFFFFE0];
	v20 =	vmul.f32 v20, v8  }
.LBB2_21:
0x1e7: {  	p0 =	sne.s32 s10, $0xF  }
0x1e8: {  	v16 =	vmul.f32 v16, v8;
	v12 =	vmul.f32 v12, v8;
	[tilespmem:s8+$0x70] =	vst v21;
	s11 =	sadd.s32 $0x100, s11;
	s18 =	smov.u32 s10;
	s10 =	sadd.s32 $0x1, s10  }
0x1e9: {  	v9 =	vmul.f32 v9, v8;
	[tilespmem:s8+$0xFFFFFF80] =	vst v19;
	v14 =	vmul.f32 v14, v8  }
0x1ea: {  	v11 =	vmul.f32 v11, v8;
	v15 =	vmul.f32 v15, v8;
	[tilespmem:s8+$0x50] =	vst v20  }
0x1eb: {  	v10 =	vmul.f32 v10, v8;
	v13 =	vmul.f32 v13, v8;
	[tilespmem:s8+$0x30] =	vst v12  }
0x1ec: {  	v12 =	vmul.f32 v18, v8;
	v18 =	vmul.f32 v5, v8;
	[tilespmem:s8+$0x10] =	vst v9  }
0x1ed: {  	v7 =	vmul.f32 v7, v8;
	v6 =	vmul.f32 v6, v8;
	[tilespmem:s8+$0xFFFFFFA0] =	vst v17  }
0x1ee: {  	[tilespmem:s8+$0x0] =	vst v11  }
0x1ef: {  	v5 =	vld [tilespmem:s11+$0xFFFFFFF0];
	[tilespmem:s8+$0xFFFFFFE0] =	vst v12  }
0x1f0: {  	v17 =	vld [tilespmem:s11+$0x70];
	[tilespmem:s8+$0x60] =	vst v6  }
0x1f1: {  	v6 =	vld [tilespmem:s11+$0x60];
	[tilespmem:s8+$0x20] =	vst v7  }
0x1f2: {  	s18 =	sadd.s32 s18, s13;
	v7 =	vld [tilespmem:s11+$0x20];
	[tilespmem:s8+$0xFFFFFFD0] =	vst v10  }
0x1f3: {  	v8 =	vmov s18;
	v9 =	vld [tilespmem:s11+$0x10];
	[tilespmem:s8+$0xFFFFFF90] =	vst v16  }
0x1f4: {  	v12 =	vld [tilespmem:s11+$0x30];
	[tilespmem:s8+$0xFFFFFFF0] =	vst v18  }
0x1f5: {  	v20 =	vld [tilespmem:s11+$0x50];
	[tilespmem:s8+$0x40] =	vst v15  }
0x1f6: {  	v18 =	vld [tilespmem:s11+$0xFFFFFF80];
	[tilespmem:s8+$0xFFFFFFB0] =	vst v14  }
0x1f7: {  	v11 =	vld [tilespmem:s11+$0x0];
	[tilespmem:s8+$0xFFFFFFC0] =	vst v13;
	s8 =	smov.u32 s11  }
0x1f8: {  	v8 =	vld.idx.msk [tilespmem:v8+s5+$0x0], $0xffff  }
0x1f9: {  	v22 =	vld [tilespmem:s11+$0xFFFFFFA0]  }
0x1fa: {  	v10 =	vld [tilespmem:s11+$0xFFFFFFD0]  }
.Ltmp18:
0x1fb: {  	v16 =	vld [tilespmem:s11+$0xFFFFFF90];
	(pc) =	sbr.rel @p0 .LBB2_21-.Ltmp18, $4  }
0x1fc: {  	v14 =	vld [tilespmem:s11+$0xFFFFFFB0]  }
0x1fd: {  	v15 =	vld [tilespmem:s11+$0x40]  }
0x1fe: {  	v19 =	vmul.f32 v18, v8;
	v21 =	vmul.f32 v17, v8;
	v13 =	vld [tilespmem:s11+$0xFFFFFFC0]  }
0x1ff: {  	v20 =	vmul.f32 v20, v8;
	v17 =	vmul.f32 v22, v8;
	v18 =	vld [tilespmem:s11+$0xFFFFFFE0]  }
0x200: {  	[tilespmem:s8+$0x70] =	vst v21  }
0x201: {  	[tilespmem:s8+$0xFFFFFF80] =	vst v19  }
0x202: {  	v12 =	vmul.f32 v12, v8;
	[tilespmem:s8+$0x50] =	vst v20  }
0x203: {  	v9 =	vmul.f32 v9, v8;
	[tilespmem:s8+$0xFFFFFFA0] =	vst v17  }
0x204: {  	v11 =	vmul.f32 v11, v8;
	[tilespmem:s8+$0x30] =	vst v12  }
0x205: {  	v6 =	vmul.f32 v6, v8;
	[tilespmem:s8+$0x10] =	vst v9  }
0x206: {  	v7 =	vmul.f32 v7, v8;
	[tilespmem:s8+$0x0] =	vst v11  }
0x207: {  	v63 =	vmul.f32 v10, v8;
	[tilespmem:s8+$0x60] =	vst v6  }
0x208: {  	v5 =	vmul.f32 v5, v8;
	[tilespmem:s8+$0x20] =	vst v7  }
0x209: {  	v6 =	vmul.f32 v16, v8;
	[tilespmem:s8+$0xFFFFFFD0] =	vst v63  }
0x20a: {  	v7 =	vmul.f32 v15, v8;
	[tilespmem:s8+$0xFFFFFFF0] =	vst v5  }
0x20b: {  	v5 =	vmul.f32 v13, v8;
	[tilespmem:s8+$0xFFFFFF90] =	vst v6  }
0x20c: {  	v62 =	vmul.f32 v18, v8;
	[tilespmem:s8+$0x40] =	vst v7  }
0x20d: {  	v6 =	vmul.f32 v14, v8;
	[tilespmem:s8+$0xFFFFFFC0] =	vst v5  }
0x20e: {  	p0 =	seq.s32 s7, $0x138;
	[tilespmem:s8+$0xFFFFFFE0] =	vst v62  }
0x20f: {  	s10 =	simm.s32 @p0 $0xABD0;
	[tilespmem:s8+$0xFFFFFFB0] =	vst v6;
	s8 =	simm.s32 @p0 $0x0  }
0x210: {  	[hbm4b:s21+s8] =	stream.linear.scatter @p0 [tilespmem:s10], [sflag:$0x6], $0x800, $0x38;
	[tilespmem:$0x1F7D0] =	vst v63  }
0x211: {  	s8 =	simm.s32 @p0 $0x6  }
0x212: {  	s7 =	sshll.u32 @!p0 s7, $0x9;
	_ =	swait.ge @p0 [sflag:s8], $0x800  }
0x213: {  	s7 =	sadd.s32 @!p0 s7, s20;
	[sflag:s8] =	ssyncset.done @p0 $0x0  }
0x214: {  	s10 =	simm.s32 @!p0 $0xABD0;
	[sflag:s8] =	ssyncadd.s32 @p0 $0xFFFFF800;
	s8 =	simm.s32 @!p0 $0x0  }
0x215: {  	[hbm4b:s7+s8] =	stream.linear.scatter @!p0 [tilespmem:s10], [sflag:$0x7], $0x1000, $0x38;
	[tilespmem:$0x1F7D0] =	vst v63  }
.Ltmp19:
0x216: {  	_ = 	snop;
	(pc) =	sbr.rel .LBB2_23-.Ltmp19, $4  }
0x217: {  	s7 =	simm.s32 @!p0 $0x7  }
0x218: {  	_ =	swait.ge @!p0 [sflag:s7], $0x1000  }
0x219: {  	[sflag:s7] =	ssyncset.done @!p0 $0x0  }
0x21a: {  	[sflag:s7] =	ssyncadd.s32 @!p0 $0xFFFFF000  }
.LBB2_25:
0x21b: {  	_ =	sfence.sel $0x180000  }
0x21c: {  	[bflag:$0x0] =	sbarrier.arrive $0xFFFF  }
0x21d: {  	_ =	strace $0x90000047  }
0x21e: {  	[bflag:$0x2] =	sbarrier.arrive $0xFFFF  }
0x21f: {  	p0 =	sne.s32 s14, $0x0;
	s0 =	rddreg [dreg:$0x4]  }
0x220: {  	s0 =	sadd.s32 @!p0 $0x100000, s0  }
0x221: {  	[sflag:s0] =	ssyncadd.tile.s32 @!p0 $0x1;
	_ =	shalt  }
.Lfunc_end2:
_tile_overlayer_lowered:
.L_overlay_start_2:
0x222: {  	(tag) =	ssettag $0x2  }
0x223: {  	s0 =	rddreg [dreg:$0x0];
	s2 =	stileid.u32  }
0x224: {  	s1 =	rddreg [dreg:$0x1];
	p0 =	sne.s32 s2, $0x0  }
0x225: {  	s3 =	rddreg [dreg:$0x2];
	[bflag:$0x3] =	sbarrier.arrive $0xFFFF;
	s2 =	simm.s32 @!p0 $0x1C06  }
0x226: {  	[timem:s3], [sflag:s2] =	dma.local @!p0 [hbm:s0], s1  }
0x227: {  	s0 =	simm.s32 @!p0 $0x6  }
0x228: {  	_ =	swait.ge @!p0 [sflag:s0], s1  }
0x229: {  	s1 =	ssub.s32 @!p0 $0x0, s1;
	[sflag:s0] =	ssyncset.done @!p0 $0x0  }
0x22a: {  	[sflag:s0] =	ssyncadd.s32 @!p0 s1  }
0x22b: {  	[bflag:$0x3] =	sbarrier.arrive $0xFFFF  }
0x22c: {  	_ =	shalt  }

</sc_bundles>
